<compile_context>
chip_gen: v7x
topology: tpu7x:2x2x1
jax: 0.10.2.dev20260603
libtpu: 0.0.44.dev20260713+nightly
codegen_flags: <defaults>
</compile_context>

<pallas_src>
import functools

import jax
import jax.numpy as jnp
from jax import lax
from jax.experimental import pallas as pl
from jax.experimental.pallas import tpu as pltpu
from jax.experimental.pallas import tpu_sc as plsc

BATCH = 16384
HIDDEN = 4096
NUM_LAYERS = 32
TOPK = 4
BLOCK_R = 1024
NUM_CORES = 2
NUM_SUBCORES = 16
NW = NUM_CORES * NUM_SUBCORES
LANES = 16
CHUNKS = 2
CHUNK_ROWS = BATCH // CHUNKS
ROWS_W = CHUNK_ROWS // NW
SLABS_PER_BLOCK = BLOCK_R // ROWS_W


def _tc_scores_kernel(h_ref, w_ref, b_ref, out_ref):
    logits = jax.lax.dot_general(
        h_ref[...], w_ref[...],
        dimension_numbers=(((1,), (1,)), ((), ())),
        preferred_element_type=jnp.float32,
    ) + b_ref[...]
    sig_t = jnp.transpose(jax.nn.sigmoid(logits))
    for k in range(SLABS_PER_BLOCK):
        out_ref[k] = sig_t[:, k * ROWS_W:(k + 1) * ROWS_W]


def _tc_scores(h_pooled, W, b2, chunk):
    blocks = CHUNK_ROWS // BLOCK_R
    base = chunk * blocks
    return pl.pallas_call(
        _tc_scores_kernel,
        grid=(blocks,),
        in_specs=[
            pl.BlockSpec((BLOCK_R, HIDDEN), lambda i: (base + i, 0)),
            pl.BlockSpec((NUM_LAYERS, HIDDEN), lambda i: (0, 0)),
            pl.BlockSpec((1, NUM_LAYERS), lambda i: (0, 0)),
        ],
        out_specs=pl.BlockSpec((SLABS_PER_BLOCK, NUM_LAYERS, ROWS_W),
                               lambda i: (i, 0, 0)),
        out_shape=jax.ShapeDtypeStruct((NW, NUM_LAYERS, ROWS_W), jnp.float32),
    )(h_pooled, W, b2)


def _sc_gates_body(sig_hbm, hard_hbm, out_hbm, sig_v, gates_v, hard_v):
    wid = lax.axis_index("s") * NUM_CORES + lax.axis_index("c")
    pltpu.sync_copy(sig_hbm.at[wid], sig_v)
    pltpu.sync_copy(hard_hbm, hard_v)
    hard_mask = hard_v[...] != 0
    iota16 = lax.iota(jnp.int32, 16)
    ones = jnp.full((LANES,), 1.0, jnp.float32)
    zeros = jnp.zeros((LANES,), jnp.float32)
    i32_one = jnp.full((LANES,), 1, jnp.int32)
    i32_zero = jnp.zeros((LANES,), jnp.int32)
    neg_inf = jnp.full((LANES,), -jnp.inf, jnp.float32)

    @plsc.parallel_loop(0, ROWS_W, step=LANES, unroll=2)
    def group(r0):
        vs = [sig_v[e, pl.ds(r0, LANES)] for e in range(NUM_LAYERS)]
        t1 = t2 = t3 = t4 = neg_inf
        for v in vs:
            l1 = jnp.minimum(t1, v)
            t1 = jnp.maximum(t1, v)
            l2 = jnp.minimum(t2, l1)
            t2 = jnp.maximum(t2, l1)
            l3 = jnp.minimum(t3, l2)
            t3 = jnp.maximum(t3, l2)
            t4 = jnp.maximum(t4, l3)
        n_gt = (jnp.where(t1 > t4, i32_one, i32_zero)
                + jnp.where(t2 > t4, i32_one, i32_zero)
                + jnp.where(t3 > t4, i32_one, i32_zero))
        need = jnp.full((LANES,), TOPK, jnp.int32) - n_gt
        cnt = i32_zero
        row_idx = iota16 + r0
        for e, v in enumerate(vs):
            take_eq = (v == t4) & (cnt < need)
            sel = (v > t4) | take_eq
            cnt = cnt + jnp.where(take_eq, i32_one, i32_zero)
            gate = jnp.where(sel, ones, zeros)
            outv = jnp.where(hard_mask, gate, v)
            plsc.store_scatter(gates_v,
                               [row_idx, jnp.full((LANES,), e, jnp.int32)],
                               outv)

    pltpu.sync_copy(gates_v, out_hbm.at[pl.ds(wid * ROWS_W, ROWS_W), :])


_sc_gates = functools.partial(
    pl.kernel,
    out_type=jax.ShapeDtypeStruct((CHUNK_ROWS, NUM_LAYERS), jnp.float32),
    mesh=plsc.VectorSubcoreMesh(core_axis_name="c", subcore_axis_name="s",
                                num_cores=NUM_CORES,
                                num_subcores=NUM_SUBCORES),
    scratch_types=[
        pltpu.VMEM((NUM_LAYERS, ROWS_W), jnp.float32),
        pltpu.VMEM((ROWS_W, NUM_LAYERS), jnp.float32),
        pltpu.VMEM((LANES,), jnp.int32),
    ],
    compiler_params=pltpu.CompilerParams(needs_layout_passes=False,
                                         disable_bounds_checks=True,
                                         disable_semaphore_checks=True),
)(_sc_gates_body)


def kernel(h_pooled, W, b, hard):
    b2 = b.reshape(1, NUM_LAYERS)
    hard_vec = jnp.broadcast_to(jnp.asarray(hard, jnp.int32), (LANES,))
    gates = []
    for c in range(CHUNKS):
        sig_t = _tc_scores(h_pooled, W, b2, c)
        gates.append(_sc_gates(sig_t, hard_vec))
    return jnp.concatenate(gates, axis=0)

# --- scband reference (transcript-rebuilt; emitter-appended) ---
"""Pipeline reference for scband-sophonic-router-68882685493424 (READ-ONLY COPY).

The authoritative reference and input builder live on the scoring server;
editing this copy changes nothing except your own understanding.
"""

import jax, jax.numpy as jnp
import numpy as np

BATCH = 16384
HIDDEN = 4096
NUM_LAYERS = 32
TOPK = 4


def setup_inputs(seed: int = 0) -> dict:
    key = jax.random.key(seed)
    k1, k2, k3 = jax.random.split(key, 3)
    h_pooled = jax.random.normal(k1, (BATCH, HIDDEN), dtype=jnp.float32)
    # Linear(hidden_dim -> num_layers): weight [num_layers, hidden_dim], bias [num_layers]
    # (torch init is zeros; use small random values so top-k is non-degenerate)
    W = jax.random.normal(k2, (NUM_LAYERS, HIDDEN), dtype=jnp.float32) * 0.02
    b = jax.random.normal(k3, (NUM_LAYERS,), dtype=jnp.float32) * 0.02
    return {"h_pooled": h_pooled, "W": W, "b": b, "hard": 1}


def reference(h_pooled, W, b, hard):
    # scores = sigmoid(Linear(h_pooled))
    scores = jax.nn.sigmoid(jnp.dot(h_pooled, W.T) + b)
    topk_vals, topk_idx = jax.lax.top_k(scores, TOPK)
    rows = jnp.arange(scores.shape[0])[:, None]
    hard_gates = jnp.zeros_like(scores).at[rows, topk_idx].set(1.0)
    # straight-through estimator: forward = hard 0/1, backward = soft scores
    hard_path = scores + jax.lax.stop_gradient(hard_gates - scores)
    gates = jnp.where(hard != 0, hard_path, scores)
    return gates

if __name__ == "__main__":
    import jax
    _d = setup_inputs()
    print(jax.jit(kernel)(*tuple(_d.values())))

</pallas_src>

<mosaic_0001>
#map = affine_map<(d0, d1) -> (0, 0, 0)>
#map1 = affine_map<(d0, d1) -> (0)>
#map2 = affine_map<(d0, d1) -> (0, 0)>
module attributes {stable_mosaic.version = 14 : i64} {
  func.func @_sc_gates_body(%arg0: i32, %arg1: i32, %arg2: memref<32x32x256xf32, #tpu.memory_space<hbm>>, %arg3: memref<16xi32, #tpu.memory_space<hbm>>, %arg4: memref<8192x32xf32, #tpu.memory_space<hbm>>, %arg5: memref<32x256xf32, #tpu.memory_space<vmem>>, %arg6: memref<256x32xf32, #tpu.memory_space<vmem>>, %arg7: memref<16xi32, #tpu.memory_space<vmem>>) attributes {dimension_semantics = [#tpu.dimension_semantics<core_parallel>, #tpu.dimension_semantics<subcore_parallel>], iteration_bounds = array<i64: 2, 16>, scalar_prefetch = 0 : i64, scratch_operands = 3 : i64, tpu.core_type = #tpu.core_type<sc_vector_subcore>, window_params = [{transform_indices = #map}, {transform_indices = #map1}, {transform_indices = #map2}]} {
    %mul3A = arith.constant 2 : i32
    %mul3A_0 = arith.muli %arg1, %mul3A : i32
    %add3A = arith.addi %mul3A_0, %arg0 : i32
    "tpu.region"() ({
      %run_scoped3A = tpu.sem_alloc : memref<!tpu.dma_semaphore, #tpu.memory_space<semaphore_mem>>
      %dma_start3A = arith.constant 0 : i32
      %dma_start3A_17 = arith.constant 0 : i32
      %dma_start3A_18 = tpu.memref_slice %arg2[%add3A, %dma_start3A, %dma_start3A_17] : memref<32x32x256xf32, #tpu.memory_space<hbm>> -> memref<1x32x256xf32, #tpu.memory_space<hbm>>
      %dma_start3A_19 = tpu.memref_squeeze %dma_start3A_18 : memref<1x32x256xf32, #tpu.memory_space<hbm>> -> memref<32x256xf32, #tpu.memory_space<hbm>>
      %dma_start3A_20 = arith.constant 0 : i32
      %dma_start3A_21 = arith.constant 0 : i32
      %dma_start3A_22 = tpu.memref_slice %arg2[%add3A, %dma_start3A_20, %dma_start3A_21] : memref<32x32x256xf32, #tpu.memory_space<hbm>> -> memref<1x32x256xf32, #tpu.memory_space<hbm>>
      %dma_start3A_23 = tpu.memref_squeeze %dma_start3A_22 : memref<1x32x256xf32, #tpu.memory_space<hbm>> -> memref<32x256xf32, #tpu.memory_space<hbm>>
      tpu.enqueue_dma source(%dma_start3A_23 : memref<32x256xf32, #tpu.memory_space<hbm>>) target(%arg5 : memref<32x256xf32, #tpu.memory_space<vmem>>) target_semaphore(%run_scoped3A : memref<!tpu.dma_semaphore, #tpu.memory_space<semaphore_mem>>)
      %dma_wait3A = arith.constant 0 : i32
      %dma_wait3A_24 = arith.constant 0 : i32
      %dma_wait3A_25 = tpu.memref_slice %arg2[%add3A, %dma_wait3A, %dma_wait3A_24] : memref<32x32x256xf32, #tpu.memory_space<hbm>> -> memref<1x32x256xf32, #tpu.memory_space<hbm>>
      %dma_wait3A_26 = tpu.memref_squeeze %dma_wait3A_25 : memref<1x32x256xf32, #tpu.memory_space<hbm>> -> memref<32x256xf32, #tpu.memory_space<hbm>>
      %dma_wait3A_27 = arith.constant 0 : i32
      %dma_wait3A_28 = arith.constant 0 : i32
      %dma_wait3A_29 = tpu.memref_slice %arg2[%add3A, %dma_wait3A_27, %dma_wait3A_28] : memref<32x32x256xf32, #tpu.memory_space<hbm>> -> memref<1x32x256xf32, #tpu.memory_space<hbm>>
      %dma_wait3A_30 = tpu.memref_squeeze %dma_wait3A_29 : memref<1x32x256xf32, #tpu.memory_space<hbm>> -> memref<32x256xf32, #tpu.memory_space<hbm>>
      tpu.wait_dma2 semaphore(%run_scoped3A : memref<!tpu.dma_semaphore, #tpu.memory_space<semaphore_mem>>) src(%dma_wait3A_30 : memref<32x256xf32, #tpu.memory_space<hbm>>) dst(%arg5 : memref<32x256xf32, #tpu.memory_space<vmem>>)
      tpu.yield
    }) : () -> ()
    "tpu.region"() ({
      %run_scoped3A = tpu.sem_alloc : memref<!tpu.dma_semaphore, #tpu.memory_space<semaphore_mem>>
      tpu.enqueue_dma source(%arg3 : memref<16xi32, #tpu.memory_space<hbm>>) target(%arg7 : memref<16xi32, #tpu.memory_space<vmem>>) target_semaphore(%run_scoped3A : memref<!tpu.dma_semaphore, #tpu.memory_space<semaphore_mem>>)
      tpu.wait_dma2 semaphore(%run_scoped3A : memref<!tpu.dma_semaphore, #tpu.memory_space<semaphore_mem>>) src(%arg3 : memref<16xi32, #tpu.memory_space<hbm>>) dst(%arg7 : memref<16xi32, #tpu.memory_space<vmem>>)
      tpu.yield
    }) : () -> ()
    %get3A = arith.constant 0 : index
    %get3A_1 = tpu.vector_load %arg7[%get3A] {strides = array<i32>} : memref<16xi32, #tpu.memory_space<vmem>>, vector<16xi32>,
    %ne3A = arith.constant 0 : i32
    %ne3A_2 = vector.broadcast %ne3A : i32 to vector<16xi32>
    %ne3A_3 = arith.cmpi ne, %get3A_1, %ne3A_2 : vector<16xi32>
    %iota3A = tpu.iota {dimensions = array<i32: 0>} : vector<16xi32>
    %broadcast_in_dim3A = arith.constant 1.000000e+00 : f32
    %broadcast_in_dim3A_4 = vector.broadcast %broadcast_in_dim3A : f32 to vector<16xf32>
    %broadcast_in_dim3A_5 = arith.constant 0.000000e+00 : f32
    %broadcast_in_dim3A_6 = vector.broadcast %broadcast_in_dim3A_5 : f32 to vector<16xf32>
    %broadcast_in_dim3A_7 = arith.constant 1 : i32
    %broadcast_in_dim3A_8 = vector.broadcast %broadcast_in_dim3A_7 : i32 to vector<16xi32>
    %broadcast_in_dim3A_9 = arith.constant 0 : i32
    %broadcast_in_dim3A_10 = vector.broadcast %broadcast_in_dim3A_9 : i32 to vector<16xi32>
    %broadcast_in_dim3A_11 = arith.constant 0xFF800000 : f32
    %broadcast_in_dim3A_12 = vector.broadcast %broadcast_in_dim3A_11 : f32 to vector<16xf32>
    %parallel_loop3A = arith.constant 0 : i32
    %parallel_loop3A_13 = arith.constant 256 : i32
    %parallel_loop3A_14 = arith.constant 16 : i32
    scf.for %parallel_loop3A_17 = %parallel_loop3A to %parallel_loop3A_13 step %parallel_loop3A_14  : i32 {
      %parallel_loop3A_18 = arith.constant 0 : i32
      %parallel_loop3A_19 = arith.index_cast %parallel_loop3A_18 : i32 to index
      %parallel_loop3A_20 = arith.index_cast %parallel_loop3A_17 : i32 to index
      %parallel_loop3A_21 = tpu.vector_load %arg5[%parallel_loop3A_19, %parallel_loop3A_20] {strides = array<i32>} : memref<32x256xf32, #tpu.memory_space<vmem>>, vector<16xf32>,
      %parallel_loop3A_22 = arith.constant 1 : i32
      %parallel_loop3A_23 = arith.index_cast %parallel_loop3A_22 : i32 to index
      %parallel_loop3A_24 = arith.index_cast %parallel_loop3A_17 : i32 to index
      %parallel_loop3A_25 = tpu.vector_load %arg5[%parallel_loop3A_23, %parallel_loop3A_24] {strides = array<i32>} : memref<32x256xf32, #tpu.memory_space<vmem>>, vector<16xf32>,
      %parallel_loop3A_26 = arith.constant 2 : i32
      %parallel_loop3A_27 = arith.index_cast %parallel_loop3A_26 : i32 to index
      %parallel_loop3A_28 = arith.index_cast %parallel_loop3A_17 : i32 to index
      %parallel_loop3A_29 = tpu.vector_load %arg5[%parallel_loop3A_27, %parallel_loop3A_28] {strides = array<i32>} : memref<32x256xf32, #tpu.memory_space<vmem>>, vector<16xf32>,
      %parallel_loop3A_30 = arith.constant 3 : i32
      %parallel_loop3A_31 = arith.index_cast %parallel_loop3A_30 : i32 to index
      %parallel_loop3A_32 = arith.index_cast %parallel_loop3A_17 : i32 to index
      %parallel_loop3A_33 = tpu.vector_load %arg5[%parallel_loop3A_31, %parallel_loop3A_32] {strides = array<i32>} : memref<32x256xf32, #tpu.memory_space<vmem>>, vector<16xf32>,
      %parallel_loop3A_34 = arith.constant 4 : i32
      %parallel_loop3A_35 = arith.index_cast %parallel_loop3A_34 : i32 to index
      %parallel_loop3A_36 = arith.index_cast %parallel_loop3A_17 : i32 to index
      %parallel_loop3A_37 = tpu.vector_load %arg5[%parallel_loop3A_35, %parallel_loop3A_36] {strides = array<i32>} : memref<32x256xf32, #tpu.memory_space<vmem>>, vector<16xf32>,
      %parallel_loop3A_38 = arith.constant 5 : i32
      %parallel_loop3A_39 = arith.index_cast %parallel_loop3A_38 : i32 to index
      %parallel_loop3A_40 = arith.index_cast %parallel_loop3A_17 : i32 to index
      %parallel_loop3A_41 = tpu.vector_load %arg5[%parallel_loop3A_39, %parallel_loop3A_40] {strides = array<i32>} : memref<32x256xf32, #tpu.memory_space<vmem>>, vector<16xf32>,
      %parallel_loop3A_42 = arith.constant 6 : i32
      %parallel_loop3A_43 = arith.index_cast %parallel_loop3A_42 : i32 to index
      %parallel_loop3A_44 = arith.index_cast %parallel_loop3A_17 : i32 to index
      %parallel_loop3A_45 = tpu.vector_load %arg5[%parallel_loop3A_43, %parallel_loop3A_44] {strides = array<i32>} : memref<32x256xf32, #tpu.memory_space<vmem>>, vector<16xf32>,
      %parallel_loop3A_46 = arith.constant 7 : i32
      %parallel_loop3A_47 = arith.index_cast %parallel_loop3A_46 : i32 to index
      %parallel_loop3A_48 = arith.index_cast %parallel_loop3A_17 : i32 to index
      %parallel_loop3A_49 = tpu.vector_load %arg5[%parallel_loop3A_47, %parallel_loop3A_48] {strides = array<i32>} : memref<32x256xf32, #tpu.memory_space<vmem>>, vector<16xf32>,
      %parallel_loop3A_50 = arith.constant 8 : i32
      %parallel_loop3A_51 = arith.index_cast %parallel_loop3A_50 : i32 to index
      %parallel_loop3A_52 = arith.index_cast %parallel_loop3A_17 : i32 to index
      %parallel_loop3A_53 = tpu.vector_load %arg5[%parallel_loop3A_51, %parallel_loop3A_52] {strides = array<i32>} : memref<32x256xf32, #tpu.memory_space<vmem>>, vector<16xf32>,
      %parallel_loop3A_54 = arith.constant 9 : i32
      %parallel_loop3A_55 = arith.index_cast %parallel_loop3A_54 : i32 to index
      %parallel_loop3A_56 = arith.index_cast %parallel_loop3A_17 : i32 to index
      %parallel_loop3A_57 = tpu.vector_load %arg5[%parallel_loop3A_55, %parallel_loop3A_56] {strides = array<i32>} : memref<32x256xf32, #tpu.memory_space<vmem>>, vector<16xf32>,
      %parallel_loop3A_58 = arith.constant 10 : i32
      %parallel_loop3A_59 = arith.index_cast %parallel_loop3A_58 : i32 to index
      %parallel_loop3A_60 = arith.index_cast %parallel_loop3A_17 : i32 to index
      %parallel_loop3A_61 = tpu.vector_load %arg5[%parallel_loop3A_59, %parallel_loop3A_60] {strides = array<i32>} : memref<32x256xf32, #tpu.memory_space<vmem>>, vector<16xf32>,
      %parallel_loop3A_62 = arith.constant 11 : i32
      %parallel_loop3A_63 = arith.index_cast %parallel_loop3A_62 : i32 to index
      %parallel_loop3A_64 = arith.index_cast %parallel_loop3A_17 : i32 to index
      %parallel_loop3A_65 = tpu.vector_load %arg5[%parallel_loop3A_63, %parallel_loop3A_64] {strides = array<i32>} : memref<32x256xf32, #tpu.memory_space<vmem>>, vector<16xf32>,
      %parallel_loop3A_66 = arith.constant 12 : i32
      %parallel_loop3A_67 = arith.index_cast %parallel_loop3A_66 : i32 to index
      %parallel_loop3A_68 = arith.index_cast %parallel_loop3A_17 : i32 to index
      %parallel_loop3A_69 = tpu.vector_load %arg5[%parallel_loop3A_67, %parallel_loop3A_68] {strides = array<i32>} : memref<32x256xf32, #tpu.memory_space<vmem>>, vector<16xf32>,
      %parallel_loop3A_70 = arith.constant 13 : i32
      %parallel_loop3A_71 = arith.index_cast %parallel_loop3A_70 : i32 to index
      %parallel_loop3A_72 = arith.index_cast %parallel_loop3A_17 : i32 to index
      %parallel_loop3A_73 = tpu.vector_load %arg5[%parallel_loop3A_71, %parallel_loop3A_72] {strides = array<i32>} : memref<32x256xf32, #tpu.memory_space<vmem>>, vector<16xf32>,
      %parallel_loop3A_74 = arith.constant 14 : i32
      %parallel_loop3A_75 = arith.index_cast %parallel_loop3A_74 : i32 to index
      %parallel_loop3A_76 = arith.index_cast %parallel_loop3A_17 : i32 to index
      %parallel_loop3A_77 = tpu.vector_load %arg5[%parallel_loop3A_75, %parallel_loop3A_76] {strides = array<i32>} : memref<32x256xf32, #tpu.memory_space<vmem>>, vector<16xf32>,
      %parallel_loop3A_78 = arith.constant 15 : i32
      %parallel_loop3A_79 = arith.index_cast %parallel_loop3A_78 : i32 to index
      %parallel_loop3A_80 = arith.index_cast %parallel_loop3A_17 : i32 to index
      %parallel_loop3A_81 = tpu.vector_load %arg5[%parallel_loop3A_79, %parallel_loop3A_80] {strides = array<i32>} : memref<32x256xf32, #tpu.memory_space<vmem>>, vector<16xf32>,
      %parallel_loop3A_82 = arith.constant 16 : i32
      %parallel_loop3A_83 = arith.index_cast %parallel_loop3A_82 : i32 to index
      %parallel_loop3A_84 = arith.index_cast %parallel_loop3A_17 : i32 to index
      %parallel_loop3A_85 = tpu.vector_load %arg5[%parallel_loop3A_83, %parallel_loop3A_84] {strides = array<i32>} : memref<32x256xf32, #tpu.memory_space<vmem>>, vector<16xf32>,
      %parallel_loop3A_86 = arith.constant 17 : i32
      %parallel_loop3A_87 = arith.index_cast %parallel_loop3A_86 : i32 to index
      %parallel_loop3A_88 = arith.index_cast %parallel_loop3A_17 : i32 to index
      %parallel_loop3A_89 = tpu.vector_load %arg5[%parallel_loop3A_87, %parallel_loop3A_88] {strides = array<i32>} : memref<32x256xf32, #tpu.memory_space<vmem>>, vector<16xf32>,
      %parallel_loop3A_90 = arith.constant 18 : i32
      %parallel_loop3A_91 = arith.index_cast %parallel_loop3A_90 : i32 to index
      %parallel_loop3A_92 = arith.index_cast %parallel_loop3A_17 : i32 to index
      %parallel_loop3A_93 = tpu.vector_load %arg5[%parallel_loop3A_91, %parallel_loop3A_92] {strides = array<i32>} : memref<32x256xf32, #tpu.memory_space<vmem>>, vector<16xf32>,
      %parallel_loop3A_94 = arith.constant 19 : i32
      %parallel_loop3A_95 = arith.index_cast %parallel_loop3A_94 : i32 to index
      %parallel_loop3A_96 = arith.index_cast %parallel_loop3A_17 : i32 to index
      %parallel_loop3A_97 = tpu.vector_load %arg5[%parallel_loop3A_95, %parallel_loop3A_96] {strides = array<i32>} : memref<32x256xf32, #tpu.memory_space<vmem>>, vector<16xf32>,
      %parallel_loop3A_98 = arith.constant 20 : i32
      %parallel_loop3A_99 = arith.index_cast %parallel_loop3A_98 : i32 to index
      %parallel_loop3A_100 = arith.index_cast %parallel_loop3A_17 : i32 to index
      %parallel_loop3A_101 = tpu.vector_load %arg5[%parallel_loop3A_99, %parallel_loop3A_100] {strides = array<i32>} : memref<32x256xf32, #tpu.memory_space<vmem>>, vector<16xf32>,
      %parallel_loop3A_102 = arith.constant 21 : i32
      %parallel_loop3A_103 = arith.index_cast %parallel_loop3A_102 : i32 to index
      %parallel_loop3A_104 = arith.index_cast %parallel_loop3A_17 : i32 to index
      %parallel_loop3A_105 = tpu.vector_load %arg5[%parallel_loop3A_103, %parallel_loop3A_104] {strides = array<i32>} : memref<32x256xf32, #tpu.memory_space<vmem>>, vector<16xf32>,
      %parallel_loop3A_106 = arith.constant 22 : i32
      %parallel_loop3A_107 = arith.index_cast %parallel_loop3A_106 : i32 to index
      %parallel_loop3A_108 = arith.index_cast %parallel_loop3A_17 : i32 to index
      %parallel_loop3A_109 = tpu.vector_load %arg5[%parallel_loop3A_107, %parallel_loop3A_108] {strides = array<i32>} : memref<32x256xf32, #tpu.memory_space<vmem>>, vector<16xf32>,
      %parallel_loop3A_110 = arith.constant 23 : i32
      %parallel_loop3A_111 = arith.index_cast %parallel_loop3A_110 : i32 to index
      %parallel_loop3A_112 = arith.index_cast %parallel_loop3A_17 : i32 to index
      %parallel_loop3A_113 = tpu.vector_load %arg5[%parallel_loop3A_111, %parallel_loop3A_112] {strides = array<i32>} : memref<32x256xf32, #tpu.memory_space<vmem>>, vector<16xf32>,
      %parallel_loop3A_114 = arith.constant 24 : i32
      %parallel_loop3A_115 = arith.index_cast %parallel_loop3A_114 : i32 to index
      %parallel_loop3A_116 = arith.index_cast %parallel_loop3A_17 : i32 to index
      %parallel_loop3A_117 = tpu.vector_load %arg5[%parallel_loop3A_115, %parallel_loop3A_116] {strides = array<i32>} : memref<32x256xf32, #tpu.memory_space<vmem>>, vector<16xf32>,
      %parallel_loop3A_118 = arith.constant 25 : i32
      %parallel_loop3A_119 = arith.index_cast %parallel_loop3A_118 : i32 to index
      %parallel_loop3A_120 = arith.index_cast %parallel_loop3A_17 : i32 to index
      %parallel_loop3A_121 = tpu.vector_load %arg5[%parallel_loop3A_119, %parallel_loop3A_120] {strides = array<i32>} : memref<32x256xf32, #tpu.memory_space<vmem>>, vector<16xf32>,
      %parallel_loop3A_122 = arith.constant 26 : i32
      %parallel_loop3A_123 = arith.index_cast %parallel_loop3A_122 : i32 to index
      %parallel_loop3A_124 = arith.index_cast %parallel_loop3A_17 : i32 to index
      %parallel_loop3A_125 = tpu.vector_load %arg5[%parallel_loop3A_123, %parallel_loop3A_124] {strides = array<i32>} : memref<32x256xf32, #tpu.memory_space<vmem>>, vector<16xf32>,
      %parallel_loop3A_126 = arith.constant 27 : i32
      %parallel_loop3A_127 = arith.index_cast %parallel_loop3A_126 : i32 to index
      %parallel_loop3A_128 = arith.index_cast %parallel_loop3A_17 : i32 to index
      %parallel_loop3A_129 = tpu.vector_load %arg5[%parallel_loop3A_127, %parallel_loop3A_128] {strides = array<i32>} : memref<32x256xf32, #tpu.memory_space<vmem>>, vector<16xf32>,
      %parallel_loop3A_130 = arith.constant 28 : i32
      %parallel_loop3A_131 = arith.index_cast %parallel_loop3A_130 : i32 to index
      %parallel_loop3A_132 = arith.index_cast %parallel_loop3A_17 : i32 to index
      %parallel_loop3A_133 = tpu.vector_load %arg5[%parallel_loop3A_131, %parallel_loop3A_132] {strides = array<i32>} : memref<32x256xf32, #tpu.memory_space<vmem>>, vector<16xf32>,
      %parallel_loop3A_134 = arith.constant 29 : i32
      %parallel_loop3A_135 = arith.index_cast %parallel_loop3A_134 : i32 to index
      %parallel_loop3A_136 = arith.index_cast %parallel_loop3A_17 : i32 to index
      %parallel_loop3A_137 = tpu.vector_load %arg5[%parallel_loop3A_135, %parallel_loop3A_136] {strides = array<i32>} : memref<32x256xf32, #tpu.memory_space<vmem>>, vector<16xf32>,
      %parallel_loop3A_138 = arith.constant 30 : i32
      %parallel_loop3A_139 = arith.index_cast %parallel_loop3A_138 : i32 to index
      %parallel_loop3A_140 = arith.index_cast %parallel_loop3A_17 : i32 to index
      %parallel_loop3A_141 = tpu.vector_load %arg5[%parallel_loop3A_139, %parallel_loop3A_140] {strides = array<i32>} : memref<32x256xf32, #tpu.memory_space<vmem>>, vector<16xf32>,
      %parallel_loop3A_142 = arith.constant 31 : i32
      %parallel_loop3A_143 = arith.index_cast %parallel_loop3A_142 : i32 to index
      %parallel_loop3A_144 = arith.index_cast %parallel_loop3A_17 : i32 to index
      %parallel_loop3A_145 = tpu.vector_load %arg5[%parallel_loop3A_143, %parallel_loop3A_144] {strides = array<i32>} : memref<32x256xf32, #tpu.memory_space<vmem>>, vector<16xf32>,
      %parallel_loop3A_146 = arith.minimumf %broadcast_in_dim3A_12, %parallel_loop3A_21 : vector<16xf32>
      %parallel_loop3A_147 = arith.maximumf %broadcast_in_dim3A_12, %parallel_loop3A_21 : vector<16xf32>
      %parallel_loop3A_148 = arith.minimumf %broadcast_in_dim3A_12, %parallel_loop3A_146 : vector<16xf32>
      %parallel_loop3A_149 = arith.maximumf %broadcast_in_dim3A_12, %parallel_loop3A_146 : vector<16xf32>
      %parallel_loop3A_150 = arith.minimumf %broadcast_in_dim3A_12, %parallel_loop3A_148 : vector<16xf32>
      %parallel_loop3A_151 = arith.maximumf %broadcast_in_dim3A_12, %parallel_loop3A_148 : vector<16xf32>
      %parallel_loop3A_152 = arith.maximumf %broadcast_in_dim3A_12, %parallel_loop3A_150 : vector<16xf32>
      %parallel_loop3A_153 = arith.minimumf %parallel_loop3A_147, %parallel_loop3A_25 : vector<16xf32>
      %parallel_loop3A_154 = arith.maximumf %parallel_loop3A_147, %parallel_loop3A_25 : vector<16xf32>
      %parallel_loop3A_155 = arith.minimumf %parallel_loop3A_149, %parallel_loop3A_153 : vector<16xf32>
      %parallel_loop3A_156 = arith.maximumf %parallel_loop3A_149, %parallel_loop3A_153 : vector<16xf32>
      %parallel_loop3A_157 = arith.minimumf %parallel_loop3A_151, %parallel_loop3A_155 : vector<16xf32>
      %parallel_loop3A_158 = arith.maximumf %parallel_loop3A_151, %parallel_loop3A_155 : vector<16xf32>
      %parallel_loop3A_159 = arith.maximumf %parallel_loop3A_152, %parallel_loop3A_157 : vector<16xf32>
      %parallel_loop3A_160 = arith.minimumf %parallel_loop3A_154, %parallel_loop3A_29 : vector<16xf32>
      %parallel_loop3A_161 = arith.maximumf %parallel_loop3A_154, %parallel_loop3A_29 : vector<16xf32>
      %parallel_loop3A_162 = arith.minimumf %parallel_loop3A_156, %parallel_loop3A_160 : vector<16xf32>
      %parallel_loop3A_163 = arith.maximumf %parallel_loop3A_156, %parallel_loop3A_160 : vector<16xf32>
      %parallel_loop3A_164 = arith.minimumf %parallel_loop3A_158, %parallel_loop3A_162 : vector<16xf32>
      %parallel_loop3A_165 = arith.maximumf %parallel_loop3A_158, %parallel_loop3A_162 : vector<16xf32>
      %parallel_loop3A_166 = arith.maximumf %parallel_loop3A_159, %parallel_loop3A_164 : vector<16xf32>
      %parallel_loop3A_167 = arith.minimumf %parallel_loop3A_161, %parallel_loop3A_33 : vector<16xf32>
      %parallel_loop3A_168 = arith.maximumf %parallel_loop3A_161, %parallel_loop3A_33 : vector<16xf32>
      %parallel_loop3A_169 = arith.minimumf %parallel_loop3A_163, %parallel_loop3A_167 : vector<16xf32>
      %parallel_loop3A_170 = arith.maximumf %parallel_loop3A_163, %parallel_loop3A_167 : vector<16xf32>
      %parallel_loop3A_171 = arith.minimumf %parallel_loop3A_165, %parallel_loop3A_169 : vector<16xf32>
      %parallel_loop3A_172 = arith.maximumf %parallel_loop3A_165, %parallel_loop3A_169 : vector<16xf32>
      %parallel_loop3A_173 = arith.maximumf %parallel_loop3A_166, %parallel_loop3A_171 : vector<16xf32>
      %parallel_loop3A_174 = arith.minimumf %parallel_loop3A_168, %parallel_loop3A_37 : vector<16xf32>
      %parallel_loop3A_175 = arith.maximumf %parallel_loop3A_168, %parallel_loop3A_37 : vector<16xf32>
      %parallel_loop3A_176 = arith.minimumf %parallel_loop3A_170, %parallel_loop3A_174 : vector<16xf32>
      %parallel_loop3A_177 = arith.maximumf %parallel_loop3A_170, %parallel_loop3A_174 : vector<16xf32>
      %parallel_loop3A_178 = arith.minimumf %parallel_loop3A_172, %parallel_loop3A_176 : vector<16xf32>
      %parallel_loop3A_179 = arith.maximumf %parallel_loop3A_172, %parallel_loop3A_176 : vector<16xf32>
      %parallel_loop3A_180 = arith.maximumf %parallel_loop3A_173, %parallel_loop3A_178 : vector<16xf32>
      %parallel_loop3A_181 = arith.minimumf %parallel_loop3A_175, %parallel_loop3A_41 : vector<16xf32>
      %parallel_loop3A_182 = arith.maximumf %parallel_loop3A_175, %parallel_loop3A_41 : vector<16xf32>
      %parallel_loop3A_183 = arith.minimumf %parallel_loop3A_177, %parallel_loop3A_181 : vector<16xf32>
      %parallel_loop3A_184 = arith.maximumf %parallel_loop3A_177, %parallel_loop3A_181 : vector<16xf32>
      %parallel_loop3A_185 = arith.minimumf %parallel_loop3A_179, %parallel_loop3A_183 : vector<16xf32>
      %parallel_loop3A_186 = arith.maximumf %parallel_loop3A_179, %parallel_loop3A_183 : vector<16xf32>
      %parallel_loop3A_187 = arith.maximumf %parallel_loop3A_180, %parallel_loop3A_185 : vector<16xf32>
      %parallel_loop3A_188 = arith.minimumf %parallel_loop3A_182, %parallel_loop3A_45 : vector<16xf32>
      %parallel_loop3A_189 = arith.maximumf %parallel_loop3A_182, %parallel_loop3A_45 : vector<16xf32>
      %parallel_loop3A_190 = arith.minimumf %parallel_loop3A_184, %parallel_loop3A_188 : vector<16xf32>
      %parallel_loop3A_191 = arith.maximumf %parallel_loop3A_184, %parallel_loop3A_188 : vector<16xf32>
      %parallel_loop3A_192 = arith.minimumf %parallel_loop3A_186, %parallel_loop3A_190 : vector<16xf32>
      %parallel_loop3A_193 = arith.maximumf %parallel_loop3A_186, %parallel_loop3A_190 : vector<16xf32>
      %parallel_loop3A_194 = arith.maximumf %parallel_loop3A_187, %parallel_loop3A_192 : vector<16xf32>
      %parallel_loop3A_195 = arith.minimumf %parallel_loop3A_189, %parallel_loop3A_49 : vector<16xf32>
      %parallel_loop3A_196 = arith.maximumf %parallel_loop3A_189, %parallel_loop3A_49 : vector<16xf32>
      %parallel_loop3A_197 = arith.minimumf %parallel_loop3A_191, %parallel_loop3A_195 : vector<16xf32>
      %parallel_loop3A_198 = arith.maximumf %parallel_loop3A_191, %parallel_loop3A_195 : vector<16xf32>
      %parallel_loop3A_199 = arith.minimumf %parallel_loop3A_193, %parallel_loop3A_197 : vector<16xf32>
      %parallel_loop3A_200 = arith.maximumf %parallel_loop3A_193, %parallel_loop3A_197 : vector<16xf32>
      %parallel_loop3A_201 = arith.maximumf %parallel_loop3A_194, %parallel_loop3A_199 : vector<16xf32>
      %parallel_loop3A_202 = arith.minimumf %parallel_loop3A_196, %parallel_loop3A_53 : vector<16xf32>
      %parallel_loop3A_203 = arith.maximumf %parallel_loop3A_196, %parallel_loop3A_53 : vector<16xf32>
      %parallel_loop3A_204 = arith.minimumf %parallel_loop3A_198, %parallel_loop3A_202 : vector<16xf32>
      %parallel_loop3A_205 = arith.maximumf %parallel_loop3A_198, %parallel_loop3A_202 : vector<16xf32>
      %parallel_loop3A_206 = arith.minimumf %parallel_loop3A_200, %parallel_loop3A_204 : vector<16xf32>
      %parallel_loop3A_207 = arith.maximumf %parallel_loop3A_200, %parallel_loop3A_204 : vector<16xf32>
      %parallel_loop3A_208 = arith.maximumf %parallel_loop3A_201, %parallel_loop3A_206 : vector<16xf32>
      %parallel_loop3A_209 = arith.minimumf %parallel_loop3A_203, %parallel_loop3A_57 : vector<16xf32>
      %parallel_loop3A_210 = arith.maximumf %parallel_loop3A_203, %parallel_loop3A_57 : vector<16xf32>
      %parallel_loop3A_211 = arith.minimumf %parallel_loop3A_205, %parallel_loop3A_209 : vector<16xf32>
      %parallel_loop3A_212 = arith.maximumf %parallel_loop3A_205, %parallel_loop3A_209 : vector<16xf32>
      %parallel_loop3A_213 = arith.minimumf %parallel_loop3A_207, %parallel_loop3A_211 : vector<16xf32>
      %parallel_loop3A_214 = arith.maximumf %parallel_loop3A_207, %parallel_loop3A_211 : vector<16xf32>
      %parallel_loop3A_215 = arith.maximumf %parallel_loop3A_208, %parallel_loop3A_213 : vector<16xf32>
      %parallel_loop3A_216 = arith.minimumf %parallel_loop3A_210, %parallel_loop3A_61 : vector<16xf32>
      %parallel_loop3A_217 = arith.maximumf %parallel_loop3A_210, %parallel_loop3A_61 : vector<16xf32>
      %parallel_loop3A_218 = arith.minimumf %parallel_loop3A_212, %parallel_loop3A_216 : vector<16xf32>
      %parallel_loop3A_219 = arith.maximumf %parallel_loop3A_212, %parallel_loop3A_216 : vector<16xf32>
      %parallel_loop3A_220 = arith.minimumf %parallel_loop3A_214, %parallel_loop3A_218 : vector<16xf32>
      %parallel_loop3A_221 = arith.maximumf %parallel_loop3A_214, %parallel_loop3A_218 : vector<16xf32>
      %parallel_loop3A_222 = arith.maximumf %parallel_loop3A_215, %parallel_loop3A_220 : vector<16xf32>
      %parallel_loop3A_223 = arith.minimumf %parallel_loop3A_217, %parallel_loop3A_65 : vector<16xf32>
      %parallel_loop3A_224 = arith.maximumf %parallel_loop3A_217, %parallel_loop3A_65 : vector<16xf32>
      %parallel_loop3A_225 = arith.minimumf %parallel_loop3A_219, %parallel_loop3A_223 : vector<16xf32>
      %parallel_loop3A_226 = arith.maximumf %parallel_loop3A_219, %parallel_loop3A_223 : vector<16xf32>
      %parallel_loop3A_227 = arith.minimumf %parallel_loop3A_221, %parallel_loop3A_225 : vector<16xf32>
      %parallel_loop3A_228 = arith.maximumf %parallel_loop3A_221, %parallel_loop3A_225 : vector<16xf32>
      %parallel_loop3A_229 = arith.maximumf %parallel_loop3A_222, %parallel_loop3A_227 : vector<16xf32>
      %parallel_loop3A_230 = arith.minimumf %parallel_loop3A_224, %parallel_loop3A_69 : vector<16xf32>
      %parallel_loop3A_231 = arith.maximumf %parallel_loop3A_224, %parallel_loop3A_69 : vector<16xf32>
      %parallel_loop3A_232 = arith.minimumf %parallel_loop3A_226, %parallel_loop3A_230 : vector<16xf32>
      %parallel_loop3A_233 = arith.maximumf %parallel_loop3A_226, %parallel_loop3A_230 : vector<16xf32>
      %parallel_loop3A_234 = arith.minimumf %parallel_loop3A_228, %parallel_loop3A_232 : vector<16xf32>
      %parallel_loop3A_235 = arith.maximumf %parallel_loop3A_228, %parallel_loop3A_232 : vector<16xf32>
      %parallel_loop3A_236 = arith.maximumf %parallel_loop3A_229, %parallel_loop3A_234 : vector<16xf32>
      %parallel_loop3A_237 = arith.minimumf %parallel_loop3A_231, %parallel_loop3A_73 : vector<16xf32>
      %parallel_loop3A_238 = arith.maximumf %parallel_loop3A_231, %parallel_loop3A_73 : vector<16xf32>
      %parallel_loop3A_239 = arith.minimumf %parallel_loop3A_233, %parallel_loop3A_237 : vector<16xf32>
      %parallel_loop3A_240 = arith.maximumf %parallel_loop3A_233, %parallel_loop3A_237 : vector<16xf32>
      %parallel_loop3A_241 = arith.minimumf %parallel_loop3A_235, %parallel_loop3A_239 : vector<16xf32>
      %parallel_loop3A_242 = arith.maximumf %parallel_loop3A_235, %parallel_loop3A_239 : vector<16xf32>
      %parallel_loop3A_243 = arith.maximumf %parallel_loop3A_236, %parallel_loop3A_241 : vector<16xf32>
      %parallel_loop3A_244 = arith.minimumf %parallel_loop3A_238, %parallel_loop3A_77 : vector<16xf32>
      %parallel_loop3A_245 = arith.maximumf %parallel_loop3A_238, %parallel_loop3A_77 : vector<16xf32>
      %parallel_loop3A_246 = arith.minimumf %parallel_loop3A_240, %parallel_loop3A_244 : vector<16xf32>
      %parallel_loop3A_247 = arith.maximumf %parallel_loop3A_240, %parallel_loop3A_244 : vector<16xf32>
      %parallel_loop3A_248 = arith.minimumf %parallel_loop3A_242, %parallel_loop3A_246 : vector<16xf32>
      %parallel_loop3A_249 = arith.maximumf %parallel_loop3A_242, %parallel_loop3A_246 : vector<16xf32>
      %parallel_loop3A_250 = arith.maximumf %parallel_loop3A_243, %parallel_loop3A_248 : vector<16xf32>
      %parallel_loop3A_251 = arith.minimumf %parallel_loop3A_245, %parallel_loop3A_81 : vector<16xf32>
      %parallel_loop3A_252 = arith.maximumf %parallel_loop3A_245, %parallel_loop3A_81 : vector<16xf32>
      %parallel_loop3A_253 = arith.minimumf %parallel_loop3A_247, %parallel_loop3A_251 : vector<16xf32>
      %parallel_loop3A_254 = arith.maximumf %parallel_loop3A_247, %parallel_loop3A_251 : vector<16xf32>
      %parallel_loop3A_255 = arith.minimumf %parallel_loop3A_249, %parallel_loop3A_253 : vector<16xf32>
      %parallel_loop3A_256 = arith.maximumf %parallel_loop3A_249, %parallel_loop3A_253 : vector<16xf32>
      %parallel_loop3A_257 = arith.maximumf %parallel_loop3A_250, %parallel_loop3A_255 : vector<16xf32>
      %parallel_loop3A_258 = arith.minimumf %parallel_loop3A_252, %parallel_loop3A_85 : vector<16xf32>
      %parallel_loop3A_259 = arith.maximumf %parallel_loop3A_252, %parallel_loop3A_85 : vector<16xf32>
      %parallel_loop3A_260 = arith.minimumf %parallel_loop3A_254, %parallel_loop3A_258 : vector<16xf32>
      %parallel_loop3A_261 = arith.maximumf %parallel_loop3A_254, %parallel_loop3A_258 : vector<16xf32>
      %parallel_loop3A_262 = arith.minimumf %parallel_loop3A_256, %parallel_loop3A_260 : vector<16xf32>
      %parallel_loop3A_263 = arith.maximumf %parallel_loop3A_256, %parallel_loop3A_260 : vector<16xf32>
      %parallel_loop3A_264 = arith.maximumf %parallel_loop3A_257, %parallel_loop3A_262 : vector<16xf32>
      %parallel_loop3A_265 = arith.minimumf %parallel_loop3A_259, %parallel_loop3A_89 : vector<16xf32>
      %parallel_loop3A_266 = arith.maximumf %parallel_loop3A_259, %parallel_loop3A_89 : vector<16xf32>
      %parallel_loop3A_267 = arith.minimumf %parallel_loop3A_261, %parallel_loop3A_265 : vector<16xf32>
      %parallel_loop3A_268 = arith.maximumf %parallel_loop3A_261, %parallel_loop3A_265 : vector<16xf32>
      %parallel_loop3A_269 = arith.minimumf %parallel_loop3A_263, %parallel_loop3A_267 : vector<16xf32>
      %parallel_loop3A_270 = arith.maximumf %parallel_loop3A_263, %parallel_loop3A_267 : vector<16xf32>
      %parallel_loop3A_271 = arith.maximumf %parallel_loop3A_264, %parallel_loop3A_269 : vector<16xf32>
      %parallel_loop3A_272 = arith.minimumf %parallel_loop3A_266, %parallel_loop3A_93 : vector<16xf32>
      %parallel_loop3A_273 = arith.maximumf %parallel_loop3A_266, %parallel_loop3A_93 : vector<16xf32>
      %parallel_loop3A_274 = arith.minimumf %parallel_loop3A_268, %parallel_loop3A_272 : vector<16xf32>
      %parallel_loop3A_275 = arith.maximumf %parallel_loop3A_268, %parallel_loop3A_272 : vector<16xf32>
      %parallel_loop3A_276 = arith.minimumf %parallel_loop3A_270, %parallel_loop3A_274 : vector<16xf32>
      %parallel_loop3A_277 = arith.maximumf %parallel_loop3A_270, %parallel_loop3A_274 : vector<16xf32>
      %parallel_loop3A_278 = arith.maximumf %parallel_loop3A_271, %parallel_loop3A_276 : vector<16xf32>
      %parallel_loop3A_279 = arith.minimumf %parallel_loop3A_273, %parallel_loop3A_97 : vector<16xf32>
      %parallel_loop3A_280 = arith.maximumf %parallel_loop3A_273, %parallel_loop3A_97 : vector<16xf32>
      %parallel_loop3A_281 = arith.minimumf %parallel_loop3A_275, %parallel_loop3A_279 : vector<16xf32>
      %parallel_loop3A_282 = arith.maximumf %parallel_loop3A_275, %parallel_loop3A_279 : vector<16xf32>
      %parallel_loop3A_283 = arith.minimumf %parallel_loop3A_277, %parallel_loop3A_281 : vector<16xf32>
      %parallel_loop3A_284 = arith.maximumf %parallel_loop3A_277, %parallel_loop3A_281 : vector<16xf32>
      %parallel_loop3A_285 = arith.maximumf %parallel_loop3A_278, %parallel_loop3A_283 : vector<16xf32>
      %parallel_loop3A_286 = arith.minimumf %parallel_loop3A_280, %parallel_loop3A_101 : vector<16xf32>
      %parallel_loop3A_287 = arith.maximumf %parallel_loop3A_280, %parallel_loop3A_101 : vector<16xf32>
      %parallel_loop3A_288 = arith.minimumf %parallel_loop3A_282, %parallel_loop3A_286 : vector<16xf32>
      %parallel_loop3A_289 = arith.maximumf %parallel_loop3A_282, %parallel_loop3A_286 : vector<16xf32>
      %parallel_loop3A_290 = arith.minimumf %parallel_loop3A_284, %parallel_loop3A_288 : vector<16xf32>
      %parallel_loop3A_291 = arith.maximumf %parallel_loop3A_284, %parallel_loop3A_288 : vector<16xf32>
      %parallel_loop3A_292 = arith.maximumf %parallel_loop3A_285, %parallel_loop3A_290 : vector<16xf32>
      %parallel_loop3A_293 = arith.minimumf %parallel_loop3A_287, %parallel_loop3A_105 : vector<16xf32>
      %parallel_loop3A_294 = arith.maximumf %parallel_loop3A_287, %parallel_loop3A_105 : vector<16xf32>
      %parallel_loop3A_295 = arith.minimumf %parallel_loop3A_289, %parallel_loop3A_293 : vector<16xf32>
      %parallel_loop3A_296 = arith.maximumf %parallel_loop3A_289, %parallel_loop3A_293 : vector<16xf32>
      %parallel_loop3A_297 = arith.minimumf %parallel_loop3A_291, %parallel_loop3A_295 : vector<16xf32>
      %parallel_loop3A_298 = arith.maximumf %parallel_loop3A_291, %parallel_loop3A_295 : vector<16xf32>
      %parallel_loop3A_299 = arith.maximumf %parallel_loop3A_292, %parallel_loop3A_297 : vector<16xf32>
      %parallel_loop3A_300 = arith.minimumf %parallel_loop3A_294, %parallel_loop3A_109 : vector<16xf32>
      %parallel_loop3A_301 = arith.maximumf %parallel_loop3A_294, %parallel_loop3A_109 : vector<16xf32>
      %parallel_loop3A_302 = arith.minimumf %parallel_loop3A_296, %parallel_loop3A_300 : vector<16xf32>
      %parallel_loop3A_303 = arith.maximumf %parallel_loop3A_296, %parallel_loop3A_300 : vector<16xf32>
      %parallel_loop3A_304 = arith.minimumf %parallel_loop3A_298, %parallel_loop3A_302 : vector<16xf32>
      %parallel_loop3A_305 = arith.maximumf %parallel_loop3A_298, %parallel_loop3A_302 : vector<16xf32>
      %parallel_loop3A_306 = arith.maximumf %parallel_loop3A_299, %parallel_loop3A_304 : vector<16xf32>
      %parallel_loop3A_307 = arith.minimumf %parallel_loop3A_301, %parallel_loop3A_113 : vector<16xf32>
      %parallel_loop3A_308 = arith.maximumf %parallel_loop3A_301, %parallel_loop3A_113 : vector<16xf32>
      %parallel_loop3A_309 = arith.minimumf %parallel_loop3A_303, %parallel_loop3A_307 : vector<16xf32>
      %parallel_loop3A_310 = arith.maximumf %parallel_loop3A_303, %parallel_loop3A_307 : vector<16xf32>
      %parallel_loop3A_311 = arith.minimumf %parallel_loop3A_305, %parallel_loop3A_309 : vector<16xf32>
      %parallel_loop3A_312 = arith.maximumf %parallel_loop3A_305, %parallel_loop3A_309 : vector<16xf32>
      %parallel_loop3A_313 = arith.maximumf %parallel_loop3A_306, %parallel_loop3A_311 : vector<16xf32>
      %parallel_loop3A_314 = arith.minimumf %parallel_loop3A_308, %parallel_loop3A_117 : vector<16xf32>
      %parallel_loop3A_315 = arith.maximumf %parallel_loop3A_308, %parallel_loop3A_117 : vector<16xf32>
      %parallel_loop3A_316 = arith.minimumf %parallel_loop3A_310, %parallel_loop3A_314 : vector<16xf32>
      %parallel_loop3A_317 = arith.maximumf %parallel_loop3A_310, %parallel_loop3A_314 : vector<16xf32>
      %parallel_loop3A_318 = arith.minimumf %parallel_loop3A_312, %parallel_loop3A_316 : vector<16xf32>
      %parallel_loop3A_319 = arith.maximumf %parallel_loop3A_312, %parallel_loop3A_316 : vector<16xf32>
      %parallel_loop3A_320 = arith.maximumf %parallel_loop3A_313, %parallel_loop3A_318 : vector<16xf32>
      %parallel_loop3A_321 = arith.minimumf %parallel_loop3A_315, %parallel_loop3A_121 : vector<16xf32>
      %parallel_loop3A_322 = arith.maximumf %parallel_loop3A_315, %parallel_loop3A_121 : vector<16xf32>
      %parallel_loop3A_323 = arith.minimumf %parallel_loop3A_317, %parallel_loop3A_321 : vector<16xf32>
      %parallel_loop3A_324 = arith.maximumf %parallel_loop3A_317, %parallel_loop3A_321 : vector<16xf32>
      %parallel_loop3A_325 = arith.minimumf %parallel_loop3A_319, %parallel_loop3A_323 : vector<16xf32>
      %parallel_loop3A_326 = arith.maximumf %parallel_loop3A_319, %parallel_loop3A_323 : vector<16xf32>
      %parallel_loop3A_327 = arith.maximumf %parallel_loop3A_320, %parallel_loop3A_325 : vector<16xf32>
      %parallel_loop3A_328 = arith.minimumf %parallel_loop3A_322, %parallel_loop3A_125 : vector<16xf32>
      %parallel_loop3A_329 = arith.maximumf %parallel_loop3A_322, %parallel_loop3A_125 : vector<16xf32>
      %parallel_loop3A_330 = arith.minimumf %parallel_loop3A_324, %parallel_loop3A_328 : vector<16xf32>
      %parallel_loop3A_331 = arith.maximumf %parallel_loop3A_324, %parallel_loop3A_328 : vector<16xf32>
      %parallel_loop3A_332 = arith.minimumf %parallel_loop3A_326, %parallel_loop3A_330 : vector<16xf32>
      %parallel_loop3A_333 = arith.maximumf %parallel_loop3A_326, %parallel_loop3A_330 : vector<16xf32>
      %parallel_loop3A_334 = arith.maximumf %parallel_loop3A_327, %parallel_loop3A_332 : vector<16xf32>
      %parallel_loop3A_335 = arith.minimumf %parallel_loop3A_329, %parallel_loop3A_129 : vector<16xf32>
      %parallel_loop3A_336 = arith.maximumf %parallel_loop3A_329, %parallel_loop3A_129 : vector<16xf32>
      %parallel_loop3A_337 = arith.minimumf %parallel_loop3A_331, %parallel_loop3A_335 : vector<16xf32>
      %parallel_loop3A_338 = arith.maximumf %parallel_loop3A_331, %parallel_loop3A_335 : vector<16xf32>
      %parallel_loop3A_339 = arith.minimumf %parallel_loop3A_333, %parallel_loop3A_337 : vector<16xf32>
      %parallel_loop3A_340 = arith.maximumf %parallel_loop3A_333, %parallel_loop3A_337 : vector<16xf32>
      %parallel_loop3A_341 = arith.maximumf %parallel_loop3A_334, %parallel_loop3A_339 : vector<16xf32>
      %parallel_loop3A_342 = arith.minimumf %parallel_loop3A_336, %parallel_loop3A_133 : vector<16xf32>
      %parallel_loop3A_343 = arith.maximumf %parallel_loop3A_336, %parallel_loop3A_133 : vector<16xf32>
      %parallel_loop3A_344 = arith.minimumf %parallel_loop3A_338, %parallel_loop3A_342 : vector<16xf32>
      %parallel_loop3A_345 = arith.maximumf %parallel_loop3A_338, %parallel_loop3A_342 : vector<16xf32>
      %parallel_loop3A_346 = arith.minimumf %parallel_loop3A_340, %parallel_loop3A_344 : vector<16xf32>
      %parallel_loop3A_347 = arith.maximumf %parallel_loop3A_340, %parallel_loop3A_344 : vector<16xf32>
      %parallel_loop3A_348 = arith.maximumf %parallel_loop3A_341, %parallel_loop3A_346 : vector<16xf32>
      %parallel_loop3A_349 = arith.minimumf %parallel_loop3A_343, %parallel_loop3A_137 : vector<16xf32>
      %parallel_loop3A_350 = arith.maximumf %parallel_loop3A_343, %parallel_loop3A_137 : vector<16xf32>
      %parallel_loop3A_351 = arith.minimumf %parallel_loop3A_345, %parallel_loop3A_349 : vector<16xf32>
      %parallel_loop3A_352 = arith.maximumf %parallel_loop3A_345, %parallel_loop3A_349 : vector<16xf32>
      %parallel_loop3A_353 = arith.minimumf %parallel_loop3A_347, %parallel_loop3A_351 : vector<16xf32>
      %parallel_loop3A_354 = arith.maximumf %parallel_loop3A_347, %parallel_loop3A_351 : vector<16xf32>
      %parallel_loop3A_355 = arith.maximumf %parallel_loop3A_348, %parallel_loop3A_353 : vector<16xf32>
      %parallel_loop3A_356 = arith.minimumf %parallel_loop3A_350, %parallel_loop3A_141 : vector<16xf32>
      %parallel_loop3A_357 = arith.maximumf %parallel_loop3A_350, %parallel_loop3A_141 : vector<16xf32>
      %parallel_loop3A_358 = arith.minimumf %parallel_loop3A_352, %parallel_loop3A_356 : vector<16xf32>
      %parallel_loop3A_359 = arith.maximumf %parallel_loop3A_352, %parallel_loop3A_356 : vector<16xf32>
      %parallel_loop3A_360 = arith.minimumf %parallel_loop3A_354, %parallel_loop3A_358 : vector<16xf32>
      %parallel_loop3A_361 = arith.maximumf %parallel_loop3A_354, %parallel_loop3A_358 : vector<16xf32>
      %parallel_loop3A_362 = arith.maximumf %parallel_loop3A_355, %parallel_loop3A_360 : vector<16xf32>
      %parallel_loop3A_363 = arith.minimumf %parallel_loop3A_357, %parallel_loop3A_145 : vector<16xf32>
      %parallel_loop3A_364 = arith.maximumf %parallel_loop3A_357, %parallel_loop3A_145 : vector<16xf32>
      %parallel_loop3A_365 = arith.minimumf %parallel_loop3A_359, %parallel_loop3A_363 : vector<16xf32>
      %parallel_loop3A_366 = arith.maximumf %parallel_loop3A_359, %parallel_loop3A_363 : vector<16xf32>
      %parallel_loop3A_367 = arith.minimumf %parallel_loop3A_361, %parallel_loop3A_365 : vector<16xf32>
      %parallel_loop3A_368 = arith.maximumf %parallel_loop3A_361, %parallel_loop3A_365 : vector<16xf32>
      %parallel_loop3A_369 = arith.maximumf %parallel_loop3A_362, %parallel_loop3A_367 : vector<16xf32>
      %parallel_loop3A_370 = arith.cmpf ogt, %parallel_loop3A_364, %parallel_loop3A_369 : vector<16xf32>
      %parallel_loop3A_371 = arith.select %parallel_loop3A_370, %broadcast_in_dim3A_8, %broadcast_in_dim3A_10 : vector<16xi1>, vector<16xi32>
      %parallel_loop3A_372 = arith.cmpf ogt, %parallel_loop3A_366, %parallel_loop3A_369 : vector<16xf32>
      %parallel_loop3A_373 = arith.select %parallel_loop3A_372, %broadcast_in_dim3A_8, %broadcast_in_dim3A_10 : vector<16xi1>, vector<16xi32>
      %parallel_loop3A_374 = arith.addi %parallel_loop3A_371, %parallel_loop3A_373 : vector<16xi32>
      %parallel_loop3A_375 = arith.cmpf ogt, %parallel_loop3A_368, %parallel_loop3A_369 : vector<16xf32>
      %parallel_loop3A_376 = arith.select %parallel_loop3A_375, %broadcast_in_dim3A_8, %broadcast_in_dim3A_10 : vector<16xi1>, vector<16xi32>
      %parallel_loop3A_377 = arith.addi %parallel_loop3A_374, %parallel_loop3A_376 : vector<16xi32>
      %parallel_loop3A_378 = arith.constant 4 : i32
      %parallel_loop3A_379 = vector.broadcast %parallel_loop3A_378 : i32 to vector<16xi32>
      %parallel_loop3A_380 = arith.subi %parallel_loop3A_379, %parallel_loop3A_377 : vector<16xi32>
      %parallel_loop3A_381 = vector.broadcast %parallel_loop3A_17 : i32 to vector<16xi32>
      %parallel_loop3A_382 = arith.addi %iota3A, %parallel_loop3A_381 : vector<16xi32>
      %parallel_loop3A_383 = arith.cmpf oeq, %parallel_loop3A_21, %parallel_loop3A_369 : vector<16xf32>
      %parallel_loop3A_384 = arith.cmpi slt, %broadcast_in_dim3A_10, %parallel_loop3A_380 : vector<16xi32>
      %parallel_loop3A_385 = arith.andi %parallel_loop3A_383, %parallel_loop3A_384 : vector<16xi1>
      %parallel_loop3A_386 = arith.cmpf ogt, %parallel_loop3A_21, %parallel_loop3A_369 : vector<16xf32>
      %parallel_loop3A_387 = arith.ori %parallel_loop3A_386, %parallel_loop3A_385 : vector<16xi1>
      %parallel_loop3A_388 = arith.select %parallel_loop3A_385, %broadcast_in_dim3A_8, %broadcast_in_dim3A_10 : vector<16xi1>, vector<16xi32>
      %parallel_loop3A_389 = arith.addi %broadcast_in_dim3A_10, %parallel_loop3A_388 : vector<16xi32>
      %parallel_loop3A_390 = arith.select %parallel_loop3A_387, %broadcast_in_dim3A_4, %broadcast_in_dim3A_6 : vector<16xi1>, vector<16xf32>
      %parallel_loop3A_391 = arith.select %ne3A_3, %parallel_loop3A_390, %parallel_loop3A_21 : vector<16xi1>, vector<16xf32>
      %parallel_loop3A_392 = arith.constant 0 : i32
      %parallel_loop3A_393 = vector.broadcast %parallel_loop3A_392 : i32 to vector<16xi32>
      tpu.vector_store_idx %arg6[%parallel_loop3A_382, %parallel_loop3A_393], %parallel_loop3A_391 : memref<256x32xf32, #tpu.memory_space<vmem>>[vector<16xi32>, vector<16xi32>], vector<16xf32>,
      %parallel_loop3A_394 = arith.cmpf oeq, %parallel_loop3A_25, %parallel_loop3A_369 : vector<16xf32>
      %parallel_loop3A_395 = arith.cmpi slt, %parallel_loop3A_389, %parallel_loop3A_380 : vector<16xi32>
      %parallel_loop3A_396 = arith.andi %parallel_loop3A_394, %parallel_loop3A_395 : vector<16xi1>
      %parallel_loop3A_397 = arith.cmpf ogt, %parallel_loop3A_25, %parallel_loop3A_369 : vector<16xf32>
      %parallel_loop3A_398 = arith.ori %parallel_loop3A_397, %parallel_loop3A_396 : vector<16xi1>
      %parallel_loop3A_399 = arith.select %parallel_loop3A_396, %broadcast_in_dim3A_8, %broadcast_in_dim3A_10 : vector<16xi1>, vector<16xi32>
      %parallel_loop3A_400 = arith.addi %parallel_loop3A_389, %parallel_loop3A_399 : vector<16xi32>
      %parallel_loop3A_401 = arith.select %parallel_loop3A_398, %broadcast_in_dim3A_4, %broadcast_in_dim3A_6 : vector<16xi1>, vector<16xf32>
      %parallel_loop3A_402 = arith.select %ne3A_3, %parallel_loop3A_401, %parallel_loop3A_25 : vector<16xi1>, vector<16xf32>
      %parallel_loop3A_403 = arith.constant 1 : i32
      %parallel_loop3A_404 = vector.broadcast %parallel_loop3A_403 : i32 to vector<16xi32>
      tpu.vector_store_idx %arg6[%parallel_loop3A_382, %parallel_loop3A_404], %parallel_loop3A_402 : memref<256x32xf32, #tpu.memory_space<vmem>>[vector<16xi32>, vector<16xi32>], vector<16xf32>,
      %parallel_loop3A_405 = arith.cmpf oeq, %parallel_loop3A_29, %parallel_loop3A_369 : vector<16xf32>
      %parallel_loop3A_406 = arith.cmpi slt, %parallel_loop3A_400, %parallel_loop3A_380 : vector<16xi32>
      %parallel_loop3A_407 = arith.andi %parallel_loop3A_405, %parallel_loop3A_406 : vector<16xi1>
      %parallel_loop3A_408 = arith.cmpf ogt, %parallel_loop3A_29, %parallel_loop3A_369 : vector<16xf32>
      %parallel_loop3A_409 = arith.ori %parallel_loop3A_408, %parallel_loop3A_407 : vector<16xi1>
      %parallel_loop3A_410 = arith.select %parallel_loop3A_407, %broadcast_in_dim3A_8, %broadcast_in_dim3A_10 : vector<16xi1>, vector<16xi32>
      %parallel_loop3A_411 = arith.addi %parallel_loop3A_400, %parallel_loop3A_410 : vector<16xi32>
      %parallel_loop3A_412 = arith.select %parallel_loop3A_409, %broadcast_in_dim3A_4, %broadcast_in_dim3A_6 : vector<16xi1>, vector<16xf32>
      %parallel_loop3A_413 = arith.select %ne3A_3, %parallel_loop3A_412, %parallel_loop3A_29 : vector<16xi1>, vector<16xf32>
      %parallel_loop3A_414 = arith.constant 2 : i32
      %parallel_loop3A_415 = vector.broadcast %parallel_loop3A_414 : i32 to vector<16xi32>
      tpu.vector_store_idx %arg6[%parallel_loop3A_382, %parallel_loop3A_415], %parallel_loop3A_413 : memref<256x32xf32, #tpu.memory_space<vmem>>[vector<16xi32>, vector<16xi32>], vector<16xf32>,
      %parallel_loop3A_416 = arith.cmpf oeq, %parallel_loop3A_33, %parallel_loop3A_369 : vector<16xf32>
      %parallel_loop3A_417 = arith.cmpi slt, %parallel_loop3A_411, %parallel_loop3A_380 : vector<16xi32>
      %parallel_loop3A_418 = arith.andi %parallel_loop3A_416, %parallel_loop3A_417 : vector<16xi1>
      %parallel_loop3A_419 = arith.cmpf ogt, %parallel_loop3A_33, %parallel_loop3A_369 : vector<16xf32>
      %parallel_loop3A_420 = arith.ori %parallel_loop3A_419, %parallel_loop3A_418 : vector<16xi1>
      %parallel_loop3A_421 = arith.select %parallel_loop3A_418, %broadcast_in_dim3A_8, %broadcast_in_dim3A_10 : vector<16xi1>, vector<16xi32>
      %parallel_loop3A_422 = arith.addi %parallel_loop3A_411, %parallel_loop3A_421 : vector<16xi32>
      %parallel_loop3A_423 = arith.select %parallel_loop3A_420, %broadcast_in_dim3A_4, %broadcast_in_dim3A_6 : vector<16xi1>, vector<16xf32>
      %parallel_loop3A_424 = arith.select %ne3A_3, %parallel_loop3A_423, %parallel_loop3A_33 : vector<16xi1>, vector<16xf32>
      %parallel_loop3A_425 = arith.constant 3 : i32
      %parallel_loop3A_426 = vector.broadcast %parallel_loop3A_425 : i32 to vector<16xi32>
      tpu.vector_store_idx %arg6[%parallel_loop3A_382, %parallel_loop3A_426], %parallel_loop3A_424 : memref<256x32xf32, #tpu.memory_space<vmem>>[vector<16xi32>, vector<16xi32>], vector<16xf32>,
      %parallel_loop3A_427 = arith.cmpf oeq, %parallel_loop3A_37, %parallel_loop3A_369 : vector<16xf32>
      %parallel_loop3A_428 = arith.cmpi slt, %parallel_loop3A_422, %parallel_loop3A_380 : vector<16xi32>
      %parallel_loop3A_429 = arith.andi %parallel_loop3A_427, %parallel_loop3A_428 : vector<16xi1>
      %parallel_loop3A_430 = arith.cmpf ogt, %parallel_loop3A_37, %parallel_loop3A_369 : vector<16xf32>
      %parallel_loop3A_431 = arith.ori %parallel_loop3A_430, %parallel_loop3A_429 : vector<16xi1>
      %parallel_loop3A_432 = arith.select %parallel_loop3A_429, %broadcast_in_dim3A_8, %broadcast_in_dim3A_10 : vector<16xi1>, vector<16xi32>
      %parallel_loop3A_433 = arith.addi %parallel_loop3A_422, %parallel_loop3A_432 : vector<16xi32>
      %parallel_loop3A_434 = arith.select %parallel_loop3A_431, %broadcast_in_dim3A_4, %broadcast_in_dim3A_6 : vector<16xi1>, vector<16xf32>
      %parallel_loop3A_435 = arith.select %ne3A_3, %parallel_loop3A_434, %parallel_loop3A_37 : vector<16xi1>, vector<16xf32>
      %parallel_loop3A_436 = arith.constant 4 : i32
      %parallel_loop3A_437 = vector.broadcast %parallel_loop3A_436 : i32 to vector<16xi32>
      tpu.vector_store_idx %arg6[%parallel_loop3A_382, %parallel_loop3A_437], %parallel_loop3A_435 : memref<256x32xf32, #tpu.memory_space<vmem>>[vector<16xi32>, vector<16xi32>], vector<16xf32>,
      %parallel_loop3A_438 = arith.cmpf oeq, %parallel_loop3A_41, %parallel_loop3A_369 : vector<16xf32>
      %parallel_loop3A_439 = arith.cmpi slt, %parallel_loop3A_433, %parallel_loop3A_380 : vector<16xi32>
      %parallel_loop3A_440 = arith.andi %parallel_loop3A_438, %parallel_loop3A_439 : vector<16xi1>
      %parallel_loop3A_441 = arith.cmpf ogt, %parallel_loop3A_41, %parallel_loop3A_369 : vector<16xf32>
      %parallel_loop3A_442 = arith.ori %parallel_loop3A_441, %parallel_loop3A_440 : vector<16xi1>
      %parallel_loop3A_443 = arith.select %parallel_loop3A_440, %broadcast_in_dim3A_8, %broadcast_in_dim3A_10 : vector<16xi1>, vector<16xi32>
      %parallel_loop3A_444 = arith.addi %parallel_loop3A_433, %parallel_loop3A_443 : vector<16xi32>
      %parallel_loop3A_445 = arith.select %parallel_loop3A_442, %broadcast_in_dim3A_4, %broadcast_in_dim3A_6 : vector<16xi1>, vector<16xf32>
      %parallel_loop3A_446 = arith.select %ne3A_3, %parallel_loop3A_445, %parallel_loop3A_41 : vector<16xi1>, vector<16xf32>
      %parallel_loop3A_447 = arith.constant 5 : i32
      %parallel_loop3A_448 = vector.broadcast %parallel_loop3A_447 : i32 to vector<16xi32>
      tpu.vector_store_idx %arg6[%parallel_loop3A_382, %parallel_loop3A_448], %parallel_loop3A_446 : memref<256x32xf32, #tpu.memory_space<vmem>>[vector<16xi32>, vector<16xi32>], vector<16xf32>,
      %parallel_loop3A_449 = arith.cmpf oeq, %parallel_loop3A_45, %parallel_loop3A_369 : vector<16xf32>
      %parallel_loop3A_450 = arith.cmpi slt, %parallel_loop3A_444, %parallel_loop3A_380 : vector<16xi32>
      %parallel_loop3A_451 = arith.andi %parallel_loop3A_449, %parallel_loop3A_450 : vector<16xi1>
      %parallel_loop3A_452 = arith.cmpf ogt, %parallel_loop3A_45, %parallel_loop3A_369 : vector<16xf32>
      %parallel_loop3A_453 = arith.ori %parallel_loop3A_452, %parallel_loop3A_451 : vector<16xi1>
      %parallel_loop3A_454 = arith.select %parallel_loop3A_451, %broadcast_in_dim3A_8, %broadcast_in_dim3A_10 : vector<16xi1>, vector<16xi32>
      %parallel_loop3A_455 = arith.addi %parallel_loop3A_444, %parallel_loop3A_454 : vector<16xi32>
      %parallel_loop3A_456 = arith.select %parallel_loop3A_453, %broadcast_in_dim3A_4, %broadcast_in_dim3A_6 : vector<16xi1>, vector<16xf32>
      %parallel_loop3A_457 = arith.select %ne3A_3, %parallel_loop3A_456, %parallel_loop3A_45 : vector<16xi1>, vector<16xf32>
      %parallel_loop3A_458 = arith.constant 6 : i32
      %parallel_loop3A_459 = vector.broadcast %parallel_loop3A_458 : i32 to vector<16xi32>
      tpu.vector_store_idx %arg6[%parallel_loop3A_382, %parallel_loop3A_459], %parallel_loop3A_457 : memref<256x32xf32, #tpu.memory_space<vmem>>[vector<16xi32>, vector<16xi32>], vector<16xf32>,
      %parallel_loop3A_460 = arith.cmpf oeq, %parallel_loop3A_49, %parallel_loop3A_369 : vector<16xf32>
      %parallel_loop3A_461 = arith.cmpi slt, %parallel_loop3A_455, %parallel_loop3A_380 : vector<16xi32>
      %parallel_loop3A_462 = arith.andi %parallel_loop3A_460, %parallel_loop3A_461 : vector<16xi1>
      %parallel_loop3A_463 = arith.cmpf ogt, %parallel_loop3A_49, %parallel_loop3A_369 : vector<16xf32>
      %parallel_loop3A_464 = arith.ori %parallel_loop3A_463, %parallel_loop3A_462 : vector<16xi1>
      %parallel_loop3A_465 = arith.select %parallel_loop3A_462, %broadcast_in_dim3A_8, %broadcast_in_dim3A_10 : vector<16xi1>, vector<16xi32>
      %parallel_loop3A_466 = arith.addi %parallel_loop3A_455, %parallel_loop3A_465 : vector<16xi32>
      %parallel_loop3A_467 = arith.select %parallel_loop3A_464, %broadcast_in_dim3A_4, %broadcast_in_dim3A_6 : vector<16xi1>, vector<16xf32>
      %parallel_loop3A_468 = arith.select %ne3A_3, %parallel_loop3A_467, %parallel_loop3A_49 : vector<16xi1>, vector<16xf32>
      %parallel_loop3A_469 = arith.constant 7 : i32
      %parallel_loop3A_470 = vector.broadcast %parallel_loop3A_469 : i32 to vector<16xi32>
      tpu.vector_store_idx %arg6[%parallel_loop3A_382, %parallel_loop3A_470], %parallel_loop3A_468 : memref<256x32xf32, #tpu.memory_space<vmem>>[vector<16xi32>, vector<16xi32>], vector<16xf32>,
      %parallel_loop3A_471 = arith.cmpf oeq, %parallel_loop3A_53, %parallel_loop3A_369 : vector<16xf32>
      %parallel_loop3A_472 = arith.cmpi slt, %parallel_loop3A_466, %parallel_loop3A_380 : vector<16xi32>
      %parallel_loop3A_473 = arith.andi %parallel_loop3A_471, %parallel_loop3A_472 : vector<16xi1>
      %parallel_loop3A_474 = arith.cmpf ogt, %parallel_loop3A_53, %parallel_loop3A_369 : vector<16xf32>
      %parallel_loop3A_475 = arith.ori %parallel_loop3A_474, %parallel_loop3A_473 : vector<16xi1>
      %parallel_loop3A_476 = arith.select %parallel_loop3A_473, %broadcast_in_dim3A_8, %broadcast_in_dim3A_10 : vector<16xi1>, vector<16xi32>
      %parallel_loop3A_477 = arith.addi %parallel_loop3A_466, %parallel_loop3A_476 : vector<16xi32>
      %parallel_loop3A_478 = arith.select %parallel_loop3A_475, %broadcast_in_dim3A_4, %broadcast_in_dim3A_6 : vector<16xi1>, vector<16xf32>
      %parallel_loop3A_479 = arith.select %ne3A_3, %parallel_loop3A_478, %parallel_loop3A_53 : vector<16xi1>, vector<16xf32>
      %parallel_loop3A_480 = arith.constant 8 : i32
      %parallel_loop3A_481 = vector.broadcast %parallel_loop3A_480 : i32 to vector<16xi32>
      tpu.vector_store_idx %arg6[%parallel_loop3A_382, %parallel_loop3A_481], %parallel_loop3A_479 : memref<256x32xf32, #tpu.memory_space<vmem>>[vector<16xi32>, vector<16xi32>], vector<16xf32>,
      %parallel_loop3A_482 = arith.cmpf oeq, %parallel_loop3A_57, %parallel_loop3A_369 : vector<16xf32>
      %parallel_loop3A_483 = arith.cmpi slt, %parallel_loop3A_477, %parallel_loop3A_380 : vector<16xi32>
      %parallel_loop3A_484 = arith.andi %parallel_loop3A_482, %parallel_loop3A_483 : vector<16xi1>
      %parallel_loop3A_485 = arith.cmpf ogt, %parallel_loop3A_57, %parallel_loop3A_369 : vector<16xf32>
      %parallel_loop3A_486 = arith.ori %parallel_loop3A_485, %parallel_loop3A_484 : vector<16xi1>
      %parallel_loop3A_487 = arith.select %parallel_loop3A_484, %broadcast_in_dim3A_8, %broadcast_in_dim3A_10 : vector<16xi1>, vector<16xi32>
      %parallel_loop3A_488 = arith.addi %parallel_loop3A_477, %parallel_loop3A_487 : vector<16xi32>
      %parallel_loop3A_489 = arith.select %parallel_loop3A_486, %broadcast_in_dim3A_4, %broadcast_in_dim3A_6 : vector<16xi1>, vector<16xf32>
      %parallel_loop3A_490 = arith.select %ne3A_3, %parallel_loop3A_489, %parallel_loop3A_57 : vector<16xi1>, vector<16xf32>
      %parallel_loop3A_491 = arith.constant 9 : i32
      %parallel_loop3A_492 = vector.broadcast %parallel_loop3A_491 : i32 to vector<16xi32>
      tpu.vector_store_idx %arg6[%parallel_loop3A_382, %parallel_loop3A_492], %parallel_loop3A_490 : memref<256x32xf32, #tpu.memory_space<vmem>>[vector<16xi32>, vector<16xi32>], vector<16xf32>,
      %parallel_loop3A_493 = arith.cmpf oeq, %parallel_loop3A_61, %parallel_loop3A_369 : vector<16xf32>
      %parallel_loop3A_494 = arith.cmpi slt, %parallel_loop3A_488, %parallel_loop3A_380 : vector<16xi32>
      %parallel_loop3A_495 = arith.andi %parallel_loop3A_493, %parallel_loop3A_494 : vector<16xi1>
      %parallel_loop3A_496 = arith.cmpf ogt, %parallel_loop3A_61, %parallel_loop3A_369 : vector<16xf32>
      %parallel_loop3A_497 = arith.ori %parallel_loop3A_496, %parallel_loop3A_495 : vector<16xi1>
      %parallel_loop3A_498 = arith.select %parallel_loop3A_495, %broadcast_in_dim3A_8, %broadcast_in_dim3A_10 : vector<16xi1>, vector<16xi32>
      %parallel_loop3A_499 = arith.addi %parallel_loop3A_488, %parallel_loop3A_498 : vector<16xi32>
      %parallel_loop3A_500 = arith.select %parallel_loop3A_497, %broadcast_in_dim3A_4, %broadcast_in_dim3A_6 : vector<16xi1>, vector<16xf32>
      %parallel_loop3A_501 = arith.select %ne3A_3, %parallel_loop3A_500, %parallel_loop3A_61 : vector<16xi1>, vector<16xf32>
      %parallel_loop3A_502 = arith.constant 10 : i32
      %parallel_loop3A_503 = vector.broadcast %parallel_loop3A_502 : i32 to vector<16xi32>
      tpu.vector_store_idx %arg6[%parallel_loop3A_382, %parallel_loop3A_503], %parallel_loop3A_501 : memref<256x32xf32, #tpu.memory_space<vmem>>[vector<16xi32>, vector<16xi32>], vector<16xf32>,
      %parallel_loop3A_504 = arith.cmpf oeq, %parallel_loop3A_65, %parallel_loop3A_369 : vector<16xf32>
      %parallel_loop3A_505 = arith.cmpi slt, %parallel_loop3A_499, %parallel_loop3A_380 : vector<16xi32>
      %parallel_loop3A_506 = arith.andi %parallel_loop3A_504, %parallel_loop3A_505 : vector<16xi1>
      %parallel_loop3A_507 = arith.cmpf ogt, %parallel_loop3A_65, %parallel_loop3A_369 : vector<16xf32>
      %parallel_loop3A_508 = arith.ori %parallel_loop3A_507, %parallel_loop3A_506 : vector<16xi1>
      %parallel_loop3A_509 = arith.select %parallel_loop3A_506, %broadcast_in_dim3A_8, %broadcast_in_dim3A_10 : vector<16xi1>, vector<16xi32>
      %parallel_loop3A_510 = arith.addi %parallel_loop3A_499, %parallel_loop3A_509 : vector<16xi32>
      %parallel_loop3A_511 = arith.select %parallel_loop3A_508, %broadcast_in_dim3A_4, %broadcast_in_dim3A_6 : vector<16xi1>, vector<16xf32>
      %parallel_loop3A_512 = arith.select %ne3A_3, %parallel_loop3A_511, %parallel_loop3A_65 : vector<16xi1>, vector<16xf32>
      %parallel_loop3A_513 = arith.constant 11 : i32
      %parallel_loop3A_514 = vector.broadcast %parallel_loop3A_513 : i32 to vector<16xi32>
      tpu.vector_store_idx %arg6[%parallel_loop3A_382, %parallel_loop3A_514], %parallel_loop3A_512 : memref<256x32xf32, #tpu.memory_space<vmem>>[vector<16xi32>, vector<16xi32>], vector<16xf32>,
      %parallel_loop3A_515 = arith.cmpf oeq, %parallel_loop3A_69, %parallel_loop3A_369 : vector<16xf32>
      %parallel_loop3A_516 = arith.cmpi slt, %parallel_loop3A_510, %parallel_loop3A_380 : vector<16xi32>
      %parallel_loop3A_517 = arith.andi %parallel_loop3A_515, %parallel_loop3A_516 : vector<16xi1>
      %parallel_loop3A_518 = arith.cmpf ogt, %parallel_loop3A_69, %parallel_loop3A_369 : vector<16xf32>
      %parallel_loop3A_519 = arith.ori %parallel_loop3A_518, %parallel_loop3A_517 : vector<16xi1>
      %parallel_loop3A_520 = arith.select %parallel_loop3A_517, %broadcast_in_dim3A_8, %broadcast_in_dim3A_10 : vector<16xi1>, vector<16xi32>
      %parallel_loop3A_521 = arith.addi %parallel_loop3A_510, %parallel_loop3A_520 : vector<16xi32>
      %parallel_loop3A_522 = arith.select %parallel_loop3A_519, %broadcast_in_dim3A_4, %broadcast_in_dim3A_6 : vector<16xi1>, vector<16xf32>
      %parallel_loop3A_523 = arith.select %ne3A_3, %parallel_loop3A_522, %parallel_loop3A_69 : vector<16xi1>, vector<16xf32>
      %parallel_loop3A_524 = arith.constant 12 : i32
      %parallel_loop3A_525 = vector.broadcast %parallel_loop3A_524 : i32 to vector<16xi32>
      tpu.vector_store_idx %arg6[%parallel_loop3A_382, %parallel_loop3A_525], %parallel_loop3A_523 : memref<256x32xf32, #tpu.memory_space<vmem>>[vector<16xi32>, vector<16xi32>], vector<16xf32>,
      %parallel_loop3A_526 = arith.cmpf oeq, %parallel_loop3A_73, %parallel_loop3A_369 : vector<16xf32>
      %parallel_loop3A_527 = arith.cmpi slt, %parallel_loop3A_521, %parallel_loop3A_380 : vector<16xi32>
      %parallel_loop3A_528 = arith.andi %parallel_loop3A_526, %parallel_loop3A_527 : vector<16xi1>
      %parallel_loop3A_529 = arith.cmpf ogt, %parallel_loop3A_73, %parallel_loop3A_369 : vector<16xf32>
      %parallel_loop3A_530 = arith.ori %parallel_loop3A_529, %parallel_loop3A_528 : vector<16xi1>
      %parallel_loop3A_531 = arith.select %parallel_loop3A_528, %broadcast_in_dim3A_8, %broadcast_in_dim3A_10 : vector<16xi1>, vector<16xi32>
      %parallel_loop3A_532 = arith.addi %parallel_loop3A_521, %parallel_loop3A_531 : vector<16xi32>
      %parallel_loop3A_533 = arith.select %parallel_loop3A_530, %broadcast_in_dim3A_4, %broadcast_in_dim3A_6 : vector<16xi1>, vector<16xf32>
      %parallel_loop3A_534 = arith.select %ne3A_3, %parallel_loop3A_533, %parallel_loop3A_73 : vector<16xi1>, vector<16xf32>
      %parallel_loop3A_535 = arith.constant 13 : i32
      %parallel_loop3A_536 = vector.broadcast %parallel_loop3A_535 : i32 to vector<16xi32>
      tpu.vector_store_idx %arg6[%parallel_loop3A_382, %parallel_loop3A_536], %parallel_loop3A_534 : memref<256x32xf32, #tpu.memory_space<vmem>>[vector<16xi32>, vector<16xi32>], vector<16xf32>,
      %parallel_loop3A_537 = arith.cmpf oeq, %parallel_loop3A_77, %parallel_loop3A_369 : vector<16xf32>
      %parallel_loop3A_538 = arith.cmpi slt, %parallel_loop3A_532, %parallel_loop3A_380 : vector<16xi32>
      %parallel_loop3A_539 = arith.andi %parallel_loop3A_537, %parallel_loop3A_538 : vector<16xi1>
      %parallel_loop3A_540 = arith.cmpf ogt, %parallel_loop3A_77, %parallel_loop3A_369 : vector<16xf32>
      %parallel_loop3A_541 = arith.ori %parallel_loop3A_540, %parallel_loop3A_539 : vector<16xi1>
      %parallel_loop3A_542 = arith.select %parallel_loop3A_539, %broadcast_in_dim3A_8, %broadcast_in_dim3A_10 : vector<16xi1>, vector<16xi32>
      %parallel_loop3A_543 = arith.addi %parallel_loop3A_532, %parallel_loop3A_542 : vector<16xi32>
      %parallel_loop3A_544 = arith.select %parallel_loop3A_541, %broadcast_in_dim3A_4, %broadcast_in_dim3A_6 : vector<16xi1>, vector<16xf32>
      %parallel_loop3A_545 = arith.select %ne3A_3, %parallel_loop3A_544, %parallel_loop3A_77 : vector<16xi1>, vector<16xf32>
      %parallel_loop3A_546 = arith.constant 14 : i32
      %parallel_loop3A_547 = vector.broadcast %parallel_loop3A_546 : i32 to vector<16xi32>
      tpu.vector_store_idx %arg6[%parallel_loop3A_382, %parallel_loop3A_547], %parallel_loop3A_545 : memref<256x32xf32, #tpu.memory_space<vmem>>[vector<16xi32>, vector<16xi32>], vector<16xf32>,
      %parallel_loop3A_548 = arith.cmpf oeq, %parallel_loop3A_81, %parallel_loop3A_369 : vector<16xf32>
      %parallel_loop3A_549 = arith.cmpi slt, %parallel_loop3A_543, %parallel_loop3A_380 : vector<16xi32>
      %parallel_loop3A_550 = arith.andi %parallel_loop3A_548, %parallel_loop3A_549 : vector<16xi1>
      %parallel_loop3A_551 = arith.cmpf ogt, %parallel_loop3A_81, %parallel_loop3A_369 : vector<16xf32>
      %parallel_loop3A_552 = arith.ori %parallel_loop3A_551, %parallel_loop3A_550 : vector<16xi1>
      %parallel_loop3A_553 = arith.select %parallel_loop3A_550, %broadcast_in_dim3A_8, %broadcast_in_dim3A_10 : vector<16xi1>, vector<16xi32>
      %parallel_loop3A_554 = arith.addi %parallel_loop3A_543, %parallel_loop3A_553 : vector<16xi32>
      %parallel_loop3A_555 = arith.select %parallel_loop3A_552, %broadcast_in_dim3A_4, %broadcast_in_dim3A_6 : vector<16xi1>, vector<16xf32>
      %parallel_loop3A_556 = arith.select %ne3A_3, %parallel_loop3A_555, %parallel_loop3A_81 : vector<16xi1>, vector<16xf32>
      %parallel_loop3A_557 = arith.constant 15 : i32
      %parallel_loop3A_558 = vector.broadcast %parallel_loop3A_557 : i32 to vector<16xi32>
      tpu.vector_store_idx %arg6[%parallel_loop3A_382, %parallel_loop3A_558], %parallel_loop3A_556 : memref<256x32xf32, #tpu.memory_space<vmem>>[vector<16xi32>, vector<16xi32>], vector<16xf32>,
      %parallel_loop3A_559 = arith.cmpf oeq, %parallel_loop3A_85, %parallel_loop3A_369 : vector<16xf32>
      %parallel_loop3A_560 = arith.cmpi slt, %parallel_loop3A_554, %parallel_loop3A_380 : vector<16xi32>
      %parallel_loop3A_561 = arith.andi %parallel_loop3A_559, %parallel_loop3A_560 : vector<16xi1>
      %parallel_loop3A_562 = arith.cmpf ogt, %parallel_loop3A_85, %parallel_loop3A_369 : vector<16xf32>
      %parallel_loop3A_563 = arith.ori %parallel_loop3A_562, %parallel_loop3A_561 : vector<16xi1>
      %parallel_loop3A_564 = arith.select %parallel_loop3A_561, %broadcast_in_dim3A_8, %broadcast_in_dim3A_10 : vector<16xi1>, vector<16xi32>
      %parallel_loop3A_565 = arith.addi %parallel_loop3A_554, %parallel_loop3A_564 : vector<16xi32>
      %parallel_loop3A_566 = arith.select %parallel_loop3A_563, %broadcast_in_dim3A_4, %broadcast_in_dim3A_6 : vector<16xi1>, vector<16xf32>
      %parallel_loop3A_567 = arith.select %ne3A_3, %parallel_loop3A_566, %parallel_loop3A_85 : vector<16xi1>, vector<16xf32>
      %parallel_loop3A_568 = arith.constant 16 : i32
      %parallel_loop3A_569 = vector.broadcast %parallel_loop3A_568 : i32 to vector<16xi32>
      tpu.vector_store_idx %arg6[%parallel_loop3A_382, %parallel_loop3A_569], %parallel_loop3A_567 : memref<256x32xf32, #tpu.memory_space<vmem>>[vector<16xi32>, vector<16xi32>], vector<16xf32>,
      %parallel_loop3A_570 = arith.cmpf oeq, %parallel_loop3A_89, %parallel_loop3A_369 : vector<16xf32>
      %parallel_loop3A_571 = arith.cmpi slt, %parallel_loop3A_565, %parallel_loop3A_380 : vector<16xi32>
      %parallel_loop3A_572 = arith.andi %parallel_loop3A_570, %parallel_loop3A_571 : vector<16xi1>
      %parallel_loop3A_573 = arith.cmpf ogt, %parallel_loop3A_89, %parallel_loop3A_369 : vector<16xf32>
      %parallel_loop3A_574 = arith.ori %parallel_loop3A_573, %parallel_loop3A_572 : vector<16xi1>
      %parallel_loop3A_575 = arith.select %parallel_loop3A_572, %broadcast_in_dim3A_8, %broadcast_in_dim3A_10 : vector<16xi1>, vector<16xi32>
      %parallel_loop3A_576 = arith.addi %parallel_loop3A_565, %parallel_loop3A_575 : vector<16xi32>
      %parallel_loop3A_577 = arith.select %parallel_loop3A_574, %broadcast_in_dim3A_4, %broadcast_in_dim3A_6 : vector<16xi1>, vector<16xf32>
      %parallel_loop3A_578 = arith.select %ne3A_3, %parallel_loop3A_577, %parallel_loop3A_89 : vector<16xi1>, vector<16xf32>
      %parallel_loop3A_579 = arith.constant 17 : i32
      %parallel_loop3A_580 = vector.broadcast %parallel_loop3A_579 : i32 to vector<16xi32>
      tpu.vector_store_idx %arg6[%parallel_loop3A_382, %parallel_loop3A_580], %parallel_loop3A_578 : memref<256x32xf32, #tpu.memory_space<vmem>>[vector<16xi32>, vector<16xi32>], vector<16xf32>,
      %parallel_loop3A_581 = arith.cmpf oeq, %parallel_loop3A_93, %parallel_loop3A_369 : vector<16xf32>
      %parallel_loop3A_582 = arith.cmpi slt, %parallel_loop3A_576, %parallel_loop3A_380 : vector<16xi32>
      %parallel_loop3A_583 = arith.andi %parallel_loop3A_581, %parallel_loop3A_582 : vector<16xi1>
      %parallel_loop3A_584 = arith.cmpf ogt, %parallel_loop3A_93, %parallel_loop3A_369 : vector<16xf32>
      %parallel_loop3A_585 = arith.ori %parallel_loop3A_584, %parallel_loop3A_583 : vector<16xi1>
      %parallel_loop3A_586 = arith.select %parallel_loop3A_583, %broadcast_in_dim3A_8, %broadcast_in_dim3A_10 : vector<16xi1>, vector<16xi32>
      %parallel_loop3A_587 = arith.addi %parallel_loop3A_576, %parallel_loop3A_586 : vector<16xi32>
      %parallel_loop3A_588 = arith.select %parallel_loop3A_585, %broadcast_in_dim3A_4, %broadcast_in_dim3A_6 : vector<16xi1>, vector<16xf32>
      %parallel_loop3A_589 = arith.select %ne3A_3, %parallel_loop3A_588, %parallel_loop3A_93 : vector<16xi1>, vector<16xf32>
      %parallel_loop3A_590 = arith.constant 18 : i32
      %parallel_loop3A_591 = vector.broadcast %parallel_loop3A_590 : i32 to vector<16xi32>
      tpu.vector_store_idx %arg6[%parallel_loop3A_382, %parallel_loop3A_591], %parallel_loop3A_589 : memref<256x32xf32, #tpu.memory_space<vmem>>[vector<16xi32>, vector<16xi32>], vector<16xf32>,
      %parallel_loop3A_592 = arith.cmpf oeq, %parallel_loop3A_97, %parallel_loop3A_369 : vector<16xf32>
      %parallel_loop3A_593 = arith.cmpi slt, %parallel_loop3A_587, %parallel_loop3A_380 : vector<16xi32>
      %parallel_loop3A_594 = arith.andi %parallel_loop3A_592, %parallel_loop3A_593 : vector<16xi1>
      %parallel_loop3A_595 = arith.cmpf ogt, %parallel_loop3A_97, %parallel_loop3A_369 : vector<16xf32>
      %parallel_loop3A_596 = arith.ori %parallel_loop3A_595, %parallel_loop3A_594 : vector<16xi1>
      %parallel_loop3A_597 = arith.select %parallel_loop3A_594, %broadcast_in_dim3A_8, %broadcast_in_dim3A_10 : vector<16xi1>, vector<16xi32>
      %parallel_loop3A_598 = arith.addi %parallel_loop3A_587, %parallel_loop3A_597 : vector<16xi32>
      %parallel_loop3A_599 = arith.select %parallel_loop3A_596, %broadcast_in_dim3A_4, %broadcast_in_dim3A_6 : vector<16xi1>, vector<16xf32>
      %parallel_loop3A_600 = arith.select %ne3A_3, %parallel_loop3A_599, %parallel_loop3A_97 : vector<16xi1>, vector<16xf32>
      %parallel_loop3A_601 = arith.constant 19 : i32
      %parallel_loop3A_602 = vector.broadcast %parallel_loop3A_601 : i32 to vector<16xi32>
      tpu.vector_store_idx %arg6[%parallel_loop3A_382, %parallel_loop3A_602], %parallel_loop3A_600 : memref<256x32xf32, #tpu.memory_space<vmem>>[vector<16xi32>, vector<16xi32>], vector<16xf32>,
      %parallel_loop3A_603 = arith.cmpf oeq, %parallel_loop3A_101, %parallel_loop3A_369 : vector<16xf32>
      %parallel_loop3A_604 = arith.cmpi slt, %parallel_loop3A_598, %parallel_loop3A_380 : vector<16xi32>
      %parallel_loop3A_605 = arith.andi %parallel_loop3A_603, %parallel_loop3A_604 : vector<16xi1>
      %parallel_loop3A_606 = arith.cmpf ogt, %parallel_loop3A_101, %parallel_loop3A_369 : vector<16xf32>
      %parallel_loop3A_607 = arith.ori %parallel_loop3A_606, %parallel_loop3A_605 : vector<16xi1>
      %parallel_loop3A_608 = arith.select %parallel_loop3A_605, %broadcast_in_dim3A_8, %broadcast_in_dim3A_10 : vector<16xi1>, vector<16xi32>
      %parallel_loop3A_609 = arith.addi %parallel_loop3A_598, %parallel_loop3A_608 : vector<16xi32>
      %parallel_loop3A_610 = arith.select %parallel_loop3A_607, %broadcast_in_dim3A_4, %broadcast_in_dim3A_6 : vector<16xi1>, vector<16xf32>
      %parallel_loop3A_611 = arith.select %ne3A_3, %parallel_loop3A_610, %parallel_loop3A_101 : vector<16xi1>, vector<16xf32>
      %parallel_loop3A_612 = arith.constant 20 : i32
      %parallel_loop3A_613 = vector.broadcast %parallel_loop3A_612 : i32 to vector<16xi32>
      tpu.vector_store_idx %arg6[%parallel_loop3A_382, %parallel_loop3A_613], %parallel_loop3A_611 : memref<256x32xf32, #tpu.memory_space<vmem>>[vector<16xi32>, vector<16xi32>], vector<16xf32>,
      %parallel_loop3A_614 = arith.cmpf oeq, %parallel_loop3A_105, %parallel_loop3A_369 : vector<16xf32>
      %parallel_loop3A_615 = arith.cmpi slt, %parallel_loop3A_609, %parallel_loop3A_380 : vector<16xi32>
      %parallel_loop3A_616 = arith.andi %parallel_loop3A_614, %parallel_loop3A_615 : vector<16xi1>
      %parallel_loop3A_617 = arith.cmpf ogt, %parallel_loop3A_105, %parallel_loop3A_369 : vector<16xf32>
      %parallel_loop3A_618 = arith.ori %parallel_loop3A_617, %parallel_loop3A_616 : vector<16xi1>
      %parallel_loop3A_619 = arith.select %parallel_loop3A_616, %broadcast_in_dim3A_8, %broadcast_in_dim3A_10 : vector<16xi1>, vector<16xi32>
      %parallel_loop3A_620 = arith.addi %parallel_loop3A_609, %parallel_loop3A_619 : vector<16xi32>
      %parallel_loop3A_621 = arith.select %parallel_loop3A_618, %broadcast_in_dim3A_4, %broadcast_in_dim3A_6 : vector<16xi1>, vector<16xf32>
      %parallel_loop3A_622 = arith.select %ne3A_3, %parallel_loop3A_621, %parallel_loop3A_105 : vector<16xi1>, vector<16xf32>
      %parallel_loop3A_623 = arith.constant 21 : i32
      %parallel_loop3A_624 = vector.broadcast %parallel_loop3A_623 : i32 to vector<16xi32>
      tpu.vector_store_idx %arg6[%parallel_loop3A_382, %parallel_loop3A_624], %parallel_loop3A_622 : memref<256x32xf32, #tpu.memory_space<vmem>>[vector<16xi32>, vector<16xi32>], vector<16xf32>,
      %parallel_loop3A_625 = arith.cmpf oeq, %parallel_loop3A_109, %parallel_loop3A_369 : vector<16xf32>
      %parallel_loop3A_626 = arith.cmpi slt, %parallel_loop3A_620, %parallel_loop3A_380 : vector<16xi32>
      %parallel_loop3A_627 = arith.andi %parallel_loop3A_625, %parallel_loop3A_626 : vector<16xi1>
      %parallel_loop3A_628 = arith.cmpf ogt, %parallel_loop3A_109, %parallel_loop3A_369 : vector<16xf32>
      %parallel_loop3A_629 = arith.ori %parallel_loop3A_628, %parallel_loop3A_627 : vector<16xi1>
      %parallel_loop3A_630 = arith.select %parallel_loop3A_627, %broadcast_in_dim3A_8, %broadcast_in_dim3A_10 : vector<16xi1>, vector<16xi32>
      %parallel_loop3A_631 = arith.addi %parallel_loop3A_620, %parallel_loop3A_630 : vector<16xi32>
      %parallel_loop3A_632 = arith.select %parallel_loop3A_629, %broadcast_in_dim3A_4, %broadcast_in_dim3A_6 : vector<16xi1>, vector<16xf32>
      %parallel_loop3A_633 = arith.select %ne3A_3, %parallel_loop3A_632, %parallel_loop3A_109 : vector<16xi1>, vector<16xf32>
      %parallel_loop3A_634 = arith.constant 22 : i32
      %parallel_loop3A_635 = vector.broadcast %parallel_loop3A_634 : i32 to vector<16xi32>
      tpu.vector_store_idx %arg6[%parallel_loop3A_382, %parallel_loop3A_635], %parallel_loop3A_633 : memref<256x32xf32, #tpu.memory_space<vmem>>[vector<16xi32>, vector<16xi32>], vector<16xf32>,
      %parallel_loop3A_636 = arith.cmpf oeq, %parallel_loop3A_113, %parallel_loop3A_369 : vector<16xf32>
      %parallel_loop3A_637 = arith.cmpi slt, %parallel_loop3A_631, %parallel_loop3A_380 : vector<16xi32>
      %parallel_loop3A_638 = arith.andi %parallel_loop3A_636, %parallel_loop3A_637 : vector<16xi1>
      %parallel_loop3A_639 = arith.cmpf ogt, %parallel_loop3A_113, %parallel_loop3A_369 : vector<16xf32>
      %parallel_loop3A_640 = arith.ori %parallel_loop3A_639, %parallel_loop3A_638 : vector<16xi1>
      %parallel_loop3A_641 = arith.select %parallel_loop3A_638, %broadcast_in_dim3A_8, %broadcast_in_dim3A_10 : vector<16xi1>, vector<16xi32>
      %parallel_loop3A_642 = arith.addi %parallel_loop3A_631, %parallel_loop3A_641 : vector<16xi32>
      %parallel_loop3A_643 = arith.select %parallel_loop3A_640, %broadcast_in_dim3A_4, %broadcast_in_dim3A_6 : vector<16xi1>, vector<16xf32>
      %parallel_loop3A_644 = arith.select %ne3A_3, %parallel_loop3A_643, %parallel_loop3A_113 : vector<16xi1>, vector<16xf32>
      %parallel_loop3A_645 = arith.constant 23 : i32
      %parallel_loop3A_646 = vector.broadcast %parallel_loop3A_645 : i32 to vector<16xi32>
      tpu.vector_store_idx %arg6[%parallel_loop3A_382, %parallel_loop3A_646], %parallel_loop3A_644 : memref<256x32xf32, #tpu.memory_space<vmem>>[vector<16xi32>, vector<16xi32>], vector<16xf32>,
      %parallel_loop3A_647 = arith.cmpf oeq, %parallel_loop3A_117, %parallel_loop3A_369 : vector<16xf32>
      %parallel_loop3A_648 = arith.cmpi slt, %parallel_loop3A_642, %parallel_loop3A_380 : vector<16xi32>
      %parallel_loop3A_649 = arith.andi %parallel_loop3A_647, %parallel_loop3A_648 : vector<16xi1>
      %parallel_loop3A_650 = arith.cmpf ogt, %parallel_loop3A_117, %parallel_loop3A_369 : vector<16xf32>
      %parallel_loop3A_651 = arith.ori %parallel_loop3A_650, %parallel_loop3A_649 : vector<16xi1>
      %parallel_loop3A_652 = arith.select %parallel_loop3A_649, %broadcast_in_dim3A_8, %broadcast_in_dim3A_10 : vector<16xi1>, vector<16xi32>
      %parallel_loop3A_653 = arith.addi %parallel_loop3A_642, %parallel_loop3A_652 : vector<16xi32>
      %parallel_loop3A_654 = arith.select %parallel_loop3A_651, %broadcast_in_dim3A_4, %broadcast_in_dim3A_6 : vector<16xi1>, vector<16xf32>
      %parallel_loop3A_655 = arith.select %ne3A_3, %parallel_loop3A_654, %parallel_loop3A_117 : vector<16xi1>, vector<16xf32>
      %parallel_loop3A_656 = arith.constant 24 : i32
      %parallel_loop3A_657 = vector.broadcast %parallel_loop3A_656 : i32 to vector<16xi32>
      tpu.vector_store_idx %arg6[%parallel_loop3A_382, %parallel_loop3A_657], %parallel_loop3A_655 : memref<256x32xf32, #tpu.memory_space<vmem>>[vector<16xi32>, vector<16xi32>], vector<16xf32>,
      %parallel_loop3A_658 = arith.cmpf oeq, %parallel_loop3A_121, %parallel_loop3A_369 : vector<16xf32>
      %parallel_loop3A_659 = arith.cmpi slt, %parallel_loop3A_653, %parallel_loop3A_380 : vector<16xi32>
      %parallel_loop3A_660 = arith.andi %parallel_loop3A_658, %parallel_loop3A_659 : vector<16xi1>
      %parallel_loop3A_661 = arith.cmpf ogt, %parallel_loop3A_121, %parallel_loop3A_369 : vector<16xf32>
      %parallel_loop3A_662 = arith.ori %parallel_loop3A_661, %parallel_loop3A_660 : vector<16xi1>
      %parallel_loop3A_663 = arith.select %parallel_loop3A_660, %broadcast_in_dim3A_8, %broadcast_in_dim3A_10 : vector<16xi1>, vector<16xi32>
      %parallel_loop3A_664 = arith.addi %parallel_loop3A_653, %parallel_loop3A_663 : vector<16xi32>
      %parallel_loop3A_665 = arith.select %parallel_loop3A_662, %broadcast_in_dim3A_4, %broadcast_in_dim3A_6 : vector<16xi1>, vector<16xf32>
      %parallel_loop3A_666 = arith.select %ne3A_3, %parallel_loop3A_665, %parallel_loop3A_121 : vector<16xi1>, vector<16xf32>
      %parallel_loop3A_667 = arith.constant 25 : i32
      %parallel_loop3A_668 = vector.broadcast %parallel_loop3A_667 : i32 to vector<16xi32>
      tpu.vector_store_idx %arg6[%parallel_loop3A_382, %parallel_loop3A_668], %parallel_loop3A_666 : memref<256x32xf32, #tpu.memory_space<vmem>>[vector<16xi32>, vector<16xi32>], vector<16xf32>,
      %parallel_loop3A_669 = arith.cmpf oeq, %parallel_loop3A_125, %parallel_loop3A_369 : vector<16xf32>
      %parallel_loop3A_670 = arith.cmpi slt, %parallel_loop3A_664, %parallel_loop3A_380 : vector<16xi32>
      %parallel_loop3A_671 = arith.andi %parallel_loop3A_669, %parallel_loop3A_670 : vector<16xi1>
      %parallel_loop3A_672 = arith.cmpf ogt, %parallel_loop3A_125, %parallel_loop3A_369 : vector<16xf32>
      %parallel_loop3A_673 = arith.ori %parallel_loop3A_672, %parallel_loop3A_671 : vector<16xi1>
      %parallel_loop3A_674 = arith.select %parallel_loop3A_671, %broadcast_in_dim3A_8, %broadcast_in_dim3A_10 : vector<16xi1>, vector<16xi32>
      %parallel_loop3A_675 = arith.addi %parallel_loop3A_664, %parallel_loop3A_674 : vector<16xi32>
      %parallel_loop3A_676 = arith.select %parallel_loop3A_673, %broadcast_in_dim3A_4, %broadcast_in_dim3A_6 : vector<16xi1>, vector<16xf32>
      %parallel_loop3A_677 = arith.select %ne3A_3, %parallel_loop3A_676, %parallel_loop3A_125 : vector<16xi1>, vector<16xf32>
      %parallel_loop3A_678 = arith.constant 26 : i32
      %parallel_loop3A_679 = vector.broadcast %parallel_loop3A_678 : i32 to vector<16xi32>
      tpu.vector_store_idx %arg6[%parallel_loop3A_382, %parallel_loop3A_679], %parallel_loop3A_677 : memref<256x32xf32, #tpu.memory_space<vmem>>[vector<16xi32>, vector<16xi32>], vector<16xf32>,
      %parallel_loop3A_680 = arith.cmpf oeq, %parallel_loop3A_129, %parallel_loop3A_369 : vector<16xf32>
      %parallel_loop3A_681 = arith.cmpi slt, %parallel_loop3A_675, %parallel_loop3A_380 : vector<16xi32>
      %parallel_loop3A_682 = arith.andi %parallel_loop3A_680, %parallel_loop3A_681 : vector<16xi1>
      %parallel_loop3A_683 = arith.cmpf ogt, %parallel_loop3A_129, %parallel_loop3A_369 : vector<16xf32>
      %parallel_loop3A_684 = arith.ori %parallel_loop3A_683, %parallel_loop3A_682 : vector<16xi1>
      %parallel_loop3A_685 = arith.select %parallel_loop3A_682, %broadcast_in_dim3A_8, %broadcast_in_dim3A_10 : vector<16xi1>, vector<16xi32>
      %parallel_loop3A_686 = arith.addi %parallel_loop3A_675, %parallel_loop3A_685 : vector<16xi32>
      %parallel_loop3A_687 = arith.select %parallel_loop3A_684, %broadcast_in_dim3A_4, %broadcast_in_dim3A_6 : vector<16xi1>, vector<16xf32>
      %parallel_loop3A_688 = arith.select %ne3A_3, %parallel_loop3A_687, %parallel_loop3A_129 : vector<16xi1>, vector<16xf32>
      %parallel_loop3A_689 = arith.constant 27 : i32
      %parallel_loop3A_690 = vector.broadcast %parallel_loop3A_689 : i32 to vector<16xi32>
      tpu.vector_store_idx %arg6[%parallel_loop3A_382, %parallel_loop3A_690], %parallel_loop3A_688 : memref<256x32xf32, #tpu.memory_space<vmem>>[vector<16xi32>, vector<16xi32>], vector<16xf32>,
      %parallel_loop3A_691 = arith.cmpf oeq, %parallel_loop3A_133, %parallel_loop3A_369 : vector<16xf32>
      %parallel_loop3A_692 = arith.cmpi slt, %parallel_loop3A_686, %parallel_loop3A_380 : vector<16xi32>
      %parallel_loop3A_693 = arith.andi %parallel_loop3A_691, %parallel_loop3A_692 : vector<16xi1>
      %parallel_loop3A_694 = arith.cmpf ogt, %parallel_loop3A_133, %parallel_loop3A_369 : vector<16xf32>
      %parallel_loop3A_695 = arith.ori %parallel_loop3A_694, %parallel_loop3A_693 : vector<16xi1>
      %parallel_loop3A_696 = arith.select %parallel_loop3A_693, %broadcast_in_dim3A_8, %broadcast_in_dim3A_10 : vector<16xi1>, vector<16xi32>
      %parallel_loop3A_697 = arith.addi %parallel_loop3A_686, %parallel_loop3A_696 : vector<16xi32>
      %parallel_loop3A_698 = arith.select %parallel_loop3A_695, %broadcast_in_dim3A_4, %broadcast_in_dim3A_6 : vector<16xi1>, vector<16xf32>
      %parallel_loop3A_699 = arith.select %ne3A_3, %parallel_loop3A_698, %parallel_loop3A_133 : vector<16xi1>, vector<16xf32>
      %parallel_loop3A_700 = arith.constant 28 : i32
      %parallel_loop3A_701 = vector.broadcast %parallel_loop3A_700 : i32 to vector<16xi32>
      tpu.vector_store_idx %arg6[%parallel_loop3A_382, %parallel_loop3A_701], %parallel_loop3A_699 : memref<256x32xf32, #tpu.memory_space<vmem>>[vector<16xi32>, vector<16xi32>], vector<16xf32>,
      %parallel_loop3A_702 = arith.cmpf oeq, %parallel_loop3A_137, %parallel_loop3A_369 : vector<16xf32>
      %parallel_loop3A_703 = arith.cmpi slt, %parallel_loop3A_697, %parallel_loop3A_380 : vector<16xi32>
      %parallel_loop3A_704 = arith.andi %parallel_loop3A_702, %parallel_loop3A_703 : vector<16xi1>
      %parallel_loop3A_705 = arith.cmpf ogt, %parallel_loop3A_137, %parallel_loop3A_369 : vector<16xf32>
      %parallel_loop3A_706 = arith.ori %parallel_loop3A_705, %parallel_loop3A_704 : vector<16xi1>
      %parallel_loop3A_707 = arith.select %parallel_loop3A_704, %broadcast_in_dim3A_8, %broadcast_in_dim3A_10 : vector<16xi1>, vector<16xi32>
      %parallel_loop3A_708 = arith.addi %parallel_loop3A_697, %parallel_loop3A_707 : vector<16xi32>
      %parallel_loop3A_709 = arith.select %parallel_loop3A_706, %broadcast_in_dim3A_4, %broadcast_in_dim3A_6 : vector<16xi1>, vector<16xf32>
      %parallel_loop3A_710 = arith.select %ne3A_3, %parallel_loop3A_709, %parallel_loop3A_137 : vector<16xi1>, vector<16xf32>
      %parallel_loop3A_711 = arith.constant 29 : i32
      %parallel_loop3A_712 = vector.broadcast %parallel_loop3A_711 : i32 to vector<16xi32>
      tpu.vector_store_idx %arg6[%parallel_loop3A_382, %parallel_loop3A_712], %parallel_loop3A_710 : memref<256x32xf32, #tpu.memory_space<vmem>>[vector<16xi32>, vector<16xi32>], vector<16xf32>,
      %parallel_loop3A_713 = arith.cmpf oeq, %parallel_loop3A_141, %parallel_loop3A_369 : vector<16xf32>
      %parallel_loop3A_714 = arith.cmpi slt, %parallel_loop3A_708, %parallel_loop3A_380 : vector<16xi32>
      %parallel_loop3A_715 = arith.andi %parallel_loop3A_713, %parallel_loop3A_714 : vector<16xi1>
      %parallel_loop3A_716 = arith.cmpf ogt, %parallel_loop3A_141, %parallel_loop3A_369 : vector<16xf32>
      %parallel_loop3A_717 = arith.ori %parallel_loop3A_716, %parallel_loop3A_715 : vector<16xi1>
      %parallel_loop3A_718 = arith.select %parallel_loop3A_715, %broadcast_in_dim3A_8, %broadcast_in_dim3A_10 : vector<16xi1>, vector<16xi32>
      %parallel_loop3A_719 = arith.addi %parallel_loop3A_708, %parallel_loop3A_718 : vector<16xi32>
      %parallel_loop3A_720 = arith.select %parallel_loop3A_717, %broadcast_in_dim3A_4, %broadcast_in_dim3A_6 : vector<16xi1>, vector<16xf32>
      %parallel_loop3A_721 = arith.select %ne3A_3, %parallel_loop3A_720, %parallel_loop3A_141 : vector<16xi1>, vector<16xf32>
      %parallel_loop3A_722 = arith.constant 30 : i32
      %parallel_loop3A_723 = vector.broadcast %parallel_loop3A_722 : i32 to vector<16xi32>
      tpu.vector_store_idx %arg6[%parallel_loop3A_382, %parallel_loop3A_723], %parallel_loop3A_721 : memref<256x32xf32, #tpu.memory_space<vmem>>[vector<16xi32>, vector<16xi32>], vector<16xf32>,
      %parallel_loop3A_724 = arith.cmpf oeq, %parallel_loop3A_145, %parallel_loop3A_369 : vector<16xf32>
      %parallel_loop3A_725 = arith.cmpi slt, %parallel_loop3A_719, %parallel_loop3A_380 : vector<16xi32>
      %parallel_loop3A_726 = arith.andi %parallel_loop3A_724, %parallel_loop3A_725 : vector<16xi1>
      %parallel_loop3A_727 = arith.cmpf ogt, %parallel_loop3A_145, %parallel_loop3A_369 : vector<16xf32>
      %parallel_loop3A_728 = arith.ori %parallel_loop3A_727, %parallel_loop3A_726 : vector<16xi1>
      %parallel_loop3A_729 = arith.select %parallel_loop3A_726, %broadcast_in_dim3A_8, %broadcast_in_dim3A_10 : vector<16xi1>, vector<16xi32>
      %parallel_loop3A_730 = arith.addi %parallel_loop3A_719, %parallel_loop3A_729 : vector<16xi32>
      %parallel_loop3A_731 = arith.select %parallel_loop3A_728, %broadcast_in_dim3A_4, %broadcast_in_dim3A_6 : vector<16xi1>, vector<16xf32>
      %parallel_loop3A_732 = arith.select %ne3A_3, %parallel_loop3A_731, %parallel_loop3A_145 : vector<16xi1>, vector<16xf32>
      %parallel_loop3A_733 = arith.constant 31 : i32
      %parallel_loop3A_734 = vector.broadcast %parallel_loop3A_733 : i32 to vector<16xi32>
      tpu.vector_store_idx %arg6[%parallel_loop3A_382, %parallel_loop3A_734], %parallel_loop3A_732 : memref<256x32xf32, #tpu.memory_space<vmem>>[vector<16xi32>, vector<16xi32>], vector<16xf32>,
    } {sc.loop_unroll_factor = 2 : i64, sc.parallel_access}
    %mul3A_15 = arith.constant 256 : i32
    %mul3A_16 = arith.muli %add3A, %mul3A_15 : i32
    "tpu.region"() ({
      %run_scoped3A = tpu.sem_alloc : memref<!tpu.dma_semaphore, #tpu.memory_space<semaphore_mem>>
      %dma_start3A = arith.constant 0 : i32
      %dma_start3A_17 = tpu.memref_slice %arg4[%mul3A_16, %dma_start3A] : memref<8192x32xf32, #tpu.memory_space<hbm>> -> memref<256x32xf32, #tpu.memory_space<hbm>>
      %dma_start3A_18 = arith.constant 0 : i32
      %dma_start3A_19 = tpu.memref_slice %arg4[%mul3A_16, %dma_start3A_18] : memref<8192x32xf32, #tpu.memory_space<hbm>> -> memref<256x32xf32, #tpu.memory_space<hbm>>
      tpu.enqueue_dma source(%arg6 : memref<256x32xf32, #tpu.memory_space<vmem>>) target(%dma_start3A_19 : memref<256x32xf32, #tpu.memory_space<hbm>>) target_semaphore(%run_scoped3A : memref<!tpu.dma_semaphore, #tpu.memory_space<semaphore_mem>>)
      %dma_wait3A = arith.constant 0 : i32
      %dma_wait3A_20 = tpu.memref_slice %arg4[%mul3A_16, %dma_wait3A] : memref<8192x32xf32, #tpu.memory_space<hbm>> -> memref<256x32xf32, #tpu.memory_space<hbm>>
      %dma_wait3A_21 = arith.constant 0 : i32
      %dma_wait3A_22 = tpu.memref_slice %arg4[%mul3A_16, %dma_wait3A_21] : memref<8192x32xf32, #tpu.memory_space<hbm>> -> memref<256x32xf32, #tpu.memory_space<hbm>>
      tpu.wait_dma2 semaphore(%run_scoped3A : memref<!tpu.dma_semaphore, #tpu.memory_space<semaphore_mem>>) src(%arg6 : memref<256x32xf32, #tpu.memory_space<vmem>>) dst(%dma_wait3A_22 : memref<256x32xf32, #tpu.memory_space<hbm>>)
      tpu.yield
    }) : () -> ()
    return
  }
}

#map = affine_map<(d0, d1) -> (0, 0, 0)>
#map1 = affine_map<(d0, d1) -> (0)>
#map2 = affine_map<(d0, d1) -> (0, 0)>
module attributes {stable_mosaic.version = 14 : i64} {
  func.func @_sc_gates_body(%arg0: i32, %arg1: i32, %arg2: memref<32x32x256xf32, #tpu.memory_space<hbm>>, %arg3: memref<16xi32, #tpu.memory_space<hbm>>, %arg4: memref<8192x32xf32, #tpu.memory_space<hbm>>, %arg5: memref<32x256xf32, #tpu.memory_space<vmem>>, %arg6: memref<256x32xf32, #tpu.memory_space<vmem>>, %arg7: memref<16xi32, #tpu.memory_space<vmem>>) attributes {dimension_semantics = [#tpu.dimension_semantics<core_parallel>, #tpu.dimension_semantics<subcore_parallel>], iteration_bounds = array<i64: 2, 16>, scalar_prefetch = 0 : i64, scratch_operands = 3 : i64, tpu.core_type = #tpu.core_type<sc_vector_subcore>, window_params = [{transform_indices = #map}, {transform_indices = #map1}, {transform_indices = #map2}]} {
    %mul3A = arith.constant 2 : i32
    %mul3A_0 = arith.muli %arg1, %mul3A : i32
    %add3A = arith.addi %mul3A_0, %arg0 : i32
    "tpu.region"() ({
      %run_scoped3A = tpu.sem_alloc : memref<!tpu.dma_semaphore, #tpu.memory_space<semaphore_mem>>
      %dma_start3A = arith.constant 0 : i32
      %dma_start3A_17 = arith.constant 0 : i32
      %dma_start3A_18 = tpu.memref_slice %arg2[%add3A, %dma_start3A, %dma_start3A_17] : memref<32x32x256xf32, #tpu.memory_space<hbm>> -> memref<1x32x256xf32, #tpu.memory_space<hbm>>
      %dma_start3A_19 = tpu.memref_squeeze %dma_start3A_18 : memref<1x32x256xf32, #tpu.memory_space<hbm>> -> memref<32x256xf32, #tpu.memory_space<hbm>>
      %dma_start3A_20 = arith.constant 0 : i32
      %dma_start3A_21 = arith.constant 0 : i32
      %dma_start3A_22 = tpu.memref_slice %arg2[%add3A, %dma_start3A_20, %dma_start3A_21] : memref<32x32x256xf32, #tpu.memory_space<hbm>> -> memref<1x32x256xf32, #tpu.memory_space<hbm>>
      %dma_start3A_23 = tpu.memref_squeeze %dma_start3A_22 : memref<1x32x256xf32, #tpu.memory_space<hbm>> -> memref<32x256xf32, #tpu.memory_space<hbm>>
      tpu.enqueue_dma source(%dma_start3A_23 : memref<32x256xf32, #tpu.memory_space<hbm>>) target(%arg5 : memref<32x256xf32, #tpu.memory_space<vmem>>) target_semaphore(%run_scoped3A : memref<!tpu.dma_semaphore, #tpu.memory_space<semaphore_mem>>)
      %dma_wait3A = arith.constant 0 : i32
      %dma_wait3A_24 = arith.constant 0 : i32
      %dma_wait3A_25 = tpu.memref_slice %arg2[%add3A, %dma_wait3A, %dma_wait3A_24] : memref<32x32x256xf32, #tpu.memory_space<hbm>> -> memref<1x32x256xf32, #tpu.memory_space<hbm>>
      %dma_wait3A_26 = tpu.memref_squeeze %dma_wait3A_25 : memref<1x32x256xf32, #tpu.memory_space<hbm>> -> memref<32x256xf32, #tpu.memory_space<hbm>>
      %dma_wait3A_27 = arith.constant 0 : i32
      %dma_wait3A_28 = arith.constant 0 : i32
      %dma_wait3A_29 = tpu.memref_slice %arg2[%add3A, %dma_wait3A_27, %dma_wait3A_28] : memref<32x32x256xf32, #tpu.memory_space<hbm>> -> memref<1x32x256xf32, #tpu.memory_space<hbm>>
      %dma_wait3A_30 = tpu.memref_squeeze %dma_wait3A_29 : memref<1x32x256xf32, #tpu.memory_space<hbm>> -> memref<32x256xf32, #tpu.memory_space<hbm>>
      tpu.wait_dma2 semaphore(%run_scoped3A : memref<!tpu.dma_semaphore, #tpu.memory_space<semaphore_mem>>) src(%dma_wait3A_30 : memref<32x256xf32, #tpu.memory_space<hbm>>) dst(%arg5 : memref<32x256xf32, #tpu.memory_space<vmem>>)
      tpu.yield
    }) : () -> ()
    "tpu.region"() ({
      %run_scoped3A = tpu.sem_alloc : memref<!tpu.dma_semaphore, #tpu.memory_space<semaphore_mem>>
      tpu.enqueue_dma source(%arg3 : memref<16xi32, #tpu.memory_space<hbm>>) target(%arg7 : memref<16xi32, #tpu.memory_space<vmem>>) target_semaphore(%run_scoped3A : memref<!tpu.dma_semaphore, #tpu.memory_space<semaphore_mem>>)
      tpu.wait_dma2 semaphore(%run_scoped3A : memref<!tpu.dma_semaphore, #tpu.memory_space<semaphore_mem>>) src(%arg3 : memref<16xi32, #tpu.memory_space<hbm>>) dst(%arg7 : memref<16xi32, #tpu.memory_space<vmem>>)
      tpu.yield
    }) : () -> ()
    %get3A = arith.constant 0 : index
    %get3A_1 = tpu.vector_load %arg7[%get3A] {strides = array<i32>} : memref<16xi32, #tpu.memory_space<vmem>>, vector<16xi32>,
    %ne3A = arith.constant 0 : i32
    %ne3A_2 = vector.broadcast %ne3A : i32 to vector<16xi32>
    %ne3A_3 = arith.cmpi ne, %get3A_1, %ne3A_2 : vector<16xi32>
    %iota3A = tpu.iota {dimensions = array<i32: 0>} : vector<16xi32>
    %broadcast_in_dim3A = arith.constant 1.000000e+00 : f32
    %broadcast_in_dim3A_4 = vector.broadcast %broadcast_in_dim3A : f32 to vector<16xf32>
    %broadcast_in_dim3A_5 = arith.constant 0.000000e+00 : f32
    %broadcast_in_dim3A_6 = vector.broadcast %broadcast_in_dim3A_5 : f32 to vector<16xf32>
    %broadcast_in_dim3A_7 = arith.constant 1 : i32
    %broadcast_in_dim3A_8 = vector.broadcast %broadcast_in_dim3A_7 : i32 to vector<16xi32>
    %broadcast_in_dim3A_9 = arith.constant 0 : i32
    %broadcast_in_dim3A_10 = vector.broadcast %broadcast_in_dim3A_9 : i32 to vector<16xi32>
    %broadcast_in_dim3A_11 = arith.constant 0xFF800000 : f32
    %broadcast_in_dim3A_12 = vector.broadcast %broadcast_in_dim3A_11 : f32 to vector<16xf32>
    %parallel_loop3A = arith.constant 0 : i32
    %parallel_loop3A_13 = arith.constant 256 : i32
    %parallel_loop3A_14 = arith.constant 16 : i32
    scf.for %parallel_loop3A_17 = %parallel_loop3A to %parallel_loop3A_13 step %parallel_loop3A_14  : i32 {
      %parallel_loop3A_18 = arith.constant 0 : i32
      %parallel_loop3A_19 = arith.index_cast %parallel_loop3A_18 : i32 to index
      %parallel_loop3A_20 = arith.index_cast %parallel_loop3A_17 : i32 to index
      %parallel_loop3A_21 = tpu.vector_load %arg5[%parallel_loop3A_19, %parallel_loop3A_20] {strides = array<i32>} : memref<32x256xf32, #tpu.memory_space<vmem>>, vector<16xf32>,
      %parallel_loop3A_22 = arith.constant 1 : i32
      %parallel_loop3A_23 = arith.index_cast %parallel_loop3A_22 : i32 to index
      %parallel_loop3A_24 = arith.index_cast %parallel_loop3A_17 : i32 to index
      %parallel_loop3A_25 = tpu.vector_load %arg5[%parallel_loop3A_23, %parallel_loop3A_24] {strides = array<i32>} : memref<32x256xf32, #tpu.memory_space<vmem>>, vector<16xf32>,
      %parallel_loop3A_26 = arith.constant 2 : i32
      %parallel_loop3A_27 = arith.index_cast %parallel_loop3A_26 : i32 to index
      %parallel_loop3A_28 = arith.index_cast %parallel_loop3A_17 : i32 to index
      %parallel_loop3A_29 = tpu.vector_load %arg5[%parallel_loop3A_27, %parallel_loop3A_28] {strides = array<i32>} : memref<32x256xf32, #tpu.memory_space<vmem>>, vector<16xf32>,
      %parallel_loop3A_30 = arith.constant 3 : i32
      %parallel_loop3A_31 = arith.index_cast %parallel_loop3A_30 : i32 to index
      %parallel_loop3A_32 = arith.index_cast %parallel_loop3A_17 : i32 to index
      %parallel_loop3A_33 = tpu.vector_load %arg5[%parallel_loop3A_31, %parallel_loop3A_32] {strides = array<i32>} : memref<32x256xf32, #tpu.memory_space<vmem>>, vector<16xf32>,
      %parallel_loop3A_34 = arith.constant 4 : i32
      %parallel_loop3A_35 = arith.index_cast %parallel_loop3A_34 : i32 to index
      %parallel_loop3A_36 = arith.index_cast %parallel_loop3A_17 : i32 to index
      %parallel_loop3A_37 = tpu.vector_load %arg5[%parallel_loop3A_35, %parallel_loop3A_36] {strides = array<i32>} : memref<32x256xf32, #tpu.memory_space<vmem>>, vector<16xf32>,
      %parallel_loop3A_38 = arith.constant 5 : i32
      %parallel_loop3A_39 = arith.index_cast %parallel_loop3A_38 : i32 to index
      %parallel_loop3A_40 = arith.index_cast %parallel_loop3A_17 : i32 to index
      %parallel_loop3A_41 = tpu.vector_load %arg5[%parallel_loop3A_39, %parallel_loop3A_40] {strides = array<i32>} : memref<32x256xf32, #tpu.memory_space<vmem>>, vector<16xf32>,
      %parallel_loop3A_42 = arith.constant 6 : i32
      %parallel_loop3A_43 = arith.index_cast %parallel_loop3A_42 : i32 to index
      %parallel_loop3A_44 = arith.index_cast %parallel_loop3A_17 : i32 to index
      %parallel_loop3A_45 = tpu.vector_load %arg5[%parallel_loop3A_43, %parallel_loop3A_44] {strides = array<i32>} : memref<32x256xf32, #tpu.memory_space<vmem>>, vector<16xf32>,
      %parallel_loop3A_46 = arith.constant 7 : i32
      %parallel_loop3A_47 = arith.index_cast %parallel_loop3A_46 : i32 to index
      %parallel_loop3A_48 = arith.index_cast %parallel_loop3A_17 : i32 to index
      %parallel_loop3A_49 = tpu.vector_load %arg5[%parallel_loop3A_47, %parallel_loop3A_48] {strides = array<i32>} : memref<32x256xf32, #tpu.memory_space<vmem>>, vector<16xf32>,
      %parallel_loop3A_50 = arith.constant 8 : i32
      %parallel_loop3A_51 = arith.index_cast %parallel_loop3A_50 : i32 to index
      %parallel_loop3A_52 = arith.index_cast %parallel_loop3A_17 : i32 to index
      %parallel_loop3A_53 = tpu.vector_load %arg5[%parallel_loop3A_51, %parallel_loop3A_52] {strides = array<i32>} : memref<32x256xf32, #tpu.memory_space<vmem>>, vector<16xf32>,
      %parallel_loop3A_54 = arith.constant 9 : i32
      %parallel_loop3A_55 = arith.index_cast %parallel_loop3A_54 : i32 to index
      %parallel_loop3A_56 = arith.index_cast %parallel_loop3A_17 : i32 to index
      %parallel_loop3A_57 = tpu.vector_load %arg5[%parallel_loop3A_55, %parallel_loop3A_56] {strides = array<i32>} : memref<32x256xf32, #tpu.memory_space<vmem>>, vector<16xf32>,
      %parallel_loop3A_58 = arith.constant 10 : i32
      %parallel_loop3A_59 = arith.index_cast %parallel_loop3A_58 : i32 to index
      %parallel_loop3A_60 = arith.index_cast %parallel_loop3A_17 : i32 to index
      %parallel_loop3A_61 = tpu.vector_load %arg5[%parallel_loop3A_59, %parallel_loop3A_60] {strides = array<i32>} : memref<32x256xf32, #tpu.memory_space<vmem>>, vector<16xf32>,
      %parallel_loop3A_62 = arith.constant 11 : i32
      %parallel_loop3A_63 = arith.index_cast %parallel_loop3A_62 : i32 to index
      %parallel_loop3A_64 = arith.index_cast %parallel_loop3A_17 : i32 to index
      %parallel_loop3A_65 = tpu.vector_load %arg5[%parallel_loop3A_63, %parallel_loop3A_64] {strides = array<i32>} : memref<32x256xf32, #tpu.memory_space<vmem>>, vector<16xf32>,
      %parallel_loop3A_66 = arith.constant 12 : i32
      %parallel_loop3A_67 = arith.index_cast %parallel_loop3A_66 : i32 to index
      %parallel_loop3A_68 = arith.index_cast %parallel_loop3A_17 : i32 to index
      %parallel_loop3A_69 = tpu.vector_load %arg5[%parallel_loop3A_67, %parallel_loop3A_68] {strides = array<i32>} : memref<32x256xf32, #tpu.memory_space<vmem>>, vector<16xf32>,
      %parallel_loop3A_70 = arith.constant 13 : i32
      %parallel_loop3A_71 = arith.index_cast %parallel_loop3A_70 : i32 to index
      %parallel_loop3A_72 = arith.index_cast %parallel_loop3A_17 : i32 to index
      %parallel_loop3A_73 = tpu.vector_load %arg5[%parallel_loop3A_71, %parallel_loop3A_72] {strides = array<i32>} : memref<32x256xf32, #tpu.memory_space<vmem>>, vector<16xf32>,
      %parallel_loop3A_74 = arith.constant 14 : i32
      %parallel_loop3A_75 = arith.index_cast %parallel_loop3A_74 : i32 to index
      %parallel_loop3A_76 = arith.index_cast %parallel_loop3A_17 : i32 to index
      %parallel_loop3A_77 = tpu.vector_load %arg5[%parallel_loop3A_75, %parallel_loop3A_76] {strides = array<i32>} : memref<32x256xf32, #tpu.memory_space<vmem>>, vector<16xf32>,
      %parallel_loop3A_78 = arith.constant 15 : i32
      %parallel_loop3A_79 = arith.index_cast %parallel_loop3A_78 : i32 to index
      %parallel_loop3A_80 = arith.index_cast %parallel_loop3A_17 : i32 to index
      %parallel_loop3A_81 = tpu.vector_load %arg5[%parallel_loop3A_79, %parallel_loop3A_80] {strides = array<i32>} : memref<32x256xf32, #tpu.memory_space<vmem>>, vector<16xf32>,
      %parallel_loop3A_82 = arith.constant 16 : i32
      %parallel_loop3A_83 = arith.index_cast %parallel_loop3A_82 : i32 to index
      %parallel_loop3A_84 = arith.index_cast %parallel_loop3A_17 : i32 to index
      %parallel_loop3A_85 = tpu.vector_load %arg5[%parallel_loop3A_83, %parallel_loop3A_84] {strides = array<i32>} : memref<32x256xf32, #tpu.memory_space<vmem>>, vector<16xf32>,
      %parallel_loop3A_86 = arith.constant 17 : i32
      %parallel_loop3A_87 = arith.index_cast %parallel_loop3A_86 : i32 to index
      %parallel_loop3A_88 = arith.index_cast %parallel_loop3A_17 : i32 to index
      %parallel_loop3A_89 = tpu.vector_load %arg5[%parallel_loop3A_87, %parallel_loop3A_88] {strides = array<i32>} : memref<32x256xf32, #tpu.memory_space<vmem>>, vector<16xf32>,
      %parallel_loop3A_90 = arith.constant 18 : i32
      %parallel_loop3A_91 = arith.index_cast %parallel_loop3A_90 : i32 to index
      %parallel_loop3A_92 = arith.index_cast %parallel_loop3A_17 : i32 to index
      %parallel_loop3A_93 = tpu.vector_load %arg5[%parallel_loop3A_91, %parallel_loop3A_92] {strides = array<i32>} : memref<32x256xf32, #tpu.memory_space<vmem>>, vector<16xf32>,
      %parallel_loop3A_94 = arith.constant 19 : i32
      %parallel_loop3A_95 = arith.index_cast %parallel_loop3A_94 : i32 to index
      %parallel_loop3A_96 = arith.index_cast %parallel_loop3A_17 : i32 to index
      %parallel_loop3A_97 = tpu.vector_load %arg5[%parallel_loop3A_95, %parallel_loop3A_96] {strides = array<i32>} : memref<32x256xf32, #tpu.memory_space<vmem>>, vector<16xf32>,
      %parallel_loop3A_98 = arith.constant 20 : i32
      %parallel_loop3A_99 = arith.index_cast %parallel_loop3A_98 : i32 to index
      %parallel_loop3A_100 = arith.index_cast %parallel_loop3A_17 : i32 to index
      %parallel_loop3A_101 = tpu.vector_load %arg5[%parallel_loop3A_99, %parallel_loop3A_100] {strides = array<i32>} : memref<32x256xf32, #tpu.memory_space<vmem>>, vector<16xf32>,
      %parallel_loop3A_102 = arith.constant 21 : i32
      %parallel_loop3A_103 = arith.index_cast %parallel_loop3A_102 : i32 to index
      %parallel_loop3A_104 = arith.index_cast %parallel_loop3A_17 : i32 to index
      %parallel_loop3A_105 = tpu.vector_load %arg5[%parallel_loop3A_103, %parallel_loop3A_104] {strides = array<i32>} : memref<32x256xf32, #tpu.memory_space<vmem>>, vector<16xf32>,
      %parallel_loop3A_106 = arith.constant 22 : i32
      %parallel_loop3A_107 = arith.index_cast %parallel_loop3A_106 : i32 to index
      %parallel_loop3A_108 = arith.index_cast %parallel_loop3A_17 : i32 to index
      %parallel_loop3A_109 = tpu.vector_load %arg5[%parallel_loop3A_107, %parallel_loop3A_108] {strides = array<i32>} : memref<32x256xf32, #tpu.memory_space<vmem>>, vector<16xf32>,
      %parallel_loop3A_110 = arith.constant 23 : i32
      %parallel_loop3A_111 = arith.index_cast %parallel_loop3A_110 : i32 to index
      %parallel_loop3A_112 = arith.index_cast %parallel_loop3A_17 : i32 to index
      %parallel_loop3A_113 = tpu.vector_load %arg5[%parallel_loop3A_111, %parallel_loop3A_112] {strides = array<i32>} : memref<32x256xf32, #tpu.memory_space<vmem>>, vector<16xf32>,
      %parallel_loop3A_114 = arith.constant 24 : i32
      %parallel_loop3A_115 = arith.index_cast %parallel_loop3A_114 : i32 to index
      %parallel_loop3A_116 = arith.index_cast %parallel_loop3A_17 : i32 to index
      %parallel_loop3A_117 = tpu.vector_load %arg5[%parallel_loop3A_115, %parallel_loop3A_116] {strides = array<i32>} : memref<32x256xf32, #tpu.memory_space<vmem>>, vector<16xf32>,
      %parallel_loop3A_118 = arith.constant 25 : i32
      %parallel_loop3A_119 = arith.index_cast %parallel_loop3A_118 : i32 to index
      %parallel_loop3A_120 = arith.index_cast %parallel_loop3A_17 : i32 to index
      %parallel_loop3A_121 = tpu.vector_load %arg5[%parallel_loop3A_119, %parallel_loop3A_120] {strides = array<i32>} : memref<32x256xf32, #tpu.memory_space<vmem>>, vector<16xf32>,
      %parallel_loop3A_122 = arith.constant 26 : i32
      %parallel_loop3A_123 = arith.index_cast %parallel_loop3A_122 : i32 to index
      %parallel_loop3A_124 = arith.index_cast %parallel_loop3A_17 : i32 to index
      %parallel_loop3A_125 = tpu.vector_load %arg5[%parallel_loop3A_123, %parallel_loop3A_124] {strides = array<i32>} : memref<32x256xf32, #tpu.memory_space<vmem>>, vector<16xf32>,
      %parallel_loop3A_126 = arith.constant 27 : i32
      %parallel_loop3A_127 = arith.index_cast %parallel_loop3A_126 : i32 to index
      %parallel_loop3A_128 = arith.index_cast %parallel_loop3A_17 : i32 to index
      %parallel_loop3A_129 = tpu.vector_load %arg5[%parallel_loop3A_127, %parallel_loop3A_128] {strides = array<i32>} : memref<32x256xf32, #tpu.memory_space<vmem>>, vector<16xf32>,
      %parallel_loop3A_130 = arith.constant 28 : i32
      %parallel_loop3A_131 = arith.index_cast %parallel_loop3A_130 : i32 to index
      %parallel_loop3A_132 = arith.index_cast %parallel_loop3A_17 : i32 to index
      %parallel_loop3A_133 = tpu.vector_load %arg5[%parallel_loop3A_131, %parallel_loop3A_132] {strides = array<i32>} : memref<32x256xf32, #tpu.memory_space<vmem>>, vector<16xf32>,
      %parallel_loop3A_134 = arith.constant 29 : i32
      %parallel_loop3A_135 = arith.index_cast %parallel_loop3A_134 : i32 to index
      %parallel_loop3A_136 = arith.index_cast %parallel_loop3A_17 : i32 to index
      %parallel_loop3A_137 = tpu.vector_load %arg5[%parallel_loop3A_135, %parallel_loop3A_136] {strides = array<i32>} : memref<32x256xf32, #tpu.memory_space<vmem>>, vector<16xf32>,
      %parallel_loop3A_138 = arith.constant 30 : i32
      %parallel_loop3A_139 = arith.index_cast %parallel_loop3A_138 : i32 to index
      %parallel_loop3A_140 = arith.index_cast %parallel_loop3A_17 : i32 to index
      %parallel_loop3A_141 = tpu.vector_load %arg5[%parallel_loop3A_139, %parallel_loop3A_140] {strides = array<i32>} : memref<32x256xf32, #tpu.memory_space<vmem>>, vector<16xf32>,
      %parallel_loop3A_142 = arith.constant 31 : i32
      %parallel_loop3A_143 = arith.index_cast %parallel_loop3A_142 : i32 to index
      %parallel_loop3A_144 = arith.index_cast %parallel_loop3A_17 : i32 to index
      %parallel_loop3A_145 = tpu.vector_load %arg5[%parallel_loop3A_143, %parallel_loop3A_144] {strides = array<i32>} : memref<32x256xf32, #tpu.memory_space<vmem>>, vector<16xf32>,
      %parallel_loop3A_146 = arith.minimumf %broadcast_in_dim3A_12, %parallel_loop3A_21 : vector<16xf32>
      %parallel_loop3A_147 = arith.maximumf %broadcast_in_dim3A_12, %parallel_loop3A_21 : vector<16xf32>
      %parallel_loop3A_148 = arith.minimumf %broadcast_in_dim3A_12, %parallel_loop3A_146 : vector<16xf32>
      %parallel_loop3A_149 = arith.maximumf %broadcast_in_dim3A_12, %parallel_loop3A_146 : vector<16xf32>
      %parallel_loop3A_150 = arith.minimumf %broadcast_in_dim3A_12, %parallel_loop3A_148 : vector<16xf32>
      %parallel_loop3A_151 = arith.maximumf %broadcast_in_dim3A_12, %parallel_loop3A_148 : vector<16xf32>
      %parallel_loop3A_152 = arith.maximumf %broadcast_in_dim3A_12, %parallel_loop3A_150 : vector<16xf32>
      %parallel_loop3A_153 = arith.minimumf %parallel_loop3A_147, %parallel_loop3A_25 : vector<16xf32>
      %parallel_loop3A_154 = arith.maximumf %parallel_loop3A_147, %parallel_loop3A_25 : vector<16xf32>
      %parallel_loop3A_155 = arith.minimumf %parallel_loop3A_149, %parallel_loop3A_153 : vector<16xf32>
      %parallel_loop3A_156 = arith.maximumf %parallel_loop3A_149, %parallel_loop3A_153 : vector<16xf32>
      %parallel_loop3A_157 = arith.minimumf %parallel_loop3A_151, %parallel_loop3A_155 : vector<16xf32>
      %parallel_loop3A_158 = arith.maximumf %parallel_loop3A_151, %parallel_loop3A_155 : vector<16xf32>
      %parallel_loop3A_159 = arith.maximumf %parallel_loop3A_152, %parallel_loop3A_157 : vector<16xf32>
      %parallel_loop3A_160 = arith.minimumf %parallel_loop3A_154, %parallel_loop3A_29 : vector<16xf32>
      %parallel_loop3A_161 = arith.maximumf %parallel_loop3A_154, %parallel_loop3A_29 : vector<16xf32>
      %parallel_loop3A_162 = arith.minimumf %parallel_loop3A_156, %parallel_loop3A_160 : vector<16xf32>
      %parallel_loop3A_163 = arith.maximumf %parallel_loop3A_156, %parallel_loop3A_160 : vector<16xf32>
      %parallel_loop3A_164 = arith.minimumf %parallel_loop3A_158, %parallel_loop3A_162 : vector<16xf32>
      %parallel_loop3A_165 = arith.maximumf %parallel_loop3A_158, %parallel_loop3A_162 : vector<16xf32>
      %parallel_loop3A_166 = arith.maximumf %parallel_loop3A_159, %parallel_loop3A_164 : vector<16xf32>
      %parallel_loop3A_167 = arith.minimumf %parallel_loop3A_161, %parallel_loop3A_33 : vector<16xf32>
      %parallel_loop3A_168 = arith.maximumf %parallel_loop3A_161, %parallel_loop3A_33 : vector<16xf32>
      %parallel_loop3A_169 = arith.minimumf %parallel_loop3A_163, %parallel_loop3A_167 : vector<16xf32>
      %parallel_loop3A_170 = arith.maximumf %parallel_loop3A_163, %parallel_loop3A_167 : vector<16xf32>
      %parallel_loop3A_171 = arith.minimumf %parallel_loop3A_165, %parallel_loop3A_169 : vector<16xf32>
      %parallel_loop3A_172 = arith.maximumf %parallel_loop3A_165, %parallel_loop3A_169 : vector<16xf32>
      %parallel_loop3A_173 = arith.maximumf %parallel_loop3A_166, %parallel_loop3A_171 : vector<16xf32>
      %parallel_loop3A_174 = arith.minimumf %parallel_loop3A_168, %parallel_loop3A_37 : vector<16xf32>
      %parallel_loop3A_175 = arith.maximumf %parallel_loop3A_168, %parallel_loop3A_37 : vector<16xf32>
      %parallel_loop3A_176 = arith.minimumf %parallel_loop3A_170, %parallel_loop3A_174 : vector<16xf32>
      %parallel_loop3A_177 = arith.maximumf %parallel_loop3A_170, %parallel_loop3A_174 : vector<16xf32>
      %parallel_loop3A_178 = arith.minimumf %parallel_loop3A_172, %parallel_loop3A_176 : vector<16xf32>
      %parallel_loop3A_179 = arith.maximumf %parallel_loop3A_172, %parallel_loop3A_176 : vector<16xf32>
      %parallel_loop3A_180 = arith.maximumf %parallel_loop3A_173, %parallel_loop3A_178 : vector<16xf32>
      %parallel_loop3A_181 = arith.minimumf %parallel_loop3A_175, %parallel_loop3A_41 : vector<16xf32>
      %parallel_loop3A_182 = arith.maximumf %parallel_loop3A_175, %parallel_loop3A_41 : vector<16xf32>
      %parallel_loop3A_183 = arith.minimumf %parallel_loop3A_177, %parallel_loop3A_181 : vector<16xf32>
      %parallel_loop3A_184 = arith.maximumf %parallel_loop3A_177, %parallel_loop3A_181 : vector<16xf32>
      %parallel_loop3A_185 = arith.minimumf %parallel_loop3A_179, %parallel_loop3A_183 : vector<16xf32>
      %parallel_loop3A_186 = arith.maximumf %parallel_loop3A_179, %parallel_loop3A_183 : vector<16xf32>
      %parallel_loop3A_187 = arith.maximumf %parallel_loop3A_180, %parallel_loop3A_185 : vector<16xf32>
      %parallel_loop3A_188 = arith.minimumf %parallel_loop3A_182, %parallel_loop3A_45 : vector<16xf32>
      %parallel_loop3A_189 = arith.maximumf %parallel_loop3A_182, %parallel_loop3A_45 : vector<16xf32>
      %parallel_loop3A_190 = arith.minimumf %parallel_loop3A_184, %parallel_loop3A_188 : vector<16xf32>
      %parallel_loop3A_191 = arith.maximumf %parallel_loop3A_184, %parallel_loop3A_188 : vector<16xf32>
      %parallel_loop3A_192 = arith.minimumf %parallel_loop3A_186, %parallel_loop3A_190 : vector<16xf32>
      %parallel_loop3A_193 = arith.maximumf %parallel_loop3A_186, %parallel_loop3A_190 : vector<16xf32>
      %parallel_loop3A_194 = arith.maximumf %parallel_loop3A_187, %parallel_loop3A_192 : vector<16xf32>
      %parallel_loop3A_195 = arith.minimumf %parallel_loop3A_189, %parallel_loop3A_49 : vector<16xf32>
      %parallel_loop3A_196 = arith.maximumf %parallel_loop3A_189, %parallel_loop3A_49 : vector<16xf32>
      %parallel_loop3A_197 = arith.minimumf %parallel_loop3A_191, %parallel_loop3A_195 : vector<16xf32>
      %parallel_loop3A_198 = arith.maximumf %parallel_loop3A_191, %parallel_loop3A_195 : vector<16xf32>
      %parallel_loop3A_199 = arith.minimumf %parallel_loop3A_193, %parallel_loop3A_197 : vector<16xf32>
      %parallel_loop3A_200 = arith.maximumf %parallel_loop3A_193, %parallel_loop3A_197 : vector<16xf32>
      %parallel_loop3A_201 = arith.maximumf %parallel_loop3A_194, %parallel_loop3A_199 : vector<16xf32>
      %parallel_loop3A_202 = arith.minimumf %parallel_loop3A_196, %parallel_loop3A_53 : vector<16xf32>
      %parallel_loop3A_203 = arith.maximumf %parallel_loop3A_196, %parallel_loop3A_53 : vector<16xf32>
      %parallel_loop3A_204 = arith.minimumf %parallel_loop3A_198, %parallel_loop3A_202 : vector<16xf32>
      %parallel_loop3A_205 = arith.maximumf %parallel_loop3A_198, %parallel_loop3A_202 : vector<16xf32>
      %parallel_loop3A_206 = arith.minimumf %parallel_loop3A_200, %parallel_loop3A_204 : vector<16xf32>
      %parallel_loop3A_207 = arith.maximumf %parallel_loop3A_200, %parallel_loop3A_204 : vector<16xf32>
      %parallel_loop3A_208 = arith.maximumf %parallel_loop3A_201, %parallel_loop3A_206 : vector<16xf32>
      %parallel_loop3A_209 = arith.minimumf %parallel_loop3A_203, %parallel_loop3A_57 : vector<16xf32>
      %parallel_loop3A_210 = arith.maximumf %parallel_loop3A_203, %parallel_loop3A_57 : vector<16xf32>
      %parallel_loop3A_211 = arith.minimumf %parallel_loop3A_205, %parallel_loop3A_209 : vector<16xf32>
      %parallel_loop3A_212 = arith.maximumf %parallel_loop3A_205, %parallel_loop3A_209 : vector<16xf32>
      %parallel_loop3A_213 = arith.minimumf %parallel_loop3A_207, %parallel_loop3A_211 : vector<16xf32>
      %parallel_loop3A_214 = arith.maximumf %parallel_loop3A_207, %parallel_loop3A_211 : vector<16xf32>
      %parallel_loop3A_215 = arith.maximumf %parallel_loop3A_208, %parallel_loop3A_213 : vector<16xf32>
      %parallel_loop3A_216 = arith.minimumf %parallel_loop3A_210, %parallel_loop3A_61 : vector<16xf32>
      %parallel_loop3A_217 = arith.maximumf %parallel_loop3A_210, %parallel_loop3A_61 : vector<16xf32>
      %parallel_loop3A_218 = arith.minimumf %parallel_loop3A_212, %parallel_loop3A_216 : vector<16xf32>
      %parallel_loop3A_219 = arith.maximumf %parallel_loop3A_212, %parallel_loop3A_216 : vector<16xf32>
      %parallel_loop3A_220 = arith.minimumf %parallel_loop3A_214, %parallel_loop3A_218 : vector<16xf32>
      %parallel_loop3A_221 = arith.maximumf %parallel_loop3A_214, %parallel_loop3A_218 : vector<16xf32>
      %parallel_loop3A_222 = arith.maximumf %parallel_loop3A_215, %parallel_loop3A_220 : vector<16xf32>
      %parallel_loop3A_223 = arith.minimumf %parallel_loop3A_217, %parallel_loop3A_65 : vector<16xf32>
      %parallel_loop3A_224 = arith.maximumf %parallel_loop3A_217, %parallel_loop3A_65 : vector<16xf32>
      %parallel_loop3A_225 = arith.minimumf %parallel_loop3A_219, %parallel_loop3A_223 : vector<16xf32>
      %parallel_loop3A_226 = arith.maximumf %parallel_loop3A_219, %parallel_loop3A_223 : vector<16xf32>
      %parallel_loop3A_227 = arith.minimumf %parallel_loop3A_221, %parallel_loop3A_225 : vector<16xf32>
      %parallel_loop3A_228 = arith.maximumf %parallel_loop3A_221, %parallel_loop3A_225 : vector<16xf32>
      %parallel_loop3A_229 = arith.maximumf %parallel_loop3A_222, %parallel_loop3A_227 : vector<16xf32>
      %parallel_loop3A_230 = arith.minimumf %parallel_loop3A_224, %parallel_loop3A_69 : vector<16xf32>
      %parallel_loop3A_231 = arith.maximumf %parallel_loop3A_224, %parallel_loop3A_69 : vector<16xf32>
      %parallel_loop3A_232 = arith.minimumf %parallel_loop3A_226, %parallel_loop3A_230 : vector<16xf32>
      %parallel_loop3A_233 = arith.maximumf %parallel_loop3A_226, %parallel_loop3A_230 : vector<16xf32>
      %parallel_loop3A_234 = arith.minimumf %parallel_loop3A_228, %parallel_loop3A_232 : vector<16xf32>
      %parallel_loop3A_235 = arith.maximumf %parallel_loop3A_228, %parallel_loop3A_232 : vector<16xf32>
      %parallel_loop3A_236 = arith.maximumf %parallel_loop3A_229, %parallel_loop3A_234 : vector<16xf32>
      %parallel_loop3A_237 = arith.minimumf %parallel_loop3A_231, %parallel_loop3A_73 : vector<16xf32>
      %parallel_loop3A_238 = arith.maximumf %parallel_loop3A_231, %parallel_loop3A_73 : vector<16xf32>
      %parallel_loop3A_239 = arith.minimumf %parallel_loop3A_233, %parallel_loop3A_237 : vector<16xf32>
      %parallel_loop3A_240 = arith.maximumf %parallel_loop3A_233, %parallel_loop3A_237 : vector<16xf32>
      %parallel_loop3A_241 = arith.minimumf %parallel_loop3A_235, %parallel_loop3A_239 : vector<16xf32>
      %parallel_loop3A_242 = arith.maximumf %parallel_loop3A_235, %parallel_loop3A_239 : vector<16xf32>
      %parallel_loop3A_243 = arith.maximumf %parallel_loop3A_236, %parallel_loop3A_241 : vector<16xf32>
      %parallel_loop3A_244 = arith.minimumf %parallel_loop3A_238, %parallel_loop3A_77 : vector<16xf32>
      %parallel_loop3A_245 = arith.maximumf %parallel_loop3A_238, %parallel_loop3A_77 : vector<16xf32>
      %parallel_loop3A_246 = arith.minimumf %parallel_loop3A_240, %parallel_loop3A_244 : vector<16xf32>
      %parallel_loop3A_247 = arith.maximumf %parallel_loop3A_240, %parallel_loop3A_244 : vector<16xf32>
      %parallel_loop3A_248 = arith.minimumf %parallel_loop3A_242, %parallel_loop3A_246 : vector<16xf32>
      %parallel_loop3A_249 = arith.maximumf %parallel_loop3A_242, %parallel_loop3A_246 : vector<16xf32>
      %parallel_loop3A_250 = arith.maximumf %parallel_loop3A_243, %parallel_loop3A_248 : vector<16xf32>
      %parallel_loop3A_251 = arith.minimumf %parallel_loop3A_245, %parallel_loop3A_81 : vector<16xf32>
      %parallel_loop3A_252 = arith.maximumf %parallel_loop3A_245, %parallel_loop3A_81 : vector<16xf32>
      %parallel_loop3A_253 = arith.minimumf %parallel_loop3A_247, %parallel_loop3A_251 : vector<16xf32>
      %parallel_loop3A_254 = arith.maximumf %parallel_loop3A_247, %parallel_loop3A_251 : vector<16xf32>
      %parallel_loop3A_255 = arith.minimumf %parallel_loop3A_249, %parallel_loop3A_253 : vector<16xf32>
      %parallel_loop3A_256 = arith.maximumf %parallel_loop3A_249, %parallel_loop3A_253 : vector<16xf32>
      %parallel_loop3A_257 = arith.maximumf %parallel_loop3A_250, %parallel_loop3A_255 : vector<16xf32>
      %parallel_loop3A_258 = arith.minimumf %parallel_loop3A_252, %parallel_loop3A_85 : vector<16xf32>
      %parallel_loop3A_259 = arith.maximumf %parallel_loop3A_252, %parallel_loop3A_85 : vector<16xf32>
      %parallel_loop3A_260 = arith.minimumf %parallel_loop3A_254, %parallel_loop3A_258 : vector<16xf32>
      %parallel_loop3A_261 = arith.maximumf %parallel_loop3A_254, %parallel_loop3A_258 : vector<16xf32>
      %parallel_loop3A_262 = arith.minimumf %parallel_loop3A_256, %parallel_loop3A_260 : vector<16xf32>
      %parallel_loop3A_263 = arith.maximumf %parallel_loop3A_256, %parallel_loop3A_260 : vector<16xf32>
      %parallel_loop3A_264 = arith.maximumf %parallel_loop3A_257, %parallel_loop3A_262 : vector<16xf32>
      %parallel_loop3A_265 = arith.minimumf %parallel_loop3A_259, %parallel_loop3A_89 : vector<16xf32>
      %parallel_loop3A_266 = arith.maximumf %parallel_loop3A_259, %parallel_loop3A_89 : vector<16xf32>
      %parallel_loop3A_267 = arith.minimumf %parallel_loop3A_261, %parallel_loop3A_265 : vector<16xf32>
      %parallel_loop3A_268 = arith.maximumf %parallel_loop3A_261, %parallel_loop3A_265 : vector<16xf32>
      %parallel_loop3A_269 = arith.minimumf %parallel_loop3A_263, %parallel_loop3A_267 : vector<16xf32>
      %parallel_loop3A_270 = arith.maximumf %parallel_loop3A_263, %parallel_loop3A_267 : vector<16xf32>
      %parallel_loop3A_271 = arith.maximumf %parallel_loop3A_264, %parallel_loop3A_269 : vector<16xf32>
      %parallel_loop3A_272 = arith.minimumf %parallel_loop3A_266, %parallel_loop3A_93 : vector<16xf32>
      %parallel_loop3A_273 = arith.maximumf %parallel_loop3A_266, %parallel_loop3A_93 : vector<16xf32>
      %parallel_loop3A_274 = arith.minimumf %parallel_loop3A_268, %parallel_loop3A_272 : vector<16xf32>
      %parallel_loop3A_275 = arith.maximumf %parallel_loop3A_268, %parallel_loop3A_272 : vector<16xf32>
      %parallel_loop3A_276 = arith.minimumf %parallel_loop3A_270, %parallel_loop3A_274 : vector<16xf32>
      %parallel_loop3A_277 = arith.maximumf %parallel_loop3A_270, %parallel_loop3A_274 : vector<16xf32>
      %parallel_loop3A_278 = arith.maximumf %parallel_loop3A_271, %parallel_loop3A_276 : vector<16xf32>
      %parallel_loop3A_279 = arith.minimumf %parallel_loop3A_273, %parallel_loop3A_97 : vector<16xf32>
      %parallel_loop3A_280 = arith.maximumf %parallel_loop3A_273, %parallel_loop3A_97 : vector<16xf32>
      %parallel_loop3A_281 = arith.minimumf %parallel_loop3A_275, %parallel_loop3A_279 : vector<16xf32>
      %parallel_loop3A_282 = arith.maximumf %parallel_loop3A_275, %parallel_loop3A_279 : vector<16xf32>
      %parallel_loop3A_283 = arith.minimumf %parallel_loop3A_277, %parallel_loop3A_281 : vector<16xf32>
      %parallel_loop3A_284 = arith.maximumf %parallel_loop3A_277, %parallel_loop3A_281 : vector<16xf32>
      %parallel_loop3A_285 = arith.maximumf %parallel_loop3A_278, %parallel_loop3A_283 : vector<16xf32>
      %parallel_loop3A_286 = arith.minimumf %parallel_loop3A_280, %parallel_loop3A_101 : vector<16xf32>
      %parallel_loop3A_287 = arith.maximumf %parallel_loop3A_280, %parallel_loop3A_101 : vector<16xf32>
      %parallel_loop3A_288 = arith.minimumf %parallel_loop3A_282, %parallel_loop3A_286 : vector<16xf32>
      %parallel_loop3A_289 = arith.maximumf %parallel_loop3A_282, %parallel_loop3A_286 : vector<16xf32>
      %parallel_loop3A_290 = arith.minimumf %parallel_loop3A_284, %parallel_loop3A_288 : vector<16xf32>
      %parallel_loop3A_291 = arith.maximumf %parallel_loop3A_284, %parallel_loop3A_288 : vector<16xf32>
      %parallel_loop3A_292 = arith.maximumf %parallel_loop3A_285, %parallel_loop3A_290 : vector<16xf32>
      %parallel_loop3A_293 = arith.minimumf %parallel_loop3A_287, %parallel_loop3A_105 : vector<16xf32>
      %parallel_loop3A_294 = arith.maximumf %parallel_loop3A_287, %parallel_loop3A_105 : vector<16xf32>
      %parallel_loop3A_295 = arith.minimumf %parallel_loop3A_289, %parallel_loop3A_293 : vector<16xf32>
      %parallel_loop3A_296 = arith.maximumf %parallel_loop3A_289, %parallel_loop3A_293 : vector<16xf32>
      %parallel_loop3A_297 = arith.minimumf %parallel_loop3A_291, %parallel_loop3A_295 : vector<16xf32>
      %parallel_loop3A_298 = arith.maximumf %parallel_loop3A_291, %parallel_loop3A_295 : vector<16xf32>
      %parallel_loop3A_299 = arith.maximumf %parallel_loop3A_292, %parallel_loop3A_297 : vector<16xf32>
      %parallel_loop3A_300 = arith.minimumf %parallel_loop3A_294, %parallel_loop3A_109 : vector<16xf32>
      %parallel_loop3A_301 = arith.maximumf %parallel_loop3A_294, %parallel_loop3A_109 : vector<16xf32>
      %parallel_loop3A_302 = arith.minimumf %parallel_loop3A_296, %parallel_loop3A_300 : vector<16xf32>
      %parallel_loop3A_303 = arith.maximumf %parallel_loop3A_296, %parallel_loop3A_300 : vector<16xf32>
      %parallel_loop3A_304 = arith.minimumf %parallel_loop3A_298, %parallel_loop3A_302 : vector<16xf32>
      %parallel_loop3A_305 = arith.maximumf %parallel_loop3A_298, %parallel_loop3A_302 : vector<16xf32>
      %parallel_loop3A_306 = arith.maximumf %parallel_loop3A_299, %parallel_loop3A_304 : vector<16xf32>
      %parallel_loop3A_307 = arith.minimumf %parallel_loop3A_301, %parallel_loop3A_113 : vector<16xf32>
      %parallel_loop3A_308 = arith.maximumf %parallel_loop3A_301, %parallel_loop3A_113 : vector<16xf32>
      %parallel_loop3A_309 = arith.minimumf %parallel_loop3A_303, %parallel_loop3A_307 : vector<16xf32>
      %parallel_loop3A_310 = arith.maximumf %parallel_loop3A_303, %parallel_loop3A_307 : vector<16xf32>
      %parallel_loop3A_311 = arith.minimumf %parallel_loop3A_305, %parallel_loop3A_309 : vector<16xf32>
      %parallel_loop3A_312 = arith.maximumf %parallel_loop3A_305, %parallel_loop3A_309 : vector<16xf32>
      %parallel_loop3A_313 = arith.maximumf %parallel_loop3A_306, %parallel_loop3A_311 : vector<16xf32>
      %parallel_loop3A_314 = arith.minimumf %parallel_loop3A_308, %parallel_loop3A_117 : vector<16xf32>
      %parallel_loop3A_315 = arith.maximumf %parallel_loop3A_308, %parallel_loop3A_117 : vector<16xf32>
      %parallel_loop3A_316 = arith.minimumf %parallel_loop3A_310, %parallel_loop3A_314 : vector<16xf32>
      %parallel_loop3A_317 = arith.maximumf %parallel_loop3A_310, %parallel_loop3A_314 : vector<16xf32>
      %parallel_loop3A_318 = arith.minimumf %parallel_loop3A_312, %parallel_loop3A_316 : vector<16xf32>
      %parallel_loop3A_319 = arith.maximumf %parallel_loop3A_312, %parallel_loop3A_316 : vector<16xf32>
      %parallel_loop3A_320 = arith.maximumf %parallel_loop3A_313, %parallel_loop3A_318 : vector<16xf32>
      %parallel_loop3A_321 = arith.minimumf %parallel_loop3A_315, %parallel_loop3A_121 : vector<16xf32>
      %parallel_loop3A_322 = arith.maximumf %parallel_loop3A_315, %parallel_loop3A_121 : vector<16xf32>
      %parallel_loop3A_323 = arith.minimumf %parallel_loop3A_317, %parallel_loop3A_321 : vector<16xf32>
      %parallel_loop3A_324 = arith.maximumf %parallel_loop3A_317, %parallel_loop3A_321 : vector<16xf32>
      %parallel_loop3A_325 = arith.minimumf %parallel_loop3A_319, %parallel_loop3A_323 : vector<16xf32>
      %parallel_loop3A_326 = arith.maximumf %parallel_loop3A_319, %parallel_loop3A_323 : vector<16xf32>
      %parallel_loop3A_327 = arith.maximumf %parallel_loop3A_320, %parallel_loop3A_325 : vector<16xf32>
      %parallel_loop3A_328 = arith.minimumf %parallel_loop3A_322, %parallel_loop3A_125 : vector<16xf32>
      %parallel_loop3A_329 = arith.maximumf %parallel_loop3A_322, %parallel_loop3A_125 : vector<16xf32>
      %parallel_loop3A_330 = arith.minimumf %parallel_loop3A_324, %parallel_loop3A_328 : vector<16xf32>
      %parallel_loop3A_331 = arith.maximumf %parallel_loop3A_324, %parallel_loop3A_328 : vector<16xf32>
      %parallel_loop3A_332 = arith.minimumf %parallel_loop3A_326, %parallel_loop3A_330 : vector<16xf32>
      %parallel_loop3A_333 = arith.maximumf %parallel_loop3A_326, %parallel_loop3A_330 : vector<16xf32>
      %parallel_loop3A_334 = arith.maximumf %parallel_loop3A_327, %parallel_loop3A_332 : vector<16xf32>
      %parallel_loop3A_335 = arith.minimumf %parallel_loop3A_329, %parallel_loop3A_129 : vector<16xf32>
      %parallel_loop3A_336 = arith.maximumf %parallel_loop3A_329, %parallel_loop3A_129 : vector<16xf32>
      %parallel_loop3A_337 = arith.minimumf %parallel_loop3A_331, %parallel_loop3A_335 : vector<16xf32>
      %parallel_loop3A_338 = arith.maximumf %parallel_loop3A_331, %parallel_loop3A_335 : vector<16xf32>
      %parallel_loop3A_339 = arith.minimumf %parallel_loop3A_333, %parallel_loop3A_337 : vector<16xf32>
      %parallel_loop3A_340 = arith.maximumf %parallel_loop3A_333, %parallel_loop3A_337 : vector<16xf32>
      %parallel_loop3A_341 = arith.maximumf %parallel_loop3A_334, %parallel_loop3A_339 : vector<16xf32>
      %parallel_loop3A_342 = arith.minimumf %parallel_loop3A_336, %parallel_loop3A_133 : vector<16xf32>
      %parallel_loop3A_343 = arith.maximumf %parallel_loop3A_336, %parallel_loop3A_133 : vector<16xf32>
      %parallel_loop3A_344 = arith.minimumf %parallel_loop3A_338, %parallel_loop3A_342 : vector<16xf32>
      %parallel_loop3A_345 = arith.maximumf %parallel_loop3A_338, %parallel_loop3A_342 : vector<16xf32>
      %parallel_loop3A_346 = arith.minimumf %parallel_loop3A_340, %parallel_loop3A_344 : vector<16xf32>
      %parallel_loop3A_347 = arith.maximumf %parallel_loop3A_340, %parallel_loop3A_344 : vector<16xf32>
      %parallel_loop3A_348 = arith.maximumf %parallel_loop3A_341, %parallel_loop3A_346 : vector<16xf32>
      %parallel_loop3A_349 = arith.minimumf %parallel_loop3A_343, %parallel_loop3A_137 : vector<16xf32>
      %parallel_loop3A_350 = arith.maximumf %parallel_loop3A_343, %parallel_loop3A_137 : vector<16xf32>
      %parallel_loop3A_351 = arith.minimumf %parallel_loop3A_345, %parallel_loop3A_349 : vector<16xf32>
      %parallel_loop3A_352 = arith.maximumf %parallel_loop3A_345, %parallel_loop3A_349 : vector<16xf32>
      %parallel_loop3A_353 = arith.minimumf %parallel_loop3A_347, %parallel_loop3A_351 : vector<16xf32>
      %parallel_loop3A_354 = arith.maximumf %parallel_loop3A_347, %parallel_loop3A_351 : vector<16xf32>
      %parallel_loop3A_355 = arith.maximumf %parallel_loop3A_348, %parallel_loop3A_353 : vector<16xf32>
      %parallel_loop3A_356 = arith.minimumf %parallel_loop3A_350, %parallel_loop3A_141 : vector<16xf32>
      %parallel_loop3A_357 = arith.maximumf %parallel_loop3A_350, %parallel_loop3A_141 : vector<16xf32>
      %parallel_loop3A_358 = arith.minimumf %parallel_loop3A_352, %parallel_loop3A_356 : vector<16xf32>
      %parallel_loop3A_359 = arith.maximumf %parallel_loop3A_352, %parallel_loop3A_356 : vector<16xf32>
      %parallel_loop3A_360 = arith.minimumf %parallel_loop3A_354, %parallel_loop3A_358 : vector<16xf32>
      %parallel_loop3A_361 = arith.maximumf %parallel_loop3A_354, %parallel_loop3A_358 : vector<16xf32>
      %parallel_loop3A_362 = arith.maximumf %parallel_loop3A_355, %parallel_loop3A_360 : vector<16xf32>
      %parallel_loop3A_363 = arith.minimumf %parallel_loop3A_357, %parallel_loop3A_145 : vector<16xf32>
      %parallel_loop3A_364 = arith.maximumf %parallel_loop3A_357, %parallel_loop3A_145 : vector<16xf32>
      %parallel_loop3A_365 = arith.minimumf %parallel_loop3A_359, %parallel_loop3A_363 : vector<16xf32>
      %parallel_loop3A_366 = arith.maximumf %parallel_loop3A_359, %parallel_loop3A_363 : vector<16xf32>
      %parallel_loop3A_367 = arith.minimumf %parallel_loop3A_361, %parallel_loop3A_365 : vector<16xf32>
      %parallel_loop3A_368 = arith.maximumf %parallel_loop3A_361, %parallel_loop3A_365 : vector<16xf32>
      %parallel_loop3A_369 = arith.maximumf %parallel_loop3A_362, %parallel_loop3A_367 : vector<16xf32>
      %parallel_loop3A_370 = arith.cmpf ogt, %parallel_loop3A_364, %parallel_loop3A_369 : vector<16xf32>
      %parallel_loop3A_371 = arith.select %parallel_loop3A_370, %broadcast_in_dim3A_8, %broadcast_in_dim3A_10 : vector<16xi1>, vector<16xi32>
      %parallel_loop3A_372 = arith.cmpf ogt, %parallel_loop3A_366, %parallel_loop3A_369 : vector<16xf32>
      %parallel_loop3A_373 = arith.select %parallel_loop3A_372, %broadcast_in_dim3A_8, %broadcast_in_dim3A_10 : vector<16xi1>, vector<16xi32>
      %parallel_loop3A_374 = arith.addi %parallel_loop3A_371, %parallel_loop3A_373 : vector<16xi32>
      %parallel_loop3A_375 = arith.cmpf ogt, %parallel_loop3A_368, %parallel_loop3A_369 : vector<16xf32>
      %parallel_loop3A_376 = arith.select %parallel_loop3A_375, %broadcast_in_dim3A_8, %broadcast_in_dim3A_10 : vector<16xi1>, vector<16xi32>
      %parallel_loop3A_377 = arith.addi %parallel_loop3A_374, %parallel_loop3A_376 : vector<16xi32>
      %parallel_loop3A_378 = arith.constant 4 : i32
      %parallel_loop3A_379 = vector.broadcast %parallel_loop3A_378 : i32 to vector<16xi32>
      %parallel_loop3A_380 = arith.subi %parallel_loop3A_379, %parallel_loop3A_377 : vector<16xi32>
      %parallel_loop3A_381 = vector.broadcast %parallel_loop3A_17 : i32 to vector<16xi32>
      %parallel_loop3A_382 = arith.addi %iota3A, %parallel_loop3A_381 : vector<16xi32>
      %parallel_loop3A_383 = arith.cmpf oeq, %parallel_loop3A_21, %parallel_loop3A_369 : vector<16xf32>
      %parallel_loop3A_384 = arith.cmpi slt, %broadcast_in_dim3A_10, %parallel_loop3A_380 : vector<16xi32>
      %parallel_loop3A_385 = arith.andi %parallel_loop3A_383, %parallel_loop3A_384 : vector<16xi1>
      %parallel_loop3A_386 = arith.cmpf ogt, %parallel_loop3A_21, %parallel_loop3A_369 : vector<16xf32>
      %parallel_loop3A_387 = arith.ori %parallel_loop3A_386, %parallel_loop3A_385 : vector<16xi1>
      %parallel_loop3A_388 = arith.select %parallel_loop3A_385, %broadcast_in_dim3A_8, %broadcast_in_dim3A_10 : vector<16xi1>, vector<16xi32>
      %parallel_loop3A_389 = arith.addi %broadcast_in_dim3A_10, %parallel_loop3A_388 : vector<16xi32>
      %parallel_loop3A_390 = arith.select %parallel_loop3A_387, %broadcast_in_dim3A_4, %broadcast_in_dim3A_6 : vector<16xi1>, vector<16xf32>
      %parallel_loop3A_391 = arith.select %ne3A_3, %parallel_loop3A_390, %parallel_loop3A_21 : vector<16xi1>, vector<16xf32>
      %parallel_loop3A_392 = arith.constant 0 : i32
      %parallel_loop3A_393 = vector.broadcast %parallel_loop3A_392 : i32 to vector<16xi32>
      tpu.vector_store_idx %arg6[%parallel_loop3A_382, %parallel_loop3A_393], %parallel_loop3A_391 : memref<256x32xf32, #tpu.memory_space<vmem>>[vector<16xi32>, vector<16xi32>], vector<16xf32>,
      %parallel_loop3A_394 = arith.cmpf oeq, %parallel_loop3A_25, %parallel_loop3A_369 : vector<16xf32>
      %parallel_loop3A_395 = arith.cmpi slt, %parallel_loop3A_389, %parallel_loop3A_380 : vector<16xi32>
      %parallel_loop3A_396 = arith.andi %parallel_loop3A_394, %parallel_loop3A_395 : vector<16xi1>
      %parallel_loop3A_397 = arith.cmpf ogt, %parallel_loop3A_25, %parallel_loop3A_369 : vector<16xf32>
      %parallel_loop3A_398 = arith.ori %parallel_loop3A_397, %parallel_loop3A_396 : vector<16xi1>
      %parallel_loop3A_399 = arith.select %parallel_loop3A_396, %broadcast_in_dim3A_8, %broadcast_in_dim3A_10 : vector<16xi1>, vector<16xi32>
      %parallel_loop3A_400 = arith.addi %parallel_loop3A_389, %parallel_loop3A_399 : vector<16xi32>
      %parallel_loop3A_401 = arith.select %parallel_loop3A_398, %broadcast_in_dim3A_4, %broadcast_in_dim3A_6 : vector<16xi1>, vector<16xf32>
      %parallel_loop3A_402 = arith.select %ne3A_3, %parallel_loop3A_401, %parallel_loop3A_25 : vector<16xi1>, vector<16xf32>
      %parallel_loop3A_403 = arith.constant 1 : i32
      %parallel_loop3A_404 = vector.broadcast %parallel_loop3A_403 : i32 to vector<16xi32>
      tpu.vector_store_idx %arg6[%parallel_loop3A_382, %parallel_loop3A_404], %parallel_loop3A_402 : memref<256x32xf32, #tpu.memory_space<vmem>>[vector<16xi32>, vector<16xi32>], vector<16xf32>,
      %parallel_loop3A_405 = arith.cmpf oeq, %parallel_loop3A_29, %parallel_loop3A_369 : vector<16xf32>
      %parallel_loop3A_406 = arith.cmpi slt, %parallel_loop3A_400, %parallel_loop3A_380 : vector<16xi32>
      %parallel_loop3A_407 = arith.andi %parallel_loop3A_405, %parallel_loop3A_406 : vector<16xi1>
      %parallel_loop3A_408 = arith.cmpf ogt, %parallel_loop3A_29, %parallel_loop3A_369 : vector<16xf32>
      %parallel_loop3A_409 = arith.ori %parallel_loop3A_408, %parallel_loop3A_407 : vector<16xi1>
      %parallel_loop3A_410 = arith.select %parallel_loop3A_407, %broadcast_in_dim3A_8, %broadcast_in_dim3A_10 : vector<16xi1>, vector<16xi32>
      %parallel_loop3A_411 = arith.addi %parallel_loop3A_400, %parallel_loop3A_410 : vector<16xi32>
      %parallel_loop3A_412 = arith.select %parallel_loop3A_409, %broadcast_in_dim3A_4, %broadcast_in_dim3A_6 : vector<16xi1>, vector<16xf32>
      %parallel_loop3A_413 = arith.select %ne3A_3, %parallel_loop3A_412, %parallel_loop3A_29 : vector<16xi1>, vector<16xf32>
      %parallel_loop3A_414 = arith.constant 2 : i32
      %parallel_loop3A_415 = vector.broadcast %parallel_loop3A_414 : i32 to vector<16xi32>
      tpu.vector_store_idx %arg6[%parallel_loop3A_382, %parallel_loop3A_415], %parallel_loop3A_413 : memref<256x32xf32, #tpu.memory_space<vmem>>[vector<16xi32>, vector<16xi32>], vector<16xf32>,
      %parallel_loop3A_416 = arith.cmpf oeq, %parallel_loop3A_33, %parallel_loop3A_369 : vector<16xf32>
      %parallel_loop3A_417 = arith.cmpi slt, %parallel_loop3A_411, %parallel_loop3A_380 : vector<16xi32>
      %parallel_loop3A_418 = arith.andi %parallel_loop3A_416, %parallel_loop3A_417 : vector<16xi1>
      %parallel_loop3A_419 = arith.cmpf ogt, %parallel_loop3A_33, %parallel_loop3A_369 : vector<16xf32>
      %parallel_loop3A_420 = arith.ori %parallel_loop3A_419, %parallel_loop3A_418 : vector<16xi1>
      %parallel_loop3A_421 = arith.select %parallel_loop3A_418, %broadcast_in_dim3A_8, %broadcast_in_dim3A_10 : vector<16xi1>, vector<16xi32>
      %parallel_loop3A_422 = arith.addi %parallel_loop3A_411, %parallel_loop3A_421 : vector<16xi32>
      %parallel_loop3A_423 = arith.select %parallel_loop3A_420, %broadcast_in_dim3A_4, %broadcast_in_dim3A_6 : vector<16xi1>, vector<16xf32>
      %parallel_loop3A_424 = arith.select %ne3A_3, %parallel_loop3A_423, %parallel_loop3A_33 : vector<16xi1>, vector<16xf32>
      %parallel_loop3A_425 = arith.constant 3 : i32
      %parallel_loop3A_426 = vector.broadcast %parallel_loop3A_425 : i32 to vector<16xi32>
      tpu.vector_store_idx %arg6[%parallel_loop3A_382, %parallel_loop3A_426], %parallel_loop3A_424 : memref<256x32xf32, #tpu.memory_space<vmem>>[vector<16xi32>, vector<16xi32>], vector<16xf32>,
      %parallel_loop3A_427 = arith.cmpf oeq, %parallel_loop3A_37, %parallel_loop3A_369 : vector<16xf32>
      %parallel_loop3A_428 = arith.cmpi slt, %parallel_loop3A_422, %parallel_loop3A_380 : vector<16xi32>
      %parallel_loop3A_429 = arith.andi %parallel_loop3A_427, %parallel_loop3A_428 : vector<16xi1>
      %parallel_loop3A_430 = arith.cmpf ogt, %parallel_loop3A_37, %parallel_loop3A_369 : vector<16xf32>
      %parallel_loop3A_431 = arith.ori %parallel_loop3A_430, %parallel_loop3A_429 : vector<16xi1>
      %parallel_loop3A_432 = arith.select %parallel_loop3A_429, %broadcast_in_dim3A_8, %broadcast_in_dim3A_10 : vector<16xi1>, vector<16xi32>
      %parallel_loop3A_433 = arith.addi %parallel_loop3A_422, %parallel_loop3A_432 : vector<16xi32>
      %parallel_loop3A_434 = arith.select %parallel_loop3A_431, %broadcast_in_dim3A_4, %broadcast_in_dim3A_6 : vector<16xi1>, vector<16xf32>
      %parallel_loop3A_435 = arith.select %ne3A_3, %parallel_loop3A_434, %parallel_loop3A_37 : vector<16xi1>, vector<16xf32>
      %parallel_loop3A_436 = arith.constant 4 : i32
      %parallel_loop3A_437 = vector.broadcast %parallel_loop3A_436 : i32 to vector<16xi32>
      tpu.vector_store_idx %arg6[%parallel_loop3A_382, %parallel_loop3A_437], %parallel_loop3A_435 : memref<256x32xf32, #tpu.memory_space<vmem>>[vector<16xi32>, vector<16xi32>], vector<16xf32>,
      %parallel_loop3A_438 = arith.cmpf oeq, %parallel_loop3A_41, %parallel_loop3A_369 : vector<16xf32>
      %parallel_loop3A_439 = arith.cmpi slt, %parallel_loop3A_433, %parallel_loop3A_380 : vector<16xi32>
      %parallel_loop3A_440 = arith.andi %parallel_loop3A_438, %parallel_loop3A_439 : vector<16xi1>
      %parallel_loop3A_441 = arith.cmpf ogt, %parallel_loop3A_41, %parallel_loop3A_369 : vector<16xf32>
      %parallel_loop3A_442 = arith.ori %parallel_loop3A_441, %parallel_loop3A_440 : vector<16xi1>
      %parallel_loop3A_443 = arith.select %parallel_loop3A_440, %broadcast_in_dim3A_8, %broadcast_in_dim3A_10 : vector<16xi1>, vector<16xi32>
      %parallel_loop3A_444 = arith.addi %parallel_loop3A_433, %parallel_loop3A_443 : vector<16xi32>
      %parallel_loop3A_445 = arith.select %parallel_loop3A_442, %broadcast_in_dim3A_4, %broadcast_in_dim3A_6 : vector<16xi1>, vector<16xf32>
      %parallel_loop3A_446 = arith.select %ne3A_3, %parallel_loop3A_445, %parallel_loop3A_41 : vector<16xi1>, vector<16xf32>
      %parallel_loop3A_447 = arith.constant 5 : i32
      %parallel_loop3A_448 = vector.broadcast %parallel_loop3A_447 : i32 to vector<16xi32>
      tpu.vector_store_idx %arg6[%parallel_loop3A_382, %parallel_loop3A_448], %parallel_loop3A_446 : memref<256x32xf32, #tpu.memory_space<vmem>>[vector<16xi32>, vector<16xi32>], vector<16xf32>,
      %parallel_loop3A_449 = arith.cmpf oeq, %parallel_loop3A_45, %parallel_loop3A_369 : vector<16xf32>
      %parallel_loop3A_450 = arith.cmpi slt, %parallel_loop3A_444, %parallel_loop3A_380 : vector<16xi32>
      %parallel_loop3A_451 = arith.andi %parallel_loop3A_449, %parallel_loop3A_450 : vector<16xi1>
      %parallel_loop3A_452 = arith.cmpf ogt, %parallel_loop3A_45, %parallel_loop3A_369 : vector<16xf32>
      %parallel_loop3A_453 = arith.ori %parallel_loop3A_452, %parallel_loop3A_451 : vector<16xi1>
      %parallel_loop3A_454 = arith.select %parallel_loop3A_451, %broadcast_in_dim3A_8, %broadcast_in_dim3A_10 : vector<16xi1>, vector<16xi32>
      %parallel_loop3A_455 = arith.addi %parallel_loop3A_444, %parallel_loop3A_454 : vector<16xi32>
      %parallel_loop3A_456 = arith.select %parallel_loop3A_453, %broadcast_in_dim3A_4, %broadcast_in_dim3A_6 : vector<16xi1>, vector<16xf32>
      %parallel_loop3A_457 = arith.select %ne3A_3, %parallel_loop3A_456, %parallel_loop3A_45 : vector<16xi1>, vector<16xf32>
      %parallel_loop3A_458 = arith.constant 6 : i32
      %parallel_loop3A_459 = vector.broadcast %parallel_loop3A_458 : i32 to vector<16xi32>
      tpu.vector_store_idx %arg6[%parallel_loop3A_382, %parallel_loop3A_459], %parallel_loop3A_457 : memref<256x32xf32, #tpu.memory_space<vmem>>[vector<16xi32>, vector<16xi32>], vector<16xf32>,
      %parallel_loop3A_460 = arith.cmpf oeq, %parallel_loop3A_49, %parallel_loop3A_369 : vector<16xf32>
      %parallel_loop3A_461 = arith.cmpi slt, %parallel_loop3A_455, %parallel_loop3A_380 : vector<16xi32>
      %parallel_loop3A_462 = arith.andi %parallel_loop3A_460, %parallel_loop3A_461 : vector<16xi1>
      %parallel_loop3A_463 = arith.cmpf ogt, %parallel_loop3A_49, %parallel_loop3A_369 : vector<16xf32>
      %parallel_loop3A_464 = arith.ori %parallel_loop3A_463, %parallel_loop3A_462 : vector<16xi1>
      %parallel_loop3A_465 = arith.select %parallel_loop3A_462, %broadcast_in_dim3A_8, %broadcast_in_dim3A_10 : vector<16xi1>, vector<16xi32>
      %parallel_loop3A_466 = arith.addi %parallel_loop3A_455, %parallel_loop3A_465 : vector<16xi32>
      %parallel_loop3A_467 = arith.select %parallel_loop3A_464, %broadcast_in_dim3A_4, %broadcast_in_dim3A_6 : vector<16xi1>, vector<16xf32>
      %parallel_loop3A_468 = arith.select %ne3A_3, %parallel_loop3A_467, %parallel_loop3A_49 : vector<16xi1>, vector<16xf32>
      %parallel_loop3A_469 = arith.constant 7 : i32
      %parallel_loop3A_470 = vector.broadcast %parallel_loop3A_469 : i32 to vector<16xi32>
      tpu.vector_store_idx %arg6[%parallel_loop3A_382, %parallel_loop3A_470], %parallel_loop3A_468 : memref<256x32xf32, #tpu.memory_space<vmem>>[vector<16xi32>, vector<16xi32>], vector<16xf32>,
      %parallel_loop3A_471 = arith.cmpf oeq, %parallel_loop3A_53, %parallel_loop3A_369 : vector<16xf32>
      %parallel_loop3A_472 = arith.cmpi slt, %parallel_loop3A_466, %parallel_loop3A_380 : vector<16xi32>
      %parallel_loop3A_473 = arith.andi %parallel_loop3A_471, %parallel_loop3A_472 : vector<16xi1>
      %parallel_loop3A_474 = arith.cmpf ogt, %parallel_loop3A_53, %parallel_loop3A_369 : vector<16xf32>
      %parallel_loop3A_475 = arith.ori %parallel_loop3A_474, %parallel_loop3A_473 : vector<16xi1>
      %parallel_loop3A_476 = arith.select %parallel_loop3A_473, %broadcast_in_dim3A_8, %broadcast_in_dim3A_10 : vector<16xi1>, vector<16xi32>
      %parallel_loop3A_477 = arith.addi %parallel_loop3A_466, %parallel_loop3A_476 : vector<16xi32>
      %parallel_loop3A_478 = arith.select %parallel_loop3A_475, %broadcast_in_dim3A_4, %broadcast_in_dim3A_6 : vector<16xi1>, vector<16xf32>
      %parallel_loop3A_479 = arith.select %ne3A_3, %parallel_loop3A_478, %parallel_loop3A_53 : vector<16xi1>, vector<16xf32>
      %parallel_loop3A_480 = arith.constant 8 : i32
      %parallel_loop3A_481 = vector.broadcast %parallel_loop3A_480 : i32 to vector<16xi32>
      tpu.vector_store_idx %arg6[%parallel_loop3A_382, %parallel_loop3A_481], %parallel_loop3A_479 : memref<256x32xf32, #tpu.memory_space<vmem>>[vector<16xi32>, vector<16xi32>], vector<16xf32>,
      %parallel_loop3A_482 = arith.cmpf oeq, %parallel_loop3A_57, %parallel_loop3A_369 : vector<16xf32>
      %parallel_loop3A_483 = arith.cmpi slt, %parallel_loop3A_477, %parallel_loop3A_380 : vector<16xi32>
      %parallel_loop3A_484 = arith.andi %parallel_loop3A_482, %parallel_loop3A_483 : vector<16xi1>
      %parallel_loop3A_485 = arith.cmpf ogt, %parallel_loop3A_57, %parallel_loop3A_369 : vector<16xf32>
      %parallel_loop3A_486 = arith.ori %parallel_loop3A_485, %parallel_loop3A_484 : vector<16xi1>
      %parallel_loop3A_487 = arith.select %parallel_loop3A_484, %broadcast_in_dim3A_8, %broadcast_in_dim3A_10 : vector<16xi1>, vector<16xi32>
      %parallel_loop3A_488 = arith.addi %parallel_loop3A_477, %parallel_loop3A_487 : vector<16xi32>
      %parallel_loop3A_489 = arith.select %parallel_loop3A_486, %broadcast_in_dim3A_4, %broadcast_in_dim3A_6 : vector<16xi1>, vector<16xf32>
      %parallel_loop3A_490 = arith.select %ne3A_3, %parallel_loop3A_489, %parallel_loop3A_57 : vector<16xi1>, vector<16xf32>
      %parallel_loop3A_491 = arith.constant 9 : i32
      %parallel_loop3A_492 = vector.broadcast %parallel_loop3A_491 : i32 to vector<16xi32>
      tpu.vector_store_idx %arg6[%parallel_loop3A_382, %parallel_loop3A_492], %parallel_loop3A_490 : memref<256x32xf32, #tpu.memory_space<vmem>>[vector<16xi32>, vector<16xi32>], vector<16xf32>,
      %parallel_loop3A_493 = arith.cmpf oeq, %parallel_loop3A_61, %parallel_loop3A_369 : vector<16xf32>
      %parallel_loop3A_494 = arith.cmpi slt, %parallel_loop3A_488, %parallel_loop3A_380 : vector<16xi32>
      %parallel_loop3A_495 = arith.andi %parallel_loop3A_493, %parallel_loop3A_494 : vector<16xi1>
      %parallel_loop3A_496 = arith.cmpf ogt, %parallel_loop3A_61, %parallel_loop3A_369 : vector<16xf32>
      %parallel_loop3A_497 = arith.ori %parallel_loop3A_496, %parallel_loop3A_495 : vector<16xi1>
      %parallel_loop3A_498 = arith.select %parallel_loop3A_495, %broadcast_in_dim3A_8, %broadcast_in_dim3A_10 : vector<16xi1>, vector<16xi32>
      %parallel_loop3A_499 = arith.addi %parallel_loop3A_488, %parallel_loop3A_498 : vector<16xi32>
      %parallel_loop3A_500 = arith.select %parallel_loop3A_497, %broadcast_in_dim3A_4, %broadcast_in_dim3A_6 : vector<16xi1>, vector<16xf32>
      %parallel_loop3A_501 = arith.select %ne3A_3, %parallel_loop3A_500, %parallel_loop3A_61 : vector<16xi1>, vector<16xf32>
      %parallel_loop3A_502 = arith.constant 10 : i32
      %parallel_loop3A_503 = vector.broadcast %parallel_loop3A_502 : i32 to vector<16xi32>
      tpu.vector_store_idx %arg6[%parallel_loop3A_382, %parallel_loop3A_503], %parallel_loop3A_501 : memref<256x32xf32, #tpu.memory_space<vmem>>[vector<16xi32>, vector<16xi32>], vector<16xf32>,
      %parallel_loop3A_504 = arith.cmpf oeq, %parallel_loop3A_65, %parallel_loop3A_369 : vector<16xf32>
      %parallel_loop3A_505 = arith.cmpi slt, %parallel_loop3A_499, %parallel_loop3A_380 : vector<16xi32>
      %parallel_loop3A_506 = arith.andi %parallel_loop3A_504, %parallel_loop3A_505 : vector<16xi1>
      %parallel_loop3A_507 = arith.cmpf ogt, %parallel_loop3A_65, %parallel_loop3A_369 : vector<16xf32>
      %parallel_loop3A_508 = arith.ori %parallel_loop3A_507, %parallel_loop3A_506 : vector<16xi1>
      %parallel_loop3A_509 = arith.select %parallel_loop3A_506, %broadcast_in_dim3A_8, %broadcast_in_dim3A_10 : vector<16xi1>, vector<16xi32>
      %parallel_loop3A_510 = arith.addi %parallel_loop3A_499, %parallel_loop3A_509 : vector<16xi32>
      %parallel_loop3A_511 = arith.select %parallel_loop3A_508, %broadcast_in_dim3A_4, %broadcast_in_dim3A_6 : vector<16xi1>, vector<16xf32>
      %parallel_loop3A_512 = arith.select %ne3A_3, %parallel_loop3A_511, %parallel_loop3A_65 : vector<16xi1>, vector<16xf32>
      %parallel_loop3A_513 = arith.constant 11 : i32
      %parallel_loop3A_514 = vector.broadcast %parallel_loop3A_513 : i32 to vector<16xi32>
      tpu.vector_store_idx %arg6[%parallel_loop3A_382, %parallel_loop3A_514], %parallel_loop3A_512 : memref<256x32xf32, #tpu.memory_space<vmem>>[vector<16xi32>, vector<16xi32>], vector<16xf32>,
      %parallel_loop3A_515 = arith.cmpf oeq, %parallel_loop3A_69, %parallel_loop3A_369 : vector<16xf32>
      %parallel_loop3A_516 = arith.cmpi slt, %parallel_loop3A_510, %parallel_loop3A_380 : vector<16xi32>
      %parallel_loop3A_517 = arith.andi %parallel_loop3A_515, %parallel_loop3A_516 : vector<16xi1>
      %parallel_loop3A_518 = arith.cmpf ogt, %parallel_loop3A_69, %parallel_loop3A_369 : vector<16xf32>
      %parallel_loop3A_519 = arith.ori %parallel_loop3A_518, %parallel_loop3A_517 : vector<16xi1>
      %parallel_loop3A_520 = arith.select %parallel_loop3A_517, %broadcast_in_dim3A_8, %broadcast_in_dim3A_10 : vector<16xi1>, vector<16xi32>
      %parallel_loop3A_521 = arith.addi %parallel_loop3A_510, %parallel_loop3A_520 : vector<16xi32>
      %parallel_loop3A_522 = arith.select %parallel_loop3A_519, %broadcast_in_dim3A_4, %broadcast_in_dim3A_6 : vector<16xi1>, vector<16xf32>
      %parallel_loop3A_523 = arith.select %ne3A_3, %parallel_loop3A_522, %parallel_loop3A_69 : vector<16xi1>, vector<16xf32>
      %parallel_loop3A_524 = arith.constant 12 : i32
      %parallel_loop3A_525 = vector.broadcast %parallel_loop3A_524 : i32 to vector<16xi32>
      tpu.vector_store_idx %arg6[%parallel_loop3A_382, %parallel_loop3A_525], %parallel_loop3A_523 : memref<256x32xf32, #tpu.memory_space<vmem>>[vector<16xi32>, vector<16xi32>], vector<16xf32>,
      %parallel_loop3A_526 = arith.cmpf oeq, %parallel_loop3A_73, %parallel_loop3A_369 : vector<16xf32>
      %parallel_loop3A_527 = arith.cmpi slt, %parallel_loop3A_521, %parallel_loop3A_380 : vector<16xi32>
      %parallel_loop3A_528 = arith.andi %parallel_loop3A_526, %parallel_loop3A_527 : vector<16xi1>
      %parallel_loop3A_529 = arith.cmpf ogt, %parallel_loop3A_73, %parallel_loop3A_369 : vector<16xf32>
      %parallel_loop3A_530 = arith.ori %parallel_loop3A_529, %parallel_loop3A_528 : vector<16xi1>
      %parallel_loop3A_531 = arith.select %parallel_loop3A_528, %broadcast_in_dim3A_8, %broadcast_in_dim3A_10 : vector<16xi1>, vector<16xi32>
      %parallel_loop3A_532 = arith.addi %parallel_loop3A_521, %parallel_loop3A_531 : vector<16xi32>
      %parallel_loop3A_533 = arith.select %parallel_loop3A_530, %broadcast_in_dim3A_4, %broadcast_in_dim3A_6 : vector<16xi1>, vector<16xf32>
      %parallel_loop3A_534 = arith.select %ne3A_3, %parallel_loop3A_533, %parallel_loop3A_73 : vector<16xi1>, vector<16xf32>
      %parallel_loop3A_535 = arith.constant 13 : i32
      %parallel_loop3A_536 = vector.broadcast %parallel_loop3A_535 : i32 to vector<16xi32>
      tpu.vector_store_idx %arg6[%parallel_loop3A_382, %parallel_loop3A_536], %parallel_loop3A_534 : memref<256x32xf32, #tpu.memory_space<vmem>>[vector<16xi32>, vector<16xi32>], vector<16xf32>,
      %parallel_loop3A_537 = arith.cmpf oeq, %parallel_loop3A_77, %parallel_loop3A_369 : vector<16xf32>
      %parallel_loop3A_538 = arith.cmpi slt, %parallel_loop3A_532, %parallel_loop3A_380 : vector<16xi32>
      %parallel_loop3A_539 = arith.andi %parallel_loop3A_537, %parallel_loop3A_538 : vector<16xi1>
      %parallel_loop3A_540 = arith.cmpf ogt, %parallel_loop3A_77, %parallel_loop3A_369 : vector<16xf32>
      %parallel_loop3A_541 = arith.ori %parallel_loop3A_540, %parallel_loop3A_539 : vector<16xi1>
      %parallel_loop3A_542 = arith.select %parallel_loop3A_539, %broadcast_in_dim3A_8, %broadcast_in_dim3A_10 : vector<16xi1>, vector<16xi32>
      %parallel_loop3A_543 = arith.addi %parallel_loop3A_532, %parallel_loop3A_542 : vector<16xi32>
      %parallel_loop3A_544 = arith.select %parallel_loop3A_541, %broadcast_in_dim3A_4, %broadcast_in_dim3A_6 : vector<16xi1>, vector<16xf32>
      %parallel_loop3A_545 = arith.select %ne3A_3, %parallel_loop3A_544, %parallel_loop3A_77 : vector<16xi1>, vector<16xf32>
      %parallel_loop3A_546 = arith.constant 14 : i32
      %parallel_loop3A_547 = vector.broadcast %parallel_loop3A_546 : i32 to vector<16xi32>
      tpu.vector_store_idx %arg6[%parallel_loop3A_382, %parallel_loop3A_547], %parallel_loop3A_545 : memref<256x32xf32, #tpu.memory_space<vmem>>[vector<16xi32>, vector<16xi32>], vector<16xf32>,
      %parallel_loop3A_548 = arith.cmpf oeq, %parallel_loop3A_81, %parallel_loop3A_369 : vector<16xf32>
      %parallel_loop3A_549 = arith.cmpi slt, %parallel_loop3A_543, %parallel_loop3A_380 : vector<16xi32>
      %parallel_loop3A_550 = arith.andi %parallel_loop3A_548, %parallel_loop3A_549 : vector<16xi1>
      %parallel_loop3A_551 = arith.cmpf ogt, %parallel_loop3A_81, %parallel_loop3A_369 : vector<16xf32>
      %parallel_loop3A_552 = arith.ori %parallel_loop3A_551, %parallel_loop3A_550 : vector<16xi1>
      %parallel_loop3A_553 = arith.select %parallel_loop3A_550, %broadcast_in_dim3A_8, %broadcast_in_dim3A_10 : vector<16xi1>, vector<16xi32>
      %parallel_loop3A_554 = arith.addi %parallel_loop3A_543, %parallel_loop3A_553 : vector<16xi32>
      %parallel_loop3A_555 = arith.select %parallel_loop3A_552, %broadcast_in_dim3A_4, %broadcast_in_dim3A_6 : vector<16xi1>, vector<16xf32>
      %parallel_loop3A_556 = arith.select %ne3A_3, %parallel_loop3A_555, %parallel_loop3A_81 : vector<16xi1>, vector<16xf32>
      %parallel_loop3A_557 = arith.constant 15 : i32
      %parallel_loop3A_558 = vector.broadcast %parallel_loop3A_557 : i32 to vector<16xi32>
      tpu.vector_store_idx %arg6[%parallel_loop3A_382, %parallel_loop3A_558], %parallel_loop3A_556 : memref<256x32xf32, #tpu.memory_space<vmem>>[vector<16xi32>, vector<16xi32>], vector<16xf32>,
      %parallel_loop3A_559 = arith.cmpf oeq, %parallel_loop3A_85, %parallel_loop3A_369 : vector<16xf32>
      %parallel_loop3A_560 = arith.cmpi slt, %parallel_loop3A_554, %parallel_loop3A_380 : vector<16xi32>
      %parallel_loop3A_561 = arith.andi %parallel_loop3A_559, %parallel_loop3A_560 : vector<16xi1>
      %parallel_loop3A_562 = arith.cmpf ogt, %parallel_loop3A_85, %parallel_loop3A_369 : vector<16xf32>
      %parallel_loop3A_563 = arith.ori %parallel_loop3A_562, %parallel_loop3A_561 : vector<16xi1>
      %parallel_loop3A_564 = arith.select %parallel_loop3A_561, %broadcast_in_dim3A_8, %broadcast_in_dim3A_10 : vector<16xi1>, vector<16xi32>
      %parallel_loop3A_565 = arith.addi %parallel_loop3A_554, %parallel_loop3A_564 : vector<16xi32>
      %parallel_loop3A_566 = arith.select %parallel_loop3A_563, %broadcast_in_dim3A_4, %broadcast_in_dim3A_6 : vector<16xi1>, vector<16xf32>
      %parallel_loop3A_567 = arith.select %ne3A_3, %parallel_loop3A_566, %parallel_loop3A_85 : vector<16xi1>, vector<16xf32>
      %parallel_loop3A_568 = arith.constant 16 : i32
      %parallel_loop3A_569 = vector.broadcast %parallel_loop3A_568 : i32 to vector<16xi32>
      tpu.vector_store_idx %arg6[%parallel_loop3A_382, %parallel_loop3A_569], %parallel_loop3A_567 : memref<256x32xf32, #tpu.memory_space<vmem>>[vector<16xi32>, vector<16xi32>], vector<16xf32>,
      %parallel_loop3A_570 = arith.cmpf oeq, %parallel_loop3A_89, %parallel_loop3A_369 : vector<16xf32>
      %parallel_loop3A_571 = arith.cmpi slt, %parallel_loop3A_565, %parallel_loop3A_380 : vector<16xi32>
      %parallel_loop3A_572 = arith.andi %parallel_loop3A_570, %parallel_loop3A_571 : vector<16xi1>
      %parallel_loop3A_573 = arith.cmpf ogt, %parallel_loop3A_89, %parallel_loop3A_369 : vector<16xf32>
      %parallel_loop3A_574 = arith.ori %parallel_loop3A_573, %parallel_loop3A_572 : vector<16xi1>
      %parallel_loop3A_575 = arith.select %parallel_loop3A_572, %broadcast_in_dim3A_8, %broadcast_in_dim3A_10 : vector<16xi1>, vector<16xi32>
      %parallel_loop3A_576 = arith.addi %parallel_loop3A_565, %parallel_loop3A_575 : vector<16xi32>
      %parallel_loop3A_577 = arith.select %parallel_loop3A_574, %broadcast_in_dim3A_4, %broadcast_in_dim3A_6 : vector<16xi1>, vector<16xf32>
      %parallel_loop3A_578 = arith.select %ne3A_3, %parallel_loop3A_577, %parallel_loop3A_89 : vector<16xi1>, vector<16xf32>
      %parallel_loop3A_579 = arith.constant 17 : i32
      %parallel_loop3A_580 = vector.broadcast %parallel_loop3A_579 : i32 to vector<16xi32>
      tpu.vector_store_idx %arg6[%parallel_loop3A_382, %parallel_loop3A_580], %parallel_loop3A_578 : memref<256x32xf32, #tpu.memory_space<vmem>>[vector<16xi32>, vector<16xi32>], vector<16xf32>,
      %parallel_loop3A_581 = arith.cmpf oeq, %parallel_loop3A_93, %parallel_loop3A_369 : vector<16xf32>
      %parallel_loop3A_582 = arith.cmpi slt, %parallel_loop3A_576, %parallel_loop3A_380 : vector<16xi32>
      %parallel_loop3A_583 = arith.andi %parallel_loop3A_581, %parallel_loop3A_582 : vector<16xi1>
      %parallel_loop3A_584 = arith.cmpf ogt, %parallel_loop3A_93, %parallel_loop3A_369 : vector<16xf32>
      %parallel_loop3A_585 = arith.ori %parallel_loop3A_584, %parallel_loop3A_583 : vector<16xi1>
      %parallel_loop3A_586 = arith.select %parallel_loop3A_583, %broadcast_in_dim3A_8, %broadcast_in_dim3A_10 : vector<16xi1>, vector<16xi32>
      %parallel_loop3A_587 = arith.addi %parallel_loop3A_576, %parallel_loop3A_586 : vector<16xi32>
      %parallel_loop3A_588 = arith.select %parallel_loop3A_585, %broadcast_in_dim3A_4, %broadcast_in_dim3A_6 : vector<16xi1>, vector<16xf32>
      %parallel_loop3A_589 = arith.select %ne3A_3, %parallel_loop3A_588, %parallel_loop3A_93 : vector<16xi1>, vector<16xf32>
      %parallel_loop3A_590 = arith.constant 18 : i32
      %parallel_loop3A_591 = vector.broadcast %parallel_loop3A_590 : i32 to vector<16xi32>
      tpu.vector_store_idx %arg6[%parallel_loop3A_382, %parallel_loop3A_591], %parallel_loop3A_589 : memref<256x32xf32, #tpu.memory_space<vmem>>[vector<16xi32>, vector<16xi32>], vector<16xf32>,
      %parallel_loop3A_592 = arith.cmpf oeq, %parallel_loop3A_97, %parallel_loop3A_369 : vector<16xf32>
      %parallel_loop3A_593 = arith.cmpi slt, %parallel_loop3A_587, %parallel_loop3A_380 : vector<16xi32>
      %parallel_loop3A_594 = arith.andi %parallel_loop3A_592, %parallel_loop3A_593 : vector<16xi1>
      %parallel_loop3A_595 = arith.cmpf ogt, %parallel_loop3A_97, %parallel_loop3A_369 : vector<16xf32>
      %parallel_loop3A_596 = arith.ori %parallel_loop3A_595, %parallel_loop3A_594 : vector<16xi1>
      %parallel_loop3A_597 = arith.select %parallel_loop3A_594, %broadcast_in_dim3A_8, %broadcast_in_dim3A_10 : vector<16xi1>, vector<16xi32>
      %parallel_loop3A_598 = arith.addi %parallel_loop3A_587, %parallel_loop3A_597 : vector<16xi32>
      %parallel_loop3A_599 = arith.select %parallel_loop3A_596, %broadcast_in_dim3A_4, %broadcast_in_dim3A_6 : vector<16xi1>, vector<16xf32>
      %parallel_loop3A_600 = arith.select %ne3A_3, %parallel_loop3A_599, %parallel_loop3A_97 : vector<16xi1>, vector<16xf32>
      %parallel_loop3A_601 = arith.constant 19 : i32
      %parallel_loop3A_602 = vector.broadcast %parallel_loop3A_601 : i32 to vector<16xi32>
      tpu.vector_store_idx %arg6[%parallel_loop3A_382, %parallel_loop3A_602], %parallel_loop3A_600 : memref<256x32xf32, #tpu.memory_space<vmem>>[vector<16xi32>, vector<16xi32>], vector<16xf32>,
      %parallel_loop3A_603 = arith.cmpf oeq, %parallel_loop3A_101, %parallel_loop3A_369 : vector<16xf32>
      %parallel_loop3A_604 = arith.cmpi slt, %parallel_loop3A_598, %parallel_loop3A_380 : vector<16xi32>
      %parallel_loop3A_605 = arith.andi %parallel_loop3A_603, %parallel_loop3A_604 : vector<16xi1>
      %parallel_loop3A_606 = arith.cmpf ogt, %parallel_loop3A_101, %parallel_loop3A_369 : vector<16xf32>
      %parallel_loop3A_607 = arith.ori %parallel_loop3A_606, %parallel_loop3A_605 : vector<16xi1>
      %parallel_loop3A_608 = arith.select %parallel_loop3A_605, %broadcast_in_dim3A_8, %broadcast_in_dim3A_10 : vector<16xi1>, vector<16xi32>
      %parallel_loop3A_609 = arith.addi %parallel_loop3A_598, %parallel_loop3A_608 : vector<16xi32>
      %parallel_loop3A_610 = arith.select %parallel_loop3A_607, %broadcast_in_dim3A_4, %broadcast_in_dim3A_6 : vector<16xi1>, vector<16xf32>
      %parallel_loop3A_611 = arith.select %ne3A_3, %parallel_loop3A_610, %parallel_loop3A_101 : vector<16xi1>, vector<16xf32>
      %parallel_loop3A_612 = arith.constant 20 : i32
      %parallel_loop3A_613 = vector.broadcast %parallel_loop3A_612 : i32 to vector<16xi32>
      tpu.vector_store_idx %arg6[%parallel_loop3A_382, %parallel_loop3A_613], %parallel_loop3A_611 : memref<256x32xf32, #tpu.memory_space<vmem>>[vector<16xi32>, vector<16xi32>], vector<16xf32>,
      %parallel_loop3A_614 = arith.cmpf oeq, %parallel_loop3A_105, %parallel_loop3A_369 : vector<16xf32>
      %parallel_loop3A_615 = arith.cmpi slt, %parallel_loop3A_609, %parallel_loop3A_380 : vector<16xi32>
      %parallel_loop3A_616 = arith.andi %parallel_loop3A_614, %parallel_loop3A_615 : vector<16xi1>
      %parallel_loop3A_617 = arith.cmpf ogt, %parallel_loop3A_105, %parallel_loop3A_369 : vector<16xf32>
      %parallel_loop3A_618 = arith.ori %parallel_loop3A_617, %parallel_loop3A_616 : vector<16xi1>
      %parallel_loop3A_619 = arith.select %parallel_loop3A_616, %broadcast_in_dim3A_8, %broadcast_in_dim3A_10 : vector<16xi1>, vector<16xi32>
      %parallel_loop3A_620 = arith.addi %parallel_loop3A_609, %parallel_loop3A_619 : vector<16xi32>
      %parallel_loop3A_621 = arith.select %parallel_loop3A_618, %broadcast_in_dim3A_4, %broadcast_in_dim3A_6 : vector<16xi1>, vector<16xf32>
      %parallel_loop3A_622 = arith.select %ne3A_3, %parallel_loop3A_621, %parallel_loop3A_105 : vector<16xi1>, vector<16xf32>
      %parallel_loop3A_623 = arith.constant 21 : i32
      %parallel_loop3A_624 = vector.broadcast %parallel_loop3A_623 : i32 to vector<16xi32>
      tpu.vector_store_idx %arg6[%parallel_loop3A_382, %parallel_loop3A_624], %parallel_loop3A_622 : memref<256x32xf32, #tpu.memory_space<vmem>>[vector<16xi32>, vector<16xi32>], vector<16xf32>,
      %parallel_loop3A_625 = arith.cmpf oeq, %parallel_loop3A_109, %parallel_loop3A_369 : vector<16xf32>
      %parallel_loop3A_626 = arith.cmpi slt, %parallel_loop3A_620, %parallel_loop3A_380 : vector<16xi32>
      %parallel_loop3A_627 = arith.andi %parallel_loop3A_625, %parallel_loop3A_626 : vector<16xi1>
      %parallel_loop3A_628 = arith.cmpf ogt, %parallel_loop3A_109, %parallel_loop3A_369 : vector<16xf32>
      %parallel_loop3A_629 = arith.ori %parallel_loop3A_628, %parallel_loop3A_627 : vector<16xi1>
      %parallel_loop3A_630 = arith.select %parallel_loop3A_627, %broadcast_in_dim3A_8, %broadcast_in_dim3A_10 : vector<16xi1>, vector<16xi32>
      %parallel_loop3A_631 = arith.addi %parallel_loop3A_620, %parallel_loop3A_630 : vector<16xi32>
      %parallel_loop3A_632 = arith.select %parallel_loop3A_629, %broadcast_in_dim3A_4, %broadcast_in_dim3A_6 : vector<16xi1>, vector<16xf32>
      %parallel_loop3A_633 = arith.select %ne3A_3, %parallel_loop3A_632, %parallel_loop3A_109 : vector<16xi1>, vector<16xf32>
      %parallel_loop3A_634 = arith.constant 22 : i32
      %parallel_loop3A_635 = vector.broadcast %parallel_loop3A_634 : i32 to vector<16xi32>
      tpu.vector_store_idx %arg6[%parallel_loop3A_382, %parallel_loop3A_635], %parallel_loop3A_633 : memref<256x32xf32, #tpu.memory_space<vmem>>[vector<16xi32>, vector<16xi32>], vector<16xf32>,
      %parallel_loop3A_636 = arith.cmpf oeq, %parallel_loop3A_113, %parallel_loop3A_369 : vector<16xf32>
      %parallel_loop3A_637 = arith.cmpi slt, %parallel_loop3A_631, %parallel_loop3A_380 : vector<16xi32>
      %parallel_loop3A_638 = arith.andi %parallel_loop3A_636, %parallel_loop3A_637 : vector<16xi1>
      %parallel_loop3A_639 = arith.cmpf ogt, %parallel_loop3A_113, %parallel_loop3A_369 : vector<16xf32>
      %parallel_loop3A_640 = arith.ori %parallel_loop3A_639, %parallel_loop3A_638 : vector<16xi1>
      %parallel_loop3A_641 = arith.select %parallel_loop3A_638, %broadcast_in_dim3A_8, %broadcast_in_dim3A_10 : vector<16xi1>, vector<16xi32>
      %parallel_loop3A_642 = arith.addi %parallel_loop3A_631, %parallel_loop3A_641 : vector<16xi32>
      %parallel_loop3A_643 = arith.select %parallel_loop3A_640, %broadcast_in_dim3A_4, %broadcast_in_dim3A_6 : vector<16xi1>, vector<16xf32>
      %parallel_loop3A_644 = arith.select %ne3A_3, %parallel_loop3A_643, %parallel_loop3A_113 : vector<16xi1>, vector<16xf32>
      %parallel_loop3A_645 = arith.constant 23 : i32
      %parallel_loop3A_646 = vector.broadcast %parallel_loop3A_645 : i32 to vector<16xi32>
      tpu.vector_store_idx %arg6[%parallel_loop3A_382, %parallel_loop3A_646], %parallel_loop3A_644 : memref<256x32xf32, #tpu.memory_space<vmem>>[vector<16xi32>, vector<16xi32>], vector<16xf32>,
      %parallel_loop3A_647 = arith.cmpf oeq, %parallel_loop3A_117, %parallel_loop3A_369 : vector<16xf32>
      %parallel_loop3A_648 = arith.cmpi slt, %parallel_loop3A_642, %parallel_loop3A_380 : vector<16xi32>
      %parallel_loop3A_649 = arith.andi %parallel_loop3A_647, %parallel_loop3A_648 : vector<16xi1>
      %parallel_loop3A_650 = arith.cmpf ogt, %parallel_loop3A_117, %parallel_loop3A_369 : vector<16xf32>
      %parallel_loop3A_651 = arith.ori %parallel_loop3A_650, %parallel_loop3A_649 : vector<16xi1>
      %parallel_loop3A_652 = arith.select %parallel_loop3A_649, %broadcast_in_dim3A_8, %broadcast_in_dim3A_10 : vector<16xi1>, vector<16xi32>
      %parallel_loop3A_653 = arith.addi %parallel_loop3A_642, %parallel_loop3A_652 : vector<16xi32>
      %parallel_loop3A_654 = arith.select %parallel_loop3A_651, %broadcast_in_dim3A_4, %broadcast_in_dim3A_6 : vector<16xi1>, vector<16xf32>
      %parallel_loop3A_655 = arith.select %ne3A_3, %parallel_loop3A_654, %parallel_loop3A_117 : vector<16xi1>, vector<16xf32>
      %parallel_loop3A_656 = arith.constant 24 : i32
      %parallel_loop3A_657 = vector.broadcast %parallel_loop3A_656 : i32 to vector<16xi32>
      tpu.vector_store_idx %arg6[%parallel_loop3A_382, %parallel_loop3A_657], %parallel_loop3A_655 : memref<256x32xf32, #tpu.memory_space<vmem>>[vector<16xi32>, vector<16xi32>], vector<16xf32>,
      %parallel_loop3A_658 = arith.cmpf oeq, %parallel_loop3A_121, %parallel_loop3A_369 : vector<16xf32>
      %parallel_loop3A_659 = arith.cmpi slt, %parallel_loop3A_653, %parallel_loop3A_380 : vector<16xi32>
      %parallel_loop3A_660 = arith.andi %parallel_loop3A_658, %parallel_loop3A_659 : vector<16xi1>
      %parallel_loop3A_661 = arith.cmpf ogt, %parallel_loop3A_121, %parallel_loop3A_369 : vector<16xf32>
      %parallel_loop3A_662 = arith.ori %parallel_loop3A_661, %parallel_loop3A_660 : vector<16xi1>
      %parallel_loop3A_663 = arith.select %parallel_loop3A_660, %broadcast_in_dim3A_8, %broadcast_in_dim3A_10 : vector<16xi1>, vector<16xi32>
      %parallel_loop3A_664 = arith.addi %parallel_loop3A_653, %parallel_loop3A_663 : vector<16xi32>
      %parallel_loop3A_665 = arith.select %parallel_loop3A_662, %broadcast_in_dim3A_4, %broadcast_in_dim3A_6 : vector<16xi1>, vector<16xf32>
      %parallel_loop3A_666 = arith.select %ne3A_3, %parallel_loop3A_665, %parallel_loop3A_121 : vector<16xi1>, vector<16xf32>
      %parallel_loop3A_667 = arith.constant 25 : i32
      %parallel_loop3A_668 = vector.broadcast %parallel_loop3A_667 : i32 to vector<16xi32>
      tpu.vector_store_idx %arg6[%parallel_loop3A_382, %parallel_loop3A_668], %parallel_loop3A_666 : memref<256x32xf32, #tpu.memory_space<vmem>>[vector<16xi32>, vector<16xi32>], vector<16xf32>,
      %parallel_loop3A_669 = arith.cmpf oeq, %parallel_loop3A_125, %parallel_loop3A_369 : vector<16xf32>
      %parallel_loop3A_670 = arith.cmpi slt, %parallel_loop3A_664, %parallel_loop3A_380 : vector<16xi32>
      %parallel_loop3A_671 = arith.andi %parallel_loop3A_669, %parallel_loop3A_670 : vector<16xi1>
      %parallel_loop3A_672 = arith.cmpf ogt, %parallel_loop3A_125, %parallel_loop3A_369 : vector<16xf32>
      %parallel_loop3A_673 = arith.ori %parallel_loop3A_672, %parallel_loop3A_671 : vector<16xi1>
      %parallel_loop3A_674 = arith.select %parallel_loop3A_671, %broadcast_in_dim3A_8, %broadcast_in_dim3A_10 : vector<16xi1>, vector<16xi32>
      %parallel_loop3A_675 = arith.addi %parallel_loop3A_664, %parallel_loop3A_674 : vector<16xi32>
      %parallel_loop3A_676 = arith.select %parallel_loop3A_673, %broadcast_in_dim3A_4, %broadcast_in_dim3A_6 : vector<16xi1>, vector<16xf32>
      %parallel_loop3A_677 = arith.select %ne3A_3, %parallel_loop3A_676, %parallel_loop3A_125 : vector<16xi1>, vector<16xf32>
      %parallel_loop3A_678 = arith.constant 26 : i32
      %parallel_loop3A_679 = vector.broadcast %parallel_loop3A_678 : i32 to vector<16xi32>
      tpu.vector_store_idx %arg6[%parallel_loop3A_382, %parallel_loop3A_679], %parallel_loop3A_677 : memref<256x32xf32, #tpu.memory_space<vmem>>[vector<16xi32>, vector<16xi32>], vector<16xf32>,
      %parallel_loop3A_680 = arith.cmpf oeq, %parallel_loop3A_129, %parallel_loop3A_369 : vector<16xf32>
      %parallel_loop3A_681 = arith.cmpi slt, %parallel_loop3A_675, %parallel_loop3A_380 : vector<16xi32>
      %parallel_loop3A_682 = arith.andi %parallel_loop3A_680, %parallel_loop3A_681 : vector<16xi1>
      %parallel_loop3A_683 = arith.cmpf ogt, %parallel_loop3A_129, %parallel_loop3A_369 : vector<16xf32>
      %parallel_loop3A_684 = arith.ori %parallel_loop3A_683, %parallel_loop3A_682 : vector<16xi1>
      %parallel_loop3A_685 = arith.select %parallel_loop3A_682, %broadcast_in_dim3A_8, %broadcast_in_dim3A_10 : vector<16xi1>, vector<16xi32>
      %parallel_loop3A_686 = arith.addi %parallel_loop3A_675, %parallel_loop3A_685 : vector<16xi32>
      %parallel_loop3A_687 = arith.select %parallel_loop3A_684, %broadcast_in_dim3A_4, %broadcast_in_dim3A_6 : vector<16xi1>, vector<16xf32>
      %parallel_loop3A_688 = arith.select %ne3A_3, %parallel_loop3A_687, %parallel_loop3A_129 : vector<16xi1>, vector<16xf32>
      %parallel_loop3A_689 = arith.constant 27 : i32
      %parallel_loop3A_690 = vector.broadcast %parallel_loop3A_689 : i32 to vector<16xi32>
      tpu.vector_store_idx %arg6[%parallel_loop3A_382, %parallel_loop3A_690], %parallel_loop3A_688 : memref<256x32xf32, #tpu.memory_space<vmem>>[vector<16xi32>, vector<16xi32>], vector<16xf32>,
      %parallel_loop3A_691 = arith.cmpf oeq, %parallel_loop3A_133, %parallel_loop3A_369 : vector<16xf32>
      %parallel_loop3A_692 = arith.cmpi slt, %parallel_loop3A_686, %parallel_loop3A_380 : vector<16xi32>
      %parallel_loop3A_693 = arith.andi %parallel_loop3A_691, %parallel_loop3A_692 : vector<16xi1>
      %parallel_loop3A_694 = arith.cmpf ogt, %parallel_loop3A_133, %parallel_loop3A_369 : vector<16xf32>
      %parallel_loop3A_695 = arith.ori %parallel_loop3A_694, %parallel_loop3A_693 : vector<16xi1>
      %parallel_loop3A_696 = arith.select %parallel_loop3A_693, %broadcast_in_dim3A_8, %broadcast_in_dim3A_10 : vector<16xi1>, vector<16xi32>
      %parallel_loop3A_697 = arith.addi %parallel_loop3A_686, %parallel_loop3A_696 : vector<16xi32>
      %parallel_loop3A_698 = arith.select %parallel_loop3A_695, %broadcast_in_dim3A_4, %broadcast_in_dim3A_6 : vector<16xi1>, vector<16xf32>
      %parallel_loop3A_699 = arith.select %ne3A_3, %parallel_loop3A_698, %parallel_loop3A_133 : vector<16xi1>, vector<16xf32>
      %parallel_loop3A_700 = arith.constant 28 : i32
      %parallel_loop3A_701 = vector.broadcast %parallel_loop3A_700 : i32 to vector<16xi32>
      tpu.vector_store_idx %arg6[%parallel_loop3A_382, %parallel_loop3A_701], %parallel_loop3A_699 : memref<256x32xf32, #tpu.memory_space<vmem>>[vector<16xi32>, vector<16xi32>], vector<16xf32>,
      %parallel_loop3A_702 = arith.cmpf oeq, %parallel_loop3A_137, %parallel_loop3A_369 : vector<16xf32>
      %parallel_loop3A_703 = arith.cmpi slt, %parallel_loop3A_697, %parallel_loop3A_380 : vector<16xi32>
      %parallel_loop3A_704 = arith.andi %parallel_loop3A_702, %parallel_loop3A_703 : vector<16xi1>
      %parallel_loop3A_705 = arith.cmpf ogt, %parallel_loop3A_137, %parallel_loop3A_369 : vector<16xf32>
      %parallel_loop3A_706 = arith.ori %parallel_loop3A_705, %parallel_loop3A_704 : vector<16xi1>
      %parallel_loop3A_707 = arith.select %parallel_loop3A_704, %broadcast_in_dim3A_8, %broadcast_in_dim3A_10 : vector<16xi1>, vector<16xi32>
      %parallel_loop3A_708 = arith.addi %parallel_loop3A_697, %parallel_loop3A_707 : vector<16xi32>
      %parallel_loop3A_709 = arith.select %parallel_loop3A_706, %broadcast_in_dim3A_4, %broadcast_in_dim3A_6 : vector<16xi1>, vector<16xf32>
      %parallel_loop3A_710 = arith.select %ne3A_3, %parallel_loop3A_709, %parallel_loop3A_137 : vector<16xi1>, vector<16xf32>
      %parallel_loop3A_711 = arith.constant 29 : i32
      %parallel_loop3A_712 = vector.broadcast %parallel_loop3A_711 : i32 to vector<16xi32>
      tpu.vector_store_idx %arg6[%parallel_loop3A_382, %parallel_loop3A_712], %parallel_loop3A_710 : memref<256x32xf32, #tpu.memory_space<vmem>>[vector<16xi32>, vector<16xi32>], vector<16xf32>,
      %parallel_loop3A_713 = arith.cmpf oeq, %parallel_loop3A_141, %parallel_loop3A_369 : vector<16xf32>
      %parallel_loop3A_714 = arith.cmpi slt, %parallel_loop3A_708, %parallel_loop3A_380 : vector<16xi32>
      %parallel_loop3A_715 = arith.andi %parallel_loop3A_713, %parallel_loop3A_714 : vector<16xi1>
      %parallel_loop3A_716 = arith.cmpf ogt, %parallel_loop3A_141, %parallel_loop3A_369 : vector<16xf32>
      %parallel_loop3A_717 = arith.ori %parallel_loop3A_716, %parallel_loop3A_715 : vector<16xi1>
      %parallel_loop3A_718 = arith.select %parallel_loop3A_715, %broadcast_in_dim3A_8, %broadcast_in_dim3A_10 : vector<16xi1>, vector<16xi32>
      %parallel_loop3A_719 = arith.addi %parallel_loop3A_708, %parallel_loop3A_718 : vector<16xi32>
      %parallel_loop3A_720 = arith.select %parallel_loop3A_717, %broadcast_in_dim3A_4, %broadcast_in_dim3A_6 : vector<16xi1>, vector<16xf32>
      %parallel_loop3A_721 = arith.select %ne3A_3, %parallel_loop3A_720, %parallel_loop3A_141 : vector<16xi1>, vector<16xf32>
      %parallel_loop3A_722 = arith.constant 30 : i32
      %parallel_loop3A_723 = vector.broadcast %parallel_loop3A_722 : i32 to vector<16xi32>
      tpu.vector_store_idx %arg6[%parallel_loop3A_382, %parallel_loop3A_723], %parallel_loop3A_721 : memref<256x32xf32, #tpu.memory_space<vmem>>[vector<16xi32>, vector<16xi32>], vector<16xf32>,
      %parallel_loop3A_724 = arith.cmpf oeq, %parallel_loop3A_145, %parallel_loop3A_369 : vector<16xf32>
      %parallel_loop3A_725 = arith.cmpi slt, %parallel_loop3A_719, %parallel_loop3A_380 : vector<16xi32>
      %parallel_loop3A_726 = arith.andi %parallel_loop3A_724, %parallel_loop3A_725 : vector<16xi1>
      %parallel_loop3A_727 = arith.cmpf ogt, %parallel_loop3A_145, %parallel_loop3A_369 : vector<16xf32>
      %parallel_loop3A_728 = arith.ori %parallel_loop3A_727, %parallel_loop3A_726 : vector<16xi1>
      %parallel_loop3A_729 = arith.select %parallel_loop3A_726, %broadcast_in_dim3A_8, %broadcast_in_dim3A_10 : vector<16xi1>, vector<16xi32>
      %parallel_loop3A_730 = arith.addi %parallel_loop3A_719, %parallel_loop3A_729 : vector<16xi32>
      %parallel_loop3A_731 = arith.select %parallel_loop3A_728, %broadcast_in_dim3A_4, %broadcast_in_dim3A_6 : vector<16xi1>, vector<16xf32>
      %parallel_loop3A_732 = arith.select %ne3A_3, %parallel_loop3A_731, %parallel_loop3A_145 : vector<16xi1>, vector<16xf32>
      %parallel_loop3A_733 = arith.constant 31 : i32
      %parallel_loop3A_734 = vector.broadcast %parallel_loop3A_733 : i32 to vector<16xi32>
      tpu.vector_store_idx %arg6[%parallel_loop3A_382, %parallel_loop3A_734], %parallel_loop3A_732 : memref<256x32xf32, #tpu.memory_space<vmem>>[vector<16xi32>, vector<16xi32>], vector<16xf32>,
    } {sc.loop_unroll_factor = 2 : i64, sc.parallel_access}
    %mul3A_15 = arith.constant 256 : i32
    %mul3A_16 = arith.muli %add3A, %mul3A_15 : i32
    "tpu.region"() ({
      %run_scoped3A = tpu.sem_alloc : memref<!tpu.dma_semaphore, #tpu.memory_space<semaphore_mem>>
      %dma_start3A = arith.constant 0 : i32
      %dma_start3A_17 = tpu.memref_slice %arg4[%mul3A_16, %dma_start3A] : memref<8192x32xf32, #tpu.memory_space<hbm>> -> memref<256x32xf32, #tpu.memory_space<hbm>>
      %dma_start3A_18 = arith.constant 0 : i32
      %dma_start3A_19 = tpu.memref_slice %arg4[%mul3A_16, %dma_start3A_18] : memref<8192x32xf32, #tpu.memory_space<hbm>> -> memref<256x32xf32, #tpu.memory_space<hbm>>
      tpu.enqueue_dma source(%arg6 : memref<256x32xf32, #tpu.memory_space<vmem>>) target(%dma_start3A_19 : memref<256x32xf32, #tpu.memory_space<hbm>>) target_semaphore(%run_scoped3A : memref<!tpu.dma_semaphore, #tpu.memory_space<semaphore_mem>>)
      %dma_wait3A = arith.constant 0 : i32
      %dma_wait3A_20 = tpu.memref_slice %arg4[%mul3A_16, %dma_wait3A] : memref<8192x32xf32, #tpu.memory_space<hbm>> -> memref<256x32xf32, #tpu.memory_space<hbm>>
      %dma_wait3A_21 = arith.constant 0 : i32
      %dma_wait3A_22 = tpu.memref_slice %arg4[%mul3A_16, %dma_wait3A_21] : memref<8192x32xf32, #tpu.memory_space<hbm>> -> memref<256x32xf32, #tpu.memory_space<hbm>>
      tpu.wait_dma2 semaphore(%run_scoped3A : memref<!tpu.dma_semaphore, #tpu.memory_space<semaphore_mem>>) src(%arg6 : memref<256x32xf32, #tpu.memory_space<vmem>>) dst(%dma_wait3A_22 : memref<256x32xf32, #tpu.memory_space<hbm>>)
      tpu.yield
    }) : () -> ()
    return
  }
}

module attributes {stable_mosaic.version = 14 : i64} {
  func.func @_tc_scores_kernel(%arg0: i32, %arg1: memref<1024x4096xf32, #tpu.memory_space<vmem>>, %arg2: memref<32x4096xf32, #tpu.memory_space<vmem>>, %arg3: memref<1x32xf32, #tpu.memory_space<vmem>>, %arg4: memref<4x32x256xf32, #tpu.memory_space<vmem>>) attributes {dimension_semantics = [#tpu.dimension_semantics<arbitrary>], iteration_bounds = array<i64: 8>, scalar_prefetch = 0 : i64, scratch_operands = 0 : i64, tpu.core_type = #tpu.core_type<tc>, window_params = [{transform_indices = @transform_0, window_bounds = array<i64: 1024, 4096>}, {pipeline_mode = #tpu.pipeline_mode<synchronous>, transform_indices = @transform_1, window_bounds = array<i64: 32, 4096>}, {pipeline_mode = #tpu.pipeline_mode<synchronous>, transform_indices = @transform_2, window_bounds = array<i64: 1, 32>}, {transform_indices = @transform_3, window_bounds = array<i64: 4, 32, 256>}]} {
    %get3A = arith.constant 0 : index
    %get3A_0 = arith.constant 0 : index
    %get3A_1 = vector.load %arg1[%get3A, %get3A_0] : memref<1024x4096xf32, #tpu.memory_space<vmem>>, vector<1024x4096xf32>
    %get3A_2 = arith.constant 0 : index
    %get3A_3 = arith.constant 0 : index
    %get3A_4 = vector.load %arg2[%get3A_2, %get3A_3] : memref<32x4096xf32, #tpu.memory_space<vmem>>, vector<32x4096xf32>
    %dot_general3A = arith.constant dense<0.000000e+00> : vector<1024x32xf32>
    %dot_general3A_5 = tpu.matmul %get3A_1, %get3A_4, %dot_general3A {dimension_numbers = #tpu.dot_dimension_numbers<[1], [1], [0], [0], [0, 0, 1, 0], [], []>, transpose_lhs_hint = false} : vector<1024x4096xf32>, vector<32x4096xf32>, vector<1024x32xf32> -> vector<1024x32xf32>
    %get3A_6 = arith.constant 0 : index
    %get3A_7 = arith.constant 0 : index
    %get3A_8 = vector.load %arg3[%get3A_6, %get3A_7] : memref<1x32xf32, #tpu.memory_space<vmem>>, vector<1x32xf32>
    %add3A = vector.broadcast %get3A_8 : vector<1x32xf32> to vector<1024x32xf32>
    %add3A_9 = arith.addf %dot_general3A_5, %add3A : vector<1024x32xf32>
    %logistic3A = arith.negf %add3A_9 : vector<1024x32xf32>
    %logistic3A_10 = math.exp %logistic3A : vector<1024x32xf32>
    %logistic3A_11 = arith.constant 1.000000e+00 : f32
    %logistic3A_12 = vector.broadcast %logistic3A_11 : f32 to vector<1024x32xf32>
    %logistic3A_13 = arith.addf %logistic3A_12, %logistic3A_10 : vector<1024x32xf32>
    %logistic3A_14 = arith.divf %logistic3A_12, %logistic3A_13 : vector<1024x32xf32>
    %transpose3A = tpu.transpose %logistic3A_14, [1, 0] : vector<1024x32xf32> -> vector<32x1024xf32>
    %slice3A = vector.extract_strided_slice %transpose3A {offsets = [0, 0], sizes = [32, 256], strides = [1, 1]} : vector<32x1024xf32> to vector<32x256xf32>
    %swap3A = arith.constant 0 : index
    %swap3A_15 = arith.constant 0 : index
    %swap3A_16 = arith.constant 0 : index
    %swap3A_17 = vector.load %arg4[%swap3A, %swap3A_15, %swap3A_16] : memref<4x32x256xf32, #tpu.memory_space<vmem>>, vector<1x32x256xf32>
    %swap3A_18 = vector.shape_cast %swap3A_17 : vector<1x32x256xf32> to vector<32x256xf32>
    %swap3A_19 = vector.shape_cast %slice3A : vector<32x256xf32> to vector<1x32x256xf32>
    tpu.vector_store %arg4[%swap3A, %swap3A_15, %swap3A_16], %swap3A_19 {strides = array<i32>} : memref<4x32x256xf32, #tpu.memory_space<vmem>>, vector<1x32x256xf32>,
    %slice3A_20 = vector.extract_strided_slice %transpose3A {offsets = [0, 256], sizes = [32, 256], strides = [1, 1]} : vector<32x1024xf32> to vector<32x256xf32>
    %swap3A_21 = arith.constant 1 : index
    %swap3A_22 = arith.constant 0 : index
    %swap3A_23 = arith.constant 0 : index
    %swap3A_24 = vector.load %arg4[%swap3A_21, %swap3A_22, %swap3A_23] : memref<4x32x256xf32, #tpu.memory_space<vmem>>, vector<1x32x256xf32>
    %swap3A_25 = vector.shape_cast %swap3A_24 : vector<1x32x256xf32> to vector<32x256xf32>
    %swap3A_26 = vector.shape_cast %slice3A_20 : vector<32x256xf32> to vector<1x32x256xf32>
    tpu.vector_store %arg4[%swap3A_21, %swap3A_22, %swap3A_23], %swap3A_26 {strides = array<i32>} : memref<4x32x256xf32, #tpu.memory_space<vmem>>, vector<1x32x256xf32>,
    %slice3A_27 = vector.extract_strided_slice %transpose3A {offsets = [0, 512], sizes = [32, 256], strides = [1, 1]} : vector<32x1024xf32> to vector<32x256xf32>
    %swap3A_28 = arith.constant 2 : index
    %swap3A_29 = arith.constant 0 : index
    %swap3A_30 = arith.constant 0 : index
    %swap3A_31 = vector.load %arg4[%swap3A_28, %swap3A_29, %swap3A_30] : memref<4x32x256xf32, #tpu.memory_space<vmem>>, vector<1x32x256xf32>
    %swap3A_32 = vector.shape_cast %swap3A_31 : vector<1x32x256xf32> to vector<32x256xf32>
    %swap3A_33 = vector.shape_cast %slice3A_27 : vector<32x256xf32> to vector<1x32x256xf32>
    tpu.vector_store %arg4[%swap3A_28, %swap3A_29, %swap3A_30], %swap3A_33 {strides = array<i32>} : memref<4x32x256xf32, #tpu.memory_space<vmem>>, vector<1x32x256xf32>,
    %slice3A_34 = vector.extract_strided_slice %transpose3A {offsets = [0, 768], sizes = [32, 256], strides = [1, 1]} : vector<32x1024xf32> to vector<32x256xf32>
    %swap3A_35 = arith.constant 3 : index
    %swap3A_36 = arith.constant 0 : index
    %swap3A_37 = arith.constant 0 : index
    %swap3A_38 = vector.load %arg4[%swap3A_35, %swap3A_36, %swap3A_37] : memref<4x32x256xf32, #tpu.memory_space<vmem>>, vector<1x32x256xf32>
    %swap3A_39 = vector.shape_cast %swap3A_38 : vector<1x32x256xf32> to vector<32x256xf32>
    %swap3A_40 = vector.shape_cast %slice3A_34 : vector<32x256xf32> to vector<1x32x256xf32>
    tpu.vector_store %arg4[%swap3A_35, %swap3A_36, %swap3A_37], %swap3A_40 {strides = array<i32>} : memref<4x32x256xf32, #tpu.memory_space<vmem>>, vector<1x32x256xf32>,
    return
  }
  func.func @transform_0(%arg0: i32) -> (i32, i32) {
    %add3A = arith.constant 0 : i32
    %add3A_0 = arith.addi %add3A, %arg0 : i32
    %c0_i32 = arith.constant 0 : i32
    %c0_i32_1 = arith.constant 0 : i32
    return %add3A_0, %c0_i32 : i32, i32
  }
  func.func @transform_1(%arg0: i32) -> (i32, i32) {
    %c0_i32 = arith.constant 0 : i32
    %c0_i32_0 = arith.constant 0 : i32
    %c0_i32_1 = arith.constant 0 : i32
    return %c0_i32, %c0_i32_0 : i32, i32
  }
  func.func @transform_2(%arg0: i32) -> (i32, i32) {
    %c0_i32 = arith.constant 0 : i32
    %c0_i32_0 = arith.constant 0 : i32
    %c0_i32_1 = arith.constant 0 : i32
    return %c0_i32, %c0_i32_0 : i32, i32
  }
  func.func @transform_3(%arg0: i32) -> (i32, i32, i32) {
    %c0_i32 = arith.constant 0 : i32
    %c0_i32_0 = arith.constant 0 : i32
    %c0_i32_1 = arith.constant 0 : i32
    return %arg0, %c0_i32, %c0_i32_0 : i32, i32, i32
  }
}

module attributes {stable_mosaic.version = 14 : i64} {
  func.func @_tc_scores_kernel(%arg0: i32, %arg1: memref<1024x4096xf32, #tpu.memory_space<vmem>>, %arg2: memref<32x4096xf32, #tpu.memory_space<vmem>>, %arg3: memref<1x32xf32, #tpu.memory_space<vmem>>, %arg4: memref<4x32x256xf32, #tpu.memory_space<vmem>>) attributes {dimension_semantics = [#tpu.dimension_semantics<arbitrary>], iteration_bounds = array<i64: 8>, scalar_prefetch = 0 : i64, scratch_operands = 0 : i64, tpu.core_type = #tpu.core_type<tc>, window_params = [{transform_indices = @transform_0, window_bounds = array<i64: 1024, 4096>}, {pipeline_mode = #tpu.pipeline_mode<synchronous>, transform_indices = @transform_1, window_bounds = array<i64: 32, 4096>}, {pipeline_mode = #tpu.pipeline_mode<synchronous>, transform_indices = @transform_2, window_bounds = array<i64: 1, 32>}, {transform_indices = @transform_3, window_bounds = array<i64: 4, 32, 256>}]} {
    %get3A = arith.constant 0 : index
    %get3A_0 = arith.constant 0 : index
    %get3A_1 = vector.load %arg1[%get3A, %get3A_0] : memref<1024x4096xf32, #tpu.memory_space<vmem>>, vector<1024x4096xf32>
    %get3A_2 = arith.constant 0 : index
    %get3A_3 = arith.constant 0 : index
    %get3A_4 = vector.load %arg2[%get3A_2, %get3A_3] : memref<32x4096xf32, #tpu.memory_space<vmem>>, vector<32x4096xf32>
    %dot_general3A = arith.constant dense<0.000000e+00> : vector<1024x32xf32>
    %dot_general3A_5 = tpu.matmul %get3A_1, %get3A_4, %dot_general3A {dimension_numbers = #tpu.dot_dimension_numbers<[1], [1], [0], [0], [0, 0, 1, 0], [], []>, transpose_lhs_hint = false} : vector<1024x4096xf32>, vector<32x4096xf32>, vector<1024x32xf32> -> vector<1024x32xf32>
    %get3A_6 = arith.constant 0 : index
    %get3A_7 = arith.constant 0 : index
    %get3A_8 = vector.load %arg3[%get3A_6, %get3A_7] : memref<1x32xf32, #tpu.memory_space<vmem>>, vector<1x32xf32>
    %add3A = vector.broadcast %get3A_8 : vector<1x32xf32> to vector<1024x32xf32>
    %add3A_9 = arith.addf %dot_general3A_5, %add3A : vector<1024x32xf32>
    %logistic3A = arith.negf %add3A_9 : vector<1024x32xf32>
    %logistic3A_10 = math.exp %logistic3A : vector<1024x32xf32>
    %logistic3A_11 = arith.constant 1.000000e+00 : f32
    %logistic3A_12 = vector.broadcast %logistic3A_11 : f32 to vector<1024x32xf32>
    %logistic3A_13 = arith.addf %logistic3A_12, %logistic3A_10 : vector<1024x32xf32>
    %logistic3A_14 = arith.divf %logistic3A_12, %logistic3A_13 : vector<1024x32xf32>
    %transpose3A = tpu.transpose %logistic3A_14, [1, 0] : vector<1024x32xf32> -> vector<32x1024xf32>
    %slice3A = vector.extract_strided_slice %transpose3A {offsets = [0, 0], sizes = [32, 256], strides = [1, 1]} : vector<32x1024xf32> to vector<32x256xf32>
    %swap3A = arith.constant 0 : index
    %swap3A_15 = arith.constant 0 : index
    %swap3A_16 = arith.constant 0 : index
    %swap3A_17 = vector.load %arg4[%swap3A, %swap3A_15, %swap3A_16] : memref<4x32x256xf32, #tpu.memory_space<vmem>>, vector<1x32x256xf32>
    %swap3A_18 = vector.shape_cast %swap3A_17 : vector<1x32x256xf32> to vector<32x256xf32>
    %swap3A_19 = vector.shape_cast %slice3A : vector<32x256xf32> to vector<1x32x256xf32>
    tpu.vector_store %arg4[%swap3A, %swap3A_15, %swap3A_16], %swap3A_19 {strides = array<i32>} : memref<4x32x256xf32, #tpu.memory_space<vmem>>, vector<1x32x256xf32>,
    %slice3A_20 = vector.extract_strided_slice %transpose3A {offsets = [0, 256], sizes = [32, 256], strides = [1, 1]} : vector<32x1024xf32> to vector<32x256xf32>
    %swap3A_21 = arith.constant 1 : index
    %swap3A_22 = arith.constant 0 : index
    %swap3A_23 = arith.constant 0 : index
    %swap3A_24 = vector.load %arg4[%swap3A_21, %swap3A_22, %swap3A_23] : memref<4x32x256xf32, #tpu.memory_space<vmem>>, vector<1x32x256xf32>
    %swap3A_25 = vector.shape_cast %swap3A_24 : vector<1x32x256xf32> to vector<32x256xf32>
    %swap3A_26 = vector.shape_cast %slice3A_20 : vector<32x256xf32> to vector<1x32x256xf32>
    tpu.vector_store %arg4[%swap3A_21, %swap3A_22, %swap3A_23], %swap3A_26 {strides = array<i32>} : memref<4x32x256xf32, #tpu.memory_space<vmem>>, vector<1x32x256xf32>,
    %slice3A_27 = vector.extract_strided_slice %transpose3A {offsets = [0, 512], sizes = [32, 256], strides = [1, 1]} : vector<32x1024xf32> to vector<32x256xf32>
    %swap3A_28 = arith.constant 2 : index
    %swap3A_29 = arith.constant 0 : index
    %swap3A_30 = arith.constant 0 : index
    %swap3A_31 = vector.load %arg4[%swap3A_28, %swap3A_29, %swap3A_30] : memref<4x32x256xf32, #tpu.memory_space<vmem>>, vector<1x32x256xf32>
    %swap3A_32 = vector.shape_cast %swap3A_31 : vector<1x32x256xf32> to vector<32x256xf32>
    %swap3A_33 = vector.shape_cast %slice3A_27 : vector<32x256xf32> to vector<1x32x256xf32>
    tpu.vector_store %arg4[%swap3A_28, %swap3A_29, %swap3A_30], %swap3A_33 {strides = array<i32>} : memref<4x32x256xf32, #tpu.memory_space<vmem>>, vector<1x32x256xf32>,
    %slice3A_34 = vector.extract_strided_slice %transpose3A {offsets = [0, 768], sizes = [32, 256], strides = [1, 1]} : vector<32x1024xf32> to vector<32x256xf32>
    %swap3A_35 = arith.constant 3 : index
    %swap3A_36 = arith.constant 0 : index
    %swap3A_37 = arith.constant 0 : index
    %swap3A_38 = vector.load %arg4[%swap3A_35, %swap3A_36, %swap3A_37] : memref<4x32x256xf32, #tpu.memory_space<vmem>>, vector<1x32x256xf32>
    %swap3A_39 = vector.shape_cast %swap3A_38 : vector<1x32x256xf32> to vector<32x256xf32>
    %swap3A_40 = vector.shape_cast %slice3A_34 : vector<32x256xf32> to vector<1x32x256xf32>
    tpu.vector_store %arg4[%swap3A_35, %swap3A_36, %swap3A_37], %swap3A_40 {strides = array<i32>} : memref<4x32x256xf32, #tpu.memory_space<vmem>>, vector<1x32x256xf32>,
    return
  }
  func.func @transform_0(%arg0: i32) -> (i32, i32) {
    %add3A = arith.constant 8 : i32
    %add3A_0 = arith.addi %add3A, %arg0 : i32
    %c0_i32 = arith.constant 0 : i32
    %c0_i32_1 = arith.constant 0 : i32
    return %add3A_0, %c0_i32 : i32, i32
  }
  func.func @transform_1(%arg0: i32) -> (i32, i32) {
    %c0_i32 = arith.constant 0 : i32
    %c0_i32_0 = arith.constant 0 : i32
    %c0_i32_1 = arith.constant 0 : i32
    return %c0_i32, %c0_i32_0 : i32, i32
  }
  func.func @transform_2(%arg0: i32) -> (i32, i32) {
    %c0_i32 = arith.constant 0 : i32
    %c0_i32_0 = arith.constant 0 : i32
    %c0_i32_1 = arith.constant 0 : i32
    return %c0_i32, %c0_i32_0 : i32, i32
  }
  func.func @transform_3(%arg0: i32) -> (i32, i32, i32) {
    %c0_i32 = arith.constant 0 : i32
    %c0_i32_0 = arith.constant 0 : i32
    %c0_i32_1 = arith.constant 0 : i32
    return %arg0, %c0_i32, %c0_i32_0 : i32, i32, i32
  }
}

</mosaic_0001>

<sc_bundles>
// kernel: kernel.6.cloned.1.call-start
scs
__scs_entry_jumppad:
0x0: {  	(pc) =	sbr.rel $0x88, $3  }
0x1: {  	(tag) =	ssettag $0x0;
	lr =	simm.s32 $0x1  }
0x2: {  	[smem:$0x3F9D] =	sst lr;
	_ =	strace $0xD0000000  }
0x3: {  	_ = 	snop  }
0x4: {  	_ = 	snop  }
0x5: {  	_ = 	snop  }
0x6: {  	_ = 	snop  }
0x7: {  	_ = 	snop  }
__scs_overlays_trampoline_lowered:
0x8: {  	[smem:$0x3FAC] =	sst s0  }
0x9: {  	[smem:$0x3FAD] =	sst s1  }
0xa: {  	[smem:$0x3FAE] =	sst s2  }
0xb: {  	[smem:$0x3FAF] =	sst s3  }
0xc: {  	[smem:$0x3FB0] =	sst s4  }
0xd: {  	[smem:$0x3FB1] =	sst s5  }
0xe: {  	[smem:$0x3FB2] =	sst s6  }
0xf: {  	[smem:$0x3FB3] =	sst s7  }
0x10: {  	[smem:$0x3FB4] =	sst s8  }
0x11: {  	[smem:$0x3FB5] =	sst s9;
	s0 =	simm.s32 @!p0 $0x0  }
0x12: {  	s1 =	sld [smem:$0x3F9B];
	s0 =	simm.s32 @p0 $0x1  }
0x13: {  	[smem:$0x3FB6] =	sst s0;
	s0 =	simm.s32 @!p1 $0x0  }
0x14: {  	s2 =	sld [smem:$0x3F9A];
	s0 =	simm.s32 @p1 $0x1  }
0x15: {  	[smem:$0x3FB7] =	sst s0;
	s0 =	simm.s32 @!p2 $0x0  }
0x16: {  	s3 =	sld [smem:$0x3FDB];
	s0 =	simm.s32 @p2 $0x1  }
0x17: {  	s4 =	simm.s32 $0x1BF5;
	[smem:$0x3FB9] =	sst s0  }
0x18: {  	s0 =	sld [smem:$0x3F9C];
	_ =	swait.ge [sflag:s4], $0x0  }
0x19: {  	s7 =	sld [smem:$0x3F9D]  }
0x1a: {  	s8 =	sadd.s32 $0xFFFFE003, lr  }
0x1b: {  	s9 =	sadd.s32 $0xFFFFFEF7, lr;
	s5 =	simm.s32 $0xFFFFFFFF;
	p2 =	slt.u32 s8, $0xFFFFF086  }
0x1c: {  	p1 =	slt.u32 s9, $0xF7A;
	s5 =	simm.s32 @!p2 $0x0  }
0x1d: {  	s5 =	simm.s32 @p1 $0x1;
	p0 =	seq.s32 s7, s2  }
0x1e: {  	s7 =	smul.u32 @!p0 $0xF7A, s2;
	p2 =	seq.s32 @!p0 s5, $0x0  }
0x1f: {  	s9 =	smul.u32 $0xF7A, s1;
	s8 =	simm.s32 @!p0 $0x1BF5;
	p2 =	por !p2, p0  }
0x20: {  	[sflag:s8] =	ssyncset.s32 @!p0 $0xFFFFF086;
	s6 =	sadd.s32 @!p0 s3, s7;
	s7 =	simm.s32 @!p0 $0x108  }
0x21: {  	s3 =	sadd.s32 s3, s9;
	s6 =	sadd.s32 @!p0 $0x88, s6;
	s7 =	simm.s32 @p2 $0x1082  }
0x22: {  	[simem:s7], [sflag:s8] =	dma.local @!p0 [hbm:s6], $0xF7A  }
0x23: {  	s9 =	sor.u32 $0xD0000000, s2;
	s6 =	simm.s32 $0x108;
	_ =	swait.ge @!p0 [sflag:s8], $0x0  }
0x24: {  	s3 =	sadd.s32 $0x88, s3;
	s6 =	simm.s32 @!p1 $0x1082;
	[sflag:s4] =	ssyncset.s32 $0xFFFFF086  }
0x25: {  	[simem:s6], [sflag:s4] =	dma.local [hbm:s3], $0xF7A  }
0x26: {  	[smem:$0x3F9D] =	sst s1;
	(tag) =	ssettag s2;
	_ =	strace s9  }
0x27: {  	s1 =	sld [smem:$0x3FAD]  }
0x28: {  	s2 =	sld [smem:$0x3FAE]  }
0x29: {  	s4 =	sld [smem:$0x3FB0]  }
0x2a: {  	p0 =	seq.s32 s5, $0x0;
	s5 =	sld [smem:$0x3FB1]  }
0x2b: {  	s6 =	sld [smem:$0x3FB2]  }
0x2c: {  	s7 =	sld [smem:$0x3FB3]  }
0x2d: {  	s3 =	simm.s32 $0x108;
	s8 =	sld [smem:$0x3FB4]  }
0x2e: {  	s3 =	simm.s32 @!p0 $0x1082;
	s9 =	sld [smem:$0x3FB5]  }
0x2f: {  	lr =	sadd.s32 s0, s3;
	s0 =	sld [smem:$0x3FAC]  }
0x30: {  	s3 =	sld [smem:$0x3FAF]  }
0x31: {  	[smem:$0x3FB8] =	sst s10  }
0x32: {  	s10 =	sld [smem:$0x3FB6];
	_ =	sdelay $0x3  }
0x33: {  	p0 =	seq.s32 s10, $0x1;
	s10 =	sld [smem:$0x3FB8];
	_ =	sdelay $0x3  }
0x34: {  	[smem:$0x3FB8] =	sst s10  }
0x35: {  	s10 =	sld [smem:$0x3FB7];
	_ =	sdelay $0x3  }
0x36: {  	p1 =	seq.s32 s10, $0x1;
	s10 =	sld [smem:$0x3FB8];
	_ =	sdelay $0x3  }
0x37: {  	[smem:$0x3FB8] =	sst s10  }
0x38: {  	s10 =	sld [smem:$0x3FB9]  }
0x39: {  	_ = 	snop;
	(pc) =	sbr.ind lr, $3  }
0x3a: {  	_ = 	snop  }
0x3b: {  	_ = 	snop  }
0x3c: {  	p2 =	seq.s32 s10, $0x1;
	s10 =	sld [smem:$0x3FB8]  }
0x3d: {  	_ =	shalt  }
0x3e: {  	_ =	shalt  }
0x3f: {  	_ =	shalt  }
0x40: {  	_ =	shalt  }
0x41: {  	_ =	shalt  }
0x42: {  	_ =	shalt  }
0x43: {  	_ =	shalt  }
0x44: {  	_ =	shalt  }
0x45: {  	_ =	shalt  }
0x46: {  	_ =	shalt  }
0x47: {  	_ =	shalt  }
0x48: {  	_ =	shalt  }
0x49: {  	_ =	shalt  }
0x4a: {  	_ =	shalt  }
0x4b: {  	_ =	shalt  }
0x4c: {  	_ =	shalt  }
0x4d: {  	_ =	shalt  }
0x4e: {  	_ =	shalt  }
0x4f: {  	_ =	shalt  }
0x50: {  	_ =	shalt  }
0x51: {  	_ =	shalt  }
0x52: {  	_ =	shalt  }
0x53: {  	_ =	shalt  }
0x54: {  	_ =	shalt  }
0x55: {  	_ =	shalt  }
0x56: {  	_ =	shalt  }
0x57: {  	_ =	shalt  }
0x58: {  	_ =	shalt  }
0x59: {  	_ =	shalt  }
0x5a: {  	_ =	shalt  }
0x5b: {  	_ =	shalt  }
0x5c: {  	_ =	shalt  }
0x5d: {  	_ =	shalt  }
0x5e: {  	_ =	shalt  }
0x5f: {  	_ =	shalt  }
0x60: {  	_ =	shalt  }
0x61: {  	_ =	shalt  }
0x62: {  	_ =	shalt  }
0x63: {  	_ =	shalt  }
0x64: {  	_ =	shalt  }
0x65: {  	_ =	shalt  }
0x66: {  	_ =	shalt  }
0x67: {  	_ =	shalt  }
0x68: {  	_ =	shalt  }
0x69: {  	_ =	shalt  }
0x6a: {  	_ =	shalt  }
0x6b: {  	_ =	shalt  }
0x6c: {  	_ =	shalt  }
0x6d: {  	_ =	shalt  }
0x6e: {  	_ =	shalt  }
0x6f: {  	_ =	shalt  }
0x70: {  	_ =	shalt  }
0x71: {  	_ =	shalt  }
0x72: {  	_ =	shalt  }
0x73: {  	_ =	shalt  }
0x74: {  	_ =	shalt  }
0x75: {  	_ =	shalt  }
0x76: {  	_ =	shalt  }
0x77: {  	_ =	shalt  }
0x78: {  	_ =	shalt  }
0x79: {  	_ =	shalt  }
0x7a: {  	_ =	shalt  }
0x7b: {  	_ =	shalt  }
0x7c: {  	_ =	shalt  }
0x7d: {  	_ =	shalt  }
0x7e: {  	_ =	shalt  }
0x7f: {  	_ =	shalt  }
0x80: {  	_ =	shalt  }
0x81: {  	_ =	shalt  }
0x82: {  	_ =	shalt  }
0x83: {  	_ =	shalt  }
0x84: {  	_ =	shalt  }
0x85: {  	_ =	shalt  }
0x86: {  	_ =	shalt  }
0x87: {  	_ =	shalt  }
.Lfunc_end0:
.L_simem_size_0:
called_computation_lowered:
.L_overlay_start_0:
0x88: {  	s2 =	sld [smem:$0x3FD9]  }
0x89: {  	s3 =	sld [smem:$0x3FFE];
	_ =	sdelay $0x1  }
0x8a: {  	s1 =	srdreg.scid  }
0x8b: {  	s0 =	sand.u32 $0x1, s1  }
0x8c: {  	s16 =	sshll.u32 s0, $0xA;
	s2 =	sadd.s32 s3, s2  }
0x8d: {  	s2 =	sadd.s32 s2, s16  }
0x8e: {  	[smem:$0x3FC4] =	sst s2  }
0x8f: {  	_ = 	snop  }
0x90: {  	(tm) =	ssettm $0x1  }
0x91: {  	s17 =	sld [smem:$0x3FFB];
	_ =	sdelay $0x3  }
0x92: {  	_ =	strace s17  }
0x93: {  	s2 =	sld [smem:$0x3FFC];
	_ =	sdelay $0x3  }
0x94: {  	_ =	strace s2  }
0x95: {  	s2 =	sld [smem:$0x3FFD];
	_ =	sdelay $0x3  }
0x96: {  	_ =	strace s2  }
0x97: {  	_ =	strace $0x8FFFFFFF  }
0x98: {  	s18 =	sld [smem:$0x3FDB];
	_ =	sdelay $0x1  }
0x99: {  	s19 =	simm.s32 $_scs_section_size  }
0x9a: {  	s4 =	simm.s32 $_size__tile_overlayer_lowered;
	s5 =	simm.s32 $_tile_overlayer_lowered  }
0x9b: {  	s22 =	simm.s32 $0x1BFF;
	s21 =	sshll.u32 s5, $0x1;
	s2 =	sadd.s32 s19, s18  }
0x9c: {  	s6 =	simm.s32 $0x0;
	s20 =	sshll.u32 s4, $0x1;
	s4 =	sadd.s32 s21, s2  }
0x9d: {  	[timem:s6], [sflag:s22] =	dma.local [hbm:s4], s20  }
0x9e: {  	_ =	swait.ge [sflag:s22], s20  }
0x9f: {  	s3 =	ssub.s32 $0x0, s20;
	[sflag:s22] =	ssyncset.done $0x0  }
0xa0: {  	[sflag:s22] =	ssyncadd.s32 s3;
	_ =	sdelay $0x1  }
0xa1: {  	s23 =	simm.s32 $0x1B8B  }
0xa2: {  	_ =	swait.ge [sflag:s23], $0x1  }
0xa3: {  	[sflag:s23] =	ssyncset.done $0x0  }
0xa4: {  	s25 =	simm.s32 $0x1B8E;
	s24 =	sld [smem:$0x3FFE];
	[sflag:s23] =	ssyncadd.s32 $0xFFFFFFFF  }
0xa5: {  	s26 =	simm.s32 $execute0_lowered;
	[smem:$0x3FD2] =	sst s25  }
0xa6: {  	s4 =	sshll.u32 s26, $0x1;
	_ =	strace $0x80000046;
	[dreg:$0x1] =	wrdreg $0xFFFFFFFF  }
0xa7: {  	s28 =	simm.s32 $_size_execute0_lowered;
	s2 =	sadd.s32 s2, s4;
	[dreg:$0x0] =	wrdreg $0x0  }
0xa8: {  	s4 =	sshll.u32 s28, $0x1;
	[dreg:$0x2] =	wrdreg s2  }
0xa9: {  	[dreg:$0x3] =	wrdreg s4  }
0xaa: {  	[dreg:$0x4] =	wrdreg $0xC0  }
0xab: {  	_ =	task [dreg:s6], $0x5FFFF  }
0xac: {  	[dreg:$0x1] =	wrdreg $0xFFFFFFFF  }
0xad: {  	[dreg:$0x0] =	wrdreg $0x60  }
0xae: {  	[dreg:$0x2] =	wrdreg s24  }
0xaf: {  	[dreg:$0x3] =	wrdreg $0x9  }
0xb0: {  	_ =	task.clear_ibuf [dreg:s6], $0x4FFFF;
	_ =	strace $0x90000046  }
0xb1: {  	s29 =	simm.s32 $0x9;
	_ =	strace $0x80000048  }
0xb2: {  	_ =	swait.ge [sflag:s29], $0x1  }
0xb3: {  	[sflag:s29] =	ssyncadd.s32 $0xFFFFFFFF  }
0xb4: {  	_ =	strace $0x90000048  }
0xb5: {  	_ =	sfence  }
0xb6: {  	s30 =	sld [smem:$0x0];
	_ =	sdelay $0x2  }
0xb7: {  	s31 =	sshll.u32 s1, $0xD;
	s1 =	sshrl.u32 s1, $0x2  }
0xb8: {  	s3 =	sand.u32 $0x4000, s31;
	s1 =	sadd.s32 s1, s30  }
0xb9: {  	s0 =	sor.u32 s3, s0;
	s1 =	sshll.u32 s1, $0x11  }
0xba: {  	s0 =	sor.u32 s1, s0  }
0xbb: {  	s0 =	sadd.s32 $0x8F2B, s0  }
0xbc: {  	[sflag:s0] =	ssyncadd.remote.s32 $0x1  }
0xbd: {  	_ =	sfence.sel $0xFFFF  }
0xbe: {  	[dreg:$0x0] =	wrdreg $0xFFFFFFFF;
	(pc) =	sbr.abs _section_cstart, $3  }
0xbf: {  	[dreg:$0x1] =	wrdreg $0xFFFFFFFF  }
0xc0: {  	_ =	task.clear_ibuf [dreg:s6], $0x2FFFF;
	_ =	strace $0x9FFFFFFF  }
0xc1: {  	(tm) =	ssettm $0x7FFFFFFF  }
tec
execute0_lowered:
.L_overlay_start_1:
0x0: {  	(tag) =	ssettag $0x1  }
0x1: {  	s0 =	srdreg.scid  }
0x2: {  	s2 =	stileid.u32;
	s1 =	rddreg [dreg:$0x0]  }
0x3: {  	s5 =	simm.s32 $0x0;
	s0 =	sand.u32 $0x1, s0;
	s2 =	sshll.u32 s2, $0x1  }
0x4: {  	[smem:$0x7FF] =	sst s5;
	s4 =	sadd.s32 $0x9000, s1;
	s2 =	sor.u32 s0, s2  }
0x5: {  	_ =	strace $0x80000047;
	s0 =	ssub.s32 $0x2, s0;
	s3 =	sshll.u32 s2, $0xA  }
0x6: {  	[dreg:$0x2] =	wrdreg s4;
	s2 =	sshll.u32 s2, $0xC;
	s3 =	sadd.s32 s3, s1  }
0x7: {  	v1 =	vlaneseq.u32;
	s30 =	sshrl.u32 s0, $0x1;
	s1 =	sadd.s32 s2, s1;
	s31 =	sadd.s32 $0x1000, s3  }
0x8: {  	v1 =	vmul.u32 $0x80, v1;
	s0 =	ssub.s32 s0, s30;
	s1 =	sadd.s32 $0x9200, s1;
	[dreg:$0x3] =	wrdreg s31  }
0x9: {  	s9 =	simm.s32 $0x2000;
	s0 =	smax.u32 s0, $0x1;
	[dreg:$0x4] =	wrdreg s1  }
0xa: {  	v0 =	vimm.s32 $0x0;
	v37 =	vimm.s32 $0x4;
	v48 =	vimm.f32 $0.0e+00;
	[tilespmem:$0x1FFF0] =	vst v1;
	s2 =	simm.s32 $0x0;
	[dreg:$0x5] =	wrdreg s0;
	s1 =	simm.s32 $0x1  }
.LBB2_1:
0xb: {  	[dreg:$0x6] =	wrdreg s2  }
0xc: {  	s0 =	rddreg [dreg:$0x3]  }
0xd: {  	[tilespmem:s5], [sflag:$0x1] =	stream.linear.gather [hbm4b:s0+s5], $0x2000, $0x38;
	[tilespmem:$0xA080] =	vst v63  }
0xe: {  	_ =	swait.ge [sflag:s1], $0x2000  }
0xf: {  	[sflag:s1] =	ssyncset.done $0x0  }
0x10: {  	s31 =	simm.s32 $0xA000;
	s30 =	rddreg [dreg:$0x2];
	[sflag:s1] =	ssyncadd.s32 $0xFFFFE000  }
0x11: {  	[tilespmem:s31], [sflag:$0x1] =	stream.linear.gather [hbm4b:s30+s5], $0x80, $0x38;
	[tilespmem:$0xA080] =	vst v63  }
0x12: {  	_ =	swait.ge [sflag:s1], $0x80  }
0x13: {  	[sflag:s1] =	ssyncset.done $0x0  }
0x14: {  	[sflag:s1] =	ssyncadd.s32 $0xFFFFFF80  }
0x15: {  	v1 =	vld [tilespmem:$0xA000];
	_ =	sdelay $0x4  }
0x16: {  	vm0 =	veq.s32 v1, $0x0;
	v1 =	vimm.s32 $0x0  }
0x17: {  	s12 =	simm.s32 $0x0;
	v1 =	vsel vm0, $0xFFFFFFFF, v1  }
0x18: {  	s13 =	simm.s32 $0x0;
	s14 =	simm.s32 $0x0;
	s1 =	simm.s32 $0x0;
	[tilespmem:$0x1FFE0] =	vst v1  }
.LBB2_2:
0x19: {  	s11 =	sand.u32 $0x60, s14;
	s31 =	sand.u32 $0x400, s13  }
0x1a: {  	s0 =	sor.u32 s11, s31  }
0x1b: {  	v30 =	vld [tilespmem:s0+$0x0]  }
0x1c: {  	v31 =	vld [tilespmem:s0+$0x80]  }
0x1d: {  	v29 =	vld [tilespmem:s0+$0x100];
	_ =	sdelay $0x1  }
0x1e: {  	v38 =	vld [tilespmem:s0+$0x180]  }
0x1f: {  	[dreg:$0x7] =	wrdreg s1  }
0x20: {  	s1 =	rddreg [dreg:$0x7];
	v39 =	vld [tilespmem:s0+$0x200];
	v1 =	vmin.f32 v30, $-Inf;
	v2 =	vmin.f32 v30, v31;
	v3 =	vmax.f32 v30, v31  }
0x21: {  	s1 =	sand.u32 $0x3, s1;
	v4 =	vmin.f32 v1, v2;
	v2 =	vmax.f32 v1, v2;
	v5 =	vmin.f32 v3, v29  }
0x22: {  	v40 =	vld [tilespmem:s0+$0x280];
	s1 =	sshll.u32 s1, $0x5;
	v3 =	vmax.f32 v3, v29;
	v1 =	vmax.f32 v1, v4;
	v55 =	vmin.f32 v2, v5  }
0x23: {  	s18 =	sadd.s32 s1, s13;
	v2 =	vmax.f32 v2, v5;
	v6 =	vmin.f32 v3, v38;
	v3 =	vmax.f32 v3, v38  }
0x24: {  	s0 =	sor.u32 $0x300, s18;
	v56 =	vmin.f32 v1, v55;
	v4 =	vmax.f32 v1, v55;
	v57 =	vmin.f32 v2, v6  }
0x25: {  	s19 =	sor.u32 s13, s14;
	v42 =	vld [tilespmem:s0+$0x0];
	v2 =	vmax.f32 v2, v6;
	v59 =	vmin.f32 v3, v39;
	v3 =	vmax.f32 v3, v39  }
0x26: {  	s0 =	sor.u32 $0x380, s19;
	v1 =	vmax.f32 v1, v56;
	v58 =	vmin.f32 v4, v57;
	v4 =	vmax.f32 v4, v57  }
0x27: {  	s20 =	sor.u32 $0x800, s31;
	v43 =	vld [tilespmem:s0+$0x0];
	v60 =	vmin.f32 v2, v59;
	v2 =	vmax.f32 v2, v59;
	v62 =	vmin.f32 v3, v40  }
0x28: {  	s0 =	sor.u32 s11, s20;
	v3 =	vmax.f32 v3, v40;
	v1 =	vmax.f32 v1, v58;
	v61 =	vmin.f32 v4, v60  }
0x29: {  	v10 =	vld [tilespmem:s0+$0x0];
	v4 =	vmax.f32 v4, v60;
	v63 =	vmin.f32 v2, v62;
	v2 =	vmax.f32 v2, v62  }
0x2a: {  	s17 =	sor.u32 $0x880, s31;
	v7 =	vmin.f32 v3, v42;
	v3 =	vmax.f32 v3, v42;
	v1 =	vmax.f32 v1, v61  }
0x2b: {  	s21 =	sor.u32 s11, s17;
	v9 =	vmin.f32 v4, v63;
	v4 =	vmax.f32 v4, v63;
	v11 =	vmin.f32 v2, v7  }
0x2c: {  	v18 =	vld [tilespmem:s21+$0x0];
	s21 =	sor.u32 $0x900, s31;
	v2 =	vmax.f32 v2, v7;
	v13 =	vmin.f32 v3, v43;
	v3 =	vmax.f32 v3, v43  }
0x2d: {  	s22 =	sor.u32 s11, s21;
	v1 =	vmax.f32 v1, v9;
	v12 =	vmin.f32 v4, v11;
	v4 =	vmax.f32 v4, v11  }
0x2e: {  	v20 =	vld [tilespmem:s22+$0x0];
	v14 =	vmin.f32 v2, v13;
	v2 =	vmax.f32 v2, v13;
	v16 =	vmin.f32 v3, v10  }
0x2f: {  	s18 =	sor.u32 $0x980, s31;
	v3 =	vmax.f32 v3, v10;
	v1 =	vmax.f32 v1, v12;
	v15 =	vmin.f32 v4, v14  }
0x30: {  	s23 =	sor.u32 s11, s18;
	v4 =	vmax.f32 v4, v14;
	v17 =	vmin.f32 v2, v16;
	v2 =	vmax.f32 v2, v16  }
0x31: {  	s19 =	sor.u32 $0xA00, s31;
	v12 =	vld [tilespmem:s23+$0x0];
	v21 =	vmin.f32 v3, v18;
	v3 =	vmax.f32 v3, v18;
	v1 =	vmax.f32 v1, v15  }
0x32: {  	s24 =	sor.u32 s11, s19;
	v19 =	vmin.f32 v4, v17;
	v4 =	vmax.f32 v4, v17;
	v22 =	vmin.f32 v2, v21  }
0x33: {  	v2 =	vmax.f32 v2, v21;
	v24 =	vmin.f32 v3, v20;
	v1 =	vmax.f32 v1, v19;
	v19 =	vld [tilespmem:s24+$0x0]  }
0x34: {  	v3 =	vmax.f32 v3, v20;
	v23 =	vmin.f32 v4, v22;
	s24 =	sor.u32 $0xA80, s31;
	v4 =	vmax.f32 v4, v22  }
0x35: {  	v25 =	vmin.f32 v2, v24;
	v2 =	vmax.f32 v2, v24;
	v1 =	vmax.f32 v1, v23;
	s25 =	sor.u32 s11, s24  }
0x36: {  	s22 =	sor.u32 $0xB00, s31;
	v26 =	vmin.f32 v4, v25;
	v4 =	vmax.f32 v4, v25;
	v14 =	vld [tilespmem:s25+$0x0];
	v27 =	vmin.f32 v3, v12  }
0x37: {  	s26 =	sor.u32 s11, s22;
	v1 =	vmax.f32 v1, v26;
	v3 =	vmax.f32 v3, v12;
	v28 =	vmin.f32 v2, v27  }
0x38: {  	s23 =	sor.u32 $0xB80, s31;
	v15 =	vld [tilespmem:s26+$0x0];
	v2 =	vmax.f32 v2, v27;
	v32 =	vmin.f32 v4, v28;
	v33 =	vmin.f32 v3, v19  }
0x39: {  	s28 =	sor.u32 s11, s23;
	v4 =	vmax.f32 v4, v28;
	v3 =	vmax.f32 v3, v19;
	v34 =	vmin.f32 v2, v33  }
0x3a: {  	v13 =	vld [tilespmem:s28+$0x0];
	s28 =	sor.u32 $0x1000, s31;
	v1 =	vmax.f32 v1, v32;
	v2 =	vmax.f32 v2, v33;
	v35 =	vmin.f32 v4, v34  }
0x3b: {  	s29 =	sor.u32 s11, s28;
	v4 =	vmax.f32 v4, v34;
	v36 =	vmin.f32 v3, v14;
	v3 =	vmax.f32 v3, v14  }
0x3c: {  	v17 =	vld [tilespmem:s29+$0x0];
	s25 =	sor.u32 $0x1080, s31;
	v1 =	vmax.f32 v1, v35;
	v41 =	vmin.f32 v2, v36;
	v2 =	vmax.f32 v2, v36  }
0x3d: {  	s30 =	sor.u32 s11, s25;
	v45 =	vmin.f32 v3, v15;
	v3 =	vmax.f32 v3, v15;
	v44 =	vmin.f32 v4, v41  }
0x3e: {  	v21 =	vld [tilespmem:s30+$0x0];
	v4 =	vmax.f32 v4, v41;
	v46 =	vmin.f32 v2, v45;
	v2 =	vmax.f32 v2, v45  }
0x3f: {  	s26 =	sor.u32 $0x1100, s31;
	v49 =	vmin.f32 v3, v13;
	v3 =	vmax.f32 v3, v13;
	v1 =	vmax.f32 v1, v44  }
0x40: {  	s1 =	sor.u32 s11, s26;
	v47 =	vmin.f32 v4, v46;
	v4 =	vmax.f32 v4, v46;
	v50 =	vmin.f32 v2, v49  }
0x41: {  	v22 =	vld [tilespmem:s1+$0x0];
	s1 =	sor.u32 $0x1180, s31;
	v2 =	vmax.f32 v2, v49;
	v52 =	vmin.f32 v3, v17;
	v3 =	vmax.f32 v3, v17  }
0x42: {  	s2 =	sor.u32 s11, s1;
	v1 =	vmax.f32 v1, v47;
	v51 =	vmin.f32 v4, v50;
	v4 =	vmax.f32 v4, v50  }
0x43: {  	s29 =	sor.u32 $0x1200, s31;
	v23 =	vld [tilespmem:s2+$0x0];
	v53 =	vmin.f32 v2, v52;
	v2 =	vmax.f32 v2, v52;
	v55 =	vmin.f32 v3, v21  }
0x44: {  	s3 =	sor.u32 s11, s29;
	v3 =	vmax.f32 v3, v21;
	v1 =	vmax.f32 v1, v51;
	v54 =	vmin.f32 v4, v53  }
0x45: {  	v25 =	vld [tilespmem:s3+$0x0];
	v4 =	vmax.f32 v4, v53;
	v56 =	vmin.f32 v2, v55;
	v2 =	vmax.f32 v2, v55  }
0x46: {  	s30 =	sor.u32 $0x1280, s31;
	v58 =	vmin.f32 v3, v22;
	v3 =	vmax.f32 v3, v22;
	v1 =	vmax.f32 v1, v54  }
0x47: {  	s4 =	sor.u32 s11, s30;
	v57 =	vmin.f32 v4, v56;
	v4 =	vmax.f32 v4, v56;
	v59 =	vmin.f32 v2, v58  }
0x48: {  	v26 =	vld [tilespmem:s4+$0x0];
	s4 =	sor.u32 $0x1300, s31;
	v2 =	vmax.f32 v2, v58;
	v61 =	vmin.f32 v3, v23;
	v3 =	vmax.f32 v3, v23  }
0x49: {  	s5 =	sor.u32 s11, s4;
	v1 =	vmax.f32 v1, v57;
	v60 =	vmin.f32 v4, v59;
	v4 =	vmax.f32 v4, v59  }
0x4a: {  	s16 =	sor.u32 $0x1380, s31;
	v27 =	vld [tilespmem:s5+$0x0];
	v62 =	vmin.f32 v2, v61;
	v2 =	vmax.f32 v2, v61;
	v9 =	vmin.f32 v3, v25  }
0x4b: {  	s2 =	sor.u32 s11, s16;
	v3 =	vmax.f32 v3, v25;
	v1 =	vmax.f32 v1, v60;
	v63 =	vmin.f32 v4, v62  }
0x4c: {  	v32 =	vld [tilespmem:s2+$0x0];
	v4 =	vmax.f32 v4, v62;
	v11 =	vmin.f32 v2, v9;
	v2 =	vmax.f32 v2, v9  }
0x4d: {  	s8 =	sor.u32 $0x1800, s31;
	v24 =	vmin.f32 v3, v26;
	v3 =	vmax.f32 v3, v26;
	v1 =	vmax.f32 v1, v63  }
0x4e: {  	s6 =	sor.u32 s11, s8;
	v16 =	vmin.f32 v4, v11;
	v4 =	vmax.f32 v4, v11;
	v28 =	vmin.f32 v2, v24  }
0x4f: {  	v35 =	vld [tilespmem:s6+$0x0];
	v2 =	vmax.f32 v2, v24;
	v36 =	vmin.f32 v3, v27;
	v3 =	vmax.f32 v3, v27  }
0x50: {  	s5 =	sor.u32 $0x1880, s31;
	v1 =	vmax.f32 v1, v16;
	v34 =	vmin.f32 v4, v28;
	v4 =	vmax.f32 v4, v28  }
0x51: {  	s7 =	sor.u32 s11, s5;
	v41 =	vmin.f32 v2, v36;
	v2 =	vmax.f32 v2, v36;
	v45 =	vmin.f32 v3, v32  }
0x52: {  	s3 =	sor.u32 $0x1900, s31;
	v11 =	vld [tilespmem:s7+$0x0];
	v3 =	vmax.f32 v3, v32;
	v1 =	vmax.f32 v1, v34;
	v44 =	vmin.f32 v4, v41  }
0x53: {  	s10 =	sor.u32 s11, s3;
	v4 =	vmax.f32 v4, v41;
	v46 =	vmin.f32 v2, v45;
	v2 =	vmax.f32 v2, v45  }
0x54: {  	v8 =	vld [tilespmem:s10+$0x0];
	s6 =	sor.u32 $0x1980, s31;
	v49 =	vmin.f32 v3, v35;
	v3 =	vmax.f32 v3, v35;
	v1 =	vmax.f32 v1, v44  }
0x55: {  	s15 =	sor.u32 s11, s6;
	v47 =	vmin.f32 v4, v46;
	v4 =	vmax.f32 v4, v46;
	v50 =	vmin.f32 v2, v49  }
0x56: {  	v63 =	vld [tilespmem:s15+$0x0];
	s7 =	sor.u32 $0x1A00, s31;
	v2 =	vmax.f32 v2, v49;
	v1 =	vmax.f32 v1, v47;
	v51 =	vmin.f32 v4, v50  }
0x57: {  	[dreg:$0x8] =	wrdreg s20;
	s20 =	sor.u32 s11, s7;
	v4 =	vmax.f32 v4, v50;
	v1 =	vmax.f32 v1, v51;
	v52 =	vmin.f32 v3, v11  }
0x58: {  	s2 =	sor.u32 $0x1A80, s31;
	v62 =	vld [tilespmem:s20+$0x0];
	v3 =	vmax.f32 v3, v11;
	v53 =	vmin.f32 v2, v52;
	v2 =	vmax.f32 v2, v52  }
0x59: {  	s10 =	sor.u32 s11, s2;
	v55 =	vmin.f32 v3, v8;
	v3 =	vmax.f32 v3, v8;
	v54 =	vmin.f32 v4, v53  }
0x5a: {  	v58 =	vld [tilespmem:s10+$0x0];
	v4 =	vmax.f32 v4, v53;
	v60 =	vmin.f32 v2, v55;
	v2 =	vmax.f32 v2, v55  }
0x5b: {  	s10 =	sor.u32 $0x1B00, s31;
	v9 =	vmin.f32 v3, v63;
	v3 =	vmax.f32 v3, v63;
	v1 =	vmax.f32 v1, v54  }
0x5c: {  	s15 =	sor.u32 s11, s10;
	[tilespmem:$0x1FE20] =	vst v11;
	v61 =	vmin.f32 v4, v60;
	v4 =	vmax.f32 v4, v60;
	v11 =	vmin.f32 v2, v9  }
0x5d: {  	v57 =	vld [tilespmem:s15+$0x0];
	s20 =	sor.u32 $0x1B80, s31;
	v2 =	vmax.f32 v2, v9;
	v24 =	vmin.f32 v3, v62;
	v3 =	vmax.f32 v3, v62  }
0x5e: {  	s11 =	sor.u32 s11, s20;
	v1 =	vmax.f32 v1, v61;
	v16 =	vmin.f32 v4, v11;
	v4 =	vmax.f32 v4, v11  }
0x5f: {  	v36 =	vld [tilespmem:s11+$0x0];
	v28 =	vmin.f32 v2, v24;
	v2 =	vmax.f32 v2, v24;
	v34 =	vmin.f32 v3, v58  }
0x60: {  	v3 =	vmax.f32 v3, v58;
	v1 =	vmax.f32 v1, v16;
	v33 =	vmin.f32 v4, v28  }
0x61: {  	v4 =	vmax.f32 v4, v28;
	v41 =	vmin.f32 v2, v34;
	v2 =	vmax.f32 v2, v34  }
0x62: {  	v45 =	vmin.f32 v3, v57;
	v3 =	vmax.f32 v3, v57;
	v1 =	vmax.f32 v1, v33  }
0x63: {  	v44 =	vmin.f32 v4, v41;
	v4 =	vmax.f32 v4, v41;
	v46 =	vmin.f32 v2, v45  }
0x64: {  	v2 =	vmax.f32 v2, v45;
	v47 =	vmin.f32 v3, v36;
	v1 =	vmax.f32 v1, v44  }
0x65: {  	v49 =	vmin.f32 v4, v46;
	v4 =	vmax.f32 v4, v46;
	v50 =	vmin.f32 v2, v47  }
0x66: {  	v1 =	vmax.f32 v1, v49;
	v51 =	vmin.f32 v4, v50  }
0x67: {  	v3 =	vmax.f32 v3, v36;
	v5 =	vmax.f32 v2, v47;
	v2 =	vmax.f32 v1, v51  }
0x68: {  	v1 =	vmax.f32 v4, v50;
	vm1 =	vgt.f32 v3, v2;
	vm2 =	vgt.f32 v5, v2  }
0x69: {  	vm12 =	vgt.f32 v1, v2;
	v3 =	vsel vm1, $0xFFFFFFFF, v0;
	v1 =	vsel vm2, $0x3, v37  }
0x6a: {  	vm13 =	veq.f32 v30, v2;
	v52 =	vsel vm12, $0xFFFFFFFF, v0;
	v1 =	vadd.s32 v3, v1  }
0x6b: {  	v6 =	vadd.s32 v52, v1;
	v1 =	vsel vm13, $0x1, v0  }
0x6c: {  	vm14 =	veq.f32 v31, v2;
	vm15 =	vgt.u32 v6, v1  }
0x6d: {  	vm6 =	vmand vm14, vm15  }
0x6e: {  	v3 =	vsel vm6, $0x1, v0  }
0x6f: {  	v1 =	vadd.s32 v1, v3  }
0x70: {  	vm4 =	veq.f32 v29, v2;
	vm5 =	vlt.u32 v1, v6  }
0x71: {  	vm0 =	vmand vm4, vm5  }
0x72: {  	v3 =	vsel vm0, $0x1, v0  }
0x73: {  	v1 =	vadd.s32 v3, v1  }
0x74: {  	vm7 =	veq.f32 v38, v2;
	vm8 =	vlt.u32 v1, v6  }
0x75: {  	vm8 =	vmand vm7, vm8  }
0x76: {  	v3 =	vsel vm8, $0x1, v0  }
0x77: {  	v1 =	vadd.s32 v3, v1  }
0x78: {  	vm9 =	veq.f32 v39, v2;
	vm10 =	vlt.u32 v1, v6  }
0x79: {  	vm9 =	vmand vm9, vm10  }
0x7a: {  	v3 =	vsel vm9, $0x1, v0  }
0x7b: {  	v1 =	vadd.s32 v3, v1  }
0x7c: {  	vm11 =	veq.f32 v40, v2;
	vm12 =	vlt.u32 v1, v6  }
0x7d: {  	vm10 =	vmand vm11, vm12  }
0x7e: {  	v3 =	vsel vm10, $0x1, v0  }
0x7f: {  	v1 =	vadd.s32 v3, v1  }
0x80: {  	vm13 =	veq.f32 v42, v2;
	vm14 =	vlt.u32 v1, v6  }
0x81: {  	vm11 =	vmand vm13, vm14  }
0x82: {  	v3 =	vsel vm11, $0x1, v0  }
0x83: {  	v1 =	vadd.s32 v3, v1  }
0x84: {  	vm15 =	veq.f32 v43, v2;
	vm4 =	vlt.u32 v1, v6  }
0x85: {  	vm12 =	vmand vm15, vm4  }
0x86: {  	v3 =	vsel vm12, $0x1, v0  }
0x87: {  	v1 =	vadd.s32 v3, v1  }
0x88: {  	vm5 =	veq.f32 v10, v2;
	vm7 =	vlt.u32 v1, v6  }
0x89: {  	vm4 =	vmand vm5, vm7  }
0x8a: {  	v3 =	vsel vm4, $0x1, v0  }
0x8b: {  	v1 =	vadd.s32 v3, v1  }
0x8c: {  	vm13 =	veq.f32 v18, v2;
	vm14 =	vlt.u32 v1, v6  }
0x8d: {  	vm14 =	vmand vm13, vm14  }
0x8e: {  	v3 =	vsel vm14, $0x1, v0  }
0x8f: {  	v1 =	vadd.s32 v3, v1  }
0x90: {  	vm15 =	veq.f32 v20, v2;
	vm5 =	vlt.u32 v1, v6  }
0x91: {  	vm5 =	vmand vm15, vm5  }
0x92: {  	v3 =	vsel vm5, $0x1, v0  }
0x93: {  	v1 =	vadd.s32 v3, v1  }
0x94: {  	vm7 =	veq.f32 v12, v2;
	vm13 =	vlt.u32 v1, v6  }
0x95: {  	v3 =	vimm.s32 $0x0;
	vm1 =	vmand vm7, vm13  }
0x96: {  	s0 =	sadd.s32 $0x10, s14;
	v3 =	vsel vm1, $0xFFFFFFFF, v3  }
0x97: {  	s11 =	sand.u32 $0x70, s0;
	[tilespmem:$0x1FA90] =	vst v3;
	v3 =	vsel vm1, $0x1, v0  }
0x98: {  	s15 =	sor.u32 s11, s31;
	v1 =	vadd.s32 v3, v1  }
0x99: {  	v46 =	vld [tilespmem:s15+$0x0];
	vm15 =	veq.f32 v19, v2;
	vm7 =	vlt.u32 v1, v6  }
0x9a: {  	v41 =	vld [tilespmem:s15+$0x80];
	v3 =	vimm.s32 $0x0;
	vm1 =	vmand vm15, vm7  }
0x9b: {  	v3 =	vsel vm1, $0xFFFFFFFF, v3  }
0x9c: {  	[tilespmem:$0x1FAA0] =	vst v3;
	v3 =	vsel vm1, $0x1, v0  }
0x9d: {  	v1 =	vadd.s32 v3, v1  }
0x9e: {  	v53 =	vmin.f32 v46, $-Inf;
	vm13 =	veq.f32 v14, v2;
	vm15 =	vlt.u32 v1, v6  }
0x9f: {  	v54 =	vmin.f32 v46, v41;
	v3 =	vimm.s32 $0x0;
	vm1 =	vmand vm13, vm15  }
0xa0: {  	[tilespmem:$0x1FC80] =	vst v18;
	vm3 =	vgt.f32 v38, v2;
	v5 =	vmax.f32 v53, v54;
	v3 =	vsel vm1, $0xFFFFFFFF, v3  }
0xa1: {  	vm7 =	veq.f32 v15, v2;
	vm15 =	vgt.f32 v31, v2;
	[tilespmem:$0x1FAB0] =	vst v3;
	v3 =	vsel vm1, $0x1, v0  }
0xa2: {  	[tilespmem:$0x1FCA0] =	vst v20;
	vm2 =	vmor vm15, vm6;
	vm6 =	vmor vm3, vm8;
	v1 =	vadd.s32 v3, v1  }
0xa3: {  	v51 =	vmovc v20;
	v20 =	vld [tilespmem:s15+$0x100];
	vm8 =	vgt.f32 v39, v2;
	vm3 =	vgt.f32 v40, v2;
	vm13 =	vlt.u32 v1, v6  }
0xa4: {  	[tilespmem:$0x1FC60] =	vst v10;
	v24 =	vld [tilespmem:s15+$0x180];
	vm3 =	vmor vm3, vm10;
	v3 =	vimm.s32 $0x0;
	vm1 =	vmand vm7, vm13  }
0xa5: {  	[tilespmem:$0x1FCC0] =	vst v12;
	vm7 =	vgt.f32 v29, v2;
	vm13 =	vgt.f32 v42, v2;
	v3 =	vsel vm1, $0xFFFFFFFF, v3  }
0xa6: {  	s31 =	sand.u32 $0x7, s12;
	v45 =	vld [tilespmem:s15+$0x200];
	vm10 =	vmor vm13, vm11;
	vm13 =	vgt.f32 v43, v2;
	[tilespmem:$0x1FAC0] =	vst v3;
	v3 =	vsel vm1, $0x1, v0  }
0xa7: {  	[tilespmem:$0x1FE30] =	vst v8;
	s31 =	sshll.u32 s31, $0x4;
	v8 =	vadd.s32 v3, v1;
	v1 =	vmax.f32 v46, v41;
	v3 =	vmin.f32 v53, v54  }
0xa8: {  	[tilespmem:$0x1FD00] =	vst v14;
	s31 =	sadd.s32 s13, s31;
	v3 =	vmax.f32 v53, v3;
	v55 =	vmin.f32 v1, v20;
	v1 =	vmax.f32 v1, v20  }
0xa9: {  	v56 =	vmovc v14;
	s31 =	sadd.s32 $0x10, s31;
	v14 =	vld [tilespmem:s15+$0x280];
	v59 =	vmin.f32 v5, v55;
	v4 =	vmax.f32 v5, v55;
	v9 =	vmin.f32 v1, v24  }
0xaa: {  	v16 =	vmovc v18;
	s15 =	sor.u32 $0x300, s31;
	v1 =	vmax.f32 v1, v24;
	v60 =	vmin.f32 v3, v59;
	v7 =	vmax.f32 v3, v59  }
0xab: {  	v44 =	vmovc v10;
	v47 =	vld [tilespmem:s15+$0x0];
	s15 =	sor.u32 s0, s13;
	v61 =	vmin.f32 v4, v9;
	v4 =	vmax.f32 v4, v9;
	v18 =	vmin.f32 v1, v45  }
0xac: {  	v10 =	vmovc v12;
	s15 =	sor.u32 $0x380, s15;
	v1 =	vmax.f32 v1, v45;
	v3 =	vmax.f32 v3, v60;
	v12 =	vmin.f32 v7, v61  }
0xad: {  	v53 =	vld [tilespmem:s15+$0x0];
	v5 =	vmax.f32 v7, v61;
	v28 =	vmin.f32 v4, v18;
	v4 =	vmax.f32 v4, v18  }
0xae: {  	v34 =	vmin.f32 v1, v14;
	v1 =	vmax.f32 v1, v14;
	v3 =	vmax.f32 v3, v12  }
0xaf: {  	s15 =	rddreg [dreg:$0x8];
	v33 =	vmin.f32 v5, v28;
	v5 =	vmax.f32 v5, v28;
	v49 =	vmin.f32 v4, v34  }
0xb0: {  	s31 =	smov.u32 s0;
	s0 =	sor.u32 s11, s15;
	v4 =	vmax.f32 v4, v34;
	v52 =	vmin.f32 v1, v47;
	v1 =	vmax.f32 v1, v47  }
0xb1: {  	v3 =	vmax.f32 v3, v33;
	v33 =	vld [tilespmem:s0+$0x0];
	v50 =	vmin.f32 v5, v49;
	v5 =	vmax.f32 v5, v49;
	s0 =	sor.u32 s11, s17  }
0xb2: {  	v54 =	vmin.f32 v4, v52;
	v4 =	vmax.f32 v4, v52;
	v59 =	vmin.f32 v1, v53;
	v34 =	vld [tilespmem:s0+$0x0]  }
0xb3: {  	s17 =	sor.u32 s11, s21;
	v1 =	vmax.f32 v1, v53;
	v3 =	vmax.f32 v3, v50;
	v55 =	vmin.f32 v5, v54  }
0xb4: {  	v5 =	vmax.f32 v5, v54;
	v60 =	vmin.f32 v4, v59;
	v49 =	vld [tilespmem:s17+$0x0];
	v4 =	vmax.f32 v4, v59  }
0xb5: {  	v3 =	vmax.f32 v3, v55;
	v61 =	vmin.f32 v5, v60;
	v5 =	vmax.f32 v5, v60  }
0xb6: {  	v3 =	vmax.f32 v3, v61;
	v12 =	vmin.f32 v1, v33;
	v1 =	vmax.f32 v1, v33  }
0xb7: {  	s18 =	sor.u32 s11, s18;
	v18 =	vmin.f32 v4, v12;
	v4 =	vmax.f32 v4, v12;
	v50 =	vmin.f32 v1, v34  }
0xb8: {  	s19 =	sor.u32 s11, s19;
	v12 =	vld [tilespmem:s18+$0x0];
	v1 =	vmax.f32 v1, v34;
	v28 =	vmin.f32 v5, v18;
	v5 =	vmax.f32 v5, v18  }
0xb9: {  	v52 =	vmin.f32 v4, v50;
	v18 =	vld [tilespmem:s19+$0x0];
	v4 =	vmax.f32 v4, v50;
	v55 =	vmin.f32 v1, v49  }
0xba: {  	s21 =	sor.u32 s11, s24;
	v1 =	vmax.f32 v1, v49;
	v3 =	vmax.f32 v3, v28;
	v54 =	vmin.f32 v5, v52  }
0xbb: {  	v5 =	vmax.f32 v5, v52;
	v59 =	vmin.f32 v4, v55;
	v28 =	vld [tilespmem:s21+$0x0];
	v4 =	vmax.f32 v4, v55  }
0xbc: {  	v3 =	vmax.f32 v3, v54;
	v60 =	vmin.f32 v5, v59;
	v5 =	vmax.f32 v5, v59  }
0xbd: {  	s22 =	sor.u32 s11, s22;
	v3 =	vmax.f32 v3, v60;
	v61 =	vmin.f32 v1, v12;
	v1 =	vmax.f32 v1, v12  }
0xbe: {  	v52 =	vld [tilespmem:s22+$0x0];
	[tilespmem:$0x1FF80] =	vst v12;
	v12 =	vmin.f32 v4, v61;
	v4 =	vmax.f32 v4, v61;
	v54 =	vmin.f32 v1, v18  }
0xbf: {  	v1 =	vmax.f32 v1, v18;
	v50 =	vmin.f32 v5, v12;
	v5 =	vmax.f32 v5, v12  }
0xc0: {  	s23 =	sor.u32 s11, s23;
	v55 =	vmin.f32 v4, v54;
	v4 =	vmax.f32 v4, v54;
	v60 =	vmin.f32 v1, v28  }
0xc1: {  	[tilespmem:$0x1FF90] =	vst v18;
	v18 =	vld [tilespmem:s23+$0x0];
	v1 =	vmax.f32 v1, v28;
	v3 =	vmax.f32 v3, v50;
	v59 =	vmin.f32 v5, v55  }
0xc2: {  	s24 =	sor.u32 s11, s28;
	v5 =	vmax.f32 v5, v55;
	v61 =	vmin.f32 v4, v60;
	v4 =	vmax.f32 v4, v60  }
0xc3: {  	[tilespmem:$0x1FFA0] =	vst v28;
	v50 =	vld [tilespmem:s24+$0x0];
	v28 =	vmin.f32 v1, v52;
	v1 =	vmax.f32 v1, v52;
	v3 =	vmax.f32 v3, v59  }
0xc4: {  	v12 =	vmin.f32 v5, v61;
	v5 =	vmax.f32 v5, v61;
	v54 =	vmin.f32 v4, v28  }
0xc5: {  	s28 =	sor.u32 s11, s25;
	v4 =	vmax.f32 v4, v28;
	v3 =	vmax.f32 v3, v12;
	v55 =	vmin.f32 v5, v54  }
0xc6: {  	s0 =	sor.u32 s11, s26;
	v12 =	vld [tilespmem:s28+$0x0];
	v5 =	vmax.f32 v5, v54;
	v59 =	vmin.f32 v1, v18;
	v3 =	vmax.f32 v3, v55  }
0xc7: {  	v1 =	vmax.f32 v1, v18;
	v55 =	vld [tilespmem:s0+$0x0];
	v60 =	vmin.f32 v4, v59;
	v4 =	vmax.f32 v4, v59  }
0xc8: {  	s1 =	sor.u32 s11, s1;
	[tilespmem:$0x1FAD0] =	vst v18;
	v61 =	vmin.f32 v5, v60;
	v18 =	vmin.f32 v1, v50;
	v5 =	vmax.f32 v5, v60  }
0xc9: {  	v28 =	vld [tilespmem:s1+$0x0];
	v1 =	vmax.f32 v1, v50;
	v3 =	vmax.f32 v3, v61;
	v54 =	vmin.f32 v4, v18  }
0xca: {  	v4 =	vmax.f32 v4, v18;
	v59 =	vmin.f32 v5, v54;
	v5 =	vmax.f32 v5, v54  }
0xcb: {  	s15 =	sor.u32 s11, s29;
	[tilespmem:$0x1FAE0] =	vst v50;
	v60 =	vmin.f32 v1, v12;
	v1 =	vmax.f32 v1, v12;
	v3 =	vmax.f32 v3, v59  }
0xcc: {  	v50 =	vmovc v12;
	v12 =	vld [tilespmem:s15+$0x0];
	v61 =	vmin.f32 v4, v60;
	v4 =	vmax.f32 v4, v60;
	v54 =	vmin.f32 v1, v55  }
0xcd: {  	v1 =	vmax.f32 v1, v55;
	v18 =	vmin.f32 v5, v61;
	v5 =	vmax.f32 v5, v61  }
0xce: {  	s17 =	sor.u32 s11, s30;
	v59 =	vmin.f32 v4, v54;
	v4 =	vmax.f32 v4, v54;
	v61 =	vmin.f32 v1, v28  }
0xcf: {  	v1 =	vmax.f32 v1, v28;
	v3 =	vmax.f32 v3, v18;
	v18 =	vld [tilespmem:s17+$0x0];
	v60 =	vmin.f32 v5, v59  }
0xd0: {  	s18 =	sor.u32 s11, s4;
	v5 =	vmax.f32 v5, v59;
	v59 =	vmin.f32 v4, v61;
	v4 =	vmax.f32 v4, v61  }
0xd1: {  	v54 =	vld [tilespmem:s18+$0x0];
	v3 =	vmax.f32 v3, v60;
	v60 =	vmin.f32 v5, v59;
	v61 =	vmin.f32 v1, v12  }
0xd2: {  	[tilespmem:$0x1FB40] =	vst v28;
	v5 =	vmax.f32 v5, v59;
	v3 =	vmax.f32 v3, v60;
	v28 =	vmin.f32 v4, v61  }
0xd3: {  	s21 =	sor.u32 s11, s16;
	v1 =	vmax.f32 v1, v12;
	v4 =	vmax.f32 v4, v61;
	v59 =	vmin.f32 v5, v28  }
0xd4: {  	s22 =	sor.u32 s11, s8;
	[tilespmem:$0x1FB80] =	vst v12;
	v61 =	vld [tilespmem:s21+$0x0];
	v5 =	vmax.f32 v5, v28;
	v12 =	vmin.f32 v1, v18;
	v3 =	vmax.f32 v3, v59  }
0xd5: {  	v60 =	vld [tilespmem:s22+$0x0];
	v1 =	vmax.f32 v1, v18;
	v28 =	vmin.f32 v4, v12;
	v4 =	vmax.f32 v4, v12  }
0xd6: {  	v12 =	vmin.f32 v1, v54;
	v1 =	vmax.f32 v1, v54;
	v59 =	vmin.f32 v5, v28  }
0xd7: {  	s23 =	sor.u32 s11, s5;
	[tilespmem:$0x1FBA0] =	vst v18;
	v5 =	vmax.f32 v5, v28;
	v18 =	vmin.f32 v4, v12;
	v4 =	vmax.f32 v4, v12  }
0xd8: {  	v12 =	vld [tilespmem:s23+$0x0];
	v3 =	vmax.f32 v3, v59;
	v28 =	vmin.f32 v5, v18;
	v5 =	vmax.f32 v5, v18  }
0xd9: {  	[tilespmem:$0x1FBB0] =	vst v54;
	v54 =	vmin.f32 v1, v61;
	v1 =	vmax.f32 v1, v61;
	v3 =	vmax.f32 v3, v28  }
0xda: {  	s24 =	sor.u32 s11, s3;
	v59 =	vmin.f32 v4, v54;
	v4 =	vmax.f32 v4, v54;
	v28 =	vmin.f32 v1, v60  }
0xdb: {  	s25 =	sor.u32 s11, s6;
	v1 =	vmax.f32 v1, v60;
	v18 =	vmin.f32 v5, v59;
	v5 =	vmax.f32 v5, v59;
	v59 =	vld [tilespmem:s24+$0x0]  }
0xdc: {  	v7 =	vmin.f32 v4, v28;
	v4 =	vmax.f32 v4, v28;
	v3 =	vmax.f32 v3, v18;
	v18 =	vld [tilespmem:s25+$0x0]  }
0xdd: {  	v54 =	vmin.f32 v5, v7;
	v5 =	vmax.f32 v5, v7;
	v28 =	vmin.f32 v1, v12  }
0xde: {  	s26 =	sor.u32 s11, s7;
	v3 =	vmax.f32 v3, v54;
	v1 =	vmax.f32 v1, v12;
	v54 =	vmin.f32 v4, v28  }
0xdf: {  	[tilespmem:$0x1FBD0] =	vst v12;
	v4 =	vmax.f32 v4, v28;
	v28 =	vld [tilespmem:s26+$0x0];
	v12 =	vmin.f32 v5, v54;
	v5 =	vmax.f32 v5, v54  }
0xe0: {  	v3 =	vmax.f32 v3, v12;
	v54 =	vmin.f32 v1, v59;
	v1 =	vmax.f32 v1, v59  }
0xe1: {  	s28 =	sor.u32 s11, s2;
	v12 =	vmin.f32 v4, v54;
	v4 =	vmax.f32 v4, v54;
	v54 =	vmin.f32 v1, v18  }
0xe2: {  	s29 =	sor.u32 s11, s10;
	v1 =	vmax.f32 v1, v18;
	v7 =	vmin.f32 v5, v12;
	v5 =	vmax.f32 v5, v12;
	v12 =	vld [tilespmem:s28+$0x0]  }
0xe3: {  	[tilespmem:$0x1FEC0] =	vst v18;
	v18 =	vld [tilespmem:s29+$0x0];
	v3 =	vmax.f32 v3, v7;
	v7 =	vmin.f32 v4, v54;
	v4 =	vmax.f32 v4, v54  }
0xe4: {  	v54 =	vmin.f32 v1, v28;
	v1 =	vmax.f32 v1, v28;
	v9 =	vmin.f32 v5, v7  }
0xe5: {  	v5 =	vmax.f32 v5, v7;
	v7 =	vmin.f32 v4, v54;
	v4 =	vmax.f32 v4, v54  }
0xe6: {  	v3 =	vmax.f32 v3, v9;
	v54 =	vmin.f32 v5, v7;
	v5 =	vmax.f32 v5, v7  }
0xe7: {  	[tilespmem:$0x1FFB0] =	vst v28;
	v3 =	vmax.f32 v3, v54;
	v28 =	vmin.f32 v1, v12;
	v1 =	vmax.f32 v1, v12  }
0xe8: {  	v54 =	vmin.f32 v4, v28;
	v4 =	vmax.f32 v4, v28;
	v28 =	vmin.f32 v1, v18  }
0xe9: {  	s30 =	sor.u32 s11, s20;
	[tilespmem:$0x1FFC0] =	vst v12;
	v12 =	vmin.f32 v5, v54;
	v5 =	vmax.f32 v5, v54;
	v54 =	vmin.f32 v4, v28  }
0xea: {  	v3 =	vmax.f32 v3, v12;
	v12 =	vmin.f32 v5, v54;
	v5 =	vmax.f32 v5, v54;
	v54 =	vld [tilespmem:s30+$0x0]  }
0xeb: {  	vm15 =	vmor vm8, vm9;
	vm1 =	vmor vm7, vm0;
	vm13 =	vmor vm13, vm12  }
0xec: {  	vm0 =	vgt.f32 v44, v2;
	vm7 =	vgt.f32 v16, v2;
	vm12 =	veq.f32 v13, v2  }
0xed: {  	vm11 =	vmor vm0, vm4;
	vm7 =	vmor vm7, vm14;
	vm14 =	vlt.u32 v8, v6  }
0xee: {  	vm0 =	vge.f32 v30, v2;
	vm9 =	vmand vm12, vm14;
	v1 =	vmax.f32 v1, v18  }
0xef: {  	v4 =	vmax.f32 v4, v28;
	v28 =	vsel vm9, $0x1, v0;
	v16 =	vmin.f32 v1, v54  }
0xf0: {  	vm4 =	veq.f32 v17, v2;
	[tilespmem:$0x1FFD0] =	vst v18;
	v11 =	vadd.s32 v28, v8;
	v18 =	vmin.f32 v4, v16  }
0xf1: {  	v3 =	vmax.f32 v3, v12;
	v1 =	vmax.f32 v1, v54;
	v44 =	vmin.f32 v5, v18  }
0xf2: {  	v8 =	vmax.f32 v3, v44;
	v3 =	vsel vm0, $0x3F800000, v48;
	vm0 =	vlt.u32 v11, v6  }
0xf3: {  	v12 =	vmax.f32 v5, v18;
	v44 =	vsel vm15, $0x3F800000, v48;
	vm8 =	vmand vm4, vm0  }
0xf4: {  	[tilespmem:$0x1FBE0] =	vst v3;
	v3 =	vmax.f32 v4, v16;
	vm4 =	vgt.f32 v1, v8;
	vm14 =	veq.f32 v46, v8  }
0xf5: {  	v1 =	vsel vm4, $0xFFFFFFFF, v0;
	vm0 =	vgt.f32 v3, v8;
	vm4 =	vgt.f32 v12, v8  }
0xf6: {  	v16 =	vsel vm8, $0x1, v0;
	v3 =	vsel vm0, $0x3, v37;
	v4 =	vsel vm4, $0xFFFFFFFF, v0  }
0xf7: {  	v5 =	vadd.s32 v16, v11;
	v37 =	vsel vm6, $0x3F800000, v48;
	v1 =	vadd.s32 v1, v3  }
0xf8: {  	[tilespmem:$0x1FED0] =	vst v20;
	vm0 =	vgt.f32 v10, v2;
	v9 =	vadd.s32 v4, v1;
	v1 =	vsel vm2, $0x3F800000, v48  }
0xf9: {  	vm6 =	veq.f32 v20, v8;
	v11 =	vimm.s32 $0x0;
	[tilespmem:$0x1FBF0] =	vst v1;
	v1 =	vsel vm1, $0x3F800000, v48  }
0xfa: {  	v10 =	vmovc v20;
	v20 =	vsel vm10, $0x3F800000, v48;
	vm2 =	vlt.u32 v5, v6;
	[tilespmem:$0x1FC00] =	vst v1;
	v1 =	vsel vm14, $0x1, v0  }
0xfb: {  	vm1 =	veq.f32 v21, v2;
	vm14 =	veq.f32 v41, v8;
	vm4 =	vgt.u32 v9, v1  }
0xfc: {  	v3 =	vimm.s32 $0x0;
	vm12 =	vmand vm1, vm2;
	vm1 =	vmand vm14, vm4  }
0xfd: {  	[tilespmem:$0x1FC10] =	vst v37;
	vm4 =	vgt.f32 v51, v2;
	v51 =	vld [tilespmem:$0x1FA90];
	v3 =	vsel vm1, $0xFFFFFFFF, v3;
	v18 =	vsel vm1, $0x1, v0  }
0xfe: {  	v37 =	vimm.s32 $0x0;
	[tilespmem:$0x1FAF0] =	vst v3;
	v3 =	vsel vm12, $0x1, v0;
	v1 =	vadd.s32 v1, v18  }
0xff: {  	vm14 =	vmor vm4, vm5;
	v3 =	vadd.s32 v3, v5;
	vm15 =	vlt.u32 v1, v9  }
0x100: {  	vm1 =	veq.f32 v22, v2;
	v18 =	vld [tilespmem:$0x1FAA0];
	vm2 =	vlt.u32 v3, v6;
	vm6 =	vmand vm6, vm15  }
0x101: {  	[tilespmem:$0x1FCE0] =	vst v19;
	vm15 =	vgt.f32 v19, v2;
	v19 =	vsel vm3, $0x3F800000, v48;
	vm3 =	vgt.f32 v15, v2  }
0x102: {  	vm4 =	vnez.u8 v51;
	vm5 =	vmand vm1, vm2;
	v4 =	vsel vm6, $0xFFFFFFFF, v11  }
0x103: {  	v16 =	vsel vm6, $0x1, v0;
	v11 =	vsel vm13, $0x3F800000, v48;
	vm4 =	vmor vm0, vm4  }
0x104: {  	[tilespmem:$0x1FC20] =	vst v44;
	v44 =	vld [tilespmem:$0x1FAB0];
	v12 =	vsel vm5, $0x1, v0;
	v1 =	vadd.s32 v16, v1;
	vm0 =	veq.f32 v23, v2  }
0x105: {  	v16 =	vimm.s32 $0x0;
	vm6 =	vnez.u8 v18;
	v3 =	vadd.s32 v12, v3  }
0x106: {  	vm10 =	vlt.u32 v1, v9;
	v12 =	vsel vm11, $0x3F800000, v48;
	vm11 =	veq.f32 v45, v8  }
0x107: {  	vm2 =	vmor vm15, vm6;
	vm1 =	vlt.u32 v3, v6;
	vm15 =	veq.f32 v24, v8  }
0x108: {  	[tilespmem:$0x1FEF0] =	vst v24;
	v18 =	vmovc v24;
	v24 =	vsel vm7, $0x3F800000, v48;
	vm1 =	vmand vm0, vm1;
	vm6 =	vmand vm15, vm10  }
0x109: {  	[tilespmem:$0x1FB00] =	vst v4;
	vm15 =	vgt.f32 v56, v2;
	vm10 =	vnez.u8 v44;
	v44 =	vmovc v15;
	v15 =	vld [tilespmem:$0x1FAC0];
	v4 =	vsel vm6, $0xFFFFFFFF, v37  }
0x10a: {  	vm0 =	vmor vm15, vm10;
	v51 =	vsel vm1, $0x1, v0;
	v56 =	vsel vm6, $0x1, v0  }
0x10b: {  	vm6 =	veq.f32 v25, v2;
	v37 =	vsel vm14, $0x3F800000, v48;
	v3 =	vadd.s32 v51, v3  }
0x10c: {  	[tilespmem:$0x1FC40] =	vst v20;
	v1 =	vadd.s32 v56, v1;
	v51 =	vimm.s32 $0x0;
	vm10 =	vlt.u32 v3, v6  }
0x10d: {  	[tilespmem:$0x1FCB0] =	vst v37;
	v37 =	vimm.s32 $0x0;
	vm13 =	vlt.u32 v1, v9;
	vm10 =	vmand vm6, vm10  }
0x10e: {  	[tilespmem:$0x1FC30] =	vst v19;
	vm13 =	vmand vm11, vm13;
	vm6 =	veq.f32 v26, v2;
	vm15 =	vnez.u8 v15  }
0x10f: {  	[tilespmem:$0x1FB10] =	vst v4;
	v4 =	vsel vm13, $0xFFFFFFFF, v16;
	v19 =	vsel vm10, $0x1, v0;
	v20 =	vsel vm13, $0x1, v0  }
0x110: {  	vm13 =	veq.f32 v14, v8;
	v15 =	vsel vm2, $0x3F800000, v48;
	vm2 =	veq.f32 v27, v2  }
0x111: {  	vm3 =	vmor vm3, vm15;
	vm15 =	vgt.f32 v13, v2;
	v3 =	vadd.s32 v19, v3  }
0x112: {  	[tilespmem:$0x1FD30] =	vst v13;
	v1 =	vadd.s32 v20, v1;
	v13 =	vsel vm4, $0x3F800000, v48;
	vm4 =	vgt.f32 v21, v2  }
0x113: {  	[tilespmem:$0x1FCF0] =	vst v15;
	v20 =	vsel vm0, $0x3F800000, v48;
	vm0 =	veq.f32 v32, v2;
	v15 =	vimm.s32 $0x0  }
0x114: {  	vm11 =	vmor vm15, vm9;
	vm9 =	vlt.u32 v3, v6;
	vm7 =	vlt.u32 v1, v9  }
0x115: {  	[tilespmem:$0x1FD60] =	vst v21;
	vm15 =	vgt.f32 v17, v2;
	v21 =	vsel vm3, $0x3F800000, v48;
	vm9 =	vmand vm6, vm9  }
0x116: {  	[tilespmem:$0x1FC50] =	vst v11;
	vm14 =	vmand vm13, vm7;
	vm8 =	vmor vm15, vm8;
	vm13 =	vmor vm4, vm12  }
0x117: {  	[tilespmem:$0x1FC90] =	vst v24;
	vm4 =	veq.f32 v53, v8;
	v24 =	vsel vm11, $0x3F800000, v48;
	v11 =	vsel vm14, $0x1, v0  }
0x118: {  	[tilespmem:$0x1FB20] =	vst v4;
	vm11 =	veq.f32 v33, v8;
	v4 =	vsel vm14, $0xFFFFFFFF, v51;
	v1 =	vadd.s32 v11, v1  }
0x119: {  	v56 =	vsel vm9, $0x1, v0;
	vm14 =	veq.f32 v47, v8;
	vm7 =	vlt.u32 v1, v9  }
0x11a: {  	v3 =	vadd.s32 v56, v3;
	v56 =	vsel vm13, $0x3F800000, v48;
	vm15 =	vmand vm14, vm7  }
0x11b: {  	vm6 =	vlt.u32 v3, v6;
	[tilespmem:$0x1FD70] =	vst v56;
	v56 =	vimm.s32 $0x0;
	v19 =	vsel vm15, $0x1, v0  }
0x11c: {  	v11 =	vld [tilespmem:$0x1FE20];
	vm2 =	vmand vm2, vm6;
	vm14 =	vgt.f32 v22, v2;
	v1 =	vadd.s32 v19, v1  }
0x11d: {  	[tilespmem:$0x1FDA0] =	vst v23;
	v16 =	vsel vm2, $0x1, v0;
	vm6 =	vmor vm14, vm5;
	vm12 =	vlt.u32 v1, v9  }
0x11e: {  	[tilespmem:$0x1FCD0] =	vst v13;
	v3 =	vadd.s32 v16, v3;
	v13 =	vsel vm6, $0x3F800000, v48;
	vm7 =	vmand vm4, vm12  }
0x11f: {  	[tilespmem:$0x1FDD0] =	vst v26;
	vm3 =	vlt.u32 v3, v6;
	vm4 =	vgt.f32 v23, v2;
	v23 =	vsel vm7, $0x1, v0  }
0x120: {  	[tilespmem:$0x1FC70] =	vst v12;
	v12 =	vmovc v26;
	vm5 =	vmand vm0, vm3;
	vm0 =	vgt.f32 v25, v2;
	v1 =	vadd.s32 v23, v1  }
0x121: {  	v26 =	vmovc v27;
	v27 =	vmovc v25;
	v25 =	vsel vm8, $0x3F800000, v48;
	vm12 =	veq.f32 v11, v2;
	vm14 =	vlt.u32 v1, v9  }
0x122: {  	[tilespmem:$0x1FD80] =	vst v22;
	v22 =	vsel vm5, $0x1, v0;
	vm0 =	vmor vm0, vm10;
	vm10 =	vmand vm11, vm14  }
0x123: {  	vm3 =	vmor vm4, vm1;
	v3 =	vadd.s32 v22, v3;
	v51 =	vsel vm10, $0x1, v0  }
0x124: {  	vm1 =	veq.f32 v35, v2;
	vm4 =	vlt.u32 v3, v6;
	v1 =	vadd.s32 v51, v1  }
0x125: {  	[tilespmem:$0x1FF30] =	vst v47;
	vm8 =	vmand vm1, vm4;
	vm14 =	veq.f32 v34, v8;
	vm1 =	vlt.u32 v1, v9  }
0x126: {  	v28 =	vmovc v17;
	v17 =	vmovc v47;
	[tilespmem:$0x1FB30] =	vst v4;
	v4 =	vsel vm10, $0xFFFFFFFF, v37;
	v47 =	vsel vm8, $0x1, v0;
	vm10 =	vmand vm14, vm1  }
0x127: {  	[tilespmem:$0x1FD50] =	vst v25;
	v25 =	vimm.s32 $0x0;
	v3 =	vadd.s32 v47, v3;
	v19 =	vsel vm10, $0x1, v0  }
0x128: {  	[tilespmem:$0x1FD20] =	vst v21;
	v21 =	vsel vm3, $0x3F800000, v48;
	vm13 =	vlt.u32 v3, v6;
	v1 =	vadd.s32 v19, v1  }
0x129: {  	vm6 =	vmand vm12, vm13;
	vm13 =	veq.f32 v49, v8;
	vm14 =	vlt.u32 v1, v9  }
0x12a: {  	vm3 =	vgt.f32 v32, v2;
	v23 =	vld [tilespmem:$0x1FE30];
	[tilespmem:$0x1FB50] =	vst v4;
	v4 =	vsel vm10, $0xFFFFFFFF, v15;
	vm10 =	vmand vm13, vm14  }
0x12b: {  	[tilespmem:$0x1FE00] =	vst v32;
	v22 =	vsel vm0, $0x3F800000, v48;
	vm11 =	vgt.f32 v12, v2;
	v32 =	vsel vm10, $0x1, v0  }
0x12c: {  	vm9 =	vmor vm11, vm9;
	vm11 =	vgt.f32 v26, v2;
	v1 =	vadd.s32 v32, v1;
	v32 =	vld [tilespmem:$0x1FF80]  }
0x12d: {  	[tilespmem:$0x1FF50] =	vst v33;
	vm3 =	vmor vm3, vm5;
	vm5 =	veq.f32 v63, v2;
	vm2 =	vmor vm11, vm2  }
0x12e: {  	[tilespmem:$0x1FD10] =	vst v20;
	v20 =	vmovc v33;
	vm11 =	vgt.f32 v35, v2;
	v33 =	vsel vm9, $0x3F800000, v48;
	v16 =	vsel vm6, $0x1, v0  }
0x12f: {  	[tilespmem:$0x1FE10] =	vst v35;
	vm9 =	vgt.f32 v63, v2;
	vm0 =	veq.f32 v23, v2;
	v3 =	vadd.s32 v16, v3  }
0x130: {  	vm4 =	vmor vm11, vm8;
	[tilespmem:$0x1FDE0] =	vst v33;
	v35 =	vsel vm2, $0x3F800000, v48;
	v33 =	vld [tilespmem:$0x1FF90];
	vm12 =	vlt.u32 v3, v6  }
0x131: {  	vm0 =	vmand vm0, vm12;
	vm14 =	vlt.u32 v1, v9;
	vm13 =	veq.f32 v32, v8  }
0x132: {  	v47 =	vmovc v26;
	[tilespmem:$0x1FB60] =	vst v4;
	v4 =	vsel vm10, $0xFFFFFFFF, v25;
	v26 =	vsel vm0, $0x1, v0;
	vm11 =	vmand vm13, vm14  }
0x133: {  	vm10 =	vgt.f32 v11, v2;
	v3 =	vadd.s32 v26, v3;
	v51 =	vsel vm11, $0x1, v0  }
0x134: {  	v25 =	vsel vm4, $0x3F800000, v48;
	vm12 =	vlt.u32 v3, v6;
	v1 =	vadd.s32 v51, v1  }
0x135: {  	vm2 =	vmand vm5, vm12;
	vm13 =	veq.f32 v33, v8;
	vm14 =	vlt.u32 v1, v9  }
0x136: {  	v26 =	vsel vm3, $0x3F800000, v48;
	v37 =	vsel vm2, $0x1, v0;
	vm8 =	vmand vm13, vm14  }
0x137: {  	[tilespmem:$0x1FB70] =	vst v4;
	vm3 =	vgt.f32 v23, v2;
	v3 =	vadd.s32 v37, v3;
	v4 =	vsel vm8, $0xFFFFFFFF, v56;
	v56 =	vld [tilespmem:$0x1FFA0]  }
0x138: {  	vm4 =	veq.f32 v62, v2;
	vm0 =	vmor vm3, vm0;
	vm12 =	vlt.u32 v3, v6  }
0x139: {  	vm5 =	vmor vm10, vm6;
	vm10 =	veq.f32 v58, v2;
	vm3 =	vmand vm4, vm12  }
0x13a: {  	[tilespmem:$0x1FDB0] =	vst v21;
	v21 =	vsel vm0, $0x3F800000, v48;
	v11 =	vsel vm3, $0x1, v0;
	v12 =	vsel vm8, $0x1, v0  }
0x13b: {  	vm2 =	vmor vm9, vm2;
	v3 =	vadd.s32 v11, v3;
	v1 =	vadd.s32 v12, v1  }
0x13c: {  	vm12 =	vlt.u32 v3, v6;
	vm14 =	vlt.u32 v1, v9;
	vm13 =	veq.f32 v56, v8  }
0x13d: {  	[tilespmem:$0x1FD40] =	vst v24;
	vm9 =	veq.f32 v57, v2;
	vm0 =	vmand vm10, vm12;
	vm14 =	vmand vm13, vm14  }
0x13e: {  	v24 =	vmovc v58;
	[tilespmem:$0x1FD90] =	vst v13;
	vm12 =	veq.f32 v52, v8;
	v13 =	vsel vm0, $0x1, v0;
	v15 =	vsel vm14, $0x1, v0  }
0x13f: {  	v58 =	vmovc v62;
	vm8 =	vgt.f32 v62, v2;
	v62 =	vld [tilespmem:$0x1FAD0];
	v3 =	vadd.s32 v13, v3;
	v1 =	vadd.s32 v15, v1  }
0x140: {  	vm3 =	vmor vm8, vm3;
	vm10 =	vlt.u32 v3, v6;
	vm13 =	vlt.u32 v1, v9  }
0x141: {  	v23 =	vsel vm3, $0x3F800000, v48;
	vm3 =	vmand vm9, vm10;
	vm13 =	vmand vm12, vm13  }
0x142: {  	[tilespmem:$0x1FDF0] =	vst v35;
	v16 =	vsel vm3, $0x1, v0;
	v35 =	vsel vm13, $0x1, v0  }
0x143: {  	v1 =	vadd.s32 v35, v1  }
0x144: {  	vm10 =	veq.f32 v36, v2;
	vm8 =	veq.f32 v62, v8;
	vm9 =	vlt.u32 v1, v9  }
0x145: {  	v3 =	vadd.s32 v16, v3;
	v16 =	vmovc v36;
	vm12 =	vmand vm8, vm9;
	vm9 =	vgt.f32 v36, v2;
	v36 =	vld [tilespmem:$0x1FAE0];
	_ =	sdelay $0x1  }
0x146: {  	vm1 =	vgt.f32 v57, v2;
	v15 =	vsel vm2, $0x3F800000, v48;
	vm2 =	vgt.f32 v24, v2;
	v2 =	vld [tilespmem:$0x1FAF0]  }
0x147: {  	vm2 =	vmor vm2, vm0;
	vm8 =	vlt.u32 v3, v6;
	v3 =	vsel vm12, $0x1, v0  }
0x148: {  	v12 =	vsel vm2, $0x3F800000, v48;
	v1 =	vadd.s32 v3, v1  }
0x149: {  	vm2 =	vmand vm10, vm8;
	vm6 =	vlt.u32 v1, v9;
	vm10 =	veq.f32 v36, v8  }
0x14a: {  	vm6 =	vmand vm10, vm6  }
0x14b: {  	vm10 =	vnez.u8 v2;
	v2 =	vsel vm6, $0x1, v0  }
0x14c: {  	v1 =	vadd.s32 v2, v1;
	v2 =	vld [tilespmem:$0x1FB00];
	_ =	sdelay $0x3  }
0x14d: {  	vm2 =	vmor vm9, vm2;
	vm9 =	vgt.f32 v41, v8;
	v3 =	vld [tilespmem:$0x1FB20]  }
0x14e: {  	vm4 =	vmor vm9, vm10;
	vm9 =	vnez.u8 v2;
	v2 =	vld [tilespmem:$0x1FB10]  }
0x14f: {  	vm3 =	vmor vm1, vm3  }
0x150: {  	[tilespmem:$0x1FDC0] =	vst v22;
	v22 =	vsel vm5, $0x3F800000, v48;
	v7 =	vsel vm3, $0x3F800000, v48  }
0x151: {  	vm3 =	vgt.f32 v18, v8;
	v13 =	vsel vm2, $0x3F800000, v48;
	vm2 =	vgt.f32 v10, v8  }
0x152: {  	[tilespmem:$0x1FB90] =	vst v4;
	v4 =	vsel vm4, $0x3F800000, v48;
	vm4 =	veq.f32 v50, v8;
	vm5 =	vlt.u32 v1, v9  }
0x153: {  	vm4 =	vmand vm4, vm5;
	vm5 =	vnez.u8 v3;
	vm10 =	vnez.u8 v2  }
0x154: {  	vm2 =	vmor vm2, vm9;
	v2 =	vsel vm4, $0x1, v0;
	vm9 =	vmor vm3, vm10  }
0x155: {  	vm3 =	vgt.f32 v45, v8;
	v1 =	vadd.s32 v2, v1;
	v2 =	vsel vm2, $0x3F800000, v48  }
0x156: {  	vm2 =	veq.f32 v55, v8;
	vm5 =	vmor vm3, vm5;
	vm3 =	vlt.u32 v1, v9  }
0x157: {  	vm3 =	vmand vm2, vm3  }
0x158: {  	[tilespmem:$0x1FEE0] =	vst v2;
	v2 =	vsel vm3, $0x1, v0  }
0x159: {  	v1 =	vadd.s32 v2, v1;
	v2 =	vsel vm9, $0x3F800000, v48  }
0x15a: {  	[tilespmem:$0x1FF00] =	vst v2;
	v2 =	vld [tilespmem:$0x1FB50];
	_ =	sdelay $0x1  }
0x15b: {  	v3 =	vld [tilespmem:$0x1FB30];
	_ =	sdelay $0x1  }
0x15c: {  	[tilespmem:$0x1FE40] =	vst v63;
	v63 =	vmov v52;
	v52 =	vld [tilespmem:$0x1FB40]  }
0x15d: {  	vm9 =	vnez.u8 v2;
	v2 =	vld [tilespmem:$0x1FB60]  }
0x15e: {  	vm1 =	vgt.f32 v34, v8;
	vm8 =	vge.f32 v46, v8  }
0x15f: {  	v5 =	vsel vm8, $0x3F800000, v48;
	vm8 =	vgt.f32 v14, v8;
	vm10 =	vnez.u8 v3  }
0x160: {  	vm0 =	vgt.f32 v53, v8;
	vm10 =	vmor vm8, vm10;
	vm8 =	vgt.f32 v17, v8  }
0x161: {  	vm15 =	vmor vm8, vm15;
	vm8 =	vmor vm0, vm7;
	vm0 =	vgt.f32 v20, v8  }
0x162: {  	vm2 =	veq.f32 v52, v8;
	vm9 =	vmor vm0, vm9;
	vm0 =	vnez.u8 v2  }
0x163: {  	v37 =	vld [tilespmem:$0x1FB70];
	vm7 =	vlt.u32 v1, v9;
	v2 =	vimm.s32 $0x0;
	vm0 =	vmor vm1, vm0  }
0x164: {  	vm1 =	vmand vm2, vm7;
	v2 =	vsel vm0, $0xFFFFFFFF, v2  }
0x165: {  	v19 =	vmov v57;
	v57 =	vmov v50;
	v50 =	vld [tilespmem:$0x1FB80];
	[tilespmem:$0x1FBC0] =	vst v2;
	v2 =	vsel vm1, $0x1, v0  }
0x166: {  	[tilespmem:$0x1FF10] =	vst v45;
	v51 =	vimm.s32 $0x0;
	v6 =	vmovc v41;
	v41 =	vimm.s32 $0x0;
	v1 =	vadd.s32 v2, v1;
	v2 =	vld [tilespmem:$0x1FB90]  }
0x167: {  	[tilespmem:$0x1FF40] =	vst v53;
	v45 =	vimm.s32 $0x0;
	v53 =	vsel vm5, $0x3F800000, v48;
	vm5 =	vgt.f32 v56, v8  }
0x168: {  	v20 =	vsel vm10, $0x3F800000, v48;
	vm2 =	vgt.f32 v49, v8;
	vm0 =	vnez.u8 v37  }
0x169: {  	[tilespmem:$0x1FF70] =	vst v49;
	vm7 =	vgt.f32 v32, v8;
	v49 =	vimm.s32 $0x0;
	vm2 =	vmor vm2, vm0  }
0x16a: {  	vm7 =	vmor vm7, vm11;
	vm11 =	veq.f32 v50, v8;
	v10 =	vsel vm2, $0xFFFFFFFF, v41  }
0x16b: {  	vm2 =	vgt.f32 v33, v8;
	[tilespmem:$0x1FE50] =	vst v10;
	v10 =	vsel vm7, $0xFFFFFFFF, v45;
	vm7 =	vnez.u8 v2  }
0x16c: {  	v56 =	vld [tilespmem:$0x1FBA0];
	vm0 =	vlt.u32 v1, v9;
	v2 =	vimm.s32 $0x0;
	vm2 =	vmor vm2, vm7  }
0x16d: {  	vm11 =	vmand vm11, vm0;
	vm7 =	vmor vm5, vm14;
	v2 =	vsel vm2, $0xFFFFFFFF, v2  }
0x16e: {  	vm14 =	vgt.f32 v62, v8;
	vm2 =	vgt.f32 v63, v8;
	[tilespmem:$0x1FE70] =	vst v2;
	v2 =	vimm.s32 $0x0  }
0x16f: {  	vm12 =	vmor vm14, vm12;
	vm14 =	vgt.f32 v57, v8;
	v2 =	vsel vm7, $0xFFFFFFFF, v2  }
0x170: {  	vm2 =	vmor vm2, vm13;
	vm13 =	vgt.f32 v36, v8;
	[tilespmem:$0x1FE80] =	vst v2;
	v2 =	vsel vm11, $0x1, v0  }
0x171: {  	vm7 =	veq.f32 v56, v8;
	v1 =	vadd.s32 v2, v1;
	v2 =	vimm.s32 $0x0  }
0x172: {  	vm10 =	vlt.u32 v1, v9;
	v2 =	vsel vm2, $0xFFFFFFFF, v2;
	vm2 =	vmor vm13, vm6  }
0x173: {  	[tilespmem:$0x1FE60] =	vst v10;
	vm7 =	vmand vm7, vm10;
	v10 =	vsel vm2, $0xFFFFFFFF, v49;
	vm10 =	vmor vm14, vm4  }
0x174: {  	[tilespmem:$0x1FEA0] =	vst v10;
	v10 =	vsel vm10, $0xFFFFFFFF, v51;
	v51 =	vld [tilespmem:$0x1FBB0];
	_ =	sdelay $0x2  }
0x175: {  	[tilespmem:$0x1FE90] =	vst v2;
	v2 =	vsel vm7, $0x1, v0  }
0x176: {  	v1 =	vadd.s32 v2, v1  }
0x177: {  	vm14 =	vlt.u32 v1, v9;
	vm13 =	veq.f32 v51, v8  }
0x178: {  	v3 =	vmov v55;
	v18 =	vsel vm15, $0x3F800000, v48;
	vm6 =	vmand vm13, vm14  }
0x179: {  	vm15 =	vgt.f32 v3, v8;
	vm10 =	vgt.f32 v52, v8;
	v2 =	vsel vm6, $0x1, v0  }
0x17a: {  	vm5 =	vmor vm15, vm3;
	vm4 =	vmor vm10, vm1;
	v1 =	vadd.s32 v2, v1  }
0x17b: {  	vm1 =	vgt.f32 v50, v8;
	vm14 =	veq.f32 v61, v8;
	vm15 =	vlt.u32 v1, v9  }
0x17c: {  	vm0 =	vgt.f32 v61, v8;
	vm2 =	vmor vm1, vm11;
	vm10 =	vmand vm14, vm15  }
0x17d: {  	vm13 =	vgt.f32 v56, v8;
	vm15 =	vgt.f32 v51, v8;
	v2 =	vsel vm10, $0x1, v0  }
0x17e: {  	vm11 =	vmor vm13, vm7;
	vm13 =	vmor vm15, vm6;
	v1 =	vadd.s32 v2, v1  }
0x17f: {  	vm14 =	vmor vm0, vm10;
	vm10 =	veq.f32 v60, v8;
	vm15 =	vlt.u32 v1, v9  }
0x180: {  	vm1 =	vmand vm10, vm15  }
0x181: {  	v17 =	vsel vm1, $0x1, v0  }
0x182: {  	[tilespmem:$0x1FF60] =	vst v34;
	v34 =	vadd.s32 v17, v1;
	v1 =	vld [tilespmem:$0x1FFF0];
	_ =	sdelay $0x1  }
0x183: {  	v32 =	vld [tilespmem:$0x1FBC0]  }
0x184: {  	[tilespmem:$0x1FF20] =	vst v14;
	v14 =	vmov s14;
	v33 =	vld [tilespmem:$0x1FFE0]  }
0x185: {  	v55 =	vmov v36;
	v36 =	vld [tilespmem:$0x1FBE0];
	[tilespmem:$0x1FEB0] =	vst v10;
	v10 =	vshll.u32 v14, $0x7  }
0x186: {  	v10 =	vor.u32 v1, v10;
	_ =	sdelay $0x1  }
0x187: {  	vm7 =	vnez.u8 v32  }
0x188: {  	v17 =	vsel vm7, $0x3F800000, v48;
	vm7 =	vnez.u8 v33  }
0x189: {  	v41 =	vld [tilespmem:$0x1FC00];
	v33 =	vsel vm7, v30, v36  }
0x18a: {  	[tilespmem:v10+s9+$0x0] =	vst.idx.msk $0xffff, v33;
	v33 =	vld [tilespmem:$0x1FC30];
	_ =	sdelay $0x2  }
0x18b: {  	v37 =	vld [tilespmem:$0x1FBF0]  }
0x18c: {  	v45 =	vsel vm7, v29, v41;
	v41 =	vld [tilespmem:$0x1FC50];
	v35 =	vor.u32 $0x1, v10  }
0x18d: {  	v33 =	vsel vm7, v40, v33;
	v40 =	vld [tilespmem:$0x1FC40];
	_ =	sdelay $0x2  }
0x18e: {  	v31 =	vsel vm7, v31, v37  }
0x18f: {  	v32 =	vor.u32 $0x2, v10;
	[tilespmem:v35+s9+$0x0] =	vst.idx.msk $0xffff, v31;
	v31 =	vsel vm7, v43, v41;
	v43 =	vld [tilespmem:$0x1FC70]  }
0x190: {  	v40 =	vsel vm7, v42, v40;
	v42 =	vld [tilespmem:$0x1FC60];
	_ =	sdelay $0x2  }
0x191: {  	v36 =	vld [tilespmem:$0x1FC90]  }
0x192: {  	[tilespmem:v32+s9+$0x0] =	vst.idx.msk $0xffff, v45;
	v45 =	vld [tilespmem:$0x1FC80]  }
0x193: {  	v35 =	vsel vm7, v42, v43;
	v42 =	vld [tilespmem:$0x1FCA0]  }
0x194: {  	v43 =	vld [tilespmem:$0x1FCB0];
	_ =	sdelay $0x1  }
0x195: {  	v29 =	vld [tilespmem:$0x1FC10]  }
0x196: {  	v30 =	vld [tilespmem:$0x1FC20]  }
0x197: {  	v32 =	vsel vm7, v45, v36;
	v45 =	vld [tilespmem:$0x1FCC0]  }
0x198: {  	v37 =	vor.u32 $0x3, v10;
	v36 =	vsel vm7, v42, v43;
	v43 =	vld [tilespmem:$0x1FCD0];
	_ =	sdelay $0x3  }
0x199: {  	v38 =	vsel vm7, v38, v29  }
0x19a: {  	v39 =	vsel vm7, v39, v30;
	v30 =	vor.u32 $0x4, v10;
	[tilespmem:v37+s9+$0x0] =	vst.idx.msk $0xffff, v38;
	v37 =	vsel vm7, v45, v43;
	v45 =	vld [tilespmem:$0x1FCE0]  }
0x19b: {  	v43 =	vld [tilespmem:$0x1FCF0];
	_ =	sdelay $0x3  }
0x19c: {  	[tilespmem:v30+s9+$0x0] =	vst.idx.msk $0xffff, v39;
	v39 =	vld [tilespmem:$0x1FD10]  }
0x19d: {  	v38 =	vsel vm7, v45, v43;
	v45 =	vld [tilespmem:$0x1FD00];
	_ =	sdelay $0x3  }
0x19e: {  	v29 =	vor.u32 $0x5, v10  }
0x19f: {  	v30 =	vsel vm7, v45, v39;
	v45 =	vld [tilespmem:$0x1FD20];
	_ =	sdelay $0x3  }
0x1a0: {  	[tilespmem:v29+s9+$0x0] =	vst.idx.msk $0xffff, v33;
	v33 =	vld [tilespmem:$0x1FD30]  }
0x1a1: {  	v39 =	vsel vm7, v44, v45;
	v45 =	vld [tilespmem:$0x1FD40];
	_ =	sdelay $0x3  }
0x1a2: {  	v14 =	vld [tilespmem:$0x1FD60]  }
0x1a3: {  	v41 =	vor.u32 $0x6, v10;
	v29 =	vsel vm7, v33, v45;
	v45 =	vld [tilespmem:$0x1FD70];
	_ =	sdelay $0x4  }
0x1a4: {  	[tilespmem:v41+s9+$0x0] =	vst.idx.msk $0xffff, v40;
	v42 =	vor.u32 $0x7, v10;
	v40 =	vsel vm7, v14, v45;
	v14 =	vld [tilespmem:$0x1FD80]  }
0x1a5: {  	v45 =	vld [tilespmem:$0x1FD90];
	_ =	sdelay $0x3  }
0x1a6: {  	[tilespmem:v42+s9+$0x0] =	vst.idx.msk $0xffff, v31;
	v42 =	vld [tilespmem:$0x1FDB0];
	v43 =	vor.u32 $0x8, v10  }
0x1a7: {  	v41 =	vsel vm7, v14, v45;
	v14 =	vld [tilespmem:$0x1FDA0];
	_ =	sdelay $0x2  }
0x1a8: {  	v33 =	vld [tilespmem:$0x1FD50]  }
0x1a9: {  	[tilespmem:v43+s9+$0x0] =	vst.idx.msk $0xffff, v35;
	v43 =	vld [tilespmem:$0x1FDE0]  }
0x1aa: {  	v31 =	vsel vm7, v14, v42;
	v14 =	vld [tilespmem:$0x1FDD0]  }
0x1ab: {  	v44 =	vor.u32 $0x9, v10;
	_ =	sdelay $0x1  }
0x1ac: {  	v11 =	vld [tilespmem:$0x1FBD0];
	v33 =	vsel vm7, v28, v33;
	v28 =	vor.u32 $0xA, v10  }
0x1ad: {  	v42 =	vld [tilespmem:$0x1FDC0]  }
0x1ae: {  	v35 =	vsel vm7, v14, v43;
	v43 =	vld [tilespmem:$0x1FDF0]  }
0x1af: {  	[tilespmem:v44+s9+$0x0] =	vst.idx.msk $0xffff, v32;
	v32 =	vld [tilespmem:$0x1FE00]  }
0x1b0: {  	v44 =	vld [tilespmem:$0x1FE10]  }
0x1b1: {  	v45 =	vor.u32 $0xB, v10;
	[tilespmem:v28+s9+$0x0] =	vst.idx.msk $0xffff, v36;
	v36 =	vld [tilespmem:$0x1FE30]  }
0x1b2: {  	v42 =	vsel vm7, v27, v42;
	v27 =	vor.u32 $0xC, v10  }
0x1b3: {  	v43 =	vsel vm7, v47, v43;
	v47 =	vor.u32 $0xD, v10  }
0x1b4: {  	v26 =	vsel vm7, v32, v26;
	v32 =	vor.u32 $0xE, v10  }
0x1b5: {  	v49 =	vmovc v3;
	v3 =	vsel vm8, $0x3F800000, v48;
	v25 =	vsel vm7, v44, v25;
	v44 =	vor.u32 $0xF, v10  }
0x1b6: {  	vm8 =	veq.f32 v11, v8;
	v21 =	vsel vm7, v36, v21;
	[tilespmem:v45+s9+$0x0] =	vst.idx.msk $0xffff, v37;
	v45 =	vld [tilespmem:$0x1FE40];
	v36 =	vor.u32 $0x10, v10  }
0x1b7: {  	vm6 =	vgt.f32 v60, v8;
	v14 =	vsel vm7, v58, v23;
	v58 =	vor.u32 $0x11, v10;
	[tilespmem:v27+s9+$0x0] =	vst.idx.msk $0xffff, v38  }
0x1b8: {  	v7 =	vsel vm7, v19, v7;
	v19 =	vsel vm7, v16, v13;
	v16 =	vor.u32 $0x12, v10;
	v28 =	vld [tilespmem:$0x1FE20];
	[tilespmem:v47+s9+$0x0] =	vst.idx.msk $0xffff, v30  }
0x1b9: {  	v2 =	vsel vm9, $0x3F800000, v48;
	vm6 =	vmor vm6, vm1;
	v23 =	vor.u32 $0x13, v10;
	[tilespmem:v32+s9+$0x0] =	vst.idx.msk $0xffff, v39  }
0x1ba: {  	vm9 =	vlt.u32 v34, v9;
	v5 =	vsel vm7, v46, v5;
	[tilespmem:v44+s9+$0x0] =	vst.idx.msk $0xffff, v29;
	v44 =	vor.u32 $0x14, v10  }
0x1bb: {  	vm1 =	vmand vm8, vm9;
	v46 =	vor.u32 $0x15, v10;
	v15 =	vsel vm7, v45, v15;
	v45 =	vld [tilespmem:$0x1FE50];
	[tilespmem:v36+s9+$0x0] =	vst.idx.msk $0xffff, v33  }
0x1bc: {  	v12 =	vsel vm7, v24, v12;
	v13 =	vld [tilespmem:$0x1FE70];
	v24 =	vsel vm1, $0x1, v0;
	[tilespmem:v58+s9+$0x0] =	vst.idx.msk $0xffff, v40;
	v58 =	vor.u32 $0x16, v10  }
0x1bd: {  	v22 =	vsel vm7, v28, v22;
	v28 =	vadd.s32 v24, v34;
	v24 =	vor.u32 $0x17, v10;
	[tilespmem:v16+s9+$0x0] =	vst.idx.msk $0xffff, v41  }
0x1be: {  	[tilespmem:v23+s9+$0x0] =	vst.idx.msk $0xffff, v31;
	v23 =	vor.u32 $0x18, v10  }
0x1bf: {  	[tilespmem:v44+s9+$0x0] =	vst.idx.msk $0xffff, v42  }
0x1c0: {  	vm10 =	vnez.u8 v45;
	[tilespmem:v46+s9+$0x0] =	vst.idx.msk $0xffff, v35  }
0x1c1: {  	v34 =	vsel vm10, $0x3F800000, v48;
	vm10 =	vnez.u8 v13;
	v13 =	vor.u32 $0x19, v10;
	[tilespmem:v58+s9+$0x0] =	vst.idx.msk $0xffff, v43  }
0x1c2: {  	v27 =	vmov s31;
	v44 =	vor.u32 $0x1A, v10;
	[tilespmem:v24+s9+$0x0] =	vst.idx.msk $0xffff, v26  }
0x1c3: {  	v45 =	vor.u32 $0x1B, v10;
	v43 =	vld [tilespmem:$0x1FEE0];
	[tilespmem:v23+s9+$0x0] =	vst.idx.msk $0xffff, v25;
	v23 =	vshll.u32 v27, $0x7  }
0x1c4: {  	v32 =	vsel vm7, v6, v4;
	v4 =	vor.u32 v1, v23;
	v1 =	vld [tilespmem:$0x1FED0];
	_ =	sdelay $0x1  }
0x1c5: {  	[tilespmem:v13+s9+$0x0] =	vst.idx.msk $0xffff, v22  }
0x1c6: {  	v47 =	vld [tilespmem:$0x1FE60];
	[tilespmem:v44+s9+$0x0] =	vst.idx.msk $0xffff, v21  }
0x1c7: {  	[tilespmem:v45+s9+$0x0] =	vst.idx.msk $0xffff, v15;
	v45 =	vld [tilespmem:$0x1FF00]  }
0x1c8: {  	v44 =	vsel vm7, v1, v43;
	v1 =	vld [tilespmem:$0x1FEF0];
	_ =	sdelay $0x2  }
0x1c9: {  	v46 =	vor.u32 $0x1C, v10  }
0x1ca: {  	vm8 =	vnez.u8 v47;
	v47 =	vor.u32 $0x1D, v10  }
0x1cb: {  	v58 =	vor.u32 $0x1E, v10;
	v23 =	vsel vm7, v1, v45;
	v1 =	vld [tilespmem:$0x1FF10];
	_ =	sdelay $0x2  }
0x1cc: {  	[tilespmem:v46+s9+$0x0] =	vst.idx.msk $0xffff, v14  }
0x1cd: {  	[tilespmem:v47+s9+$0x0] =	vst.idx.msk $0xffff, v12  }
0x1ce: {  	[tilespmem:v58+s9+$0x0] =	vst.idx.msk $0xffff, v7;
	v7 =	vsel vm7, v1, v53;
	v1 =	vld [tilespmem:$0x1FF20];
	_ =	sdelay $0x3  }
0x1cf: {  	vm15 =	veq.f32 v59, v8;
	vm9 =	vlt.u32 v28, v9;
	v16 =	vld [tilespmem:$0x1FE80]  }
0x1d0: {  	v36 =	vsel vm8, $0x3F800000, v48;
	vm8 =	vmand vm15, vm9;
	v13 =	vsel vm7, v1, v20;
	v1 =	vld [tilespmem:$0x1FF30]  }
0x1d1: {  	v42 =	vsel vm8, $0x1, v0  }
0x1d2: {  	v38 =	vsel vm10, $0x3F800000, v48;
	v30 =	vsel vm12, $0x3F800000, v48;
	v28 =	vadd.s32 v42, v28;
	v42 =	vld [tilespmem:$0x1FEB0]  }
0x1d3: {  	v29 =	vsel vm4, $0x3F800000, v48;
	v33 =	vsel vm11, $0x3F800000, v48;
	vm15 =	vgt.f32 v11, v8  }
0x1d4: {  	vm11 =	vgt.f32 v59, v8;
	vm3 =	vmor vm15, vm1;
	vm9 =	vnez.u8 v16;
	v16 =	vld [tilespmem:$0x1FE90]  }
0x1d5: {  	vm0 =	vmor vm11, vm8;
	v35 =	vsel vm14, $0x3F800000, v48;
	v6 =	vsel vm7, v1, v18;
	v1 =	vld [tilespmem:$0x1FF40]  }
0x1d6: {  	v10 =	vor.u32 $0x1F, v10;
	v31 =	vsel vm9, $0x3F800000, v48;
	v22 =	vsel vm5, $0x3F800000, v48  }
0x1d7: {  	v27 =	vld [tilespmem:$0x1FEA0];
	vm15 =	vnez.u8 v42;
	v21 =	vsel vm2, $0x3F800000, v48;
	v37 =	vor.u32 $0x1, v4  }
0x1d8: {  	v40 =	vor.u32 $0x6, v4;
	v15 =	vsel vm13, $0x3F800000, v48;
	v21 =	vsel vm7, v50, v21  }
0x1d9: {  	v42 =	vld [tilespmem:$0x1FEC0];
	vm10 =	vnez.u8 v16;
	v14 =	vsel vm6, $0x3F800000, v48;
	v46 =	vor.u32 $0x2, v4  }
0x1da: {  	v15 =	vsel vm7, v51, v15;
	v47 =	vor.u32 $0x3, v4;
	v3 =	vsel vm7, v1, v3;
	v1 =	vld [tilespmem:$0x1FF50]  }
0x1db: {  	v39 =	vld [tilespmem:$0x1FF80];
	v51 =	vor.u32 $0x19, v4;
	v26 =	vsel vm10, $0x3F800000, v48;
	[tilespmem:v4+s9+$0x0] =	vst.idx.msk $0xffff, v5;
	v53 =	vor.u32 $0x4, v4  }
0x1dc: {  	vm12 =	vnez.u8 v27;
	v27 =	vsel vm15, $0x3F800000, v48;
	v58 =	vor.u32 $0x5, v4;
	[tilespmem:v10+s9+$0x0] =	vst.idx.msk $0xffff, v19  }
0x1dd: {  	v50 =	vld [tilespmem:$0x1FFB0];
	vm10 =	vlt.u32 v28, v9;
	v14 =	vsel vm7, v60, v14;
	v25 =	vsel vm12, $0x3F800000, v48;
	[tilespmem:v37+s9+$0x0] =	vst.idx.msk $0xffff, v32  }
0x1de: {  	v43 =	vld [tilespmem:$0x1FF90];
	v16 =	vsel vm7, v63, v26;
	v63 =	vor.u32 $0xD, v4;
	[tilespmem:v46+s9+$0x0] =	vst.idx.msk $0xffff, v44;
	v45 =	vor.u32 $0x7, v4  }
0x1df: {  	vm9 =	veq.f32 v42, v8;
	v46 =	vor.u32 $0x8, v4;
	[tilespmem:v47+s9+$0x0] =	vst.idx.msk $0xffff, v23;
	v2 =	vsel vm7, v1, v2;
	v1 =	vld [tilespmem:$0x1FF60]  }
0x1e0: {  	v37 =	vld [tilespmem:$0x1FF70];
	v32 =	vsel vm7, v39, v36;
	v10 =	vsel vm7, v57, v27;
	v47 =	vor.u32 $0x9, v4;
	[tilespmem:v53+s9+$0x0] =	vst.idx.msk $0xffff, v7  }
0x1e1: {  	v57 =	vor.u32 $0xB, v4;
	v36 =	vsel vm7, v56, v33;
	v53 =	vor.u32 $0xA, v4;
	[tilespmem:v58+s9+$0x0] =	vst.idx.msk $0xffff, v13  }
0x1e2: {  	v39 =	vor.u32 $0x14, v4;
	vm14 =	vgt.f32 v42, v8;
	vm1 =	vmand vm9, vm10;
	[tilespmem:v40+s9+$0x0] =	vst.idx.msk $0xffff, v6  }
0x1e3: {  	vm12 =	veq.f32 v50, v8;
	vm5 =	vgt.f32 v50, v8;
	v44 =	vld [tilespmem:$0x1FFA0];
	v58 =	vor.u32 $0xC, v4;
	[tilespmem:v45+s9+$0x0] =	vst.idx.msk $0xffff, v3  }
0x1e4: {  	v12 =	vsel vm7, v43, v38;
	v38 =	vor.u32 $0x13, v4;
	[tilespmem:v46+s9+$0x0] =	vst.idx.msk $0xffff, v2;
	v1 =	vsel vm7, v1, v17  }
0x1e5: {  	v41 =	vmovc v11;
	v43 =	vor.u32 $0x15, v4;
	v11 =	vsel vm7, v37, v34;
	v3 =	vor.u32 $0xE, v4;
	[tilespmem:v47+s9+$0x0] =	vst.idx.msk $0xffff, v1  }
0x1e6: {  	v23 =	vsel vm7, v62, v30;
	v62 =	vsel vm7, v52, v29;
	v34 =	vor.u32 $0xF, v4;
	[tilespmem:v53+s9+$0x0] =	vst.idx.msk $0xffff, v11  }
0x1e7: {  	v37 =	vor.u32 $0x11, v4;
	v52 =	vor.u32 $0x1A, v4;
	v2 =	vor.u32 $0x10, v4;
	[tilespmem:v57+s9+$0x0] =	vst.idx.msk $0xffff, v32  }
0x1e8: {  	v24 =	vsel vm7, v44, v31;
	v44 =	vor.u32 $0x16, v4;
	v47 =	vsel vm1, $0x1, v0;
	[tilespmem:v58+s9+$0x0] =	vst.idx.msk $0xffff, v12  }
0x1e9: {  	v7 =	vsel vm7, v55, v25;
	v1 =	vor.u32 $0x12, v4;
	v53 =	vld [tilespmem:$0x1FFC0];
	v12 =	vadd.s32 v47, v28;
	[tilespmem:v63+s9+$0x0] =	vst.idx.msk $0xffff, v24  }
0x1ea: {  	v55 =	vsel vm7, v49, v22;
	v49 =	vor.u32 $0x18, v4;
	vm13 =	vlt.u32 v12, v9;
	[tilespmem:v3+s9+$0x0] =	vst.idx.msk $0xffff, v16  }
0x1eb: {  	v40 =	vsel vm7, v61, v35;
	v3 =	vsel vm0, $0x3F800000, v48;
	vm0 =	vmand vm12, vm13;
	[tilespmem:v34+s9+$0x0] =	vst.idx.msk $0xffff, v23  }
0x1ec: {  	v61 =	vor.u32 $0x1D, v4;
	[tilespmem:v2+s9+$0x0] =	vst.idx.msk $0xffff, v7;
	v2 =	vsel vm7, v59, v3;
	v3 =	vsel vm0, $0x1, v0  }
0x1ed: {  	v45 =	vor.u32 $0x17, v4;
	v46 =	vsel vm3, $0x3F800000, v48;
	v58 =	vld [tilespmem:$0x1FFD0];
	[tilespmem:v37+s9+$0x0] =	vst.idx.msk $0xffff, v10;
	v3 =	vadd.s32 v3, v12  }
0x1ee: {  	vm1 =	vmor vm14, vm1;
	vm15 =	veq.f32 v53, v8;
	[tilespmem:v1+s9+$0x0] =	vst.idx.msk $0xffff, v55;
	vm4 =	vlt.u32 v3, v9  }
0x1ef: {  	v6 =	vsel vm7, v41, v46;
	v1 =	vsel vm1, $0x3F800000, v48;
	[tilespmem:v38+s9+$0x0] =	vst.idx.msk $0xffff, v62;
	vm1 =	vmand vm15, vm4  }
0x1f0: {  	vm14 =	vgt.f32 v54, v8;
	vm12 =	veq.f32 v54, v8;
	[tilespmem:v39+s9+$0x0] =	vst.idx.msk $0xffff, v21;
	v56 =	vsel vm1, $0x1, v0  }
0x1f1: {  	v63 =	vor.u32 $0x1E, v4;
	vm6 =	vgt.f32 v53, v8;
	[tilespmem:v43+s9+$0x0] =	vst.idx.msk $0xffff, v36;
	v3 =	vadd.s32 v56, v3  }
0x1f2: {  	vm8 =	veq.f32 v58, v8;
	v55 =	vor.u32 $0x1B, v4;
	[tilespmem:v44+s9+$0x0] =	vst.idx.msk $0xffff, v15;
	vm9 =	vlt.u32 v3, v9  }
0x1f3: {  	vm0 =	vmor vm5, vm0;
	v59 =	vor.u32 $0x1C, v4;
	[tilespmem:v45+s9+$0x0] =	vst.idx.msk $0xffff, v40;
	vm10 =	vmand vm8, vm9  }
0x1f4: {  	v57 =	vsel vm0, $0x3F800000, v48;
	vm11 =	vgt.f32 v58, v8;
	[tilespmem:v49+s9+$0x0] =	vst.idx.msk $0xffff, v14;
	v62 =	vsel vm10, $0x1, v0  }
0x1f5: {  	v1 =	vsel vm7, v42, v1;
	vm0 =	vmor vm6, vm1;
	[tilespmem:v51+s9+$0x0] =	vst.idx.msk $0xffff, v6;
	v3 =	vadd.s32 v62, v3  }
0x1f6: {  	p0 =	slt.u32 s14, $0xE0;
	v60 =	vsel vm0, $0x3F800000, v48;
	[tilespmem:v52+s9+$0x0] =	vst.idx.msk $0xffff, v2;
	vm13 =	vlt.u32 v3, v9;
	v2 =	vor.u32 $0x1F, v4  }
.Ltmp0:
0x1f7: {  	vm0 =	vmor vm11, vm10;
	[tilespmem:v55+s9+$0x0] =	vst.idx.msk $0xffff, v1;
	v1 =	vsel vm7, v50, v57;
	vm1 =	vmand vm12, vm13;
	(pc) =	sbr.rel @p0 .LBB2_2-.Ltmp0, $4  }
0x1f8: {  	v3 =	vsel vm0, $0x3F800000, v48;
	[tilespmem:v59+s9+$0x0] =	vst.idx.msk $0xffff, v1;
	v1 =	vsel vm7, v53, v60;
	vm15 =	vmor vm14, vm1  }
0x1f9: {  	[tilespmem:v61+s9+$0x0] =	vst.idx.msk $0xffff, v1;
	v1 =	vsel vm7, v58, v3;
	v3 =	vsel vm15, $0x3F800000, v48  }
0x1fa: {  	s12 =	sadd.s32 $0x2, s12;
	s19 =	rddreg [dreg:$0x7];
	[tilespmem:v63+s9+$0x0] =	vst.idx.msk $0xffff, v1;
	v1 =	vsel vm7, v54, v3  }
0x1fb: {  	s13 =	sadd.s32 $0x100, s13;
	s1 =	sadd.s32 $0x1, s19;
	s14 =	sadd.s32 $0x20, s14;
	v37 =	vimm.s32 $0x4;
	[tilespmem:v2+s9+$0x0] =	vst.idx.msk $0xffff, v1  }
0x1fc: {  	s5 =	simm.s32 $0x0;
	s0 =	rddreg [dreg:$0x4];
	s1 =	simm.s32 $0x1  }
0x1fd: {  	[hbm4b:s0+s5] =	stream.linear.scatter [tilespmem:s9], [sflag:$0x1], $0x8000, $0x38;
	[tilespmem:$0xA080] =	vst v63  }
0x1fe: {  	_ =	swait.ge [sflag:s1], $0x8000  }
0x1ff: {  	s2 =	rddreg [dreg:$0x6]  }
0x200: {  	s31 =	rddreg [dreg:$0x5];
	s2 =	sadd.s32 $0x1, s2  }
0x201: {  	p0 =	sne.s32 s2, s31  }
.Ltmp1:
0x202: {  	_ = 	snop;
	(pc) =	sbr.rel @p0 .LBB2_1-.Ltmp1, $3  }
0x203: {  	_ =	sdelay $0x1  }
0x204: {  	[sflag:s1] =	ssyncset.done $0x0  }
0x205: {  	[sflag:s1] =	ssyncadd.s32 $0xFFFF8000  }
0x206: {  	_ =	sfence.sel $0x180000  }
0x207: {  	[bflag:$0x0] =	sbarrier.arrive $0xFFFF  }
0x208: {  	_ =	strace $0x90000047  }
0x209: {  	s0 =	stileid.u32;
	[bflag:$0x2] =	sbarrier.arrive $0xFFFF  }
0x20a: {  	p0 =	sne.s32 s0, $0x0;
	s0 =	rddreg [dreg:$0x1]  }
0x20b: {  	s0 =	sadd.s32 @!p0 $0x100000, s0  }
0x20c: {  	[sflag:s0] =	ssyncadd.tile.s32 @!p0 $0x1;
	_ =	shalt  }
.Lfunc_end2:
_tile_overlayer_lowered:
.L_overlay_start_2:
0x20d: {  	(tag) =	ssettag $0x2  }
0x20e: {  	s0 =	rddreg [dreg:$0x0];
	s2 =	stileid.u32  }
0x20f: {  	s1 =	rddreg [dreg:$0x1];
	p0 =	sne.s32 s2, $0x0  }
0x210: {  	s3 =	rddreg [dreg:$0x2];
	[bflag:$0x3] =	sbarrier.arrive $0xFFFF;
	s2 =	simm.s32 @!p0 $0x1C01  }
0x211: {  	[timem:s3], [sflag:s2] =	dma.local @!p0 [hbm:s0], s1  }
0x212: {  	s0 =	simm.s32 @!p0 $0x1  }
0x213: {  	_ =	swait.ge @!p0 [sflag:s0], s1  }
0x214: {  	s1 =	ssub.s32 @!p0 $0x0, s1;
	[sflag:s0] =	ssyncset.done @!p0 $0x0  }
0x215: {  	[sflag:s0] =	ssyncadd.s32 @!p0 s1  }
0x216: {  	[bflag:$0x3] =	sbarrier.arrive $0xFFFF  }
0x217: {  	_ =	shalt  }

// kernel: kernel.9.cloned.1.call-start
scs
__scs_entry_jumppad:
0x0: {  	(pc) =	sbr.rel $0x88, $3  }
0x1: {  	(tag) =	ssettag $0x0;
	lr =	simm.s32 $0x1  }
0x2: {  	[smem:$0x3F9D] =	sst lr;
	_ =	strace $0xD0000000  }
0x3: {  	_ = 	snop  }
0x4: {  	_ = 	snop  }
0x5: {  	_ = 	snop  }
0x6: {  	_ = 	snop  }
0x7: {  	_ = 	snop  }
__scs_overlays_trampoline_lowered:
0x8: {  	[smem:$0x3FAC] =	sst s0  }
0x9: {  	[smem:$0x3FAD] =	sst s1  }
0xa: {  	[smem:$0x3FAE] =	sst s2  }
0xb: {  	[smem:$0x3FAF] =	sst s3  }
0xc: {  	[smem:$0x3FB0] =	sst s4  }
0xd: {  	[smem:$0x3FB1] =	sst s5  }
0xe: {  	[smem:$0x3FB2] =	sst s6  }
0xf: {  	[smem:$0x3FB3] =	sst s7  }
0x10: {  	[smem:$0x3FB4] =	sst s8  }
0x11: {  	[smem:$0x3FB5] =	sst s9;
	s0 =	simm.s32 @!p0 $0x0  }
0x12: {  	s1 =	sld [smem:$0x3F9B];
	s0 =	simm.s32 @p0 $0x1  }
0x13: {  	[smem:$0x3FB6] =	sst s0;
	s0 =	simm.s32 @!p1 $0x0  }
0x14: {  	s2 =	sld [smem:$0x3F9A];
	s0 =	simm.s32 @p1 $0x1  }
0x15: {  	[smem:$0x3FB7] =	sst s0;
	s0 =	simm.s32 @!p2 $0x0  }
0x16: {  	s3 =	sld [smem:$0x3FDB];
	s0 =	simm.s32 @p2 $0x1  }
0x17: {  	s4 =	simm.s32 $0x1BF5;
	[smem:$0x3FB9] =	sst s0  }
0x18: {  	s0 =	sld [smem:$0x3F9C];
	_ =	swait.ge [sflag:s4], $0x0  }
0x19: {  	s7 =	sld [smem:$0x3F9D]  }
0x1a: {  	s8 =	sadd.s32 $0xFFFFE003, lr  }
0x1b: {  	s9 =	sadd.s32 $0xFFFFFEF7, lr;
	s5 =	simm.s32 $0xFFFFFFFF;
	p2 =	slt.u32 s8, $0xFFFFF086  }
0x1c: {  	p1 =	slt.u32 s9, $0xF7A;
	s5 =	simm.s32 @!p2 $0x0  }
0x1d: {  	s5 =	simm.s32 @p1 $0x1;
	p0 =	seq.s32 s7, s2  }
0x1e: {  	s7 =	smul.u32 @!p0 $0xF7A, s2;
	p2 =	seq.s32 @!p0 s5, $0x0  }
0x1f: {  	s9 =	smul.u32 $0xF7A, s1;
	s8 =	simm.s32 @!p0 $0x1BF5;
	p2 =	por !p2, p0  }
0x20: {  	[sflag:s8] =	ssyncset.s32 @!p0 $0xFFFFF086;
	s6 =	sadd.s32 @!p0 s3, s7;
	s7 =	simm.s32 @!p0 $0x108  }
0x21: {  	s3 =	sadd.s32 s3, s9;
	s6 =	sadd.s32 @!p0 $0x88, s6;
	s7 =	simm.s32 @p2 $0x1082  }
0x22: {  	[simem:s7], [sflag:s8] =	dma.local @!p0 [hbm:s6], $0xF7A  }
0x23: {  	s9 =	sor.u32 $0xD0000000, s2;
	s6 =	simm.s32 $0x108;
	_ =	swait.ge @!p0 [sflag:s8], $0x0  }
0x24: {  	s3 =	sadd.s32 $0x88, s3;
	s6 =	simm.s32 @!p1 $0x1082;
	[sflag:s4] =	ssyncset.s32 $0xFFFFF086  }
0x25: {  	[simem:s6], [sflag:s4] =	dma.local [hbm:s3], $0xF7A  }
0x26: {  	[smem:$0x3F9D] =	sst s1;
	(tag) =	ssettag s2;
	_ =	strace s9  }
0x27: {  	s1 =	sld [smem:$0x3FAD]  }
0x28: {  	s2 =	sld [smem:$0x3FAE]  }
0x29: {  	s4 =	sld [smem:$0x3FB0]  }
0x2a: {  	p0 =	seq.s32 s5, $0x0;
	s5 =	sld [smem:$0x3FB1]  }
0x2b: {  	s6 =	sld [smem:$0x3FB2]  }
0x2c: {  	s7 =	sld [smem:$0x3FB3]  }
0x2d: {  	s3 =	simm.s32 $0x108;
	s8 =	sld [smem:$0x3FB4]  }
0x2e: {  	s3 =	simm.s32 @!p0 $0x1082;
	s9 =	sld [smem:$0x3FB5]  }
0x2f: {  	lr =	sadd.s32 s0, s3;
	s0 =	sld [smem:$0x3FAC]  }
0x30: {  	s3 =	sld [smem:$0x3FAF]  }
0x31: {  	[smem:$0x3FB8] =	sst s10  }
0x32: {  	s10 =	sld [smem:$0x3FB6];
	_ =	sdelay $0x3  }
0x33: {  	p0 =	seq.s32 s10, $0x1;
	s10 =	sld [smem:$0x3FB8];
	_ =	sdelay $0x3  }
0x34: {  	[smem:$0x3FB8] =	sst s10  }
0x35: {  	s10 =	sld [smem:$0x3FB7];
	_ =	sdelay $0x3  }
0x36: {  	p1 =	seq.s32 s10, $0x1;
	s10 =	sld [smem:$0x3FB8];
	_ =	sdelay $0x3  }
0x37: {  	[smem:$0x3FB8] =	sst s10  }
0x38: {  	s10 =	sld [smem:$0x3FB9]  }
0x39: {  	_ = 	snop;
	(pc) =	sbr.ind lr, $3  }
0x3a: {  	_ = 	snop  }
0x3b: {  	_ = 	snop  }
0x3c: {  	p2 =	seq.s32 s10, $0x1;
	s10 =	sld [smem:$0x3FB8]  }
0x3d: {  	_ =	shalt  }
0x3e: {  	_ =	shalt  }
0x3f: {  	_ =	shalt  }
0x40: {  	_ =	shalt  }
0x41: {  	_ =	shalt  }
0x42: {  	_ =	shalt  }
0x43: {  	_ =	shalt  }
0x44: {  	_ =	shalt  }
0x45: {  	_ =	shalt  }
0x46: {  	_ =	shalt  }
0x47: {  	_ =	shalt  }
0x48: {  	_ =	shalt  }
0x49: {  	_ =	shalt  }
0x4a: {  	_ =	shalt  }
0x4b: {  	_ =	shalt  }
0x4c: {  	_ =	shalt  }
0x4d: {  	_ =	shalt  }
0x4e: {  	_ =	shalt  }
0x4f: {  	_ =	shalt  }
0x50: {  	_ =	shalt  }
0x51: {  	_ =	shalt  }
0x52: {  	_ =	shalt  }
0x53: {  	_ =	shalt  }
0x54: {  	_ =	shalt  }
0x55: {  	_ =	shalt  }
0x56: {  	_ =	shalt  }
0x57: {  	_ =	shalt  }
0x58: {  	_ =	shalt  }
0x59: {  	_ =	shalt  }
0x5a: {  	_ =	shalt  }
0x5b: {  	_ =	shalt  }
0x5c: {  	_ =	shalt  }
0x5d: {  	_ =	shalt  }
0x5e: {  	_ =	shalt  }
0x5f: {  	_ =	shalt  }
0x60: {  	_ =	shalt  }
0x61: {  	_ =	shalt  }
0x62: {  	_ =	shalt  }
0x63: {  	_ =	shalt  }
0x64: {  	_ =	shalt  }
0x65: {  	_ =	shalt  }
0x66: {  	_ =	shalt  }
0x67: {  	_ =	shalt  }
0x68: {  	_ =	shalt  }
0x69: {  	_ =	shalt  }
0x6a: {  	_ =	shalt  }
0x6b: {  	_ =	shalt  }
0x6c: {  	_ =	shalt  }
0x6d: {  	_ =	shalt  }
0x6e: {  	_ =	shalt  }
0x6f: {  	_ =	shalt  }
0x70: {  	_ =	shalt  }
0x71: {  	_ =	shalt  }
0x72: {  	_ =	shalt  }
0x73: {  	_ =	shalt  }
0x74: {  	_ =	shalt  }
0x75: {  	_ =	shalt  }
0x76: {  	_ =	shalt  }
0x77: {  	_ =	shalt  }
0x78: {  	_ =	shalt  }
0x79: {  	_ =	shalt  }
0x7a: {  	_ =	shalt  }
0x7b: {  	_ =	shalt  }
0x7c: {  	_ =	shalt  }
0x7d: {  	_ =	shalt  }
0x7e: {  	_ =	shalt  }
0x7f: {  	_ =	shalt  }
0x80: {  	_ =	shalt  }
0x81: {  	_ =	shalt  }
0x82: {  	_ =	shalt  }
0x83: {  	_ =	shalt  }
0x84: {  	_ =	shalt  }
0x85: {  	_ =	shalt  }
0x86: {  	_ =	shalt  }
0x87: {  	_ =	shalt  }
.Lfunc_end0:
.L_simem_size_0:
called_computation.1_lowered:
.L_overlay_start_0:
0x88: {  	s2 =	sld [smem:$0x3FD9]  }
0x89: {  	s3 =	sld [smem:$0x3FFE];
	_ =	sdelay $0x1  }
0x8a: {  	s1 =	srdreg.scid  }
0x8b: {  	s0 =	sand.u32 $0x1, s1  }
0x8c: {  	s17 =	sshll.u32 s0, $0xA;
	s2 =	sadd.s32 s3, s2  }
0x8d: {  	s2 =	sadd.s32 s2, s17  }
0x8e: {  	[smem:$0x3FC4] =	sst s2  }
0x8f: {  	_ = 	snop  }
0x90: {  	s18 =	sld [smem:$0x3FD0];
	(tm) =	ssettm $0x1  }
0x91: {  	s19 =	sld [smem:$0x3FFB];
	_ =	sdelay $0x3  }
0x92: {  	_ =	strace s19  }
0x93: {  	s2 =	sld [smem:$0x3FFC];
	_ =	sdelay $0x3  }
0x94: {  	_ =	strace s2  }
0x95: {  	s2 =	sld [smem:$0x3FFD];
	_ =	sdelay $0x3  }
0x96: {  	_ =	strace s2  }
0x97: {  	_ =	strace $0x8FFFFFFF  }
0x98: {  	s20 =	sld [smem:$0x3FDB];
	_ =	sdelay $0x1  }
0x99: {  	s4 =	simm.s32 $_scs_section_size  }
0x9a: {  	s5 =	simm.s32 $_size__tile_overlayer_lowered;
	s6 =	simm.s32 $_tile_overlayer_lowered  }
0x9b: {  	s7 =	simm.s32 $0x1BFF;
	s21 =	sshll.u32 s6, $0x1;
	s4 =	sadd.s32 s4, s20  }
0x9c: {  	s22 =	simm.s32 $0x0;
	s5 =	sshll.u32 s5, $0x1;
	s6 =	sadd.s32 s21, s4  }
0x9d: {  	[timem:s22], [sflag:s7] =	dma.local [hbm:s6], s5  }
0x9e: {  	_ =	swait.ge [sflag:s7], s5  }
0x9f: {  	s5 =	ssub.s32 $0x0, s5;
	[sflag:s7] =	ssyncset.done $0x0  }
0xa0: {  	[sflag:s7] =	ssyncadd.s32 s5;
	_ =	sdelay $0x1  }
0xa1: {  	s23 =	simm.s32 $0x1B8B  }
0xa2: {  	_ =	swait.ge [sflag:s23], $0x1  }
0xa3: {  	[sflag:s23] =	ssyncset.done $0x0  }
0xa4: {  	[sflag:s23] =	ssyncadd.s32 $0xFFFFFFFF  }
0xa5: {  	s5 =	sld [smem:$0x0]  }
0xa6: {  	s6 =	sand.u32 $0xFFFFFFFE, s1  }
0xa7: {  	p0 =	sne.s32 s1, s6  }
0xa8: {  	s6 =	sshll.u32 @p0 s6, $0xE  }
0xa9: {  	s6 =	sadd.s32 @p0 $0x11B8D, s6;
	s7 =	sshll.u32 @p0 s5, $0x11  }
0xaa: {  	s6 =	sor.u32 @p0 s7, s6  }
0xab: {  	[sflag:s6] =	ssyncadd.remote.s32 @p0 $0x1;
	_ =	sdelay $0x1  }
0xac: {  	s6 =	simm.s32 @p0 $0x1B8D  }
0xad: {  	_ =	swait.eq @p0 [sflag:s6], $0x1  }
0xae: {  	[sflag:s6] =	ssyncadd.s32 @p0 $0xFFFFFFFF  }
0xaf: {  	s7 =	sshll.u32 @!p0 s1, $0xE  }
0xb0: {  	s7 =	sor.u32 @!p0 $0x4000, s7;
	s6 =	simm.s32 @!p0 $0x1B8D  }
0xb1: {  	s5 =	sshll.u32 @!p0 s5, $0x11;
	s7 =	sadd.s32 @!p0 $0x11B8D, s7;
	_ =	swait.eq @!p0 [sflag:s6], $0x1  }
0xb2: {  	s5 =	sor.u32 @!p0 s5, s7;
	[sflag:s6] =	ssyncadd.s32 @!p0 $0xFFFFFFFF  }
0xb3: {  	s25 =	simm.s32 $0x1B8E;
	s24 =	sld [smem:$0x3FFE];
	[sflag:s5] =	ssyncadd.remote.s32 @!p0 $0x1  }
0xb4: {  	s26 =	simm.s32 $execute0_lowered;
	[smem:$0x3FD2] =	sst s25  }
0xb5: {  	s6 =	sshll.u32 s26, $0x1;
	_ =	strace $0x80000049;
	[dreg:$0x1] =	wrdreg $0xFFFFFFFF  }
0xb6: {  	s28 =	simm.s32 $_size_execute0_lowered;
	s4 =	sadd.s32 s4, s6;
	[dreg:$0x0] =	wrdreg $0x0  }
0xb7: {  	s6 =	sshll.u32 s28, $0x1;
	[dreg:$0x2] =	wrdreg s4  }
0xb8: {  	[dreg:$0x3] =	wrdreg s6  }
0xb9: {  	[dreg:$0x4] =	wrdreg $0xC0  }
0xba: {  	_ =	task [dreg:s22], $0x5FFFF  }
0xbb: {  	[dreg:$0x1] =	wrdreg $0xFFFFFFFF  }
0xbc: {  	[dreg:$0x0] =	wrdreg $0x60  }
0xbd: {  	[dreg:$0x2] =	wrdreg s18  }
0xbe: {  	[dreg:$0x3] =	wrdreg s24  }
0xbf: {  	[dreg:$0x4] =	wrdreg $0xA  }
0xc0: {  	_ =	task.clear_ibuf [dreg:s22], $0x5FFFF;
	_ =	strace $0x90000049  }
0xc1: {  	s29 =	simm.s32 $0xA;
	_ =	strace $0x8000004B  }
0xc2: {  	_ =	swait.ge [sflag:s29], $0x1  }
0xc3: {  	[sflag:s29] =	ssyncadd.s32 $0xFFFFFFFF  }
0xc4: {  	_ =	strace $0x9000004B  }
0xc5: {  	_ =	sfence  }
0xc6: {  	s30 =	sld [smem:$0x0];
	_ =	sdelay $0x2  }
0xc7: {  	s31 =	sshll.u32 s1, $0xD;
	s1 =	sshrl.u32 s1, $0x2  }
0xc8: {  	s4 =	sand.u32 $0x4000, s31;
	s1 =	sadd.s32 s1, s30  }
0xc9: {  	s0 =	sor.u32 s4, s0;
	s1 =	sshll.u32 s1, $0x11  }
0xca: {  	s0 =	sor.u32 s1, s0  }
0xcb: {  	s0 =	sadd.s32 $0x8F2B, s0  }
0xcc: {  	[sflag:s0] =	ssyncadd.remote.s32 $0x1  }
0xcd: {  	_ =	sfence.sel $0xFFFF  }
0xce: {  	[dreg:$0x0] =	wrdreg $0xFFFFFFFF;
	(pc) =	sbr.abs _section_cstart, $3  }
0xcf: {  	[dreg:$0x1] =	wrdreg $0xFFFFFFFF  }
0xd0: {  	_ =	task.clear_ibuf [dreg:s22], $0x2FFFF;
	_ =	strace $0x9FFFFFFF  }
0xd1: {  	(tm) =	ssettm $0x7FFFFFFF  }
tec
execute0_lowered:
.L_overlay_start_1:
0x0: {  	(tag) =	ssettag $0x1  }
0x1: {  	s0 =	rddreg [dreg:$0x0]  }
0x2: {  	s1 =	rddreg [dreg:$0x1];
	s6 =	simm.s32 $0x0;
	s2 =	srdreg.scid  }
0x3: {  	s3 =	stileid.u32;
	[smem:$0x7FF] =	sst s6  }
0x4: {  	s2 =	sand.u32 $0x1, s2;
	s3 =	sshll.u32 s3, $0x1;
	s4 =	sadd.s32 $0x9000, s1  }
0x5: {  	_ =	strace $0x8000004A;
	[dreg:$0x3] =	wrdreg s4;
	s3 =	sor.u32 s2, s3  }
0x6: {  	s2 =	ssub.s32 $0x2, s2;
	s29 =	sshll.u32 s3, $0xC;
	s3 =	sshll.u32 s3, $0xA  }
0x7: {  	v1 =	vlaneseq.u32;
	s5 =	sshrl.u32 s2, $0x1;
	s1 =	sadd.s32 s29, s1;
	s0 =	sadd.s32 s0, s3  }
0x8: {  	v1 =	vmul.u32 $0x80, v1;
	s2 =	ssub.s32 s2, s5;
	[dreg:$0x4] =	wrdreg s0;
	s30 =	sadd.s32 $0x29200, s1  }
0x9: {  	s9 =	simm.s32 $0x2000;
	s31 =	smax.u32 s2, $0x1;
	[dreg:$0x5] =	wrdreg s30  }
0xa: {  	v0 =	vimm.s32 $0x0;
	v37 =	vimm.s32 $0x4;
	v48 =	vimm.f32 $0.0e+00;
	[tilespmem:$0x1FFF0] =	vst v1;
	s1 =	simm.s32 $0x1;
	s2 =	simm.s32 $0x0;
	[dreg:$0x6] =	wrdreg s31  }
.LBB2_1:
0xb: {  	[dreg:$0x7] =	wrdreg s2  }
0xc: {  	s0 =	rddreg [dreg:$0x4]  }
0xd: {  	[tilespmem:s6], [sflag:$0x1] =	stream.linear.gather [hbm4b:s0+s6], $0x2000, $0x38;
	[tilespmem:$0xA080] =	vst v63  }
0xe: {  	_ =	swait.ge [sflag:s1], $0x2000  }
0xf: {  	[sflag:s1] =	ssyncset.done $0x0  }
0x10: {  	s31 =	simm.s32 $0xA000;
	s30 =	rddreg [dreg:$0x3];
	[sflag:s1] =	ssyncadd.s32 $0xFFFFE000  }
0x11: {  	[tilespmem:s31], [sflag:$0x1] =	stream.linear.gather [hbm4b:s30+s6], $0x80, $0x38;
	[tilespmem:$0xA080] =	vst v63  }
0x12: {  	_ =	swait.ge [sflag:s1], $0x80  }
0x13: {  	[sflag:s1] =	ssyncset.done $0x0  }
0x14: {  	[sflag:s1] =	ssyncadd.s32 $0xFFFFFF80  }
0x15: {  	v1 =	vld [tilespmem:$0xA000];
	_ =	sdelay $0x4  }
0x16: {  	vm0 =	veq.s32 v1, $0x0;
	v1 =	vimm.s32 $0x0  }
0x17: {  	s16 =	simm.s32 $0x0;
	v1 =	vsel vm0, $0xFFFFFFFF, v1  }
0x18: {  	s13 =	simm.s32 $0x0;
	s14 =	simm.s32 $0x0;
	s1 =	simm.s32 $0x0;
	[tilespmem:$0x1FFE0] =	vst v1  }
.LBB2_2:
0x19: {  	s11 =	sand.u32 $0x60, s14;
	s31 =	sand.u32 $0x400, s13  }
0x1a: {  	s0 =	sor.u32 s11, s31  }
0x1b: {  	v30 =	vld [tilespmem:s0+$0x0]  }
0x1c: {  	v31 =	vld [tilespmem:s0+$0x80]  }
0x1d: {  	v29 =	vld [tilespmem:s0+$0x100];
	_ =	sdelay $0x1  }
0x1e: {  	v38 =	vld [tilespmem:s0+$0x180]  }
0x1f: {  	[dreg:$0x8] =	wrdreg s1  }
0x20: {  	s1 =	rddreg [dreg:$0x8];
	v39 =	vld [tilespmem:s0+$0x200];
	v1 =	vmin.f32 v30, $-Inf;
	v2 =	vmin.f32 v30, v31;
	v3 =	vmax.f32 v30, v31  }
0x21: {  	s1 =	sand.u32 $0x3, s1;
	v4 =	vmin.f32 v1, v2;
	v2 =	vmax.f32 v1, v2;
	v5 =	vmin.f32 v3, v29  }
0x22: {  	v40 =	vld [tilespmem:s0+$0x280];
	s1 =	sshll.u32 s1, $0x5;
	v3 =	vmax.f32 v3, v29;
	v1 =	vmax.f32 v1, v4;
	v55 =	vmin.f32 v2, v5  }
0x23: {  	s19 =	sadd.s32 s1, s13;
	v2 =	vmax.f32 v2, v5;
	v6 =	vmin.f32 v3, v38;
	v3 =	vmax.f32 v3, v38  }
0x24: {  	s0 =	sor.u32 $0x300, s19;
	v56 =	vmin.f32 v1, v55;
	v4 =	vmax.f32 v1, v55;
	v57 =	vmin.f32 v2, v6  }
0x25: {  	s20 =	sor.u32 s13, s14;
	v42 =	vld [tilespmem:s0+$0x0];
	v2 =	vmax.f32 v2, v6;
	v59 =	vmin.f32 v3, v39;
	v3 =	vmax.f32 v3, v39  }
0x26: {  	s0 =	sor.u32 $0x380, s20;
	v1 =	vmax.f32 v1, v56;
	v58 =	vmin.f32 v4, v57;
	v4 =	vmax.f32 v4, v57  }
0x27: {  	s21 =	sor.u32 $0x800, s31;
	v43 =	vld [tilespmem:s0+$0x0];
	v60 =	vmin.f32 v2, v59;
	v2 =	vmax.f32 v2, v59;
	v62 =	vmin.f32 v3, v40  }
0x28: {  	s0 =	sor.u32 s11, s21;
	v3 =	vmax.f32 v3, v40;
	v1 =	vmax.f32 v1, v58;
	v61 =	vmin.f32 v4, v60  }
0x29: {  	v10 =	vld [tilespmem:s0+$0x0];
	v4 =	vmax.f32 v4, v60;
	v63 =	vmin.f32 v2, v62;
	v2 =	vmax.f32 v2, v62  }
0x2a: {  	s17 =	sor.u32 $0x880, s31;
	v7 =	vmin.f32 v3, v42;
	v3 =	vmax.f32 v3, v42;
	v1 =	vmax.f32 v1, v61  }
0x2b: {  	s22 =	sor.u32 s11, s17;
	v9 =	vmin.f32 v4, v63;
	v4 =	vmax.f32 v4, v63;
	v11 =	vmin.f32 v2, v7  }
0x2c: {  	[dreg:$0x9] =	wrdreg s21;
	v18 =	vld [tilespmem:s22+$0x0];
	s21 =	sor.u32 $0x900, s31;
	v2 =	vmax.f32 v2, v7;
	v13 =	vmin.f32 v3, v43;
	v3 =	vmax.f32 v3, v43  }
0x2d: {  	s23 =	sor.u32 s11, s21;
	v1 =	vmax.f32 v1, v9;
	v12 =	vmin.f32 v4, v11;
	v4 =	vmax.f32 v4, v11  }
0x2e: {  	v20 =	vld [tilespmem:s23+$0x0];
	v14 =	vmin.f32 v2, v13;
	v2 =	vmax.f32 v2, v13;
	v16 =	vmin.f32 v3, v10  }
0x2f: {  	s18 =	sor.u32 $0x980, s31;
	v3 =	vmax.f32 v3, v10;
	v1 =	vmax.f32 v1, v12;
	v15 =	vmin.f32 v4, v14  }
0x30: {  	s24 =	sor.u32 s11, s18;
	v4 =	vmax.f32 v4, v14;
	v17 =	vmin.f32 v2, v16;
	v2 =	vmax.f32 v2, v16  }
0x31: {  	s19 =	sor.u32 $0xA00, s31;
	v12 =	vld [tilespmem:s24+$0x0];
	v21 =	vmin.f32 v3, v18;
	v3 =	vmax.f32 v3, v18;
	v1 =	vmax.f32 v1, v15  }
0x32: {  	s25 =	sor.u32 s11, s19;
	v19 =	vmin.f32 v4, v17;
	v4 =	vmax.f32 v4, v17;
	v22 =	vmin.f32 v2, v21  }
0x33: {  	s24 =	sor.u32 $0xA80, s31;
	v2 =	vmax.f32 v2, v21;
	v24 =	vmin.f32 v3, v20;
	v1 =	vmax.f32 v1, v19;
	v19 =	vld [tilespmem:s25+$0x0]  }
0x34: {  	s26 =	sor.u32 s11, s24;
	v3 =	vmax.f32 v3, v20;
	v23 =	vmin.f32 v4, v22;
	v4 =	vmax.f32 v4, v22  }
0x35: {  	s22 =	sor.u32 $0xB00, s31;
	v25 =	vmin.f32 v2, v24;
	v2 =	vmax.f32 v2, v24;
	v14 =	vld [tilespmem:s26+$0x0];
	v1 =	vmax.f32 v1, v23  }
0x36: {  	s28 =	sor.u32 s11, s22;
	v26 =	vmin.f32 v4, v25;
	v4 =	vmax.f32 v4, v25;
	v27 =	vmin.f32 v3, v12  }
0x37: {  	v15 =	vld [tilespmem:s28+$0x0];
	v1 =	vmax.f32 v1, v26;
	v3 =	vmax.f32 v3, v12;
	v28 =	vmin.f32 v2, v27  }
0x38: {  	s23 =	sor.u32 $0xB80, s31;
	v2 =	vmax.f32 v2, v27;
	v32 =	vmin.f32 v4, v28;
	v33 =	vmin.f32 v3, v19  }
0x39: {  	s29 =	sor.u32 s11, s23;
	v4 =	vmax.f32 v4, v28;
	v3 =	vmax.f32 v3, v19;
	v1 =	vmax.f32 v1, v32  }
0x3a: {  	v13 =	vld [tilespmem:s29+$0x0];
	s28 =	sor.u32 $0x1000, s31;
	v34 =	vmin.f32 v2, v33;
	v2 =	vmax.f32 v2, v33;
	v36 =	vmin.f32 v3, v14  }
0x3b: {  	s30 =	sor.u32 s11, s28;
	v3 =	vmax.f32 v3, v14;
	v35 =	vmin.f32 v4, v34;
	v4 =	vmax.f32 v4, v34  }
0x3c: {  	s25 =	sor.u32 $0x1080, s31;
	v17 =	vld [tilespmem:s30+$0x0];
	v41 =	vmin.f32 v2, v36;
	v2 =	vmax.f32 v2, v36;
	v45 =	vmin.f32 v3, v15  }
0x3d: {  	s1 =	sor.u32 s11, s25;
	v3 =	vmax.f32 v3, v15;
	v1 =	vmax.f32 v1, v35;
	v44 =	vmin.f32 v4, v41  }
0x3e: {  	v21 =	vld [tilespmem:s1+$0x0];
	v4 =	vmax.f32 v4, v41;
	v46 =	vmin.f32 v2, v45;
	v2 =	vmax.f32 v2, v45  }
0x3f: {  	s26 =	sor.u32 $0x1100, s31;
	v49 =	vmin.f32 v3, v13;
	v3 =	vmax.f32 v3, v13;
	v1 =	vmax.f32 v1, v44  }
0x40: {  	s2 =	sor.u32 s11, s26;
	v47 =	vmin.f32 v4, v46;
	v4 =	vmax.f32 v4, v46;
	v50 =	vmin.f32 v2, v49  }
0x41: {  	s0 =	sor.u32 $0x1180, s31;
	v22 =	vld [tilespmem:s2+$0x0];
	v2 =	vmax.f32 v2, v49;
	v52 =	vmin.f32 v3, v17;
	v3 =	vmax.f32 v3, v17  }
0x42: {  	s3 =	sor.u32 s11, s0;
	v1 =	vmax.f32 v1, v47;
	v51 =	vmin.f32 v4, v50;
	v4 =	vmax.f32 v4, v50  }
0x43: {  	s29 =	sor.u32 $0x1200, s31;
	v23 =	vld [tilespmem:s3+$0x0];
	v53 =	vmin.f32 v2, v52;
	v2 =	vmax.f32 v2, v52;
	v55 =	vmin.f32 v3, v21  }
0x44: {  	s4 =	sor.u32 s11, s29;
	v3 =	vmax.f32 v3, v21;
	v1 =	vmax.f32 v1, v51;
	v54 =	vmin.f32 v4, v53  }
0x45: {  	v25 =	vld [tilespmem:s4+$0x0];
	v4 =	vmax.f32 v4, v53;
	v56 =	vmin.f32 v2, v55;
	v2 =	vmax.f32 v2, v55  }
0x46: {  	s30 =	sor.u32 $0x1280, s31;
	v58 =	vmin.f32 v3, v22;
	v3 =	vmax.f32 v3, v22;
	v1 =	vmax.f32 v1, v54  }
0x47: {  	s5 =	sor.u32 s11, s30;
	v57 =	vmin.f32 v4, v56;
	v4 =	vmax.f32 v4, v56;
	v59 =	vmin.f32 v2, v58  }
0x48: {  	s4 =	sor.u32 $0x1300, s31;
	v26 =	vld [tilespmem:s5+$0x0];
	v2 =	vmax.f32 v2, v58;
	v61 =	vmin.f32 v3, v23;
	v3 =	vmax.f32 v3, v23  }
0x49: {  	s6 =	sor.u32 s11, s4;
	v1 =	vmax.f32 v1, v57;
	v60 =	vmin.f32 v4, v59;
	v4 =	vmax.f32 v4, v59  }
0x4a: {  	s1 =	sor.u32 $0x1380, s31;
	v27 =	vld [tilespmem:s6+$0x0];
	v62 =	vmin.f32 v2, v61;
	v2 =	vmax.f32 v2, v61;
	v9 =	vmin.f32 v3, v25  }
0x4b: {  	s2 =	sor.u32 s11, s1;
	v3 =	vmax.f32 v3, v25;
	v1 =	vmax.f32 v1, v60;
	v63 =	vmin.f32 v4, v62  }
0x4c: {  	v32 =	vld [tilespmem:s2+$0x0];
	v4 =	vmax.f32 v4, v62;
	v11 =	vmin.f32 v2, v9;
	v2 =	vmax.f32 v2, v9  }
0x4d: {  	s8 =	sor.u32 $0x1800, s31;
	v24 =	vmin.f32 v3, v26;
	v3 =	vmax.f32 v3, v26;
	v1 =	vmax.f32 v1, v63  }
0x4e: {  	s7 =	sor.u32 s11, s8;
	v16 =	vmin.f32 v4, v11;
	v4 =	vmax.f32 v4, v11;
	v28 =	vmin.f32 v2, v24  }
0x4f: {  	v35 =	vld [tilespmem:s7+$0x0];
	v2 =	vmax.f32 v2, v24;
	v36 =	vmin.f32 v3, v27;
	v3 =	vmax.f32 v3, v27  }
0x50: {  	s5 =	sor.u32 $0x1880, s31;
	v1 =	vmax.f32 v1, v16;
	v34 =	vmin.f32 v4, v28;
	v4 =	vmax.f32 v4, v28  }
0x51: {  	s10 =	sor.u32 s11, s5;
	v41 =	vmin.f32 v2, v36;
	v2 =	vmax.f32 v2, v36;
	v45 =	vmin.f32 v3, v32  }
0x52: {  	s3 =	sor.u32 $0x1900, s31;
	v11 =	vld [tilespmem:s10+$0x0];
	v3 =	vmax.f32 v3, v32;
	v1 =	vmax.f32 v1, v34;
	v44 =	vmin.f32 v4, v41  }
0x53: {  	s12 =	sor.u32 s11, s3;
	v4 =	vmax.f32 v4, v41;
	v46 =	vmin.f32 v2, v45;
	v2 =	vmax.f32 v2, v45  }
0x54: {  	v8 =	vld [tilespmem:s12+$0x0];
	s6 =	sor.u32 $0x1980, s31;
	v49 =	vmin.f32 v3, v35;
	v3 =	vmax.f32 v3, v35;
	v1 =	vmax.f32 v1, v44  }
0x55: {  	s15 =	sor.u32 s11, s6;
	v47 =	vmin.f32 v4, v46;
	v4 =	vmax.f32 v4, v46;
	v50 =	vmin.f32 v2, v49  }
0x56: {  	s7 =	sor.u32 $0x1A00, s31;
	v63 =	vld [tilespmem:s15+$0x0];
	v2 =	vmax.f32 v2, v49;
	v1 =	vmax.f32 v1, v47;
	v51 =	vmin.f32 v4, v50  }
0x57: {  	s20 =	sor.u32 s11, s7;
	v4 =	vmax.f32 v4, v50;
	v1 =	vmax.f32 v1, v51;
	v52 =	vmin.f32 v3, v11  }
0x58: {  	s2 =	sor.u32 $0x1A80, s31;
	v62 =	vld [tilespmem:s20+$0x0];
	v3 =	vmax.f32 v3, v11;
	v53 =	vmin.f32 v2, v52;
	v2 =	vmax.f32 v2, v52  }
0x59: {  	s10 =	sor.u32 s11, s2;
	v55 =	vmin.f32 v3, v8;
	v3 =	vmax.f32 v3, v8;
	v54 =	vmin.f32 v4, v53  }
0x5a: {  	v58 =	vld [tilespmem:s10+$0x0];
	v4 =	vmax.f32 v4, v53;
	v60 =	vmin.f32 v2, v55;
	v2 =	vmax.f32 v2, v55  }
0x5b: {  	s10 =	sor.u32 $0x1B00, s31;
	v9 =	vmin.f32 v3, v63;
	v3 =	vmax.f32 v3, v63;
	v1 =	vmax.f32 v1, v54  }
0x5c: {  	s15 =	sor.u32 s11, s10;
	[tilespmem:$0x1FE20] =	vst v11;
	v61 =	vmin.f32 v4, v60;
	v4 =	vmax.f32 v4, v60;
	v11 =	vmin.f32 v2, v9  }
0x5d: {  	s20 =	sor.u32 $0x1B80, s31;
	v57 =	vld [tilespmem:s15+$0x0];
	v2 =	vmax.f32 v2, v9;
	v24 =	vmin.f32 v3, v62;
	v3 =	vmax.f32 v3, v62  }
0x5e: {  	s11 =	sor.u32 s11, s20;
	v1 =	vmax.f32 v1, v61;
	v16 =	vmin.f32 v4, v11;
	v4 =	vmax.f32 v4, v11  }
0x5f: {  	v36 =	vld [tilespmem:s11+$0x0];
	v28 =	vmin.f32 v2, v24;
	v2 =	vmax.f32 v2, v24;
	v34 =	vmin.f32 v3, v58  }
0x60: {  	v3 =	vmax.f32 v3, v58;
	v1 =	vmax.f32 v1, v16;
	v33 =	vmin.f32 v4, v28  }
0x61: {  	v4 =	vmax.f32 v4, v28;
	v41 =	vmin.f32 v2, v34;
	v2 =	vmax.f32 v2, v34  }
0x62: {  	v45 =	vmin.f32 v3, v57;
	v3 =	vmax.f32 v3, v57;
	v1 =	vmax.f32 v1, v33  }
0x63: {  	v44 =	vmin.f32 v4, v41;
	v4 =	vmax.f32 v4, v41;
	v46 =	vmin.f32 v2, v45  }
0x64: {  	v2 =	vmax.f32 v2, v45;
	v47 =	vmin.f32 v3, v36;
	v1 =	vmax.f32 v1, v44  }
0x65: {  	v49 =	vmin.f32 v4, v46;
	v4 =	vmax.f32 v4, v46;
	v50 =	vmin.f32 v2, v47  }
0x66: {  	v1 =	vmax.f32 v1, v49;
	v51 =	vmin.f32 v4, v50  }
0x67: {  	v3 =	vmax.f32 v3, v36;
	v5 =	vmax.f32 v2, v47;
	v2 =	vmax.f32 v1, v51  }
0x68: {  	v1 =	vmax.f32 v4, v50;
	vm1 =	vgt.f32 v3, v2;
	vm2 =	vgt.f32 v5, v2  }
0x69: {  	vm12 =	vgt.f32 v1, v2;
	v3 =	vsel vm1, $0xFFFFFFFF, v0;
	v1 =	vsel vm2, $0x3, v37  }
0x6a: {  	vm13 =	veq.f32 v30, v2;
	v52 =	vsel vm12, $0xFFFFFFFF, v0;
	v1 =	vadd.s32 v3, v1  }
0x6b: {  	v6 =	vadd.s32 v52, v1;
	v1 =	vsel vm13, $0x1, v0  }
0x6c: {  	vm14 =	veq.f32 v31, v2;
	vm15 =	vgt.u32 v6, v1  }
0x6d: {  	vm6 =	vmand vm14, vm15  }
0x6e: {  	v3 =	vsel vm6, $0x1, v0  }
0x6f: {  	v1 =	vadd.s32 v1, v3  }
0x70: {  	vm4 =	veq.f32 v29, v2;
	vm5 =	vlt.u32 v1, v6  }
0x71: {  	vm0 =	vmand vm4, vm5  }
0x72: {  	v3 =	vsel vm0, $0x1, v0  }
0x73: {  	v1 =	vadd.s32 v3, v1  }
0x74: {  	vm7 =	veq.f32 v38, v2;
	vm8 =	vlt.u32 v1, v6  }
0x75: {  	vm8 =	vmand vm7, vm8  }
0x76: {  	v3 =	vsel vm8, $0x1, v0  }
0x77: {  	v1 =	vadd.s32 v3, v1  }
0x78: {  	vm9 =	veq.f32 v39, v2;
	vm10 =	vlt.u32 v1, v6  }
0x79: {  	vm9 =	vmand vm9, vm10  }
0x7a: {  	v3 =	vsel vm9, $0x1, v0  }
0x7b: {  	v1 =	vadd.s32 v3, v1  }
0x7c: {  	vm11 =	veq.f32 v40, v2;
	vm12 =	vlt.u32 v1, v6  }
0x7d: {  	vm10 =	vmand vm11, vm12  }
0x7e: {  	v3 =	vsel vm10, $0x1, v0  }
0x7f: {  	v1 =	vadd.s32 v3, v1  }
0x80: {  	vm13 =	veq.f32 v42, v2;
	vm14 =	vlt.u32 v1, v6  }
0x81: {  	vm11 =	vmand vm13, vm14  }
0x82: {  	v3 =	vsel vm11, $0x1, v0  }
0x83: {  	v1 =	vadd.s32 v3, v1  }
0x84: {  	vm15 =	veq.f32 v43, v2;
	vm4 =	vlt.u32 v1, v6  }
0x85: {  	vm12 =	vmand vm15, vm4  }
0x86: {  	v3 =	vsel vm12, $0x1, v0  }
0x87: {  	v1 =	vadd.s32 v3, v1  }
0x88: {  	vm5 =	veq.f32 v10, v2;
	vm7 =	vlt.u32 v1, v6  }
0x89: {  	vm4 =	vmand vm5, vm7  }
0x8a: {  	v3 =	vsel vm4, $0x1, v0  }
0x8b: {  	v1 =	vadd.s32 v3, v1  }
0x8c: {  	vm13 =	veq.f32 v18, v2;
	vm14 =	vlt.u32 v1, v6  }
0x8d: {  	vm14 =	vmand vm13, vm14  }
0x8e: {  	v3 =	vsel vm14, $0x1, v0  }
0x8f: {  	v1 =	vadd.s32 v3, v1  }
0x90: {  	vm15 =	veq.f32 v20, v2;
	vm5 =	vlt.u32 v1, v6  }
0x91: {  	vm5 =	vmand vm15, vm5  }
0x92: {  	v3 =	vsel vm5, $0x1, v0  }
0x93: {  	v1 =	vadd.s32 v3, v1  }
0x94: {  	vm7 =	veq.f32 v12, v2;
	vm13 =	vlt.u32 v1, v6  }
0x95: {  	v3 =	vimm.s32 $0x0;
	vm1 =	vmand vm7, vm13  }
0x96: {  	s12 =	sadd.s32 $0x10, s14;
	v3 =	vsel vm1, $0xFFFFFFFF, v3  }
0x97: {  	s11 =	sand.u32 $0x70, s12;
	[tilespmem:$0x1FA90] =	vst v3;
	v3 =	vsel vm1, $0x1, v0  }
0x98: {  	s15 =	sor.u32 s11, s31;
	v1 =	vadd.s32 v3, v1  }
0x99: {  	v46 =	vld [tilespmem:s15+$0x0];
	vm15 =	veq.f32 v19, v2;
	vm7 =	vlt.u32 v1, v6  }
0x9a: {  	v41 =	vld [tilespmem:s15+$0x80];
	v3 =	vimm.s32 $0x0;
	vm1 =	vmand vm15, vm7  }
0x9b: {  	v3 =	vsel vm1, $0xFFFFFFFF, v3  }
0x9c: {  	[tilespmem:$0x1FAA0] =	vst v3;
	v3 =	vsel vm1, $0x1, v0  }
0x9d: {  	v1 =	vadd.s32 v3, v1  }
0x9e: {  	v53 =	vmin.f32 v46, $-Inf;
	vm13 =	veq.f32 v14, v2;
	vm15 =	vlt.u32 v1, v6  }
0x9f: {  	v54 =	vmin.f32 v46, v41;
	v3 =	vimm.s32 $0x0;
	vm1 =	vmand vm13, vm15  }
0xa0: {  	[tilespmem:$0x1FC80] =	vst v18;
	vm3 =	vgt.f32 v38, v2;
	v5 =	vmax.f32 v53, v54;
	v3 =	vsel vm1, $0xFFFFFFFF, v3  }
0xa1: {  	vm7 =	veq.f32 v15, v2;
	vm15 =	vgt.f32 v31, v2;
	[tilespmem:$0x1FAB0] =	vst v3;
	v3 =	vsel vm1, $0x1, v0  }
0xa2: {  	[tilespmem:$0x1FCA0] =	vst v20;
	vm2 =	vmor vm15, vm6;
	vm6 =	vmor vm3, vm8;
	v1 =	vadd.s32 v3, v1  }
0xa3: {  	v51 =	vmovc v20;
	v20 =	vld [tilespmem:s15+$0x100];
	vm8 =	vgt.f32 v39, v2;
	vm3 =	vgt.f32 v40, v2;
	vm13 =	vlt.u32 v1, v6  }
0xa4: {  	[tilespmem:$0x1FC60] =	vst v10;
	v24 =	vld [tilespmem:s15+$0x180];
	vm3 =	vmor vm3, vm10;
	v3 =	vimm.s32 $0x0;
	vm1 =	vmand vm7, vm13  }
0xa5: {  	[tilespmem:$0x1FCC0] =	vst v12;
	vm7 =	vgt.f32 v29, v2;
	vm13 =	vgt.f32 v42, v2;
	v3 =	vsel vm1, $0xFFFFFFFF, v3  }
0xa6: {  	s31 =	sand.u32 $0x7, s16;
	v45 =	vld [tilespmem:s15+$0x200];
	vm10 =	vmor vm13, vm11;
	vm13 =	vgt.f32 v43, v2;
	[tilespmem:$0x1FAC0] =	vst v3;
	v3 =	vsel vm1, $0x1, v0  }
0xa7: {  	[tilespmem:$0x1FE30] =	vst v8;
	s31 =	sshll.u32 s31, $0x4;
	v8 =	vadd.s32 v3, v1;
	v1 =	vmax.f32 v46, v41;
	v3 =	vmin.f32 v53, v54  }
0xa8: {  	[tilespmem:$0x1FD00] =	vst v14;
	s31 =	sadd.s32 s13, s31;
	v3 =	vmax.f32 v53, v3;
	v55 =	vmin.f32 v1, v20;
	v1 =	vmax.f32 v1, v20  }
0xa9: {  	v56 =	vmovc v14;
	s31 =	sadd.s32 $0x10, s31;
	v14 =	vld [tilespmem:s15+$0x280];
	v59 =	vmin.f32 v5, v55;
	v4 =	vmax.f32 v5, v55;
	v9 =	vmin.f32 v1, v24  }
0xaa: {  	v16 =	vmovc v18;
	s15 =	sor.u32 $0x300, s31;
	v1 =	vmax.f32 v1, v24;
	v60 =	vmin.f32 v3, v59;
	v7 =	vmax.f32 v3, v59  }
0xab: {  	v44 =	vmovc v10;
	s31 =	sor.u32 s12, s13;
	v47 =	vld [tilespmem:s15+$0x0];
	v61 =	vmin.f32 v4, v9;
	v4 =	vmax.f32 v4, v9;
	v18 =	vmin.f32 v1, v45  }
0xac: {  	v10 =	vmovc v12;
	s15 =	sor.u32 $0x380, s31;
	v1 =	vmax.f32 v1, v45;
	v3 =	vmax.f32 v3, v60;
	v12 =	vmin.f32 v7, v61  }
0xad: {  	v53 =	vld [tilespmem:s15+$0x0];
	v5 =	vmax.f32 v7, v61;
	v28 =	vmin.f32 v4, v18;
	v4 =	vmax.f32 v4, v18  }
0xae: {  	v34 =	vmin.f32 v1, v14;
	v1 =	vmax.f32 v1, v14;
	v3 =	vmax.f32 v3, v12  }
0xaf: {  	s31 =	rddreg [dreg:$0x9];
	v33 =	vmin.f32 v5, v28;
	v5 =	vmax.f32 v5, v28;
	v49 =	vmin.f32 v4, v34  }
0xb0: {  	s15 =	sor.u32 s11, s31;
	v4 =	vmax.f32 v4, v34;
	v52 =	vmin.f32 v1, v47;
	v1 =	vmax.f32 v1, v47  }
0xb1: {  	s31 =	sor.u32 s11, s17;
	v3 =	vmax.f32 v3, v33;
	v33 =	vld [tilespmem:s15+$0x0];
	v50 =	vmin.f32 v5, v49;
	v5 =	vmax.f32 v5, v49  }
0xb2: {  	v34 =	vld [tilespmem:s31+$0x0];
	v54 =	vmin.f32 v4, v52;
	v4 =	vmax.f32 v4, v52;
	v59 =	vmin.f32 v1, v53  }
0xb3: {  	s17 =	sor.u32 s11, s21;
	v1 =	vmax.f32 v1, v53;
	v3 =	vmax.f32 v3, v50;
	v55 =	vmin.f32 v5, v54  }
0xb4: {  	v49 =	vld [tilespmem:s17+$0x0];
	v5 =	vmax.f32 v5, v54;
	v60 =	vmin.f32 v4, v59;
	v4 =	vmax.f32 v4, v59  }
0xb5: {  	v3 =	vmax.f32 v3, v55;
	v61 =	vmin.f32 v5, v60;
	v5 =	vmax.f32 v5, v60  }
0xb6: {  	v3 =	vmax.f32 v3, v61;
	v12 =	vmin.f32 v1, v33;
	v1 =	vmax.f32 v1, v33  }
0xb7: {  	s18 =	sor.u32 s11, s18;
	v18 =	vmin.f32 v4, v12;
	v4 =	vmax.f32 v4, v12;
	v50 =	vmin.f32 v1, v34  }
0xb8: {  	s19 =	sor.u32 s11, s19;
	v12 =	vld [tilespmem:s18+$0x0];
	v1 =	vmax.f32 v1, v34;
	v28 =	vmin.f32 v5, v18;
	v5 =	vmax.f32 v5, v18  }
0xb9: {  	v52 =	vmin.f32 v4, v50;
	v18 =	vld [tilespmem:s19+$0x0];
	v4 =	vmax.f32 v4, v50;
	v55 =	vmin.f32 v1, v49  }
0xba: {  	s21 =	sor.u32 s11, s24;
	v1 =	vmax.f32 v1, v49;
	v3 =	vmax.f32 v3, v28;
	v54 =	vmin.f32 v5, v52  }
0xbb: {  	v5 =	vmax.f32 v5, v52;
	v59 =	vmin.f32 v4, v55;
	v28 =	vld [tilespmem:s21+$0x0];
	v4 =	vmax.f32 v4, v55  }
0xbc: {  	v3 =	vmax.f32 v3, v54;
	v60 =	vmin.f32 v5, v59;
	v5 =	vmax.f32 v5, v59  }
0xbd: {  	s22 =	sor.u32 s11, s22;
	v3 =	vmax.f32 v3, v60;
	v61 =	vmin.f32 v1, v12;
	v1 =	vmax.f32 v1, v12  }
0xbe: {  	v52 =	vld [tilespmem:s22+$0x0];
	[tilespmem:$0x1FF80] =	vst v12;
	v12 =	vmin.f32 v4, v61;
	v4 =	vmax.f32 v4, v61;
	v54 =	vmin.f32 v1, v18  }
0xbf: {  	v1 =	vmax.f32 v1, v18;
	v50 =	vmin.f32 v5, v12;
	v5 =	vmax.f32 v5, v12  }
0xc0: {  	s23 =	sor.u32 s11, s23;
	v55 =	vmin.f32 v4, v54;
	v4 =	vmax.f32 v4, v54;
	v60 =	vmin.f32 v1, v28  }
0xc1: {  	[tilespmem:$0x1FF90] =	vst v18;
	v18 =	vld [tilespmem:s23+$0x0];
	v1 =	vmax.f32 v1, v28;
	v3 =	vmax.f32 v3, v50;
	v59 =	vmin.f32 v5, v55  }
0xc2: {  	s24 =	sor.u32 s11, s28;
	v5 =	vmax.f32 v5, v55;
	v61 =	vmin.f32 v4, v60;
	v4 =	vmax.f32 v4, v60  }
0xc3: {  	[tilespmem:$0x1FFA0] =	vst v28;
	v50 =	vld [tilespmem:s24+$0x0];
	v28 =	vmin.f32 v1, v52;
	v1 =	vmax.f32 v1, v52;
	v3 =	vmax.f32 v3, v59  }
0xc4: {  	v12 =	vmin.f32 v5, v61;
	v5 =	vmax.f32 v5, v61;
	v54 =	vmin.f32 v4, v28  }
0xc5: {  	s28 =	sor.u32 s11, s25;
	v4 =	vmax.f32 v4, v28;
	v3 =	vmax.f32 v3, v12;
	v55 =	vmin.f32 v5, v54  }
0xc6: {  	s31 =	sor.u32 s11, s26;
	v12 =	vld [tilespmem:s28+$0x0];
	v5 =	vmax.f32 v5, v54;
	v59 =	vmin.f32 v1, v18;
	v3 =	vmax.f32 v3, v55  }
0xc7: {  	v1 =	vmax.f32 v1, v18;
	v55 =	vld [tilespmem:s31+$0x0];
	v60 =	vmin.f32 v4, v59;
	v4 =	vmax.f32 v4, v59  }
0xc8: {  	s0 =	sor.u32 s11, s0;
	[tilespmem:$0x1FAD0] =	vst v18;
	v61 =	vmin.f32 v5, v60;
	v18 =	vmin.f32 v1, v50;
	v5 =	vmax.f32 v5, v60  }
0xc9: {  	v28 =	vld [tilespmem:s0+$0x0];
	v1 =	vmax.f32 v1, v50;
	v3 =	vmax.f32 v3, v61;
	v54 =	vmin.f32 v4, v18  }
0xca: {  	v4 =	vmax.f32 v4, v18;
	v59 =	vmin.f32 v5, v54;
	v5 =	vmax.f32 v5, v54  }
0xcb: {  	s17 =	sor.u32 s11, s29;
	[tilespmem:$0x1FAE0] =	vst v50;
	v60 =	vmin.f32 v1, v12;
	v1 =	vmax.f32 v1, v12;
	v3 =	vmax.f32 v3, v59  }
0xcc: {  	v50 =	vmovc v12;
	v12 =	vld [tilespmem:s17+$0x0];
	v61 =	vmin.f32 v4, v60;
	v4 =	vmax.f32 v4, v60;
	v54 =	vmin.f32 v1, v55  }
0xcd: {  	v1 =	vmax.f32 v1, v55;
	v18 =	vmin.f32 v5, v61;
	v5 =	vmax.f32 v5, v61  }
0xce: {  	s18 =	sor.u32 s11, s30;
	v59 =	vmin.f32 v4, v54;
	v4 =	vmax.f32 v4, v54;
	v61 =	vmin.f32 v1, v28  }
0xcf: {  	v1 =	vmax.f32 v1, v28;
	v3 =	vmax.f32 v3, v18;
	v18 =	vld [tilespmem:s18+$0x0];
	v60 =	vmin.f32 v5, v59  }
0xd0: {  	s19 =	sor.u32 s11, s4;
	v5 =	vmax.f32 v5, v59;
	v59 =	vmin.f32 v4, v61;
	v4 =	vmax.f32 v4, v61  }
0xd1: {  	v54 =	vld [tilespmem:s19+$0x0];
	v3 =	vmax.f32 v3, v60;
	v60 =	vmin.f32 v5, v59;
	v61 =	vmin.f32 v1, v12  }
0xd2: {  	[tilespmem:$0x1FB40] =	vst v28;
	v5 =	vmax.f32 v5, v59;
	v3 =	vmax.f32 v3, v60;
	v28 =	vmin.f32 v4, v61  }
0xd3: {  	s21 =	sor.u32 s11, s1;
	v1 =	vmax.f32 v1, v12;
	v4 =	vmax.f32 v4, v61;
	v59 =	vmin.f32 v5, v28  }
0xd4: {  	s23 =	sor.u32 s11, s8;
	[tilespmem:$0x1FB80] =	vst v12;
	v61 =	vld [tilespmem:s21+$0x0];
	v5 =	vmax.f32 v5, v28;
	v12 =	vmin.f32 v1, v18;
	v3 =	vmax.f32 v3, v59  }
0xd5: {  	v60 =	vld [tilespmem:s23+$0x0];
	v1 =	vmax.f32 v1, v18;
	v28 =	vmin.f32 v4, v12;
	v4 =	vmax.f32 v4, v12  }
0xd6: {  	v12 =	vmin.f32 v1, v54;
	v1 =	vmax.f32 v1, v54;
	v59 =	vmin.f32 v5, v28  }
0xd7: {  	s24 =	sor.u32 s11, s5;
	[tilespmem:$0x1FBA0] =	vst v18;
	v5 =	vmax.f32 v5, v28;
	v18 =	vmin.f32 v4, v12;
	v4 =	vmax.f32 v4, v12  }
0xd8: {  	v12 =	vld [tilespmem:s24+$0x0];
	v3 =	vmax.f32 v3, v59;
	v28 =	vmin.f32 v5, v18;
	v5 =	vmax.f32 v5, v18  }
0xd9: {  	[tilespmem:$0x1FBB0] =	vst v54;
	v54 =	vmin.f32 v1, v61;
	v1 =	vmax.f32 v1, v61;
	v3 =	vmax.f32 v3, v28  }
0xda: {  	s25 =	sor.u32 s11, s3;
	v59 =	vmin.f32 v4, v54;
	v4 =	vmax.f32 v4, v54;
	v28 =	vmin.f32 v1, v60  }
0xdb: {  	s26 =	sor.u32 s11, s6;
	v1 =	vmax.f32 v1, v60;
	v18 =	vmin.f32 v5, v59;
	v5 =	vmax.f32 v5, v59;
	v59 =	vld [tilespmem:s25+$0x0]  }
0xdc: {  	v7 =	vmin.f32 v4, v28;
	v4 =	vmax.f32 v4, v28;
	v3 =	vmax.f32 v3, v18;
	v18 =	vld [tilespmem:s26+$0x0]  }
0xdd: {  	v54 =	vmin.f32 v5, v7;
	v5 =	vmax.f32 v5, v7;
	v28 =	vmin.f32 v1, v12  }
0xde: {  	s28 =	sor.u32 s11, s7;
	v3 =	vmax.f32 v3, v54;
	v1 =	vmax.f32 v1, v12;
	v54 =	vmin.f32 v4, v28  }
0xdf: {  	[tilespmem:$0x1FBD0] =	vst v12;
	v4 =	vmax.f32 v4, v28;
	v28 =	vld [tilespmem:s28+$0x0];
	v12 =	vmin.f32 v5, v54;
	v5 =	vmax.f32 v5, v54  }
0xe0: {  	v3 =	vmax.f32 v3, v12;
	v54 =	vmin.f32 v1, v59;
	v1 =	vmax.f32 v1, v59  }
0xe1: {  	s29 =	sor.u32 s11, s2;
	v12 =	vmin.f32 v4, v54;
	v4 =	vmax.f32 v4, v54;
	v54 =	vmin.f32 v1, v18  }
0xe2: {  	s30 =	sor.u32 s11, s10;
	v1 =	vmax.f32 v1, v18;
	v7 =	vmin.f32 v5, v12;
	v5 =	vmax.f32 v5, v12;
	v12 =	vld [tilespmem:s29+$0x0]  }
0xe3: {  	[tilespmem:$0x1FEC0] =	vst v18;
	v18 =	vld [tilespmem:s30+$0x0];
	v3 =	vmax.f32 v3, v7;
	v7 =	vmin.f32 v4, v54;
	v4 =	vmax.f32 v4, v54  }
0xe4: {  	v54 =	vmin.f32 v1, v28;
	v1 =	vmax.f32 v1, v28;
	v9 =	vmin.f32 v5, v7  }
0xe5: {  	v5 =	vmax.f32 v5, v7;
	v7 =	vmin.f32 v4, v54;
	v4 =	vmax.f32 v4, v54  }
0xe6: {  	v3 =	vmax.f32 v3, v9;
	v54 =	vmin.f32 v5, v7;
	v5 =	vmax.f32 v5, v7  }
0xe7: {  	[tilespmem:$0x1FFB0] =	vst v28;
	v3 =	vmax.f32 v3, v54;
	v28 =	vmin.f32 v1, v12;
	v1 =	vmax.f32 v1, v12  }
0xe8: {  	v54 =	vmin.f32 v4, v28;
	v4 =	vmax.f32 v4, v28;
	v28 =	vmin.f32 v1, v18  }
0xe9: {  	s31 =	sor.u32 s11, s20;
	[tilespmem:$0x1FFC0] =	vst v12;
	v12 =	vmin.f32 v5, v54;
	v5 =	vmax.f32 v5, v54;
	v54 =	vmin.f32 v4, v28  }
0xea: {  	v3 =	vmax.f32 v3, v12;
	v12 =	vmin.f32 v5, v54;
	v5 =	vmax.f32 v5, v54;
	v54 =	vld [tilespmem:s31+$0x0]  }
0xeb: {  	vm15 =	vmor vm8, vm9;
	vm1 =	vmor vm7, vm0;
	vm13 =	vmor vm13, vm12  }
0xec: {  	vm0 =	vgt.f32 v44, v2;
	vm7 =	vgt.f32 v16, v2;
	vm12 =	veq.f32 v13, v2  }
0xed: {  	vm11 =	vmor vm0, vm4;
	vm7 =	vmor vm7, vm14;
	vm14 =	vlt.u32 v8, v6  }
0xee: {  	vm0 =	vge.f32 v30, v2;
	vm9 =	vmand vm12, vm14;
	v1 =	vmax.f32 v1, v18  }
0xef: {  	v4 =	vmax.f32 v4, v28;
	v28 =	vsel vm9, $0x1, v0;
	v16 =	vmin.f32 v1, v54  }
0xf0: {  	vm4 =	veq.f32 v17, v2;
	[tilespmem:$0x1FFD0] =	vst v18;
	v11 =	vadd.s32 v28, v8;
	v18 =	vmin.f32 v4, v16  }
0xf1: {  	v3 =	vmax.f32 v3, v12;
	v1 =	vmax.f32 v1, v54;
	v44 =	vmin.f32 v5, v18  }
0xf2: {  	v8 =	vmax.f32 v3, v44;
	v3 =	vsel vm0, $0x3F800000, v48;
	vm0 =	vlt.u32 v11, v6  }
0xf3: {  	v12 =	vmax.f32 v5, v18;
	v44 =	vsel vm15, $0x3F800000, v48;
	vm8 =	vmand vm4, vm0  }
0xf4: {  	[tilespmem:$0x1FBE0] =	vst v3;
	v3 =	vmax.f32 v4, v16;
	vm4 =	vgt.f32 v1, v8;
	vm14 =	veq.f32 v46, v8  }
0xf5: {  	v1 =	vsel vm4, $0xFFFFFFFF, v0;
	vm0 =	vgt.f32 v3, v8;
	vm4 =	vgt.f32 v12, v8  }
0xf6: {  	v16 =	vsel vm8, $0x1, v0;
	v3 =	vsel vm0, $0x3, v37;
	v4 =	vsel vm4, $0xFFFFFFFF, v0  }
0xf7: {  	v5 =	vadd.s32 v16, v11;
	v37 =	vsel vm6, $0x3F800000, v48;
	v1 =	vadd.s32 v1, v3  }
0xf8: {  	[tilespmem:$0x1FED0] =	vst v20;
	vm0 =	vgt.f32 v10, v2;
	v9 =	vadd.s32 v4, v1;
	v1 =	vsel vm2, $0x3F800000, v48  }
0xf9: {  	vm6 =	veq.f32 v20, v8;
	v11 =	vimm.s32 $0x0;
	[tilespmem:$0x1FBF0] =	vst v1;
	v1 =	vsel vm1, $0x3F800000, v48  }
0xfa: {  	v10 =	vmovc v20;
	v20 =	vsel vm10, $0x3F800000, v48;
	vm2 =	vlt.u32 v5, v6;
	[tilespmem:$0x1FC00] =	vst v1;
	v1 =	vsel vm14, $0x1, v0  }
0xfb: {  	vm1 =	veq.f32 v21, v2;
	vm14 =	veq.f32 v41, v8;
	vm4 =	vgt.u32 v9, v1  }
0xfc: {  	v3 =	vimm.s32 $0x0;
	vm12 =	vmand vm1, vm2;
	vm1 =	vmand vm14, vm4  }
0xfd: {  	[tilespmem:$0x1FC10] =	vst v37;
	vm4 =	vgt.f32 v51, v2;
	v51 =	vld [tilespmem:$0x1FA90];
	v3 =	vsel vm1, $0xFFFFFFFF, v3;
	v18 =	vsel vm1, $0x1, v0  }
0xfe: {  	v37 =	vimm.s32 $0x0;
	[tilespmem:$0x1FAF0] =	vst v3;
	v3 =	vsel vm12, $0x1, v0;
	v1 =	vadd.s32 v1, v18  }
0xff: {  	vm14 =	vmor vm4, vm5;
	v3 =	vadd.s32 v3, v5;
	vm15 =	vlt.u32 v1, v9  }
0x100: {  	vm1 =	veq.f32 v22, v2;
	v18 =	vld [tilespmem:$0x1FAA0];
	vm2 =	vlt.u32 v3, v6;
	vm6 =	vmand vm6, vm15  }
0x101: {  	[tilespmem:$0x1FCE0] =	vst v19;
	vm15 =	vgt.f32 v19, v2;
	v19 =	vsel vm3, $0x3F800000, v48;
	vm3 =	vgt.f32 v15, v2  }
0x102: {  	vm4 =	vnez.u8 v51;
	vm5 =	vmand vm1, vm2;
	v4 =	vsel vm6, $0xFFFFFFFF, v11  }
0x103: {  	v16 =	vsel vm6, $0x1, v0;
	v11 =	vsel vm13, $0x3F800000, v48;
	vm4 =	vmor vm0, vm4  }
0x104: {  	[tilespmem:$0x1FC20] =	vst v44;
	v44 =	vld [tilespmem:$0x1FAB0];
	v12 =	vsel vm5, $0x1, v0;
	v1 =	vadd.s32 v16, v1;
	vm0 =	veq.f32 v23, v2  }
0x105: {  	v16 =	vimm.s32 $0x0;
	vm6 =	vnez.u8 v18;
	v3 =	vadd.s32 v12, v3  }
0x106: {  	vm10 =	vlt.u32 v1, v9;
	v12 =	vsel vm11, $0x3F800000, v48;
	vm11 =	veq.f32 v45, v8  }
0x107: {  	vm2 =	vmor vm15, vm6;
	vm1 =	vlt.u32 v3, v6;
	vm15 =	veq.f32 v24, v8  }
0x108: {  	[tilespmem:$0x1FEF0] =	vst v24;
	v18 =	vmovc v24;
	v24 =	vsel vm7, $0x3F800000, v48;
	vm1 =	vmand vm0, vm1;
	vm6 =	vmand vm15, vm10  }
0x109: {  	[tilespmem:$0x1FB00] =	vst v4;
	vm15 =	vgt.f32 v56, v2;
	vm10 =	vnez.u8 v44;
	v44 =	vmovc v15;
	v15 =	vld [tilespmem:$0x1FAC0];
	v4 =	vsel vm6, $0xFFFFFFFF, v37  }
0x10a: {  	vm0 =	vmor vm15, vm10;
	v51 =	vsel vm1, $0x1, v0;
	v56 =	vsel vm6, $0x1, v0  }
0x10b: {  	vm6 =	veq.f32 v25, v2;
	v37 =	vsel vm14, $0x3F800000, v48;
	v3 =	vadd.s32 v51, v3  }
0x10c: {  	[tilespmem:$0x1FC40] =	vst v20;
	v1 =	vadd.s32 v56, v1;
	v51 =	vimm.s32 $0x0;
	vm10 =	vlt.u32 v3, v6  }
0x10d: {  	[tilespmem:$0x1FCB0] =	vst v37;
	v37 =	vimm.s32 $0x0;
	vm13 =	vlt.u32 v1, v9;
	vm10 =	vmand vm6, vm10  }
0x10e: {  	[tilespmem:$0x1FC30] =	vst v19;
	vm13 =	vmand vm11, vm13;
	vm6 =	veq.f32 v26, v2;
	vm15 =	vnez.u8 v15  }
0x10f: {  	[tilespmem:$0x1FB10] =	vst v4;
	v4 =	vsel vm13, $0xFFFFFFFF, v16;
	v19 =	vsel vm10, $0x1, v0;
	v20 =	vsel vm13, $0x1, v0  }
0x110: {  	vm13 =	veq.f32 v14, v8;
	v15 =	vsel vm2, $0x3F800000, v48;
	vm2 =	veq.f32 v27, v2  }
0x111: {  	vm3 =	vmor vm3, vm15;
	vm15 =	vgt.f32 v13, v2;
	v3 =	vadd.s32 v19, v3  }
0x112: {  	[tilespmem:$0x1FD30] =	vst v13;
	v1 =	vadd.s32 v20, v1;
	v13 =	vsel vm4, $0x3F800000, v48;
	vm4 =	vgt.f32 v21, v2  }
0x113: {  	[tilespmem:$0x1FCF0] =	vst v15;
	v20 =	vsel vm0, $0x3F800000, v48;
	vm0 =	veq.f32 v32, v2;
	v15 =	vimm.s32 $0x0  }
0x114: {  	vm11 =	vmor vm15, vm9;
	vm9 =	vlt.u32 v3, v6;
	vm7 =	vlt.u32 v1, v9  }
0x115: {  	[tilespmem:$0x1FD60] =	vst v21;
	vm15 =	vgt.f32 v17, v2;
	v21 =	vsel vm3, $0x3F800000, v48;
	vm9 =	vmand vm6, vm9  }
0x116: {  	[tilespmem:$0x1FC50] =	vst v11;
	vm14 =	vmand vm13, vm7;
	vm8 =	vmor vm15, vm8;
	vm13 =	vmor vm4, vm12  }
0x117: {  	[tilespmem:$0x1FC90] =	vst v24;
	vm4 =	veq.f32 v53, v8;
	v24 =	vsel vm11, $0x3F800000, v48;
	v11 =	vsel vm14, $0x1, v0  }
0x118: {  	[tilespmem:$0x1FB20] =	vst v4;
	vm11 =	veq.f32 v33, v8;
	v4 =	vsel vm14, $0xFFFFFFFF, v51;
	v1 =	vadd.s32 v11, v1  }
0x119: {  	v56 =	vsel vm9, $0x1, v0;
	vm14 =	veq.f32 v47, v8;
	vm7 =	vlt.u32 v1, v9  }
0x11a: {  	v3 =	vadd.s32 v56, v3;
	v56 =	vsel vm13, $0x3F800000, v48;
	vm15 =	vmand vm14, vm7  }
0x11b: {  	vm6 =	vlt.u32 v3, v6;
	[tilespmem:$0x1FD70] =	vst v56;
	v56 =	vimm.s32 $0x0;
	v19 =	vsel vm15, $0x1, v0  }
0x11c: {  	v11 =	vld [tilespmem:$0x1FE20];
	vm2 =	vmand vm2, vm6;
	vm14 =	vgt.f32 v22, v2;
	v1 =	vadd.s32 v19, v1  }
0x11d: {  	[tilespmem:$0x1FDA0] =	vst v23;
	v16 =	vsel vm2, $0x1, v0;
	vm6 =	vmor vm14, vm5;
	vm12 =	vlt.u32 v1, v9  }
0x11e: {  	[tilespmem:$0x1FCD0] =	vst v13;
	v3 =	vadd.s32 v16, v3;
	v13 =	vsel vm6, $0x3F800000, v48;
	vm7 =	vmand vm4, vm12  }
0x11f: {  	[tilespmem:$0x1FDD0] =	vst v26;
	vm3 =	vlt.u32 v3, v6;
	vm4 =	vgt.f32 v23, v2;
	v23 =	vsel vm7, $0x1, v0  }
0x120: {  	[tilespmem:$0x1FC70] =	vst v12;
	v12 =	vmovc v26;
	vm5 =	vmand vm0, vm3;
	vm0 =	vgt.f32 v25, v2;
	v1 =	vadd.s32 v23, v1  }
0x121: {  	v26 =	vmovc v27;
	v27 =	vmovc v25;
	v25 =	vsel vm8, $0x3F800000, v48;
	vm12 =	veq.f32 v11, v2;
	vm14 =	vlt.u32 v1, v9  }
0x122: {  	[tilespmem:$0x1FD80] =	vst v22;
	v22 =	vsel vm5, $0x1, v0;
	vm0 =	vmor vm0, vm10;
	vm10 =	vmand vm11, vm14  }
0x123: {  	vm3 =	vmor vm4, vm1;
	v3 =	vadd.s32 v22, v3;
	v51 =	vsel vm10, $0x1, v0  }
0x124: {  	vm1 =	veq.f32 v35, v2;
	vm4 =	vlt.u32 v3, v6;
	v1 =	vadd.s32 v51, v1  }
0x125: {  	[tilespmem:$0x1FF30] =	vst v47;
	vm8 =	vmand vm1, vm4;
	vm14 =	veq.f32 v34, v8;
	vm1 =	vlt.u32 v1, v9  }
0x126: {  	v28 =	vmovc v17;
	v17 =	vmovc v47;
	[tilespmem:$0x1FB30] =	vst v4;
	v4 =	vsel vm10, $0xFFFFFFFF, v37;
	v47 =	vsel vm8, $0x1, v0;
	vm10 =	vmand vm14, vm1  }
0x127: {  	[tilespmem:$0x1FD50] =	vst v25;
	v25 =	vimm.s32 $0x0;
	v3 =	vadd.s32 v47, v3;
	v19 =	vsel vm10, $0x1, v0  }
0x128: {  	[tilespmem:$0x1FD20] =	vst v21;
	v21 =	vsel vm3, $0x3F800000, v48;
	vm13 =	vlt.u32 v3, v6;
	v1 =	vadd.s32 v19, v1  }
0x129: {  	vm6 =	vmand vm12, vm13;
	vm13 =	veq.f32 v49, v8;
	vm14 =	vlt.u32 v1, v9  }
0x12a: {  	vm3 =	vgt.f32 v32, v2;
	v23 =	vld [tilespmem:$0x1FE30];
	[tilespmem:$0x1FB50] =	vst v4;
	v4 =	vsel vm10, $0xFFFFFFFF, v15;
	vm10 =	vmand vm13, vm14  }
0x12b: {  	[tilespmem:$0x1FE00] =	vst v32;
	v22 =	vsel vm0, $0x3F800000, v48;
	vm11 =	vgt.f32 v12, v2;
	v32 =	vsel vm10, $0x1, v0  }
0x12c: {  	vm9 =	vmor vm11, vm9;
	vm11 =	vgt.f32 v26, v2;
	v1 =	vadd.s32 v32, v1;
	v32 =	vld [tilespmem:$0x1FF80]  }
0x12d: {  	[tilespmem:$0x1FF50] =	vst v33;
	vm3 =	vmor vm3, vm5;
	vm5 =	veq.f32 v63, v2;
	vm2 =	vmor vm11, vm2  }
0x12e: {  	[tilespmem:$0x1FD10] =	vst v20;
	v20 =	vmovc v33;
	vm11 =	vgt.f32 v35, v2;
	v33 =	vsel vm9, $0x3F800000, v48;
	v16 =	vsel vm6, $0x1, v0  }
0x12f: {  	[tilespmem:$0x1FE10] =	vst v35;
	vm9 =	vgt.f32 v63, v2;
	vm0 =	veq.f32 v23, v2;
	v3 =	vadd.s32 v16, v3  }
0x130: {  	vm4 =	vmor vm11, vm8;
	[tilespmem:$0x1FDE0] =	vst v33;
	v35 =	vsel vm2, $0x3F800000, v48;
	v33 =	vld [tilespmem:$0x1FF90];
	vm12 =	vlt.u32 v3, v6  }
0x131: {  	vm0 =	vmand vm0, vm12;
	vm14 =	vlt.u32 v1, v9;
	vm13 =	veq.f32 v32, v8  }
0x132: {  	v47 =	vmovc v26;
	[tilespmem:$0x1FB60] =	vst v4;
	v4 =	vsel vm10, $0xFFFFFFFF, v25;
	v26 =	vsel vm0, $0x1, v0;
	vm11 =	vmand vm13, vm14  }
0x133: {  	vm10 =	vgt.f32 v11, v2;
	v3 =	vadd.s32 v26, v3;
	v51 =	vsel vm11, $0x1, v0  }
0x134: {  	v25 =	vsel vm4, $0x3F800000, v48;
	vm12 =	vlt.u32 v3, v6;
	v1 =	vadd.s32 v51, v1  }
0x135: {  	vm2 =	vmand vm5, vm12;
	vm13 =	veq.f32 v33, v8;
	vm14 =	vlt.u32 v1, v9  }
0x136: {  	v26 =	vsel vm3, $0x3F800000, v48;
	v37 =	vsel vm2, $0x1, v0;
	vm8 =	vmand vm13, vm14  }
0x137: {  	[tilespmem:$0x1FB70] =	vst v4;
	vm3 =	vgt.f32 v23, v2;
	v3 =	vadd.s32 v37, v3;
	v4 =	vsel vm8, $0xFFFFFFFF, v56;
	v56 =	vld [tilespmem:$0x1FFA0]  }
0x138: {  	vm4 =	veq.f32 v62, v2;
	vm0 =	vmor vm3, vm0;
	vm12 =	vlt.u32 v3, v6  }
0x139: {  	vm5 =	vmor vm10, vm6;
	vm10 =	veq.f32 v58, v2;
	vm3 =	vmand vm4, vm12  }
0x13a: {  	[tilespmem:$0x1FDB0] =	vst v21;
	v21 =	vsel vm0, $0x3F800000, v48;
	v11 =	vsel vm3, $0x1, v0;
	v12 =	vsel vm8, $0x1, v0  }
0x13b: {  	vm2 =	vmor vm9, vm2;
	v3 =	vadd.s32 v11, v3;
	v1 =	vadd.s32 v12, v1  }
0x13c: {  	vm12 =	vlt.u32 v3, v6;
	vm14 =	vlt.u32 v1, v9;
	vm13 =	veq.f32 v56, v8  }
0x13d: {  	[tilespmem:$0x1FD40] =	vst v24;
	vm9 =	veq.f32 v57, v2;
	vm0 =	vmand vm10, vm12;
	vm14 =	vmand vm13, vm14  }
0x13e: {  	v24 =	vmovc v58;
	[tilespmem:$0x1FD90] =	vst v13;
	vm12 =	veq.f32 v52, v8;
	v13 =	vsel vm0, $0x1, v0;
	v15 =	vsel vm14, $0x1, v0  }
0x13f: {  	v58 =	vmovc v62;
	vm8 =	vgt.f32 v62, v2;
	v62 =	vld [tilespmem:$0x1FAD0];
	v3 =	vadd.s32 v13, v3;
	v1 =	vadd.s32 v15, v1  }
0x140: {  	vm3 =	vmor vm8, vm3;
	vm10 =	vlt.u32 v3, v6;
	vm13 =	vlt.u32 v1, v9  }
0x141: {  	v23 =	vsel vm3, $0x3F800000, v48;
	vm3 =	vmand vm9, vm10;
	vm13 =	vmand vm12, vm13  }
0x142: {  	[tilespmem:$0x1FDF0] =	vst v35;
	v16 =	vsel vm3, $0x1, v0;
	v35 =	vsel vm13, $0x1, v0  }
0x143: {  	v1 =	vadd.s32 v35, v1  }
0x144: {  	vm10 =	veq.f32 v36, v2;
	vm8 =	veq.f32 v62, v8;
	vm9 =	vlt.u32 v1, v9  }
0x145: {  	v3 =	vadd.s32 v16, v3;
	v16 =	vmovc v36;
	vm12 =	vmand vm8, vm9;
	vm9 =	vgt.f32 v36, v2;
	v36 =	vld [tilespmem:$0x1FAE0];
	_ =	sdelay $0x1  }
0x146: {  	vm1 =	vgt.f32 v57, v2;
	v15 =	vsel vm2, $0x3F800000, v48;
	vm2 =	vgt.f32 v24, v2;
	v2 =	vld [tilespmem:$0x1FAF0]  }
0x147: {  	vm2 =	vmor vm2, vm0;
	vm8 =	vlt.u32 v3, v6;
	v3 =	vsel vm12, $0x1, v0  }
0x148: {  	v12 =	vsel vm2, $0x3F800000, v48;
	v1 =	vadd.s32 v3, v1  }
0x149: {  	vm2 =	vmand vm10, vm8;
	vm6 =	vlt.u32 v1, v9;
	vm10 =	veq.f32 v36, v8  }
0x14a: {  	vm6 =	vmand vm10, vm6  }
0x14b: {  	vm10 =	vnez.u8 v2;
	v2 =	vsel vm6, $0x1, v0  }
0x14c: {  	v1 =	vadd.s32 v2, v1;
	v2 =	vld [tilespmem:$0x1FB00];
	_ =	sdelay $0x3  }
0x14d: {  	vm2 =	vmor vm9, vm2;
	vm9 =	vgt.f32 v41, v8;
	v3 =	vld [tilespmem:$0x1FB20]  }
0x14e: {  	vm4 =	vmor vm9, vm10;
	vm9 =	vnez.u8 v2;
	v2 =	vld [tilespmem:$0x1FB10]  }
0x14f: {  	vm3 =	vmor vm1, vm3  }
0x150: {  	[tilespmem:$0x1FDC0] =	vst v22;
	v22 =	vsel vm5, $0x3F800000, v48;
	v7 =	vsel vm3, $0x3F800000, v48  }
0x151: {  	vm3 =	vgt.f32 v18, v8;
	v13 =	vsel vm2, $0x3F800000, v48;
	vm2 =	vgt.f32 v10, v8  }
0x152: {  	[tilespmem:$0x1FB90] =	vst v4;
	v4 =	vsel vm4, $0x3F800000, v48;
	vm4 =	veq.f32 v50, v8;
	vm5 =	vlt.u32 v1, v9  }
0x153: {  	vm4 =	vmand vm4, vm5;
	vm5 =	vnez.u8 v3;
	vm10 =	vnez.u8 v2  }
0x154: {  	vm2 =	vmor vm2, vm9;
	v2 =	vsel vm4, $0x1, v0;
	vm9 =	vmor vm3, vm10  }
0x155: {  	vm3 =	vgt.f32 v45, v8;
	v1 =	vadd.s32 v2, v1;
	v2 =	vsel vm2, $0x3F800000, v48  }
0x156: {  	vm2 =	veq.f32 v55, v8;
	vm5 =	vmor vm3, vm5;
	vm3 =	vlt.u32 v1, v9  }
0x157: {  	vm3 =	vmand vm2, vm3  }
0x158: {  	[tilespmem:$0x1FEE0] =	vst v2;
	v2 =	vsel vm3, $0x1, v0  }
0x159: {  	v1 =	vadd.s32 v2, v1;
	v2 =	vsel vm9, $0x3F800000, v48  }
0x15a: {  	[tilespmem:$0x1FF00] =	vst v2;
	v2 =	vld [tilespmem:$0x1FB50];
	_ =	sdelay $0x1  }
0x15b: {  	v3 =	vld [tilespmem:$0x1FB30];
	_ =	sdelay $0x1  }
0x15c: {  	[tilespmem:$0x1FE40] =	vst v63;
	v63 =	vmov v52;
	v52 =	vld [tilespmem:$0x1FB40]  }
0x15d: {  	vm9 =	vnez.u8 v2;
	v2 =	vld [tilespmem:$0x1FB60]  }
0x15e: {  	vm1 =	vgt.f32 v34, v8;
	vm8 =	vge.f32 v46, v8  }
0x15f: {  	v5 =	vsel vm8, $0x3F800000, v48;
	vm8 =	vgt.f32 v14, v8;
	vm10 =	vnez.u8 v3  }
0x160: {  	vm0 =	vgt.f32 v53, v8;
	vm10 =	vmor vm8, vm10;
	vm8 =	vgt.f32 v17, v8  }
0x161: {  	vm15 =	vmor vm8, vm15;
	vm8 =	vmor vm0, vm7;
	vm0 =	vgt.f32 v20, v8  }
0x162: {  	vm2 =	veq.f32 v52, v8;
	vm9 =	vmor vm0, vm9;
	vm0 =	vnez.u8 v2  }
0x163: {  	v37 =	vld [tilespmem:$0x1FB70];
	vm7 =	vlt.u32 v1, v9;
	v2 =	vimm.s32 $0x0;
	vm0 =	vmor vm1, vm0  }
0x164: {  	vm1 =	vmand vm2, vm7;
	v2 =	vsel vm0, $0xFFFFFFFF, v2  }
0x165: {  	v19 =	vmov v57;
	v57 =	vmov v50;
	v50 =	vld [tilespmem:$0x1FB80];
	[tilespmem:$0x1FBC0] =	vst v2;
	v2 =	vsel vm1, $0x1, v0  }
0x166: {  	[tilespmem:$0x1FF10] =	vst v45;
	v51 =	vimm.s32 $0x0;
	v6 =	vmovc v41;
	v41 =	vimm.s32 $0x0;
	v1 =	vadd.s32 v2, v1;
	v2 =	vld [tilespmem:$0x1FB90]  }
0x167: {  	[tilespmem:$0x1FF40] =	vst v53;
	v45 =	vimm.s32 $0x0;
	v53 =	vsel vm5, $0x3F800000, v48;
	vm5 =	vgt.f32 v56, v8  }
0x168: {  	v20 =	vsel vm10, $0x3F800000, v48;
	vm2 =	vgt.f32 v49, v8;
	vm0 =	vnez.u8 v37  }
0x169: {  	[tilespmem:$0x1FF70] =	vst v49;
	vm7 =	vgt.f32 v32, v8;
	v49 =	vimm.s32 $0x0;
	vm2 =	vmor vm2, vm0  }
0x16a: {  	vm7 =	vmor vm7, vm11;
	vm11 =	veq.f32 v50, v8;
	v10 =	vsel vm2, $0xFFFFFFFF, v41  }
0x16b: {  	vm2 =	vgt.f32 v33, v8;
	[tilespmem:$0x1FE50] =	vst v10;
	v10 =	vsel vm7, $0xFFFFFFFF, v45;
	vm7 =	vnez.u8 v2  }
0x16c: {  	v56 =	vld [tilespmem:$0x1FBA0];
	vm0 =	vlt.u32 v1, v9;
	v2 =	vimm.s32 $0x0;
	vm2 =	vmor vm2, vm7  }
0x16d: {  	vm11 =	vmand vm11, vm0;
	vm7 =	vmor vm5, vm14;
	v2 =	vsel vm2, $0xFFFFFFFF, v2  }
0x16e: {  	vm14 =	vgt.f32 v62, v8;
	vm2 =	vgt.f32 v63, v8;
	[tilespmem:$0x1FE70] =	vst v2;
	v2 =	vimm.s32 $0x0  }
0x16f: {  	vm12 =	vmor vm14, vm12;
	vm14 =	vgt.f32 v57, v8;
	v2 =	vsel vm7, $0xFFFFFFFF, v2  }
0x170: {  	vm2 =	vmor vm2, vm13;
	vm13 =	vgt.f32 v36, v8;
	[tilespmem:$0x1FE80] =	vst v2;
	v2 =	vsel vm11, $0x1, v0  }
0x171: {  	vm7 =	veq.f32 v56, v8;
	v1 =	vadd.s32 v2, v1;
	v2 =	vimm.s32 $0x0  }
0x172: {  	vm10 =	vlt.u32 v1, v9;
	v2 =	vsel vm2, $0xFFFFFFFF, v2;
	vm2 =	vmor vm13, vm6  }
0x173: {  	[tilespmem:$0x1FE60] =	vst v10;
	vm7 =	vmand vm7, vm10;
	v10 =	vsel vm2, $0xFFFFFFFF, v49;
	vm10 =	vmor vm14, vm4  }
0x174: {  	[tilespmem:$0x1FEA0] =	vst v10;
	v10 =	vsel vm10, $0xFFFFFFFF, v51;
	v51 =	vld [tilespmem:$0x1FBB0];
	_ =	sdelay $0x2  }
0x175: {  	[tilespmem:$0x1FE90] =	vst v2;
	v2 =	vsel vm7, $0x1, v0  }
0x176: {  	v1 =	vadd.s32 v2, v1  }
0x177: {  	vm14 =	vlt.u32 v1, v9;
	vm13 =	veq.f32 v51, v8  }
0x178: {  	v3 =	vmov v55;
	v18 =	vsel vm15, $0x3F800000, v48;
	vm6 =	vmand vm13, vm14  }
0x179: {  	vm15 =	vgt.f32 v3, v8;
	vm10 =	vgt.f32 v52, v8;
	v2 =	vsel vm6, $0x1, v0  }
0x17a: {  	vm5 =	vmor vm15, vm3;
	vm4 =	vmor vm10, vm1;
	v1 =	vadd.s32 v2, v1  }
0x17b: {  	vm1 =	vgt.f32 v50, v8;
	vm14 =	veq.f32 v61, v8;
	vm15 =	vlt.u32 v1, v9  }
0x17c: {  	vm0 =	vgt.f32 v61, v8;
	vm2 =	vmor vm1, vm11;
	vm10 =	vmand vm14, vm15  }
0x17d: {  	vm13 =	vgt.f32 v56, v8;
	vm15 =	vgt.f32 v51, v8;
	v2 =	vsel vm10, $0x1, v0  }
0x17e: {  	vm11 =	vmor vm13, vm7;
	vm13 =	vmor vm15, vm6;
	v1 =	vadd.s32 v2, v1  }
0x17f: {  	vm14 =	vmor vm0, vm10;
	vm10 =	veq.f32 v60, v8;
	vm15 =	vlt.u32 v1, v9  }
0x180: {  	vm1 =	vmand vm10, vm15  }
0x181: {  	v17 =	vsel vm1, $0x1, v0  }
0x182: {  	[tilespmem:$0x1FF60] =	vst v34;
	v34 =	vadd.s32 v17, v1;
	v1 =	vld [tilespmem:$0x1FFF0];
	_ =	sdelay $0x1  }
0x183: {  	v32 =	vld [tilespmem:$0x1FBC0]  }
0x184: {  	[tilespmem:$0x1FF20] =	vst v14;
	v14 =	vmov s14;
	v33 =	vld [tilespmem:$0x1FFE0]  }
0x185: {  	v55 =	vmov v36;
	v36 =	vld [tilespmem:$0x1FBE0];
	[tilespmem:$0x1FEB0] =	vst v10;
	v10 =	vshll.u32 v14, $0x7  }
0x186: {  	v10 =	vor.u32 v1, v10;
	_ =	sdelay $0x1  }
0x187: {  	vm7 =	vnez.u8 v32  }
0x188: {  	v17 =	vsel vm7, $0x3F800000, v48;
	vm7 =	vnez.u8 v33  }
0x189: {  	v41 =	vld [tilespmem:$0x1FC00];
	v33 =	vsel vm7, v30, v36  }
0x18a: {  	[tilespmem:v10+s9+$0x0] =	vst.idx.msk $0xffff, v33;
	v33 =	vld [tilespmem:$0x1FC30];
	_ =	sdelay $0x2  }
0x18b: {  	v37 =	vld [tilespmem:$0x1FBF0]  }
0x18c: {  	v45 =	vsel vm7, v29, v41;
	v41 =	vld [tilespmem:$0x1FC50];
	v35 =	vor.u32 $0x1, v10  }
0x18d: {  	v33 =	vsel vm7, v40, v33;
	v40 =	vld [tilespmem:$0x1FC40];
	_ =	sdelay $0x2  }
0x18e: {  	v31 =	vsel vm7, v31, v37  }
0x18f: {  	v32 =	vor.u32 $0x2, v10;
	[tilespmem:v35+s9+$0x0] =	vst.idx.msk $0xffff, v31;
	v31 =	vsel vm7, v43, v41;
	v43 =	vld [tilespmem:$0x1FC70]  }
0x190: {  	v40 =	vsel vm7, v42, v40;
	v42 =	vld [tilespmem:$0x1FC60];
	_ =	sdelay $0x2  }
0x191: {  	v36 =	vld [tilespmem:$0x1FC90]  }
0x192: {  	[tilespmem:v32+s9+$0x0] =	vst.idx.msk $0xffff, v45;
	v45 =	vld [tilespmem:$0x1FC80]  }
0x193: {  	v35 =	vsel vm7, v42, v43;
	v42 =	vld [tilespmem:$0x1FCA0]  }
0x194: {  	v43 =	vld [tilespmem:$0x1FCB0];
	_ =	sdelay $0x1  }
0x195: {  	v29 =	vld [tilespmem:$0x1FC10]  }
0x196: {  	v30 =	vld [tilespmem:$0x1FC20]  }
0x197: {  	v32 =	vsel vm7, v45, v36;
	v45 =	vld [tilespmem:$0x1FCC0]  }
0x198: {  	v37 =	vor.u32 $0x3, v10;
	v36 =	vsel vm7, v42, v43;
	v43 =	vld [tilespmem:$0x1FCD0];
	_ =	sdelay $0x3  }
0x199: {  	v38 =	vsel vm7, v38, v29  }
0x19a: {  	v39 =	vsel vm7, v39, v30;
	v30 =	vor.u32 $0x4, v10;
	[tilespmem:v37+s9+$0x0] =	vst.idx.msk $0xffff, v38;
	v37 =	vsel vm7, v45, v43;
	v45 =	vld [tilespmem:$0x1FCE0]  }
0x19b: {  	v43 =	vld [tilespmem:$0x1FCF0];
	_ =	sdelay $0x3  }
0x19c: {  	[tilespmem:v30+s9+$0x0] =	vst.idx.msk $0xffff, v39;
	v39 =	vld [tilespmem:$0x1FD10]  }
0x19d: {  	v38 =	vsel vm7, v45, v43;
	v45 =	vld [tilespmem:$0x1FD00];
	_ =	sdelay $0x3  }
0x19e: {  	v29 =	vor.u32 $0x5, v10  }
0x19f: {  	v30 =	vsel vm7, v45, v39;
	v45 =	vld [tilespmem:$0x1FD20];
	_ =	sdelay $0x3  }
0x1a0: {  	[tilespmem:v29+s9+$0x0] =	vst.idx.msk $0xffff, v33;
	v33 =	vld [tilespmem:$0x1FD30]  }
0x1a1: {  	v39 =	vsel vm7, v44, v45;
	v45 =	vld [tilespmem:$0x1FD40];
	_ =	sdelay $0x3  }
0x1a2: {  	v14 =	vld [tilespmem:$0x1FD60]  }
0x1a3: {  	v41 =	vor.u32 $0x6, v10;
	v29 =	vsel vm7, v33, v45;
	v45 =	vld [tilespmem:$0x1FD70];
	_ =	sdelay $0x4  }
0x1a4: {  	[tilespmem:v41+s9+$0x0] =	vst.idx.msk $0xffff, v40;
	v42 =	vor.u32 $0x7, v10;
	v40 =	vsel vm7, v14, v45;
	v14 =	vld [tilespmem:$0x1FD80]  }
0x1a5: {  	v45 =	vld [tilespmem:$0x1FD90];
	_ =	sdelay $0x3  }
0x1a6: {  	[tilespmem:v42+s9+$0x0] =	vst.idx.msk $0xffff, v31;
	v42 =	vld [tilespmem:$0x1FDB0];
	v43 =	vor.u32 $0x8, v10  }
0x1a7: {  	v41 =	vsel vm7, v14, v45;
	v14 =	vld [tilespmem:$0x1FDA0];
	_ =	sdelay $0x2  }
0x1a8: {  	v33 =	vld [tilespmem:$0x1FD50]  }
0x1a9: {  	[tilespmem:v43+s9+$0x0] =	vst.idx.msk $0xffff, v35;
	v43 =	vld [tilespmem:$0x1FDE0]  }
0x1aa: {  	v31 =	vsel vm7, v14, v42;
	v14 =	vld [tilespmem:$0x1FDD0]  }
0x1ab: {  	v44 =	vor.u32 $0x9, v10;
	_ =	sdelay $0x1  }
0x1ac: {  	v11 =	vld [tilespmem:$0x1FBD0];
	v33 =	vsel vm7, v28, v33;
	v28 =	vor.u32 $0xA, v10  }
0x1ad: {  	v42 =	vld [tilespmem:$0x1FDC0]  }
0x1ae: {  	v35 =	vsel vm7, v14, v43;
	v43 =	vld [tilespmem:$0x1FDF0]  }
0x1af: {  	[tilespmem:v44+s9+$0x0] =	vst.idx.msk $0xffff, v32;
	v32 =	vld [tilespmem:$0x1FE00]  }
0x1b0: {  	v44 =	vld [tilespmem:$0x1FE10]  }
0x1b1: {  	v45 =	vor.u32 $0xB, v10;
	[tilespmem:v28+s9+$0x0] =	vst.idx.msk $0xffff, v36;
	v36 =	vld [tilespmem:$0x1FE30]  }
0x1b2: {  	v42 =	vsel vm7, v27, v42;
	v27 =	vor.u32 $0xC, v10  }
0x1b3: {  	v43 =	vsel vm7, v47, v43;
	v47 =	vor.u32 $0xD, v10  }
0x1b4: {  	v26 =	vsel vm7, v32, v26;
	v32 =	vor.u32 $0xE, v10  }
0x1b5: {  	v49 =	vmovc v3;
	v3 =	vsel vm8, $0x3F800000, v48;
	v25 =	vsel vm7, v44, v25;
	v44 =	vor.u32 $0xF, v10  }
0x1b6: {  	vm8 =	veq.f32 v11, v8;
	v21 =	vsel vm7, v36, v21;
	[tilespmem:v45+s9+$0x0] =	vst.idx.msk $0xffff, v37;
	v45 =	vld [tilespmem:$0x1FE40];
	v36 =	vor.u32 $0x10, v10  }
0x1b7: {  	vm6 =	vgt.f32 v60, v8;
	v14 =	vsel vm7, v58, v23;
	v58 =	vor.u32 $0x11, v10;
	[tilespmem:v27+s9+$0x0] =	vst.idx.msk $0xffff, v38  }
0x1b8: {  	v7 =	vsel vm7, v19, v7;
	v19 =	vsel vm7, v16, v13;
	v16 =	vor.u32 $0x12, v10;
	v28 =	vld [tilespmem:$0x1FE20];
	[tilespmem:v47+s9+$0x0] =	vst.idx.msk $0xffff, v30  }
0x1b9: {  	v2 =	vsel vm9, $0x3F800000, v48;
	vm6 =	vmor vm6, vm1;
	v23 =	vor.u32 $0x13, v10;
	[tilespmem:v32+s9+$0x0] =	vst.idx.msk $0xffff, v39  }
0x1ba: {  	vm9 =	vlt.u32 v34, v9;
	v5 =	vsel vm7, v46, v5;
	[tilespmem:v44+s9+$0x0] =	vst.idx.msk $0xffff, v29;
	v44 =	vor.u32 $0x14, v10  }
0x1bb: {  	vm1 =	vmand vm8, vm9;
	v46 =	vor.u32 $0x15, v10;
	v15 =	vsel vm7, v45, v15;
	v45 =	vld [tilespmem:$0x1FE50];
	[tilespmem:v36+s9+$0x0] =	vst.idx.msk $0xffff, v33  }
0x1bc: {  	v12 =	vsel vm7, v24, v12;
	v13 =	vld [tilespmem:$0x1FE70];
	v24 =	vsel vm1, $0x1, v0;
	[tilespmem:v58+s9+$0x0] =	vst.idx.msk $0xffff, v40;
	v58 =	vor.u32 $0x16, v10  }
0x1bd: {  	v22 =	vsel vm7, v28, v22;
	v28 =	vadd.s32 v24, v34;
	v24 =	vor.u32 $0x17, v10;
	[tilespmem:v16+s9+$0x0] =	vst.idx.msk $0xffff, v41  }
0x1be: {  	[tilespmem:v23+s9+$0x0] =	vst.idx.msk $0xffff, v31;
	v23 =	vor.u32 $0x18, v10  }
0x1bf: {  	[tilespmem:v44+s9+$0x0] =	vst.idx.msk $0xffff, v42  }
0x1c0: {  	vm10 =	vnez.u8 v45;
	[tilespmem:v46+s9+$0x0] =	vst.idx.msk $0xffff, v35  }
0x1c1: {  	v34 =	vsel vm10, $0x3F800000, v48;
	vm10 =	vnez.u8 v13;
	v13 =	vor.u32 $0x19, v10;
	[tilespmem:v58+s9+$0x0] =	vst.idx.msk $0xffff, v43  }
0x1c2: {  	v27 =	vmov s12;
	v44 =	vor.u32 $0x1A, v10;
	[tilespmem:v24+s9+$0x0] =	vst.idx.msk $0xffff, v26  }
0x1c3: {  	v45 =	vor.u32 $0x1B, v10;
	v43 =	vld [tilespmem:$0x1FEE0];
	[tilespmem:v23+s9+$0x0] =	vst.idx.msk $0xffff, v25;
	v23 =	vshll.u32 v27, $0x7  }
0x1c4: {  	v32 =	vsel vm7, v6, v4;
	v4 =	vor.u32 v1, v23;
	v1 =	vld [tilespmem:$0x1FED0];
	_ =	sdelay $0x1  }
0x1c5: {  	[tilespmem:v13+s9+$0x0] =	vst.idx.msk $0xffff, v22  }
0x1c6: {  	v47 =	vld [tilespmem:$0x1FE60];
	[tilespmem:v44+s9+$0x0] =	vst.idx.msk $0xffff, v21  }
0x1c7: {  	[tilespmem:v45+s9+$0x0] =	vst.idx.msk $0xffff, v15;
	v45 =	vld [tilespmem:$0x1FF00]  }
0x1c8: {  	v44 =	vsel vm7, v1, v43;
	v1 =	vld [tilespmem:$0x1FEF0];
	_ =	sdelay $0x2  }
0x1c9: {  	v46 =	vor.u32 $0x1C, v10  }
0x1ca: {  	vm8 =	vnez.u8 v47;
	v47 =	vor.u32 $0x1D, v10  }
0x1cb: {  	v58 =	vor.u32 $0x1E, v10;
	v23 =	vsel vm7, v1, v45;
	v1 =	vld [tilespmem:$0x1FF10];
	_ =	sdelay $0x2  }
0x1cc: {  	[tilespmem:v46+s9+$0x0] =	vst.idx.msk $0xffff, v14  }
0x1cd: {  	[tilespmem:v47+s9+$0x0] =	vst.idx.msk $0xffff, v12  }
0x1ce: {  	[tilespmem:v58+s9+$0x0] =	vst.idx.msk $0xffff, v7;
	v7 =	vsel vm7, v1, v53;
	v1 =	vld [tilespmem:$0x1FF20];
	_ =	sdelay $0x3  }
0x1cf: {  	vm15 =	veq.f32 v59, v8;
	vm9 =	vlt.u32 v28, v9;
	v16 =	vld [tilespmem:$0x1FE80]  }
0x1d0: {  	v36 =	vsel vm8, $0x3F800000, v48;
	vm8 =	vmand vm15, vm9;
	v13 =	vsel vm7, v1, v20;
	v1 =	vld [tilespmem:$0x1FF30]  }
0x1d1: {  	v42 =	vsel vm8, $0x1, v0  }
0x1d2: {  	v38 =	vsel vm10, $0x3F800000, v48;
	v30 =	vsel vm12, $0x3F800000, v48;
	v28 =	vadd.s32 v42, v28;
	v42 =	vld [tilespmem:$0x1FEB0]  }
0x1d3: {  	v29 =	vsel vm4, $0x3F800000, v48;
	v33 =	vsel vm11, $0x3F800000, v48;
	vm15 =	vgt.f32 v11, v8  }
0x1d4: {  	vm11 =	vgt.f32 v59, v8;
	vm3 =	vmor vm15, vm1;
	vm9 =	vnez.u8 v16;
	v16 =	vld [tilespmem:$0x1FE90]  }
0x1d5: {  	vm0 =	vmor vm11, vm8;
	v35 =	vsel vm14, $0x3F800000, v48;
	v6 =	vsel vm7, v1, v18;
	v1 =	vld [tilespmem:$0x1FF40]  }
0x1d6: {  	v10 =	vor.u32 $0x1F, v10;
	v31 =	vsel vm9, $0x3F800000, v48;
	v22 =	vsel vm5, $0x3F800000, v48  }
0x1d7: {  	v27 =	vld [tilespmem:$0x1FEA0];
	vm15 =	vnez.u8 v42;
	v21 =	vsel vm2, $0x3F800000, v48;
	v37 =	vor.u32 $0x1, v4  }
0x1d8: {  	v40 =	vor.u32 $0x6, v4;
	v15 =	vsel vm13, $0x3F800000, v48;
	v21 =	vsel vm7, v50, v21  }
0x1d9: {  	v42 =	vld [tilespmem:$0x1FEC0];
	vm10 =	vnez.u8 v16;
	v14 =	vsel vm6, $0x3F800000, v48;
	v46 =	vor.u32 $0x2, v4  }
0x1da: {  	v15 =	vsel vm7, v51, v15;
	v47 =	vor.u32 $0x3, v4;
	v3 =	vsel vm7, v1, v3;
	v1 =	vld [tilespmem:$0x1FF50]  }
0x1db: {  	v39 =	vld [tilespmem:$0x1FF80];
	v51 =	vor.u32 $0x19, v4;
	v26 =	vsel vm10, $0x3F800000, v48;
	[tilespmem:v4+s9+$0x0] =	vst.idx.msk $0xffff, v5;
	v53 =	vor.u32 $0x4, v4  }
0x1dc: {  	vm12 =	vnez.u8 v27;
	v27 =	vsel vm15, $0x3F800000, v48;
	v58 =	vor.u32 $0x5, v4;
	[tilespmem:v10+s9+$0x0] =	vst.idx.msk $0xffff, v19  }
0x1dd: {  	v50 =	vld [tilespmem:$0x1FFB0];
	vm10 =	vlt.u32 v28, v9;
	v14 =	vsel vm7, v60, v14;
	v25 =	vsel vm12, $0x3F800000, v48;
	[tilespmem:v37+s9+$0x0] =	vst.idx.msk $0xffff, v32  }
0x1de: {  	v43 =	vld [tilespmem:$0x1FF90];
	v16 =	vsel vm7, v63, v26;
	v63 =	vor.u32 $0xD, v4;
	[tilespmem:v46+s9+$0x0] =	vst.idx.msk $0xffff, v44;
	v45 =	vor.u32 $0x7, v4  }
0x1df: {  	vm9 =	veq.f32 v42, v8;
	v46 =	vor.u32 $0x8, v4;
	[tilespmem:v47+s9+$0x0] =	vst.idx.msk $0xffff, v23;
	v2 =	vsel vm7, v1, v2;
	v1 =	vld [tilespmem:$0x1FF60]  }
0x1e0: {  	v37 =	vld [tilespmem:$0x1FF70];
	v32 =	vsel vm7, v39, v36;
	v10 =	vsel vm7, v57, v27;
	v47 =	vor.u32 $0x9, v4;
	[tilespmem:v53+s9+$0x0] =	vst.idx.msk $0xffff, v7  }
0x1e1: {  	v57 =	vor.u32 $0xB, v4;
	v36 =	vsel vm7, v56, v33;
	v53 =	vor.u32 $0xA, v4;
	[tilespmem:v58+s9+$0x0] =	vst.idx.msk $0xffff, v13  }
0x1e2: {  	v39 =	vor.u32 $0x14, v4;
	vm14 =	vgt.f32 v42, v8;
	vm1 =	vmand vm9, vm10;
	[tilespmem:v40+s9+$0x0] =	vst.idx.msk $0xffff, v6  }
0x1e3: {  	vm12 =	veq.f32 v50, v8;
	vm5 =	vgt.f32 v50, v8;
	v44 =	vld [tilespmem:$0x1FFA0];
	v58 =	vor.u32 $0xC, v4;
	[tilespmem:v45+s9+$0x0] =	vst.idx.msk $0xffff, v3  }
0x1e4: {  	v12 =	vsel vm7, v43, v38;
	v38 =	vor.u32 $0x13, v4;
	[tilespmem:v46+s9+$0x0] =	vst.idx.msk $0xffff, v2;
	v1 =	vsel vm7, v1, v17  }
0x1e5: {  	v41 =	vmovc v11;
	v43 =	vor.u32 $0x15, v4;
	v11 =	vsel vm7, v37, v34;
	v3 =	vor.u32 $0xE, v4;
	[tilespmem:v47+s9+$0x0] =	vst.idx.msk $0xffff, v1  }
0x1e6: {  	v23 =	vsel vm7, v62, v30;
	v62 =	vsel vm7, v52, v29;
	v34 =	vor.u32 $0xF, v4;
	[tilespmem:v53+s9+$0x0] =	vst.idx.msk $0xffff, v11  }
0x1e7: {  	v37 =	vor.u32 $0x11, v4;
	v52 =	vor.u32 $0x1A, v4;
	v2 =	vor.u32 $0x10, v4;
	[tilespmem:v57+s9+$0x0] =	vst.idx.msk $0xffff, v32  }
0x1e8: {  	v24 =	vsel vm7, v44, v31;
	v44 =	vor.u32 $0x16, v4;
	v47 =	vsel vm1, $0x1, v0;
	[tilespmem:v58+s9+$0x0] =	vst.idx.msk $0xffff, v12  }
0x1e9: {  	v7 =	vsel vm7, v55, v25;
	v1 =	vor.u32 $0x12, v4;
	v53 =	vld [tilespmem:$0x1FFC0];
	v12 =	vadd.s32 v47, v28;
	[tilespmem:v63+s9+$0x0] =	vst.idx.msk $0xffff, v24  }
0x1ea: {  	v55 =	vsel vm7, v49, v22;
	v49 =	vor.u32 $0x18, v4;
	vm13 =	vlt.u32 v12, v9;
	[tilespmem:v3+s9+$0x0] =	vst.idx.msk $0xffff, v16  }
0x1eb: {  	v40 =	vsel vm7, v61, v35;
	v3 =	vsel vm0, $0x3F800000, v48;
	vm0 =	vmand vm12, vm13;
	[tilespmem:v34+s9+$0x0] =	vst.idx.msk $0xffff, v23  }
0x1ec: {  	v61 =	vor.u32 $0x1D, v4;
	[tilespmem:v2+s9+$0x0] =	vst.idx.msk $0xffff, v7;
	v2 =	vsel vm7, v59, v3;
	v3 =	vsel vm0, $0x1, v0  }
0x1ed: {  	v45 =	vor.u32 $0x17, v4;
	v46 =	vsel vm3, $0x3F800000, v48;
	v58 =	vld [tilespmem:$0x1FFD0];
	[tilespmem:v37+s9+$0x0] =	vst.idx.msk $0xffff, v10;
	v3 =	vadd.s32 v3, v12  }
0x1ee: {  	vm1 =	vmor vm14, vm1;
	vm15 =	veq.f32 v53, v8;
	[tilespmem:v1+s9+$0x0] =	vst.idx.msk $0xffff, v55;
	vm4 =	vlt.u32 v3, v9  }
0x1ef: {  	v6 =	vsel vm7, v41, v46;
	v1 =	vsel vm1, $0x3F800000, v48;
	[tilespmem:v38+s9+$0x0] =	vst.idx.msk $0xffff, v62;
	vm1 =	vmand vm15, vm4  }
0x1f0: {  	vm14 =	vgt.f32 v54, v8;
	vm12 =	veq.f32 v54, v8;
	[tilespmem:v39+s9+$0x0] =	vst.idx.msk $0xffff, v21;
	v56 =	vsel vm1, $0x1, v0  }
0x1f1: {  	v63 =	vor.u32 $0x1E, v4;
	vm6 =	vgt.f32 v53, v8;
	[tilespmem:v43+s9+$0x0] =	vst.idx.msk $0xffff, v36;
	v3 =	vadd.s32 v56, v3  }
0x1f2: {  	vm8 =	veq.f32 v58, v8;
	v55 =	vor.u32 $0x1B, v4;
	[tilespmem:v44+s9+$0x0] =	vst.idx.msk $0xffff, v15;
	vm9 =	vlt.u32 v3, v9  }
0x1f3: {  	vm0 =	vmor vm5, vm0;
	v59 =	vor.u32 $0x1C, v4;
	[tilespmem:v45+s9+$0x0] =	vst.idx.msk $0xffff, v40;
	vm10 =	vmand vm8, vm9  }
0x1f4: {  	v57 =	vsel vm0, $0x3F800000, v48;
	vm11 =	vgt.f32 v58, v8;
	[tilespmem:v49+s9+$0x0] =	vst.idx.msk $0xffff, v14;
	v62 =	vsel vm10, $0x1, v0  }
0x1f5: {  	v1 =	vsel vm7, v42, v1;
	vm0 =	vmor vm6, vm1;
	[tilespmem:v51+s9+$0x0] =	vst.idx.msk $0xffff, v6;
	v3 =	vadd.s32 v62, v3  }
0x1f6: {  	p0 =	slt.u32 s14, $0xE0;
	v60 =	vsel vm0, $0x3F800000, v48;
	[tilespmem:v52+s9+$0x0] =	vst.idx.msk $0xffff, v2;
	vm13 =	vlt.u32 v3, v9;
	v2 =	vor.u32 $0x1F, v4  }
.Ltmp0:
0x1f7: {  	vm0 =	vmor vm11, vm10;
	[tilespmem:v55+s9+$0x0] =	vst.idx.msk $0xffff, v1;
	v1 =	vsel vm7, v50, v57;
	vm1 =	vmand vm12, vm13;
	(pc) =	sbr.rel @p0 .LBB2_2-.Ltmp0, $4  }
0x1f8: {  	v3 =	vsel vm0, $0x3F800000, v48;
	[tilespmem:v59+s9+$0x0] =	vst.idx.msk $0xffff, v1;
	v1 =	vsel vm7, v53, v60;
	vm15 =	vmor vm14, vm1  }
0x1f9: {  	[tilespmem:v61+s9+$0x0] =	vst.idx.msk $0xffff, v1;
	v1 =	vsel vm7, v58, v3;
	v3 =	vsel vm15, $0x3F800000, v48  }
0x1fa: {  	s16 =	sadd.s32 $0x2, s16;
	s22 =	rddreg [dreg:$0x8];
	[tilespmem:v63+s9+$0x0] =	vst.idx.msk $0xffff, v1;
	v1 =	vsel vm7, v54, v3  }
0x1fb: {  	s13 =	sadd.s32 $0x100, s13;
	s1 =	sadd.s32 $0x1, s22;
	s14 =	sadd.s32 $0x20, s14;
	v37 =	vimm.s32 $0x4;
	[tilespmem:v2+s9+$0x0] =	vst.idx.msk $0xffff, v1  }
0x1fc: {  	s6 =	simm.s32 $0x0;
	s0 =	rddreg [dreg:$0x5];
	s1 =	simm.s32 $0x1  }
0x1fd: {  	[hbm4b:s0+s6] =	stream.linear.scatter [tilespmem:s9], [sflag:$0x1], $0x8000, $0x38;
	[tilespmem:$0xA080] =	vst v63  }
0x1fe: {  	_ =	swait.ge [sflag:s1], $0x8000  }
0x1ff: {  	s2 =	rddreg [dreg:$0x7]  }
0x200: {  	s31 =	rddreg [dreg:$0x6];
	s2 =	sadd.s32 $0x1, s2  }
0x201: {  	p0 =	sne.s32 s2, s31  }
.Ltmp1:
0x202: {  	_ = 	snop;
	(pc) =	sbr.rel @p0 .LBB2_1-.Ltmp1, $3  }
0x203: {  	_ =	sdelay $0x1  }
0x204: {  	[sflag:s1] =	ssyncset.done $0x0  }
0x205: {  	[sflag:s1] =	ssyncadd.s32 $0xFFFF8000  }
0x206: {  	_ =	sfence.sel $0x180000  }
0x207: {  	[bflag:$0x0] =	sbarrier.arrive $0xFFFF  }
0x208: {  	_ =	strace $0x9000004A  }
0x209: {  	s0 =	stileid.u32;
	[bflag:$0x2] =	sbarrier.arrive $0xFFFF  }
0x20a: {  	p0 =	sne.s32 s0, $0x0;
	s0 =	rddreg [dreg:$0x2]  }
0x20b: {  	s0 =	sadd.s32 @!p0 $0x100000, s0  }
0x20c: {  	[sflag:s0] =	ssyncadd.tile.s32 @!p0 $0x1;
	_ =	shalt  }
.Lfunc_end2:
_tile_overlayer_lowered:
.L_overlay_start_2:
0x20d: {  	(tag) =	ssettag $0x2  }
0x20e: {  	s0 =	rddreg [dreg:$0x0];
	s2 =	stileid.u32  }
0x20f: {  	s1 =	rddreg [dreg:$0x1];
	p0 =	sne.s32 s2, $0x0  }
0x210: {  	s3 =	rddreg [dreg:$0x2];
	[bflag:$0x3] =	sbarrier.arrive $0xFFFF;
	s2 =	simm.s32 @!p0 $0x1C01  }
0x211: {  	[timem:s3], [sflag:s2] =	dma.local @!p0 [hbm:s0], s1  }
0x212: {  	s0 =	simm.s32 @!p0 $0x1  }
0x213: {  	_ =	swait.ge @!p0 [sflag:s0], s1  }
0x214: {  	s1 =	ssub.s32 @!p0 $0x0, s1;
	[sflag:s0] =	ssyncset.done @!p0 $0x0  }
0x215: {  	[sflag:s0] =	ssyncadd.s32 @!p0 s1  }
0x216: {  	[bflag:$0x3] =	sbarrier.arrive $0xFFFF  }
0x217: {  	_ =	shalt  }

</sc_bundles>
